<compile_context>
chip_gen: v7x
topology: tpu7x:2x2x1
jax: 0.10.2.dev20260603
libtpu: 0.0.44.dev20260713+nightly
codegen_flags: <defaults>
</compile_context>

<pallas_src>
import jax
import jax.numpy as jnp
from jax import lax
from jax.experimental import pallas as pl
from jax.experimental.pallas import tpu as pltpu
from jax.experimental.pallas import tpu_sc as plsc

B = 16384
DIM = 64
NC = 2
NS = 16
NW = NC * NS
SPW = B // NW
CHUNK = 64
NCHUNK = SPW // CHUNK
GROUPS = CHUNK // 16
EPS2 = 1e-24


def _nrsqrt(x):
    i = plsc.bitcast(x, jnp.int32)
    i = jnp.int32(0x5F3759DF) - jnp.right_shift(i, 1)
    y = plsc.bitcast(i, jnp.float32)
    for _ in range(3):
        y = y * (1.5 - 0.5 * x * y * y)
    return y


def _sc_body(h_hbm, r_hbm, t_hbm, ent_hbm, rel_hbm, nrm_hbm,
             res_hbm, part_hbm,
             hidx_v, tidx_v, ridx_v, rdiv_v,
             hcol_v0, tcol_v0, rrows_v0, wrows_v0,
             hcol_v1, tcol_v1, rrows_v1, wrows_v1,
             res_v, pbuf_v, sem_rows0, sem_g0, sem_rows1, sem_g1):
    wid = lax.axis_index("s") * NC + lax.axis_index("c")
    base = wid * SPW
    iota = lax.iota(jnp.int32, 16)
    bufs = [(hcol_v0, tcol_v0, rrows_v0, wrows_v0, sem_rows0, sem_g0),
            (hcol_v1, tcol_v1, rrows_v1, wrows_v1, sem_rows1, sem_g1)]

    pltpu.sync_copy(h_hbm.at[pl.ds(base, SPW)], hidx_v)
    pltpu.sync_copy(t_hbm.at[pl.ds(base, SPW)], tidx_v)
    pltpu.sync_copy(r_hbm.at[pl.ds(base, SPW)], ridx_v)

    def div_body(i, _):
        sl = pl.ds(i * 16, 16)
        rdiv_v[sl] = jnp.right_shift(ridx_v[sl], 1)
        return 0

    lax.fori_loop(0, SPW // 16, div_body, 0)

    acc_orth = jnp.zeros((16,), jnp.float32)
    acc_hp2 = jnp.zeros((16,), jnp.float32)
    acc_tp2 = jnp.zeros((16,), jnp.float32)

    def issue(c, hcol_v, tcol_v, rrows_v, wrows_v, sem_rows, sem_g):
        def fetch16_body(k16, _):
            hseg = hidx_v[pl.ds(c * CHUNK + k16 * 16, 16)]
            tseg = tidx_v[pl.ds(c * CHUNK + k16 * 16, 16)]

            def fetch_body(k, _):
                eh = jnp.sum(jnp.where(iota == k, hseg, 0))
                et = jnp.sum(jnp.where(iota == k, tseg, 0))
                kd = k16 * 16 + k
                pltpu.async_copy(
                    ent_hbm.at[jnp.right_shift(eh, 3),
                               pl.ds(lax.bitwise_and(eh, jnp.int32(7)), 1), :],
                    hcol_v.at[pl.ds(kd, 1), :], sem_rows)
                pltpu.async_copy(
                    ent_hbm.at[jnp.right_shift(et, 3),
                               pl.ds(lax.bitwise_and(et, jnp.int32(7)), 1), :],
                    tcol_v.at[pl.ds(kd, 1), :], sem_rows)
                return 0

            lax.fori_loop(0, 16, fetch_body, 0, unroll=2)
            return 0

        lax.fori_loop(0, GROUPS, fetch16_body, 0)

        sl_c = pl.ds(c * CHUNK, CHUNK)
        pltpu.async_copy(rel_hbm.at[rdiv_v.at[sl_c]], rrows_v, sem_g)
        pltpu.async_copy(nrm_hbm.at[rdiv_v.at[sl_c]], wrows_v, sem_g)

    def drain(c, hcol_v, tcol_v, rrows_v, wrows_v, sem_rows, sem_g):
        def drain_body(k, _):
            pltpu.make_async_copy(
                ent_hbm.at[0, pl.ds(0, 1), :],
                hcol_v.at[pl.ds(0, 1), :], sem_rows).wait()
            return 0

        lax.fori_loop(0, 2 * CHUNK, drain_body, 0)
        sl_c = pl.ds(c * CHUNK, CHUNK)
        pltpu.make_async_copy(rel_hbm.at[rdiv_v.at[sl_c]], rrows_v,
                              sem_g).wait()
        pltpu.make_async_copy(nrm_hbm.at[rdiv_v.at[sl_c]], wrows_v,
                              sem_g).wait()

    issue(0, *bufs[0])
    for c in range(NCHUNK):
        if c + 1 < NCHUNK:
            issue(c + 1, *bufs[(c + 1) % 2])
        hcol_v, tcol_v, rrows_v, wrows_v, sem_rows, sem_g = bufs[c % 2]
        drain(c, *bufs[c % 2])

        def group_body(g, caccs):
            o_acc, h_acc, t_acc = caccs
            off16 = c * CHUNK + g * 16
            cb_r = lax.shift_left(
                lax.bitwise_and(ridx_v[pl.ds(off16, 16)], jnp.int32(1)), 6)
            rrow = g * 16 + iota

            def dim_body(j, accs):
                s, p, q, wr, rr, hh, tt, uu, ur = accs
                rot = lax.bitwise_and(iota + j, jnp.int32(DIM - 1))
                hv = plsc.load_gather(hcol_v, [rrow, rot])
                tv = plsc.load_gather(tcol_v, [rrow, rot])
                rv = plsc.load_gather(rrows_v, [rrow, cb_r + rot])
                wv = plsc.load_gather(wrows_v, [rrow, cb_r + rot])
                u = hv - tv
                return (s + wv * wv, p + wv * hv, q + wv * tv,
                        wr + wv * rv, rr + rv * rv, hh + hv * hv,
                        tt + tv * tv, uu + u * u, ur + u * rv)

            z = jnp.zeros((16,), jnp.float32)
            s, p, q, wr, rr, hh, tt, uu, ur = lax.fori_loop(
                0, DIM, dim_body, (z, z, z, z, z, z, z, z, z), unroll=2)

            m2 = jnp.maximum(s, EPS2)
            inv = 1.0 / m2
            minv = _nrsqrt(m2)
            nu = s * inv
            cw = p - q
            d2 = (uu + cw * cw * inv * (nu - 2.0) + rr + 2.0 * ur
                  - 2.0 * cw * wr * inv)
            d2 = jnp.maximum(d2, 0.0)
            res = d2 * _nrsqrt(jnp.maximum(d2, 1e-30))
            res_v[pl.ds(off16, 16)] = res

            o_acc = o_acc + jnp.maximum(wr * minv - 1e-6, 0.0)
            h_acc = h_acc + hh + p * p * inv * (nu - 2.0)
            t_acc = t_acc + tt + q * q * inv * (nu - 2.0)
            return (o_acc, h_acc, t_acc)

        acc_orth, acc_hp2, acc_tp2 = lax.fori_loop(
            0, GROUPS, group_body, (acc_orth, acc_hp2, acc_tp2))

    pltpu.sync_copy(res_v, res_hbm.at[pl.ds(base, SPW)])
    pbuf_v[pl.ds(0, 16)] = acc_orth
    pbuf_v[pl.ds(16, 16)] = acc_hp2
    pbuf_v[pl.ds(32, 16)] = acc_tp2
    for quant in range(3):
        pltpu.sync_copy(pbuf_v.at[pl.ds(quant * 16, 16)],
                        part_hbm.at[pl.ds(quant * NW * 16 + wid * 16, 16)])


@jax.jit
def _sc_call(h, r, t, ent_t, rel, nrm):
    mesh = plsc.VectorSubcoreMesh(core_axis_name="c", subcore_axis_name="s",
                                  num_cores=NC, num_subcores=NS)
    return pl.kernel(
        _sc_body,
        out_type=(jax.ShapeDtypeStruct((B,), jnp.float32),
                  jax.ShapeDtypeStruct((3 * NW * 16,), jnp.float32)),
        mesh=mesh,
        scratch_types=[
            pltpu.VMEM((SPW,), jnp.int32),
            pltpu.VMEM((SPW,), jnp.int32),
            pltpu.VMEM((SPW,), jnp.int32),
            pltpu.VMEM((SPW,), jnp.int32),
            pltpu.VMEM((CHUNK, DIM), jnp.float32),
            pltpu.VMEM((CHUNK, DIM), jnp.float32),
            pltpu.VMEM((CHUNK, 2 * DIM), jnp.float32),
            pltpu.VMEM((CHUNK, 2 * DIM), jnp.float32),
            pltpu.VMEM((CHUNK, DIM), jnp.float32),
            pltpu.VMEM((CHUNK, DIM), jnp.float32),
            pltpu.VMEM((CHUNK, 2 * DIM), jnp.float32),
            pltpu.VMEM((CHUNK, 2 * DIM), jnp.float32),
            pltpu.VMEM((SPW,), jnp.float32),
            pltpu.VMEM((48,), jnp.float32),
            pltpu.SemaphoreType.DMA,
            pltpu.SemaphoreType.DMA,
            pltpu.SemaphoreType.DMA,
            pltpu.SemaphoreType.DMA,
        ],
        compiler_params=pltpu.CompilerParams(needs_layout_passes=False),
    )(h, r, t, ent_t, rel, nrm)


def _tc_body(res_ref, part_ref, out_ref):
    p = part_ref[...]
    orth = jnp.sum(p[0:4, :])
    hp2 = jnp.sum(p[4:8, :])
    tp2 = jnp.sum(p[8:12, :])
    pen = orth + jnp.maximum(hp2 - 1.0, 0.0) + jnp.maximum(tp2 - 1.0, 0.0)
    out_ref[...] = res_ref[...] + pen


@jax.jit
def _tc_call(res2d, part2d):
    return pl.pallas_call(
        _tc_body,
        out_shape=jax.ShapeDtypeStruct((B // 128, 128), jnp.float32),
    )(res2d, part2d)


def kernel(h, r, t, emb_entity, emb_relation, emb_normal_vec):
    rel2 = emb_relation.reshape(-1, 2 * DIM)
    nrm2 = emb_normal_vec.reshape(-1, 2 * DIM)
    ent3 = emb_entity.reshape(-1, 8, DIM)
    res_raw, partials = _sc_call(h, r, t, ent3, rel2, nrm2)
    out2d = _tc_call(res_raw.reshape(B // 128, 128),
                     partials.reshape(12, 128))
    return out2d.reshape(B)

# --- scband reference (transcript-rebuilt; emitter-appended) ---
"""Pipeline reference for scband-trans-h-42021960024276 (READ-ONLY COPY).

The authoritative reference and input builder live on the scoring server;
editing this copy changes nothing except your own understanding.
"""

import jax, jax.numpy as jnp
import numpy as np

ENT = 1000000
REL = 1000
DIM = 64
C = 1.0
B = 16384

def _xavier(key, fan_out, fan_in):
    bound = np.sqrt(6.0 / (fan_in + fan_out))
    return jax.random.uniform(key, (fan_out, fan_in), dtype=jnp.float32, minval=-bound, maxval=bound)

def setup_inputs(seed: int = 0) -> dict:
    key = jax.random.key(seed)
    k1, k2, k3, k4, k5, k6 = jax.random.split(key, 6)
    h = jax.random.randint(k1, (B,), 0, ENT, dtype=jnp.int64 if jax.config.jax_enable_x64 else jnp.int32)
    r = jax.random.randint(k2, (B,), 0, REL, dtype=jnp.int64 if jax.config.jax_enable_x64 else jnp.int32)
    t = jax.random.randint(k3, (B,), 0, ENT, dtype=jnp.int64 if jax.config.jax_enable_x64 else jnp.int32)
    emb_entity = _xavier(k4, ENT, DIM)
    emb_relation = _xavier(k5, REL, DIM)
    emb_normal_vec = _xavier(k6, REL, DIM)
    return {"h": h, "r": r, "t": t,
            "emb_entity": emb_entity,
            "emb_relation": emb_relation,
            "emb_normal_vec": emb_normal_vec}

def _l2_normalize(x, eps=1e-12):
    n = jnp.sqrt(jnp.sum(x * x, axis=-1, keepdims=True))
    return x / jnp.maximum(n, eps)

def _proj(emb, norm_vec):
    return emb - jnp.sum(norm_vec * emb, axis=-1, keepdims=True) * norm_vec

def reference(h, r, t, emb_entity, emb_relation, emb_normal_vec):
    h_emb = jnp.take(emb_entity, h, axis=0)
    r_emb = jnp.take(emb_relation, r, axis=0)
    t_emb = jnp.take(emb_entity, t, axis=0)
    normal_emb = jnp.take(emb_normal_vec, r, axis=0)
    normal_emb = _l2_normalize(normal_emb)
    h_p = _proj(h_emb, normal_emb)
    t_p = _proj(t_emb, normal_emb)
    res = jnp.linalg.norm(h_p - t_p + r_emb, ord=2, axis=-1)
    orth_pen = jnp.sum(jax.nn.relu(jnp.sum(normal_emb * r_emb, axis=1) - 1e-06))
    scale_pen = jax.nn.relu(jnp.sum(h_p * h_p) - 1.0) + jax.nn.relu(jnp.sum(t_p * t_p) - 1.0)
    return res + C * (orth_pen + scale_pen)

if __name__ == "__main__":
    import jax
    _d = setup_inputs()
    print(jax.jit(kernel)(*tuple(_d.values())))

</pallas_src>

<mosaic_0001>
#map = affine_map<(d0, d1) -> (0)>
#map1 = affine_map<(d0, d1) -> (0, 0, 0)>
#map2 = affine_map<(d0, d1) -> (0, 0)>
module attributes {stable_mosaic.version = 14 : i64} {
  func.func @_sc_body(%arg0: i32, %arg1: i32, %arg2: memref<16384xi32, #tpu.memory_space<hbm>>, %arg3: memref<16384xi32, #tpu.memory_space<hbm>>, %arg4: memref<16384xi32, #tpu.memory_space<hbm>>, %arg5: memref<125000x8x64xf32, #tpu.memory_space<hbm>>, %arg6: memref<500x128xf32, #tpu.memory_space<hbm>>, %arg7: memref<500x128xf32, #tpu.memory_space<hbm>>, %arg8: memref<16384xf32, #tpu.memory_space<hbm>>, %arg9: memref<1536xf32, #tpu.memory_space<hbm>>, %arg10: memref<512xi32, #tpu.memory_space<vmem>>, %arg11: memref<512xi32, #tpu.memory_space<vmem>>, %arg12: memref<512xi32, #tpu.memory_space<vmem>>, %arg13: memref<512xi32, #tpu.memory_space<vmem>>, %arg14: memref<64x64xf32, #tpu.memory_space<vmem>>, %arg15: memref<64x64xf32, #tpu.memory_space<vmem>>, %arg16: memref<64x128xf32, #tpu.memory_space<vmem>>, %arg17: memref<64x128xf32, #tpu.memory_space<vmem>>, %arg18: memref<64x64xf32, #tpu.memory_space<vmem>>, %arg19: memref<64x64xf32, #tpu.memory_space<vmem>>, %arg20: memref<64x128xf32, #tpu.memory_space<vmem>>, %arg21: memref<64x128xf32, #tpu.memory_space<vmem>>, %arg22: memref<512xf32, #tpu.memory_space<vmem>>, %arg23: memref<48xf32, #tpu.memory_space<vmem>>, %arg24: memref<!tpu.dma_semaphore, #tpu.memory_space<semaphore_mem>>, %arg25: memref<!tpu.dma_semaphore, #tpu.memory_space<semaphore_mem>>, %arg26: memref<!tpu.dma_semaphore, #tpu.memory_space<semaphore_mem>>, %arg27: memref<!tpu.dma_semaphore, #tpu.memory_space<semaphore_mem>>) attributes {dimension_semantics = [#tpu.dimension_semantics<core_parallel>, #tpu.dimension_semantics<subcore_parallel>], iteration_bounds = array<i64: 2, 16>, scalar_prefetch = 0 : i64, scratch_operands = 18 : i64, tpu.core_type = #tpu.core_type<sc_vector_subcore>, window_params = [{transform_indices = #map}, {transform_indices = #map}, {transform_indices = #map}, {transform_indices = #map1}, {transform_indices = #map2}, {transform_indices = #map2}, {transform_indices = #map}, {transform_indices = #map}]} {
    %mul3A = arith.constant 2 : i32
    %mul3A_0 = arith.muli %arg1, %mul3A : i32
    %add3A = arith.addi %mul3A_0, %arg0 : i32
    %mul3A_1 = arith.constant 512 : i32
    %mul3A_2 = arith.muli %add3A, %mul3A_1 : i32
    %iota3A = tpu.iota {dimensions = array<i32: 0>} : vector<16xi32>
    "tpu.region"() ({
      %run_scoped3A = tpu.sem_alloc : memref<!tpu.dma_semaphore, #tpu.memory_space<semaphore_mem>>
      %dma_start3A_349 = tpu.memref_slice %arg2[%mul3A_2] : memref<16384xi32, #tpu.memory_space<hbm>> -> memref<512xi32, #tpu.memory_space<hbm>>
      %dma_start3A_350 = tpu.memref_slice %arg2[%mul3A_2] : memref<16384xi32, #tpu.memory_space<hbm>> -> memref<512xi32, #tpu.memory_space<hbm>>
      tpu.enqueue_dma source(%dma_start3A_350 : memref<512xi32, #tpu.memory_space<hbm>>) target(%arg10 : memref<512xi32, #tpu.memory_space<vmem>>) target_semaphore(%run_scoped3A : memref<!tpu.dma_semaphore, #tpu.memory_space<semaphore_mem>>)
      %dma_wait3A_351 = tpu.memref_slice %arg2[%mul3A_2] : memref<16384xi32, #tpu.memory_space<hbm>> -> memref<512xi32, #tpu.memory_space<hbm>>
      %dma_wait3A_352 = tpu.memref_slice %arg2[%mul3A_2] : memref<16384xi32, #tpu.memory_space<hbm>> -> memref<512xi32, #tpu.memory_space<hbm>>
      tpu.wait_dma2 semaphore(%run_scoped3A : memref<!tpu.dma_semaphore, #tpu.memory_space<semaphore_mem>>) src(%dma_wait3A_352 : memref<512xi32, #tpu.memory_space<hbm>>) dst(%arg10 : memref<512xi32, #tpu.memory_space<vmem>>)
      tpu.yield
    }) : () -> ()
    "tpu.region"() ({
      %run_scoped3A = tpu.sem_alloc : memref<!tpu.dma_semaphore, #tpu.memory_space<semaphore_mem>>
      %dma_start3A_349 = tpu.memref_slice %arg4[%mul3A_2] : memref<16384xi32, #tpu.memory_space<hbm>> -> memref<512xi32, #tpu.memory_space<hbm>>
      %dma_start3A_350 = tpu.memref_slice %arg4[%mul3A_2] : memref<16384xi32, #tpu.memory_space<hbm>> -> memref<512xi32, #tpu.memory_space<hbm>>
      tpu.enqueue_dma source(%dma_start3A_350 : memref<512xi32, #tpu.memory_space<hbm>>) target(%arg11 : memref<512xi32, #tpu.memory_space<vmem>>) target_semaphore(%run_scoped3A : memref<!tpu.dma_semaphore, #tpu.memory_space<semaphore_mem>>)
      %dma_wait3A_351 = tpu.memref_slice %arg4[%mul3A_2] : memref<16384xi32, #tpu.memory_space<hbm>> -> memref<512xi32, #tpu.memory_space<hbm>>
      %dma_wait3A_352 = tpu.memref_slice %arg4[%mul3A_2] : memref<16384xi32, #tpu.memory_space<hbm>> -> memref<512xi32, #tpu.memory_space<hbm>>
      tpu.wait_dma2 semaphore(%run_scoped3A : memref<!tpu.dma_semaphore, #tpu.memory_space<semaphore_mem>>) src(%dma_wait3A_352 : memref<512xi32, #tpu.memory_space<hbm>>) dst(%arg11 : memref<512xi32, #tpu.memory_space<vmem>>)
      tpu.yield
    }) : () -> ()
    "tpu.region"() ({
      %run_scoped3A = tpu.sem_alloc : memref<!tpu.dma_semaphore, #tpu.memory_space<semaphore_mem>>
      %dma_start3A_349 = tpu.memref_slice %arg3[%mul3A_2] : memref<16384xi32, #tpu.memory_space<hbm>> -> memref<512xi32, #tpu.memory_space<hbm>>
      %dma_start3A_350 = tpu.memref_slice %arg3[%mul3A_2] : memref<16384xi32, #tpu.memory_space<hbm>> -> memref<512xi32, #tpu.memory_space<hbm>>
      tpu.enqueue_dma source(%dma_start3A_350 : memref<512xi32, #tpu.memory_space<hbm>>) target(%arg12 : memref<512xi32, #tpu.memory_space<vmem>>) target_semaphore(%run_scoped3A : memref<!tpu.dma_semaphore, #tpu.memory_space<semaphore_mem>>)
      %dma_wait3A_351 = tpu.memref_slice %arg3[%mul3A_2] : memref<16384xi32, #tpu.memory_space<hbm>> -> memref<512xi32, #tpu.memory_space<hbm>>
      %dma_wait3A_352 = tpu.memref_slice %arg3[%mul3A_2] : memref<16384xi32, #tpu.memory_space<hbm>> -> memref<512xi32, #tpu.memory_space<hbm>>
      tpu.wait_dma2 semaphore(%run_scoped3A : memref<!tpu.dma_semaphore, #tpu.memory_space<semaphore_mem>>) src(%dma_wait3A_352 : memref<512xi32, #tpu.memory_space<hbm>>) dst(%arg12 : memref<512xi32, #tpu.memory_space<vmem>>)
      tpu.yield
    }) : () -> ()
    %scan3A = arith.constant 0 : i32
    %scan3A_3 = arith.constant 0 : i32
    %scan3A_4 = arith.constant 32 : i32
    %scan3A_5 = arith.addi %scan3A_3, %scan3A_4 : i32
    %scan3A_6 = arith.constant 1 : i32
    %scan3A_7 = scf.for %scan3A_349 = %scan3A_3 to %scan3A_5 step %scan3A_6 iter_args(%scan3A_350 = %scan3A) -> (i32)  : i32 {
      %mul3A_351 = arith.constant 16 : i32
      %mul3A_352 = arith.muli %scan3A_349, %mul3A_351 : i32
      %get3A = arith.index_cast %mul3A_352 : i32 to index
      %get3A_353 = tpu.vector_load %arg12[%get3A] {strides = array<i32>} : memref<512xi32, #tpu.memory_space<vmem>>, vector<16xi32>,
      %shift_right_arithmetic3A = arith.constant 1 : i32
      %shift_right_arithmetic3A_354 = vector.broadcast %shift_right_arithmetic3A : i32 to vector<16xi32>
      %shift_right_arithmetic3A_355 = arith.shrsi %get3A_353, %shift_right_arithmetic3A_354 : vector<16xi32>
      %swap3A_356 = arith.index_cast %mul3A_352 : i32 to index
      %swap3A_357 = tpu.vector_load %arg13[%swap3A_356] {strides = array<i32>} : memref<512xi32, #tpu.memory_space<vmem>>, vector<16xi32>,
      tpu.vector_store %arg13[%swap3A_356], %shift_right_arithmetic3A_355 {strides = array<i32>} : memref<512xi32, #tpu.memory_space<vmem>>, vector<16xi32>,
      %scan3A_358 = arith.constant 0 : i32
      scf.yield %scan3A_358 : i32
    }
    %scan3A_8 = arith.constant 32 : i32
    %broadcast_in_dim3A = arith.constant 0.000000e+00 : f32
    %broadcast_in_dim3A_9 = vector.broadcast %broadcast_in_dim3A : f32 to vector<16xf32>
    %broadcast_in_dim3A_10 = arith.constant 0.000000e+00 : f32
    %broadcast_in_dim3A_11 = vector.broadcast %broadcast_in_dim3A_10 : f32 to vector<16xf32>
    %broadcast_in_dim3A_12 = arith.constant 0.000000e+00 : f32
    %broadcast_in_dim3A_13 = vector.broadcast %broadcast_in_dim3A_12 : f32 to vector<16xf32>
    %scan3A_14 = arith.constant 0 : i32
    %scan3A_15 = arith.constant 0 : i32
    %scan3A_16 = arith.constant 4 : i32
    %scan3A_17 = arith.addi %scan3A_15, %scan3A_16 : i32
    %scan3A_18 = arith.constant 1 : i32
    %scan3A_19 = scf.for %scan3A_349 = %scan3A_15 to %scan3A_17 step %scan3A_18 iter_args(%scan3A_350 = %scan3A_14) -> (i32)  : i32 {
      %mul3A_351 = arith.constant 16 : i32
      %mul3A_352 = arith.muli %scan3A_349, %mul3A_351 : i32
      %add3A_353 = arith.constant 0 : i32
      %add3A_354 = arith.addi %add3A_353, %mul3A_352 : i32
      %get3A = arith.index_cast %add3A_354 : i32 to index
      %get3A_355 = tpu.vector_load %arg10[%get3A] {strides = array<i32>} : memref<512xi32, #tpu.memory_space<vmem>>, vector<16xi32>,
      %mul3A_356 = arith.constant 16 : i32
      %mul3A_357 = arith.muli %scan3A_349, %mul3A_356 : i32
      %add3A_358 = arith.constant 0 : i32
      %add3A_359 = arith.addi %add3A_358, %mul3A_357 : i32
      %get3A_360 = arith.index_cast %add3A_359 : i32 to index
      %get3A_361 = tpu.vector_load %arg11[%get3A_360] {strides = array<i32>} : memref<512xi32, #tpu.memory_space<vmem>>, vector<16xi32>,
      %scan3A_362 = arith.constant 0 : i32
      %scan3A_363 = arith.constant 0 : i32
      %scan3A_364 = arith.constant 16 : i32
      %scan3A_365 = arith.addi %scan3A_363, %scan3A_364 : i32
      %scan3A_366 = arith.constant 2 : i32
      %scan3A_367 = scf.for %scan3A_370 = %scan3A_363 to %scan3A_365 step %scan3A_366 iter_args(%scan3A_371 = %scan3A_362) -> (i32)  : i32 {
        %eq3A = vector.broadcast %scan3A_370 : i32 to vector<16xi32>
        %eq3A_372 = arith.cmpi eq, %iota3A, %eq3A : vector<16xi32>
        %jit3A = arith.constant 0 : i32
        %broadcast_in_dim3A_373 = vector.broadcast %jit3A : i32 to vector<16xi32>
        %select_n3A = arith.select %eq3A_372, %get3A_355, %broadcast_in_dim3A_373 : vector<16xi1>, vector<16xi32>
        %reduce_sum3A = arith.constant true
        %reduce_sum3A_374 = vector.broadcast %reduce_sum3A : i1 to vector<16xi1>
        %reduce_sum3A_375 = tpu.scan <sum>, %select_n3A masked %reduce_sum3A_374 : vector<16xi32>, vector<16xi1> -> vector<16xi32>
        %reduce_sum3A_376 = vector.extract %reduce_sum3A_375[15] : i32 from vector<16xi32>
        %eq3A_377 = vector.broadcast %scan3A_370 : i32 to vector<16xi32>
        %eq3A_378 = arith.cmpi eq, %iota3A, %eq3A_377 : vector<16xi32>
        %jit3A_379 = arith.constant 0 : i32
        %broadcast_in_dim3A_380 = vector.broadcast %jit3A_379 : i32 to vector<16xi32>
        %select_n3A_381 = arith.select %eq3A_378, %get3A_361, %broadcast_in_dim3A_380 : vector<16xi1>, vector<16xi32>
        %reduce_sum3A_382 = arith.constant true
        %reduce_sum3A_383 = vector.broadcast %reduce_sum3A_382 : i1 to vector<16xi1>
        %reduce_sum3A_384 = tpu.scan <sum>, %select_n3A_381 masked %reduce_sum3A_383 : vector<16xi32>, vector<16xi1> -> vector<16xi32>
        %reduce_sum3A_385 = vector.extract %reduce_sum3A_384[15] : i32 from vector<16xi32>
        %mul3A_386 = arith.constant 16 : i32
        %mul3A_387 = arith.muli %scan3A_349, %mul3A_386 : i32
        %add3A_388 = arith.addi %mul3A_387, %scan3A_370 : i32
        %shift_right_arithmetic3A = arith.constant 3 : i32
        %shift_right_arithmetic3A_389 = arith.shrsi %reduce_sum3A_376, %shift_right_arithmetic3A : i32
        %and3A = arith.constant 7 : i32
        %and3A_390 = arith.andi %reduce_sum3A_376, %and3A : i32
        %dma_start3A_391 = arith.constant 0 : i32
        %dma_start3A_392 = tpu.memref_slice %arg14[%add3A_388, %dma_start3A_391] : memref<64x64xf32, #tpu.memory_space<vmem>> -> memref<1x64xf32, #tpu.memory_space<vmem>>
        %dma_start3A_393 = arith.constant 0 : i32
        %dma_start3A_394 = tpu.memref_slice %arg5[%shift_right_arithmetic3A_389, %and3A_390, %dma_start3A_393] : memref<125000x8x64xf32, #tpu.memory_space<hbm>> -> memref<1x1x64xf32, #tpu.memory_space<hbm>>
        %dma_start3A_395 = tpu.memref_squeeze %dma_start3A_394 : memref<1x1x64xf32, #tpu.memory_space<hbm>> -> memref<1x64xf32, #tpu.memory_space<hbm>>
        %dma_start3A_396 = arith.constant 0 : i32
        %dma_start3A_397 = tpu.memref_slice %arg14[%add3A_388, %dma_start3A_396] : memref<64x64xf32, #tpu.memory_space<vmem>> -> memref<1x64xf32, #tpu.memory_space<vmem>>
        %dma_start3A_398 = arith.constant 0 : i32
        %dma_start3A_399 = tpu.memref_slice %arg5[%shift_right_arithmetic3A_389, %and3A_390, %dma_start3A_398] : memref<125000x8x64xf32, #tpu.memory_space<hbm>> -> memref<1x1x64xf32, #tpu.memory_space<hbm>>
        %dma_start3A_400 = tpu.memref_squeeze %dma_start3A_399 : memref<1x1x64xf32, #tpu.memory_space<hbm>> -> memref<1x64xf32, #tpu.memory_space<hbm>>
        tpu.enqueue_dma source(%dma_start3A_400 : memref<1x64xf32, #tpu.memory_space<hbm>>) target(%dma_start3A_397 : memref<1x64xf32, #tpu.memory_space<vmem>>) target_semaphore(%arg24 : memref<!tpu.dma_semaphore, #tpu.memory_space<semaphore_mem>>)
        %shift_right_arithmetic3A_401 = arith.constant 3 : i32
        %shift_right_arithmetic3A_402 = arith.shrsi %reduce_sum3A_385, %shift_right_arithmetic3A_401 : i32
        %and3A_403 = arith.constant 7 : i32
        %and3A_404 = arith.andi %reduce_sum3A_385, %and3A_403 : i32
        %dma_start3A_405 = arith.constant 0 : i32
        %dma_start3A_406 = tpu.memref_slice %arg15[%add3A_388, %dma_start3A_405] : memref<64x64xf32, #tpu.memory_space<vmem>> -> memref<1x64xf32, #tpu.memory_space<vmem>>
        %dma_start3A_407 = arith.constant 0 : i32
        %dma_start3A_408 = tpu.memref_slice %arg5[%shift_right_arithmetic3A_402, %and3A_404, %dma_start3A_407] : memref<125000x8x64xf32, #tpu.memory_space<hbm>> -> memref<1x1x64xf32, #tpu.memory_space<hbm>>
        %dma_start3A_409 = tpu.memref_squeeze %dma_start3A_408 : memref<1x1x64xf32, #tpu.memory_space<hbm>> -> memref<1x64xf32, #tpu.memory_space<hbm>>
        %dma_start3A_410 = arith.constant 0 : i32
        %dma_start3A_411 = tpu.memref_slice %arg15[%add3A_388, %dma_start3A_410] : memref<64x64xf32, #tpu.memory_space<vmem>> -> memref<1x64xf32, #tpu.memory_space<vmem>>
        %dma_start3A_412 = arith.constant 0 : i32
        %dma_start3A_413 = tpu.memref_slice %arg5[%shift_right_arithmetic3A_402, %and3A_404, %dma_start3A_412] : memref<125000x8x64xf32, #tpu.memory_space<hbm>> -> memref<1x1x64xf32, #tpu.memory_space<hbm>>
        %dma_start3A_414 = tpu.memref_squeeze %dma_start3A_413 : memref<1x1x64xf32, #tpu.memory_space<hbm>> -> memref<1x64xf32, #tpu.memory_space<hbm>>
        tpu.enqueue_dma source(%dma_start3A_414 : memref<1x64xf32, #tpu.memory_space<hbm>>) target(%dma_start3A_411 : memref<1x64xf32, #tpu.memory_space<vmem>>) target_semaphore(%arg24 : memref<!tpu.dma_semaphore, #tpu.memory_space<semaphore_mem>>)
        %scan3A_415 = arith.constant 0 : i32
        %scan3A_416 = arith.constant 1 : i32
        %scan3A_417 = arith.addi %scan3A_370, %scan3A_416 : i32
        %eq3A_418 = vector.broadcast %scan3A_417 : i32 to vector<16xi32>
        %eq3A_419 = arith.cmpi eq, %iota3A, %eq3A_418 : vector<16xi32>
        %jit3A_420 = arith.constant 0 : i32
        %broadcast_in_dim3A_421 = vector.broadcast %jit3A_420 : i32 to vector<16xi32>
        %select_n3A_422 = arith.select %eq3A_419, %get3A_355, %broadcast_in_dim3A_421 : vector<16xi1>, vector<16xi32>
        %reduce_sum3A_423 = arith.constant true
        %reduce_sum3A_424 = vector.broadcast %reduce_sum3A_423 : i1 to vector<16xi1>
        %reduce_sum3A_425 = tpu.scan <sum>, %select_n3A_422 masked %reduce_sum3A_424 : vector<16xi32>, vector<16xi1> -> vector<16xi32>
        %reduce_sum3A_426 = vector.extract %reduce_sum3A_425[15] : i32 from vector<16xi32>
        %eq3A_427 = vector.broadcast %scan3A_417 : i32 to vector<16xi32>
        %eq3A_428 = arith.cmpi eq, %iota3A, %eq3A_427 : vector<16xi32>
        %jit3A_429 = arith.constant 0 : i32
        %broadcast_in_dim3A_430 = vector.broadcast %jit3A_429 : i32 to vector<16xi32>
        %select_n3A_431 = arith.select %eq3A_428, %get3A_361, %broadcast_in_dim3A_430 : vector<16xi1>, vector<16xi32>
        %reduce_sum3A_432 = arith.constant true
        %reduce_sum3A_433 = vector.broadcast %reduce_sum3A_432 : i1 to vector<16xi1>
        %reduce_sum3A_434 = tpu.scan <sum>, %select_n3A_431 masked %reduce_sum3A_433 : vector<16xi32>, vector<16xi1> -> vector<16xi32>
        %reduce_sum3A_435 = vector.extract %reduce_sum3A_434[15] : i32 from vector<16xi32>
        %mul3A_436 = arith.constant 16 : i32
        %mul3A_437 = arith.muli %scan3A_349, %mul3A_436 : i32
        %add3A_438 = arith.addi %mul3A_437, %scan3A_417 : i32
        %shift_right_arithmetic3A_439 = arith.constant 3 : i32
        %shift_right_arithmetic3A_440 = arith.shrsi %reduce_sum3A_426, %shift_right_arithmetic3A_439 : i32
        %and3A_441 = arith.constant 7 : i32
        %and3A_442 = arith.andi %reduce_sum3A_426, %and3A_441 : i32
        %dma_start3A_443 = arith.constant 0 : i32
        %dma_start3A_444 = tpu.memref_slice %arg14[%add3A_438, %dma_start3A_443] : memref<64x64xf32, #tpu.memory_space<vmem>> -> memref<1x64xf32, #tpu.memory_space<vmem>>
        %dma_start3A_445 = arith.constant 0 : i32
        %dma_start3A_446 = tpu.memref_slice %arg5[%shift_right_arithmetic3A_440, %and3A_442, %dma_start3A_445] : memref<125000x8x64xf32, #tpu.memory_space<hbm>> -> memref<1x1x64xf32, #tpu.memory_space<hbm>>
        %dma_start3A_447 = tpu.memref_squeeze %dma_start3A_446 : memref<1x1x64xf32, #tpu.memory_space<hbm>> -> memref<1x64xf32, #tpu.memory_space<hbm>>
        %dma_start3A_448 = arith.constant 0 : i32
        %dma_start3A_449 = tpu.memref_slice %arg14[%add3A_438, %dma_start3A_448] : memref<64x64xf32, #tpu.memory_space<vmem>> -> memref<1x64xf32, #tpu.memory_space<vmem>>
        %dma_start3A_450 = arith.constant 0 : i32
        %dma_start3A_451 = tpu.memref_slice %arg5[%shift_right_arithmetic3A_440, %and3A_442, %dma_start3A_450] : memref<125000x8x64xf32, #tpu.memory_space<hbm>> -> memref<1x1x64xf32, #tpu.memory_space<hbm>>
        %dma_start3A_452 = tpu.memref_squeeze %dma_start3A_451 : memref<1x1x64xf32, #tpu.memory_space<hbm>> -> memref<1x64xf32, #tpu.memory_space<hbm>>
        tpu.enqueue_dma source(%dma_start3A_452 : memref<1x64xf32, #tpu.memory_space<hbm>>) target(%dma_start3A_449 : memref<1x64xf32, #tpu.memory_space<vmem>>) target_semaphore(%arg24 : memref<!tpu.dma_semaphore, #tpu.memory_space<semaphore_mem>>)
        %shift_right_arithmetic3A_453 = arith.constant 3 : i32
        %shift_right_arithmetic3A_454 = arith.shrsi %reduce_sum3A_435, %shift_right_arithmetic3A_453 : i32
        %and3A_455 = arith.constant 7 : i32
        %and3A_456 = arith.andi %reduce_sum3A_435, %and3A_455 : i32
        %dma_start3A_457 = arith.constant 0 : i32
        %dma_start3A_458 = tpu.memref_slice %arg15[%add3A_438, %dma_start3A_457] : memref<64x64xf32, #tpu.memory_space<vmem>> -> memref<1x64xf32, #tpu.memory_space<vmem>>
        %dma_start3A_459 = arith.constant 0 : i32
        %dma_start3A_460 = tpu.memref_slice %arg5[%shift_right_arithmetic3A_454, %and3A_456, %dma_start3A_459] : memref<125000x8x64xf32, #tpu.memory_space<hbm>> -> memref<1x1x64xf32, #tpu.memory_space<hbm>>
        %dma_start3A_461 = tpu.memref_squeeze %dma_start3A_460 : memref<1x1x64xf32, #tpu.memory_space<hbm>> -> memref<1x64xf32, #tpu.memory_space<hbm>>
        %dma_start3A_462 = arith.constant 0 : i32
        %dma_start3A_463 = tpu.memref_slice %arg15[%add3A_438, %dma_start3A_462] : memref<64x64xf32, #tpu.memory_space<vmem>> -> memref<1x64xf32, #tpu.memory_space<vmem>>
        %dma_start3A_464 = arith.constant 0 : i32
        %dma_start3A_465 = tpu.memref_slice %arg5[%shift_right_arithmetic3A_454, %and3A_456, %dma_start3A_464] : memref<125000x8x64xf32, #tpu.memory_space<hbm>> -> memref<1x1x64xf32, #tpu.memory_space<hbm>>
        %dma_start3A_466 = tpu.memref_squeeze %dma_start3A_465 : memref<1x1x64xf32, #tpu.memory_space<hbm>> -> memref<1x64xf32, #tpu.memory_space<hbm>>
        tpu.enqueue_dma source(%dma_start3A_466 : memref<1x64xf32, #tpu.memory_space<hbm>>) target(%dma_start3A_463 : memref<1x64xf32, #tpu.memory_space<vmem>>) target_semaphore(%arg24 : memref<!tpu.dma_semaphore, #tpu.memory_space<semaphore_mem>>)
        %scan3A_467 = arith.constant 0 : i32
        scf.yield %scan3A_467 : i32
      }
      %scan3A_368 = arith.constant 16 : i32
      %scan3A_369 = arith.constant 0 : i32
      scf.yield %scan3A_369 : i32
    }
    %scan3A_20 = arith.constant 4 : i32
    %dma_start3A = arith.constant 0 : i32
    %dma_start3A_21 = tpu.memref_slice %arg13[%dma_start3A] : memref<512xi32, #tpu.memory_space<vmem>> -> memref<64xi32, #tpu.memory_space<vmem>>
    %dma_start3A_22 = arith.constant 0 : i32
    %dma_start3A_23 = arith.constant 0 : i32
    %dma_start3A_24 = tpu.memref_slice %arg6[%dma_start3A_22, %dma_start3A_23] : memref<500x128xf32, #tpu.memory_space<hbm>> -> memref<500x128xf32, #tpu.memory_space<hbm>>
    tpu.enqueue_indirect_dma source(%dma_start3A_24 : memref<500x128xf32, #tpu.memory_space<hbm>>) target(%arg16 : memref<64x128xf32, #tpu.memory_space<vmem>>) offsets(%dma_start3A_21 : memref<64xi32, #tpu.memory_space<vmem>>) semaphore(%arg25 : memref<!tpu.dma_semaphore, #tpu.memory_space<semaphore_mem>>)
    %dma_start3A_25 = arith.constant 0 : i32
    %dma_start3A_26 = tpu.memref_slice %arg13[%dma_start3A_25] : memref<512xi32, #tpu.memory_space<vmem>> -> memref<64xi32, #tpu.memory_space<vmem>>
    %dma_start3A_27 = arith.constant 0 : i32
    %dma_start3A_28 = arith.constant 0 : i32
    %dma_start3A_29 = tpu.memref_slice %arg7[%dma_start3A_27, %dma_start3A_28] : memref<500x128xf32, #tpu.memory_space<hbm>> -> memref<500x128xf32, #tpu.memory_space<hbm>>
    tpu.enqueue_indirect_dma source(%dma_start3A_29 : memref<500x128xf32, #tpu.memory_space<hbm>>) target(%arg17 : memref<64x128xf32, #tpu.memory_space<vmem>>) offsets(%dma_start3A_26 : memref<64xi32, #tpu.memory_space<vmem>>) semaphore(%arg25 : memref<!tpu.dma_semaphore, #tpu.memory_space<semaphore_mem>>)
    %scan3A_30 = arith.constant 0 : i32
    %scan3A_31 = arith.constant 0 : i32
    %scan3A_32 = arith.constant 4 : i32
    %scan3A_33 = arith.addi %scan3A_31, %scan3A_32 : i32
    %scan3A_34 = arith.constant 1 : i32
    %scan3A_35 = scf.for %scan3A_349 = %scan3A_31 to %scan3A_33 step %scan3A_34 iter_args(%scan3A_350 = %scan3A_30) -> (i32)  : i32 {
      %mul3A_351 = arith.constant 16 : i32
      %mul3A_352 = arith.muli %scan3A_349, %mul3A_351 : i32
      %add3A_353 = arith.constant 64 : i32
      %add3A_354 = arith.addi %add3A_353, %mul3A_352 : i32
      %get3A = arith.index_cast %add3A_354 : i32 to index
      %get3A_355 = tpu.vector_load %arg10[%get3A] {strides = array<i32>} : memref<512xi32, #tpu.memory_space<vmem>>, vector<16xi32>,
      %mul3A_356 = arith.constant 16 : i32
      %mul3A_357 = arith.muli %scan3A_349, %mul3A_356 : i32
      %add3A_358 = arith.constant 64 : i32
      %add3A_359 = arith.addi %add3A_358, %mul3A_357 : i32
      %get3A_360 = arith.index_cast %add3A_359 : i32 to index
      %get3A_361 = tpu.vector_load %arg11[%get3A_360] {strides = array<i32>} : memref<512xi32, #tpu.memory_space<vmem>>, vector<16xi32>,
      %scan3A_362 = arith.constant 0 : i32
      %scan3A_363 = arith.constant 0 : i32
      %scan3A_364 = arith.constant 16 : i32
      %scan3A_365 = arith.addi %scan3A_363, %scan3A_364 : i32
      %scan3A_366 = arith.constant 2 : i32
      %scan3A_367 = scf.for %scan3A_370 = %scan3A_363 to %scan3A_365 step %scan3A_366 iter_args(%scan3A_371 = %scan3A_362) -> (i32)  : i32 {
        %eq3A = vector.broadcast %scan3A_370 : i32 to vector<16xi32>
        %eq3A_372 = arith.cmpi eq, %iota3A, %eq3A : vector<16xi32>
        %jit3A = arith.constant 0 : i32
        %broadcast_in_dim3A_373 = vector.broadcast %jit3A : i32 to vector<16xi32>
        %select_n3A = arith.select %eq3A_372, %get3A_355, %broadcast_in_dim3A_373 : vector<16xi1>, vector<16xi32>
        %reduce_sum3A = arith.constant true
        %reduce_sum3A_374 = vector.broadcast %reduce_sum3A : i1 to vector<16xi1>
        %reduce_sum3A_375 = tpu.scan <sum>, %select_n3A masked %reduce_sum3A_374 : vector<16xi32>, vector<16xi1> -> vector<16xi32>
        %reduce_sum3A_376 = vector.extract %reduce_sum3A_375[15] : i32 from vector<16xi32>
        %eq3A_377 = vector.broadcast %scan3A_370 : i32 to vector<16xi32>
        %eq3A_378 = arith.cmpi eq, %iota3A, %eq3A_377 : vector<16xi32>
        %jit3A_379 = arith.constant 0 : i32
        %broadcast_in_dim3A_380 = vector.broadcast %jit3A_379 : i32 to vector<16xi32>
        %select_n3A_381 = arith.select %eq3A_378, %get3A_361, %broadcast_in_dim3A_380 : vector<16xi1>, vector<16xi32>
        %reduce_sum3A_382 = arith.constant true
        %reduce_sum3A_383 = vector.broadcast %reduce_sum3A_382 : i1 to vector<16xi1>
        %reduce_sum3A_384 = tpu.scan <sum>, %select_n3A_381 masked %reduce_sum3A_383 : vector<16xi32>, vector<16xi1> -> vector<16xi32>
        %reduce_sum3A_385 = vector.extract %reduce_sum3A_384[15] : i32 from vector<16xi32>
        %mul3A_386 = arith.constant 16 : i32
        %mul3A_387 = arith.muli %scan3A_349, %mul3A_386 : i32
        %add3A_388 = arith.addi %mul3A_387, %scan3A_370 : i32
        %shift_right_arithmetic3A = arith.constant 3 : i32
        %shift_right_arithmetic3A_389 = arith.shrsi %reduce_sum3A_376, %shift_right_arithmetic3A : i32
        %and3A = arith.constant 7 : i32
        %and3A_390 = arith.andi %reduce_sum3A_376, %and3A : i32
        %dma_start3A_391 = arith.constant 0 : i32
        %dma_start3A_392 = tpu.memref_slice %arg18[%add3A_388, %dma_start3A_391] : memref<64x64xf32, #tpu.memory_space<vmem>> -> memref<1x64xf32, #tpu.memory_space<vmem>>
        %dma_start3A_393 = arith.constant 0 : i32
        %dma_start3A_394 = tpu.memref_slice %arg5[%shift_right_arithmetic3A_389, %and3A_390, %dma_start3A_393] : memref<125000x8x64xf32, #tpu.memory_space<hbm>> -> memref<1x1x64xf32, #tpu.memory_space<hbm>>
        %dma_start3A_395 = tpu.memref_squeeze %dma_start3A_394 : memref<1x1x64xf32, #tpu.memory_space<hbm>> -> memref<1x64xf32, #tpu.memory_space<hbm>>
        %dma_start3A_396 = arith.constant 0 : i32
        %dma_start3A_397 = tpu.memref_slice %arg18[%add3A_388, %dma_start3A_396] : memref<64x64xf32, #tpu.memory_space<vmem>> -> memref<1x64xf32, #tpu.memory_space<vmem>>
        %dma_start3A_398 = arith.constant 0 : i32
        %dma_start3A_399 = tpu.memref_slice %arg5[%shift_right_arithmetic3A_389, %and3A_390, %dma_start3A_398] : memref<125000x8x64xf32, #tpu.memory_space<hbm>> -> memref<1x1x64xf32, #tpu.memory_space<hbm>>
        %dma_start3A_400 = tpu.memref_squeeze %dma_start3A_399 : memref<1x1x64xf32, #tpu.memory_space<hbm>> -> memref<1x64xf32, #tpu.memory_space<hbm>>
        tpu.enqueue_dma source(%dma_start3A_400 : memref<1x64xf32, #tpu.memory_space<hbm>>) target(%dma_start3A_397 : memref<1x64xf32, #tpu.memory_space<vmem>>) target_semaphore(%arg26 : memref<!tpu.dma_semaphore, #tpu.memory_space<semaphore_mem>>)
        %shift_right_arithmetic3A_401 = arith.constant 3 : i32
        %shift_right_arithmetic3A_402 = arith.shrsi %reduce_sum3A_385, %shift_right_arithmetic3A_401 : i32
        %and3A_403 = arith.constant 7 : i32
        %and3A_404 = arith.andi %reduce_sum3A_385, %and3A_403 : i32
        %dma_start3A_405 = arith.constant 0 : i32
        %dma_start3A_406 = tpu.memref_slice %arg19[%add3A_388, %dma_start3A_405] : memref<64x64xf32, #tpu.memory_space<vmem>> -> memref<1x64xf32, #tpu.memory_space<vmem>>
        %dma_start3A_407 = arith.constant 0 : i32
        %dma_start3A_408 = tpu.memref_slice %arg5[%shift_right_arithmetic3A_402, %and3A_404, %dma_start3A_407] : memref<125000x8x64xf32, #tpu.memory_space<hbm>> -> memref<1x1x64xf32, #tpu.memory_space<hbm>>
        %dma_start3A_409 = tpu.memref_squeeze %dma_start3A_408 : memref<1x1x64xf32, #tpu.memory_space<hbm>> -> memref<1x64xf32, #tpu.memory_space<hbm>>
        %dma_start3A_410 = arith.constant 0 : i32
        %dma_start3A_411 = tpu.memref_slice %arg19[%add3A_388, %dma_start3A_410] : memref<64x64xf32, #tpu.memory_space<vmem>> -> memref<1x64xf32, #tpu.memory_space<vmem>>
        %dma_start3A_412 = arith.constant 0 : i32
        %dma_start3A_413 = tpu.memref_slice %arg5[%shift_right_arithmetic3A_402, %and3A_404, %dma_start3A_412] : memref<125000x8x64xf32, #tpu.memory_space<hbm>> -> memref<1x1x64xf32, #tpu.memory_space<hbm>>
        %dma_start3A_414 = tpu.memref_squeeze %dma_start3A_413 : memref<1x1x64xf32, #tpu.memory_space<hbm>> -> memref<1x64xf32, #tpu.memory_space<hbm>>
        tpu.enqueue_dma source(%dma_start3A_414 : memref<1x64xf32, #tpu.memory_space<hbm>>) target(%dma_start3A_411 : memref<1x64xf32, #tpu.memory_space<vmem>>) target_semaphore(%arg26 : memref<!tpu.dma_semaphore, #tpu.memory_space<semaphore_mem>>)
        %scan3A_415 = arith.constant 0 : i32
        %scan3A_416 = arith.constant 1 : i32
        %scan3A_417 = arith.addi %scan3A_370, %scan3A_416 : i32
        %eq3A_418 = vector.broadcast %scan3A_417 : i32 to vector<16xi32>
        %eq3A_419 = arith.cmpi eq, %iota3A, %eq3A_418 : vector<16xi32>
        %jit3A_420 = arith.constant 0 : i32
        %broadcast_in_dim3A_421 = vector.broadcast %jit3A_420 : i32 to vector<16xi32>
        %select_n3A_422 = arith.select %eq3A_419, %get3A_355, %broadcast_in_dim3A_421 : vector<16xi1>, vector<16xi32>
        %reduce_sum3A_423 = arith.constant true
        %reduce_sum3A_424 = vector.broadcast %reduce_sum3A_423 : i1 to vector<16xi1>
        %reduce_sum3A_425 = tpu.scan <sum>, %select_n3A_422 masked %reduce_sum3A_424 : vector<16xi32>, vector<16xi1> -> vector<16xi32>
        %reduce_sum3A_426 = vector.extract %reduce_sum3A_425[15] : i32 from vector<16xi32>
        %eq3A_427 = vector.broadcast %scan3A_417 : i32 to vector<16xi32>
        %eq3A_428 = arith.cmpi eq, %iota3A, %eq3A_427 : vector<16xi32>
        %jit3A_429 = arith.constant 0 : i32
        %broadcast_in_dim3A_430 = vector.broadcast %jit3A_429 : i32 to vector<16xi32>
        %select_n3A_431 = arith.select %eq3A_428, %get3A_361, %broadcast_in_dim3A_430 : vector<16xi1>, vector<16xi32>
        %reduce_sum3A_432 = arith.constant true
        %reduce_sum3A_433 = vector.broadcast %reduce_sum3A_432 : i1 to vector<16xi1>
        %reduce_sum3A_434 = tpu.scan <sum>, %select_n3A_431 masked %reduce_sum3A_433 : vector<16xi32>, vector<16xi1> -> vector<16xi32>
        %reduce_sum3A_435 = vector.extract %reduce_sum3A_434[15] : i32 from vector<16xi32>
        %mul3A_436 = arith.constant 16 : i32
        %mul3A_437 = arith.muli %scan3A_349, %mul3A_436 : i32
        %add3A_438 = arith.addi %mul3A_437, %scan3A_417 : i32
        %shift_right_arithmetic3A_439 = arith.constant 3 : i32
        %shift_right_arithmetic3A_440 = arith.shrsi %reduce_sum3A_426, %shift_right_arithmetic3A_439 : i32
        %and3A_441 = arith.constant 7 : i32
        %and3A_442 = arith.andi %reduce_sum3A_426, %and3A_441 : i32
        %dma_start3A_443 = arith.constant 0 : i32
        %dma_start3A_444 = tpu.memref_slice %arg18[%add3A_438, %dma_start3A_443] : memref<64x64xf32, #tpu.memory_space<vmem>> -> memref<1x64xf32, #tpu.memory_space<vmem>>
        %dma_start3A_445 = arith.constant 0 : i32
        %dma_start3A_446 = tpu.memref_slice %arg5[%shift_right_arithmetic3A_440, %and3A_442, %dma_start3A_445] : memref<125000x8x64xf32, #tpu.memory_space<hbm>> -> memref<1x1x64xf32, #tpu.memory_space<hbm>>
        %dma_start3A_447 = tpu.memref_squeeze %dma_start3A_446 : memref<1x1x64xf32, #tpu.memory_space<hbm>> -> memref<1x64xf32, #tpu.memory_space<hbm>>
        %dma_start3A_448 = arith.constant 0 : i32
        %dma_start3A_449 = tpu.memref_slice %arg18[%add3A_438, %dma_start3A_448] : memref<64x64xf32, #tpu.memory_space<vmem>> -> memref<1x64xf32, #tpu.memory_space<vmem>>
        %dma_start3A_450 = arith.constant 0 : i32
        %dma_start3A_451 = tpu.memref_slice %arg5[%shift_right_arithmetic3A_440, %and3A_442, %dma_start3A_450] : memref<125000x8x64xf32, #tpu.memory_space<hbm>> -> memref<1x1x64xf32, #tpu.memory_space<hbm>>
        %dma_start3A_452 = tpu.memref_squeeze %dma_start3A_451 : memref<1x1x64xf32, #tpu.memory_space<hbm>> -> memref<1x64xf32, #tpu.memory_space<hbm>>
        tpu.enqueue_dma source(%dma_start3A_452 : memref<1x64xf32, #tpu.memory_space<hbm>>) target(%dma_start3A_449 : memref<1x64xf32, #tpu.memory_space<vmem>>) target_semaphore(%arg26 : memref<!tpu.dma_semaphore, #tpu.memory_space<semaphore_mem>>)
        %shift_right_arithmetic3A_453 = arith.constant 3 : i32
        %shift_right_arithmetic3A_454 = arith.shrsi %reduce_sum3A_435, %shift_right_arithmetic3A_453 : i32
        %and3A_455 = arith.constant 7 : i32
        %and3A_456 = arith.andi %reduce_sum3A_435, %and3A_455 : i32
        %dma_start3A_457 = arith.constant 0 : i32
        %dma_start3A_458 = tpu.memref_slice %arg19[%add3A_438, %dma_start3A_457] : memref<64x64xf32, #tpu.memory_space<vmem>> -> memref<1x64xf32, #tpu.memory_space<vmem>>
        %dma_start3A_459 = arith.constant 0 : i32
        %dma_start3A_460 = tpu.memref_slice %arg5[%shift_right_arithmetic3A_454, %and3A_456, %dma_start3A_459] : memref<125000x8x64xf32, #tpu.memory_space<hbm>> -> memref<1x1x64xf32, #tpu.memory_space<hbm>>
        %dma_start3A_461 = tpu.memref_squeeze %dma_start3A_460 : memref<1x1x64xf32, #tpu.memory_space<hbm>> -> memref<1x64xf32, #tpu.memory_space<hbm>>
        %dma_start3A_462 = arith.constant 0 : i32
        %dma_start3A_463 = tpu.memref_slice %arg19[%add3A_438, %dma_start3A_462] : memref<64x64xf32, #tpu.memory_space<vmem>> -> memref<1x64xf32, #tpu.memory_space<vmem>>
        %dma_start3A_464 = arith.constant 0 : i32
        %dma_start3A_465 = tpu.memref_slice %arg5[%shift_right_arithmetic3A_454, %and3A_456, %dma_start3A_464] : memref<125000x8x64xf32, #tpu.memory_space<hbm>> -> memref<1x1x64xf32, #tpu.memory_space<hbm>>
        %dma_start3A_466 = tpu.memref_squeeze %dma_start3A_465 : memref<1x1x64xf32, #tpu.memory_space<hbm>> -> memref<1x64xf32, #tpu.memory_space<hbm>>
        tpu.enqueue_dma source(%dma_start3A_466 : memref<1x64xf32, #tpu.memory_space<hbm>>) target(%dma_start3A_463 : memref<1x64xf32, #tpu.memory_space<vmem>>) target_semaphore(%arg26 : memref<!tpu.dma_semaphore, #tpu.memory_space<semaphore_mem>>)
        %scan3A_467 = arith.constant 0 : i32
        scf.yield %scan3A_467 : i32
      }
      %scan3A_368 = arith.constant 16 : i32
      %scan3A_369 = arith.constant 0 : i32
      scf.yield %scan3A_369 : i32
    }
    %scan3A_36 = arith.constant 4 : i32
    %dma_start3A_37 = arith.constant 64 : i32
    %dma_start3A_38 = tpu.memref_slice %arg13[%dma_start3A_37] : memref<512xi32, #tpu.memory_space<vmem>> -> memref<64xi32, #tpu.memory_space<vmem>>
    %dma_start3A_39 = arith.constant 0 : i32
    %dma_start3A_40 = arith.constant 0 : i32
    %dma_start3A_41 = tpu.memref_slice %arg6[%dma_start3A_39, %dma_start3A_40] : memref<500x128xf32, #tpu.memory_space<hbm>> -> memref<500x128xf32, #tpu.memory_space<hbm>>
    tpu.enqueue_indirect_dma source(%dma_start3A_41 : memref<500x128xf32, #tpu.memory_space<hbm>>) target(%arg20 : memref<64x128xf32, #tpu.memory_space<vmem>>) offsets(%dma_start3A_38 : memref<64xi32, #tpu.memory_space<vmem>>) semaphore(%arg27 : memref<!tpu.dma_semaphore, #tpu.memory_space<semaphore_mem>>)
    %dma_start3A_42 = arith.constant 64 : i32
    %dma_start3A_43 = tpu.memref_slice %arg13[%dma_start3A_42] : memref<512xi32, #tpu.memory_space<vmem>> -> memref<64xi32, #tpu.memory_space<vmem>>
    %dma_start3A_44 = arith.constant 0 : i32
    %dma_start3A_45 = arith.constant 0 : i32
    %dma_start3A_46 = tpu.memref_slice %arg7[%dma_start3A_44, %dma_start3A_45] : memref<500x128xf32, #tpu.memory_space<hbm>> -> memref<500x128xf32, #tpu.memory_space<hbm>>
    tpu.enqueue_indirect_dma source(%dma_start3A_46 : memref<500x128xf32, #tpu.memory_space<hbm>>) target(%arg21 : memref<64x128xf32, #tpu.memory_space<vmem>>) offsets(%dma_start3A_43 : memref<64xi32, #tpu.memory_space<vmem>>) semaphore(%arg27 : memref<!tpu.dma_semaphore, #tpu.memory_space<semaphore_mem>>)
    %scan3A_47 = arith.constant 0 : i32
    %scan3A_48 = arith.constant 0 : i32
    %scan3A_49 = arith.constant 128 : i32
    %scan3A_50 = arith.addi %scan3A_48, %scan3A_49 : i32
    %scan3A_51 = arith.constant 1 : i32
    %scan3A_52 = scf.for %scan3A_349 = %scan3A_48 to %scan3A_50 step %scan3A_51 iter_args(%scan3A_350 = %scan3A_47) -> (i32)  : i32 {
      %dma_wait3A_351 = arith.constant 0 : i32
      %dma_wait3A_352 = arith.constant 0 : i32
      %dma_wait3A_353 = arith.constant 0 : i32
      %dma_wait3A_354 = tpu.memref_slice %arg14[%dma_wait3A_352, %dma_wait3A_353] : memref<64x64xf32, #tpu.memory_space<vmem>> -> memref<1x64xf32, #tpu.memory_space<vmem>>
      %dma_wait3A_355 = arith.constant 0 : i32
      %dma_wait3A_356 = arith.constant 0 : i32
      %dma_wait3A_357 = tpu.memref_slice %arg5[%dma_wait3A_351, %dma_wait3A_355, %dma_wait3A_356] : memref<125000x8x64xf32, #tpu.memory_space<hbm>> -> memref<1x1x64xf32, #tpu.memory_space<hbm>>
      %dma_wait3A_358 = tpu.memref_squeeze %dma_wait3A_357 : memref<1x1x64xf32, #tpu.memory_space<hbm>> -> memref<1x64xf32, #tpu.memory_space<hbm>>
      %dma_wait3A_359 = arith.constant 0 : i32
      %dma_wait3A_360 = arith.constant 0 : i32
      %dma_wait3A_361 = tpu.memref_slice %arg14[%dma_wait3A_359, %dma_wait3A_360] : memref<64x64xf32, #tpu.memory_space<vmem>> -> memref<1x64xf32, #tpu.memory_space<vmem>>
      %dma_wait3A_362 = arith.constant 0 : i32
      %dma_wait3A_363 = arith.constant 0 : i32
      %dma_wait3A_364 = tpu.memref_slice %arg5[%dma_wait3A_351, %dma_wait3A_362, %dma_wait3A_363] : memref<125000x8x64xf32, #tpu.memory_space<hbm>> -> memref<1x1x64xf32, #tpu.memory_space<hbm>>
      %dma_wait3A_365 = tpu.memref_squeeze %dma_wait3A_364 : memref<1x1x64xf32, #tpu.memory_space<hbm>> -> memref<1x64xf32, #tpu.memory_space<hbm>>
      tpu.wait_dma2 semaphore(%arg24 : memref<!tpu.dma_semaphore, #tpu.memory_space<semaphore_mem>>) src(%dma_wait3A_365 : memref<1x64xf32, #tpu.memory_space<hbm>>) dst(%dma_wait3A_361 : memref<1x64xf32, #tpu.memory_space<vmem>>)
      %scan3A_366 = arith.constant 0 : i32
      scf.yield %scan3A_366 : i32
    }
    %scan3A_53 = arith.constant 128 : i32
    %dma_wait3A = arith.constant 0 : i32
    %dma_wait3A_54 = tpu.memref_slice %arg13[%dma_wait3A] : memref<512xi32, #tpu.memory_space<vmem>> -> memref<64xi32, #tpu.memory_space<vmem>>
    %dma_wait3A_55 = arith.constant 0 : i32
    %dma_wait3A_56 = arith.constant 0 : i32
    %dma_wait3A_57 = tpu.memref_slice %arg6[%dma_wait3A_55, %dma_wait3A_56] : memref<500x128xf32, #tpu.memory_space<hbm>> -> memref<500x128xf32, #tpu.memory_space<hbm>>
    tpu.wait_indirect_dma semaphore(%arg25 : memref<!tpu.dma_semaphore, #tpu.memory_space<semaphore_mem>>) src(%dma_wait3A_57 : memref<500x128xf32, #tpu.memory_space<hbm>>) dst(%arg16 : memref<64x128xf32, #tpu.memory_space<vmem>>)
    %dma_wait3A_58 = arith.constant 0 : i32
    %dma_wait3A_59 = tpu.memref_slice %arg13[%dma_wait3A_58] : memref<512xi32, #tpu.memory_space<vmem>> -> memref<64xi32, #tpu.memory_space<vmem>>
    %dma_wait3A_60 = arith.constant 0 : i32
    %dma_wait3A_61 = arith.constant 0 : i32
    %dma_wait3A_62 = tpu.memref_slice %arg7[%dma_wait3A_60, %dma_wait3A_61] : memref<500x128xf32, #tpu.memory_space<hbm>> -> memref<500x128xf32, #tpu.memory_space<hbm>>
    tpu.wait_indirect_dma semaphore(%arg25 : memref<!tpu.dma_semaphore, #tpu.memory_space<semaphore_mem>>) src(%dma_wait3A_62 : memref<500x128xf32, #tpu.memory_space<hbm>>) dst(%arg17 : memref<64x128xf32, #tpu.memory_space<vmem>>)
    %scan3A_63 = arith.constant 0 : i32
    %scan3A_64 = arith.constant 4 : i32
    %scan3A_65 = arith.addi %scan3A_63, %scan3A_64 : i32
    %scan3A_66 = arith.constant 1 : i32
    %scan3A_67:3 = scf.for %scan3A_349 = %scan3A_63 to %scan3A_65 step %scan3A_66 iter_args(%scan3A_350 = %broadcast_in_dim3A_9, %scan3A_351 = %broadcast_in_dim3A_11, %scan3A_352 = %broadcast_in_dim3A_13) -> (vector<16xf32>, vector<16xf32>, vector<16xf32>)  : i32 {
      %mul3A_353 = arith.constant 16 : i32
      %mul3A_354 = arith.muli %scan3A_349, %mul3A_353 : i32
      %add3A_355 = arith.constant 0 : i32
      %add3A_356 = arith.addi %add3A_355, %mul3A_354 : i32
      %get3A = arith.index_cast %add3A_356 : i32 to index
      %get3A_357 = tpu.vector_load %arg12[%get3A] {strides = array<i32>} : memref<512xi32, #tpu.memory_space<vmem>>, vector<16xi32>,
      %and3A = arith.constant 1 : i32
      %and3A_358 = vector.broadcast %and3A : i32 to vector<16xi32>
      %and3A_359 = arith.andi %get3A_357, %and3A_358 : vector<16xi32>
      %shift_left3A = arith.constant 6 : i32
      %shift_left3A_360 = vector.broadcast %shift_left3A : i32 to vector<16xi32>
      %shift_left3A_361 = arith.shli %and3A_359, %shift_left3A_360 : vector<16xi32>
      %mul3A_362 = arith.constant 16 : i32
      %mul3A_363 = arith.muli %scan3A_349, %mul3A_362 : i32
      %add3A_364 = vector.broadcast %mul3A_363 : i32 to vector<16xi32>
      %add3A_365 = arith.addi %add3A_364, %iota3A : vector<16xi32>
      %broadcast_in_dim3A_366 = arith.constant 0.000000e+00 : f32
      %broadcast_in_dim3A_367 = vector.broadcast %broadcast_in_dim3A_366 : f32 to vector<16xf32>
      %scan3A_368 = arith.constant 0 : i32
      %scan3A_369 = arith.constant 64 : i32
      %scan3A_370 = arith.addi %scan3A_368, %scan3A_369 : i32
      %scan3A_371 = arith.constant 2 : i32
      %scan3A_372:9 = scf.for %scan3A_498 = %scan3A_368 to %scan3A_370 step %scan3A_371 iter_args(%scan3A_499 = %broadcast_in_dim3A_367, %scan3A_500 = %broadcast_in_dim3A_367, %scan3A_501 = %broadcast_in_dim3A_367, %scan3A_502 = %broadcast_in_dim3A_367, %scan3A_503 = %broadcast_in_dim3A_367, %scan3A_504 = %broadcast_in_dim3A_367, %scan3A_505 = %broadcast_in_dim3A_367, %scan3A_506 = %broadcast_in_dim3A_367, %scan3A_507 = %broadcast_in_dim3A_367) -> (vector<16xf32>, vector<16xf32>, vector<16xf32>, vector<16xf32>, vector<16xf32>, vector<16xf32>, vector<16xf32>, vector<16xf32>, vector<16xf32>)  : i32 {
        %add3A_508 = vector.broadcast %scan3A_498 : i32 to vector<16xi32>
        %add3A_509 = arith.addi %iota3A, %add3A_508 : vector<16xi32>
        %and3A_510 = arith.constant 63 : i32
        %and3A_511 = vector.broadcast %and3A_510 : i32 to vector<16xi32>
        %and3A_512 = arith.andi %add3A_509, %and3A_511 : vector<16xi32>
        %gather3A = tpu.vector_load_idx %arg14[%add3A_365, %and3A_512] : memref<64x64xf32, #tpu.memory_space<vmem>>[vector<16xi32>, vector<16xi32>], vector<16xf32>,
        %gather3A_513 = tpu.vector_load_idx %arg15[%add3A_365, %and3A_512] : memref<64x64xf32, #tpu.memory_space<vmem>>[vector<16xi32>, vector<16xi32>], vector<16xf32>,
        %add3A_514 = arith.addi %shift_left3A_361, %and3A_512 : vector<16xi32>
        %gather3A_515 = tpu.vector_load_idx %arg16[%add3A_365, %add3A_514] : memref<64x128xf32, #tpu.memory_space<vmem>>[vector<16xi32>, vector<16xi32>], vector<16xf32>,
        %add3A_516 = arith.addi %shift_left3A_361, %and3A_512 : vector<16xi32>
        %gather3A_517 = tpu.vector_load_idx %arg17[%add3A_365, %add3A_516] : memref<64x128xf32, #tpu.memory_space<vmem>>[vector<16xi32>, vector<16xi32>], vector<16xf32>,
        %sub3A_518 = arith.subf %gather3A, %gather3A_513 : vector<16xf32>
        %mul3A_519 = arith.mulf %gather3A_517, %gather3A_517 : vector<16xf32>
        %add3A_520 = arith.addf %scan3A_499, %mul3A_519 : vector<16xf32>
        %mul3A_521 = arith.mulf %gather3A_517, %gather3A : vector<16xf32>
        %add3A_522 = arith.addf %scan3A_500, %mul3A_521 : vector<16xf32>
        %mul3A_523 = arith.mulf %gather3A_517, %gather3A_513 : vector<16xf32>
        %add3A_524 = arith.addf %scan3A_501, %mul3A_523 : vector<16xf32>
        %mul3A_525 = arith.mulf %gather3A_517, %gather3A_515 : vector<16xf32>
        %add3A_526 = arith.addf %scan3A_502, %mul3A_525 : vector<16xf32>
        %mul3A_527 = arith.mulf %gather3A_515, %gather3A_515 : vector<16xf32>
        %add3A_528 = arith.addf %scan3A_503, %mul3A_527 : vector<16xf32>
        %mul3A_529 = arith.mulf %gather3A, %gather3A : vector<16xf32>
        %add3A_530 = arith.addf %scan3A_504, %mul3A_529 : vector<16xf32>
        %mul3A_531 = arith.mulf %gather3A_513, %gather3A_513 : vector<16xf32>
        %add3A_532 = arith.addf %scan3A_505, %mul3A_531 : vector<16xf32>
        %mul3A_533 = arith.mulf %sub3A_518, %sub3A_518 : vector<16xf32>
        %add3A_534 = arith.addf %scan3A_506, %mul3A_533 : vector<16xf32>
        %mul3A_535 = arith.mulf %sub3A_518, %gather3A_515 : vector<16xf32>
        %add3A_536 = arith.addf %scan3A_507, %mul3A_535 : vector<16xf32>
        %scan3A_537 = arith.constant 1 : i32
        %scan3A_538 = arith.addi %scan3A_498, %scan3A_537 : i32
        %add3A_539 = vector.broadcast %scan3A_538 : i32 to vector<16xi32>
        %add3A_540 = arith.addi %iota3A, %add3A_539 : vector<16xi32>
        %and3A_541 = arith.constant 63 : i32
        %and3A_542 = vector.broadcast %and3A_541 : i32 to vector<16xi32>
        %and3A_543 = arith.andi %add3A_540, %and3A_542 : vector<16xi32>
        %gather3A_544 = tpu.vector_load_idx %arg14[%add3A_365, %and3A_543] : memref<64x64xf32, #tpu.memory_space<vmem>>[vector<16xi32>, vector<16xi32>], vector<16xf32>,
        %gather3A_545 = tpu.vector_load_idx %arg15[%add3A_365, %and3A_543] : memref<64x64xf32, #tpu.memory_space<vmem>>[vector<16xi32>, vector<16xi32>], vector<16xf32>,
        %add3A_546 = arith.addi %shift_left3A_361, %and3A_543 : vector<16xi32>
        %gather3A_547 = tpu.vector_load_idx %arg16[%add3A_365, %add3A_546] : memref<64x128xf32, #tpu.memory_space<vmem>>[vector<16xi32>, vector<16xi32>], vector<16xf32>,
        %add3A_548 = arith.addi %shift_left3A_361, %and3A_543 : vector<16xi32>
        %gather3A_549 = tpu.vector_load_idx %arg17[%add3A_365, %add3A_548] : memref<64x128xf32, #tpu.memory_space<vmem>>[vector<16xi32>, vector<16xi32>], vector<16xf32>,
        %sub3A_550 = arith.subf %gather3A_544, %gather3A_545 : vector<16xf32>
        %mul3A_551 = arith.mulf %gather3A_549, %gather3A_549 : vector<16xf32>
        %add3A_552 = arith.addf %add3A_520, %mul3A_551 : vector<16xf32>
        %mul3A_553 = arith.mulf %gather3A_549, %gather3A_544 : vector<16xf32>
        %add3A_554 = arith.addf %add3A_522, %mul3A_553 : vector<16xf32>
        %mul3A_555 = arith.mulf %gather3A_549, %gather3A_545 : vector<16xf32>
        %add3A_556 = arith.addf %add3A_524, %mul3A_555 : vector<16xf32>
        %mul3A_557 = arith.mulf %gather3A_549, %gather3A_547 : vector<16xf32>
        %add3A_558 = arith.addf %add3A_526, %mul3A_557 : vector<16xf32>
        %mul3A_559 = arith.mulf %gather3A_547, %gather3A_547 : vector<16xf32>
        %add3A_560 = arith.addf %add3A_528, %mul3A_559 : vector<16xf32>
        %mul3A_561 = arith.mulf %gather3A_544, %gather3A_544 : vector<16xf32>
        %add3A_562 = arith.addf %add3A_530, %mul3A_561 : vector<16xf32>
        %mul3A_563 = arith.mulf %gather3A_545, %gather3A_545 : vector<16xf32>
        %add3A_564 = arith.addf %add3A_532, %mul3A_563 : vector<16xf32>
        %mul3A_565 = arith.mulf %sub3A_550, %sub3A_550 : vector<16xf32>
        %add3A_566 = arith.addf %add3A_534, %mul3A_565 : vector<16xf32>
        %mul3A_567 = arith.mulf %sub3A_550, %gather3A_547 : vector<16xf32>
        %add3A_568 = arith.addf %add3A_536, %mul3A_567 : vector<16xf32>
        scf.yield %add3A_552, %add3A_554, %add3A_556, %add3A_558, %add3A_560, %add3A_562, %add3A_564, %add3A_566, %add3A_568 : vector<16xf32>, vector<16xf32>, vector<16xf32>, vector<16xf32>, vector<16xf32>, vector<16xf32>, vector<16xf32>, vector<16xf32>, vector<16xf32>
      }
      %scan3A_373 = arith.constant 64 : i32
      %max3A = arith.constant 1.000000e-24 : f32
      %max3A_374 = vector.broadcast %max3A : f32 to vector<16xf32>
      %max3A_375 = arith.maximumf %scan3A_372#0, %max3A_374 : vector<16xf32>
      %div3A = arith.constant 1.000000e+00 : f32
      %div3A_376 = vector.broadcast %div3A : f32 to vector<16xf32>
      %div3A_377 = arith.divf %div3A_376, %max3A_375 : vector<16xf32>
      %bitcast3A = vector.bitcast %max3A_375 : vector<16xf32> to vector<16xi32>
      %shift_right_arithmetic3A = arith.constant 1 : i32
      %shift_right_arithmetic3A_378 = vector.broadcast %shift_right_arithmetic3A : i32 to vector<16xi32>
      %shift_right_arithmetic3A_379 = arith.shrsi %bitcast3A, %shift_right_arithmetic3A_378 : vector<16xi32>
      %sub3A = arith.constant 1597463007 : i32
      %sub3A_380 = vector.broadcast %sub3A : i32 to vector<16xi32>
      %sub3A_381 = arith.subi %sub3A_380, %shift_right_arithmetic3A_379 : vector<16xi32>
      %bitcast3A_382 = vector.bitcast %sub3A_381 : vector<16xi32> to vector<16xf32>
      %mul3A_383 = arith.constant 5.000000e-01 : f32
      %mul3A_384 = vector.broadcast %mul3A_383 : f32 to vector<16xf32>
      %mul3A_385 = arith.mulf %mul3A_384, %max3A_375 : vector<16xf32>
      %mul3A_386 = arith.mulf %mul3A_385, %bitcast3A_382 : vector<16xf32>
      %mul3A_387 = arith.mulf %mul3A_386, %bitcast3A_382 : vector<16xf32>
      %sub3A_388 = arith.constant 1.500000e+00 : f32
      %sub3A_389 = vector.broadcast %sub3A_388 : f32 to vector<16xf32>
      %sub3A_390 = arith.subf %sub3A_389, %mul3A_387 : vector<16xf32>
      %mul3A_391 = arith.mulf %bitcast3A_382, %sub3A_390 : vector<16xf32>
      %mul3A_392 = arith.constant 5.000000e-01 : f32
      %mul3A_393 = vector.broadcast %mul3A_392 : f32 to vector<16xf32>
      %mul3A_394 = arith.mulf %mul3A_393, %max3A_375 : vector<16xf32>
      %mul3A_395 = arith.mulf %mul3A_394, %mul3A_391 : vector<16xf32>
      %mul3A_396 = arith.mulf %mul3A_395, %mul3A_391 : vector<16xf32>
      %sub3A_397 = arith.constant 1.500000e+00 : f32
      %sub3A_398 = vector.broadcast %sub3A_397 : f32 to vector<16xf32>
      %sub3A_399 = arith.subf %sub3A_398, %mul3A_396 : vector<16xf32>
      %mul3A_400 = arith.mulf %mul3A_391, %sub3A_399 : vector<16xf32>
      %mul3A_401 = arith.constant 5.000000e-01 : f32
      %mul3A_402 = vector.broadcast %mul3A_401 : f32 to vector<16xf32>
      %mul3A_403 = arith.mulf %mul3A_402, %max3A_375 : vector<16xf32>
      %mul3A_404 = arith.mulf %mul3A_403, %mul3A_400 : vector<16xf32>
      %mul3A_405 = arith.mulf %mul3A_404, %mul3A_400 : vector<16xf32>
      %sub3A_406 = arith.constant 1.500000e+00 : f32
      %sub3A_407 = vector.broadcast %sub3A_406 : f32 to vector<16xf32>
      %sub3A_408 = arith.subf %sub3A_407, %mul3A_405 : vector<16xf32>
      %mul3A_409 = arith.mulf %mul3A_400, %sub3A_408 : vector<16xf32>
      %mul3A_410 = arith.mulf %scan3A_372#0, %div3A_377 : vector<16xf32>
      %sub3A_411 = arith.subf %scan3A_372#1, %scan3A_372#2 : vector<16xf32>
      %mul3A_412 = arith.mulf %sub3A_411, %sub3A_411 : vector<16xf32>
      %mul3A_413 = arith.mulf %mul3A_412, %div3A_377 : vector<16xf32>
      %sub3A_414 = arith.constant 2.000000e+00 : f32
      %sub3A_415 = vector.broadcast %sub3A_414 : f32 to vector<16xf32>
      %sub3A_416 = arith.subf %mul3A_410, %sub3A_415 : vector<16xf32>
      %mul3A_417 = arith.mulf %mul3A_413, %sub3A_416 : vector<16xf32>
      %add3A_418 = arith.addf %scan3A_372#7, %mul3A_417 : vector<16xf32>
      %add3A_419 = arith.addf %add3A_418, %scan3A_372#4 : vector<16xf32>
      %mul3A_420 = arith.constant 2.000000e+00 : f32
      %mul3A_421 = vector.broadcast %mul3A_420 : f32 to vector<16xf32>
      %mul3A_422 = arith.mulf %mul3A_421, %scan3A_372#8 : vector<16xf32>
      %add3A_423 = arith.addf %add3A_419, %mul3A_422 : vector<16xf32>
      %mul3A_424 = arith.constant 2.000000e+00 : f32
      %mul3A_425 = vector.broadcast %mul3A_424 : f32 to vector<16xf32>
      %mul3A_426 = arith.mulf %mul3A_425, %sub3A_411 : vector<16xf32>
      %mul3A_427 = arith.mulf %mul3A_426, %scan3A_372#3 : vector<16xf32>
      %mul3A_428 = arith.mulf %mul3A_427, %div3A_377 : vector<16xf32>
      %sub3A_429 = arith.subf %add3A_423, %mul3A_428 : vector<16xf32>
      %max3A_430 = arith.constant 0.000000e+00 : f32
      %max3A_431 = vector.broadcast %max3A_430 : f32 to vector<16xf32>
      %max3A_432 = arith.maximumf %sub3A_429, %max3A_431 : vector<16xf32>
      %max3A_433 = arith.constant 1.000000e-30 : f32
      %max3A_434 = vector.broadcast %max3A_433 : f32 to vector<16xf32>
      %max3A_435 = arith.maximumf %max3A_432, %max3A_434 : vector<16xf32>
      %bitcast3A_436 = vector.bitcast %max3A_435 : vector<16xf32> to vector<16xi32>
      %shift_right_arithmetic3A_437 = arith.constant 1 : i32
      %shift_right_arithmetic3A_438 = vector.broadcast %shift_right_arithmetic3A_437 : i32 to vector<16xi32>
      %shift_right_arithmetic3A_439 = arith.shrsi %bitcast3A_436, %shift_right_arithmetic3A_438 : vector<16xi32>
      %sub3A_440 = arith.constant 1597463007 : i32
      %sub3A_441 = vector.broadcast %sub3A_440 : i32 to vector<16xi32>
      %sub3A_442 = arith.subi %sub3A_441, %shift_right_arithmetic3A_439 : vector<16xi32>
      %bitcast3A_443 = vector.bitcast %sub3A_442 : vector<16xi32> to vector<16xf32>
      %mul3A_444 = arith.constant 5.000000e-01 : f32
      %mul3A_445 = vector.broadcast %mul3A_444 : f32 to vector<16xf32>
      %mul3A_446 = arith.mulf %mul3A_445, %max3A_435 : vector<16xf32>
      %mul3A_447 = arith.mulf %mul3A_446, %bitcast3A_443 : vector<16xf32>
      %mul3A_448 = arith.mulf %mul3A_447, %bitcast3A_443 : vector<16xf32>
      %sub3A_449 = arith.constant 1.500000e+00 : f32
      %sub3A_450 = vector.broadcast %sub3A_449 : f32 to vector<16xf32>
      %sub3A_451 = arith.subf %sub3A_450, %mul3A_448 : vector<16xf32>
      %mul3A_452 = arith.mulf %bitcast3A_443, %sub3A_451 : vector<16xf32>
      %mul3A_453 = arith.constant 5.000000e-01 : f32
      %mul3A_454 = vector.broadcast %mul3A_453 : f32 to vector<16xf32>
      %mul3A_455 = arith.mulf %mul3A_454, %max3A_435 : vector<16xf32>
      %mul3A_456 = arith.mulf %mul3A_455, %mul3A_452 : vector<16xf32>
      %mul3A_457 = arith.mulf %mul3A_456, %mul3A_452 : vector<16xf32>
      %sub3A_458 = arith.constant 1.500000e+00 : f32
      %sub3A_459 = vector.broadcast %sub3A_458 : f32 to vector<16xf32>
      %sub3A_460 = arith.subf %sub3A_459, %mul3A_457 : vector<16xf32>
      %mul3A_461 = arith.mulf %mul3A_452, %sub3A_460 : vector<16xf32>
      %mul3A_462 = arith.constant 5.000000e-01 : f32
      %mul3A_463 = vector.broadcast %mul3A_462 : f32 to vector<16xf32>
      %mul3A_464 = arith.mulf %mul3A_463, %max3A_435 : vector<16xf32>
      %mul3A_465 = arith.mulf %mul3A_464, %mul3A_461 : vector<16xf32>
      %mul3A_466 = arith.mulf %mul3A_465, %mul3A_461 : vector<16xf32>
      %sub3A_467 = arith.constant 1.500000e+00 : f32
      %sub3A_468 = vector.broadcast %sub3A_467 : f32 to vector<16xf32>
      %sub3A_469 = arith.subf %sub3A_468, %mul3A_466 : vector<16xf32>
      %mul3A_470 = arith.mulf %mul3A_461, %sub3A_469 : vector<16xf32>
      %mul3A_471 = arith.mulf %max3A_432, %mul3A_470 : vector<16xf32>
      %swap3A_472 = arith.index_cast %add3A_356 : i32 to index
      %swap3A_473 = tpu.vector_load %arg22[%swap3A_472] {strides = array<i32>} : memref<512xf32, #tpu.memory_space<vmem>>, vector<16xf32>,
      tpu.vector_store %arg22[%swap3A_472], %mul3A_471 {strides = array<i32>} : memref<512xf32, #tpu.memory_space<vmem>>, vector<16xf32>,
      %mul3A_474 = arith.mulf %scan3A_372#3, %mul3A_409 : vector<16xf32>
      %sub3A_475 = arith.constant 9.99999997E-7 : f32
      %sub3A_476 = vector.broadcast %sub3A_475 : f32 to vector<16xf32>
      %sub3A_477 = arith.subf %mul3A_474, %sub3A_476 : vector<16xf32>
      %max3A_478 = arith.constant 0.000000e+00 : f32
      %max3A_479 = vector.broadcast %max3A_478 : f32 to vector<16xf32>
      %max3A_480 = arith.maximumf %sub3A_477, %max3A_479 : vector<16xf32>
      %add3A_481 = arith.addf %scan3A_350, %max3A_480 : vector<16xf32>
      %add3A_482 = arith.addf %scan3A_351, %scan3A_372#5 : vector<16xf32>
      %mul3A_483 = arith.mulf %scan3A_372#1, %scan3A_372#1 : vector<16xf32>
      %mul3A_484 = arith.mulf %mul3A_483, %div3A_377 : vector<16xf32>
      %sub3A_485 = arith.constant 2.000000e+00 : f32
      %sub3A_486 = vector.broadcast %sub3A_485 : f32 to vector<16xf32>
      %sub3A_487 = arith.subf %mul3A_410, %sub3A_486 : vector<16xf32>
      %mul3A_488 = arith.mulf %mul3A_484, %sub3A_487 : vector<16xf32>
      %add3A_489 = arith.addf %add3A_482, %mul3A_488 : vector<16xf32>
      %add3A_490 = arith.addf %scan3A_352, %scan3A_372#6 : vector<16xf32>
      %mul3A_491 = arith.mulf %scan3A_372#2, %scan3A_372#2 : vector<16xf32>
      %mul3A_492 = arith.mulf %mul3A_491, %div3A_377 : vector<16xf32>
      %sub3A_493 = arith.constant 2.000000e+00 : f32
      %sub3A_494 = vector.broadcast %sub3A_493 : f32 to vector<16xf32>
      %sub3A_495 = arith.subf %mul3A_410, %sub3A_494 : vector<16xf32>
      %mul3A_496 = arith.mulf %mul3A_492, %sub3A_495 : vector<16xf32>
      %add3A_497 = arith.addf %add3A_490, %mul3A_496 : vector<16xf32>
      scf.yield %add3A_481, %add3A_489, %add3A_497 : vector<16xf32>, vector<16xf32>, vector<16xf32>
    }
    %scan3A_68 = arith.constant 4 : i32
    %scan3A_69 = arith.constant 0 : i32
    %scan3A_70 = arith.constant 0 : i32
    %scan3A_71 = arith.constant 4 : i32
    %scan3A_72 = arith.addi %scan3A_70, %scan3A_71 : i32
    %scan3A_73 = arith.constant 1 : i32
    %scan3A_74 = scf.for %scan3A_349 = %scan3A_70 to %scan3A_72 step %scan3A_73 iter_args(%scan3A_350 = %scan3A_69) -> (i32)  : i32 {
      %mul3A_351 = arith.constant 16 : i32
      %mul3A_352 = arith.muli %scan3A_349, %mul3A_351 : i32
      %add3A_353 = arith.constant 128 : i32
      %add3A_354 = arith.addi %add3A_353, %mul3A_352 : i32
      %get3A = arith.index_cast %add3A_354 : i32 to index
      %get3A_355 = tpu.vector_load %arg10[%get3A] {strides = array<i32>} : memref<512xi32, #tpu.memory_space<vmem>>, vector<16xi32>,
      %mul3A_356 = arith.constant 16 : i32
      %mul3A_357 = arith.muli %scan3A_349, %mul3A_356 : i32
      %add3A_358 = arith.constant 128 : i32
      %add3A_359 = arith.addi %add3A_358, %mul3A_357 : i32
      %get3A_360 = arith.index_cast %add3A_359 : i32 to index
      %get3A_361 = tpu.vector_load %arg11[%get3A_360] {strides = array<i32>} : memref<512xi32, #tpu.memory_space<vmem>>, vector<16xi32>,
      %scan3A_362 = arith.constant 0 : i32
      %scan3A_363 = arith.constant 0 : i32
      %scan3A_364 = arith.constant 16 : i32
      %scan3A_365 = arith.addi %scan3A_363, %scan3A_364 : i32
      %scan3A_366 = arith.constant 2 : i32
      %scan3A_367 = scf.for %scan3A_370 = %scan3A_363 to %scan3A_365 step %scan3A_366 iter_args(%scan3A_371 = %scan3A_362) -> (i32)  : i32 {
        %eq3A = vector.broadcast %scan3A_370 : i32 to vector<16xi32>
        %eq3A_372 = arith.cmpi eq, %iota3A, %eq3A : vector<16xi32>
        %jit3A = arith.constant 0 : i32
        %broadcast_in_dim3A_373 = vector.broadcast %jit3A : i32 to vector<16xi32>
        %select_n3A = arith.select %eq3A_372, %get3A_355, %broadcast_in_dim3A_373 : vector<16xi1>, vector<16xi32>
        %reduce_sum3A = arith.constant true
        %reduce_sum3A_374 = vector.broadcast %reduce_sum3A : i1 to vector<16xi1>
        %reduce_sum3A_375 = tpu.scan <sum>, %select_n3A masked %reduce_sum3A_374 : vector<16xi32>, vector<16xi1> -> vector<16xi32>
        %reduce_sum3A_376 = vector.extract %reduce_sum3A_375[15] : i32 from vector<16xi32>
        %eq3A_377 = vector.broadcast %scan3A_370 : i32 to vector<16xi32>
        %eq3A_378 = arith.cmpi eq, %iota3A, %eq3A_377 : vector<16xi32>
        %jit3A_379 = arith.constant 0 : i32
        %broadcast_in_dim3A_380 = vector.broadcast %jit3A_379 : i32 to vector<16xi32>
        %select_n3A_381 = arith.select %eq3A_378, %get3A_361, %broadcast_in_dim3A_380 : vector<16xi1>, vector<16xi32>
        %reduce_sum3A_382 = arith.constant true
        %reduce_sum3A_383 = vector.broadcast %reduce_sum3A_382 : i1 to vector<16xi1>
        %reduce_sum3A_384 = tpu.scan <sum>, %select_n3A_381 masked %reduce_sum3A_383 : vector<16xi32>, vector<16xi1> -> vector<16xi32>
        %reduce_sum3A_385 = vector.extract %reduce_sum3A_384[15] : i32 from vector<16xi32>
        %mul3A_386 = arith.constant 16 : i32
        %mul3A_387 = arith.muli %scan3A_349, %mul3A_386 : i32
        %add3A_388 = arith.addi %mul3A_387, %scan3A_370 : i32
        %shift_right_arithmetic3A = arith.constant 3 : i32
        %shift_right_arithmetic3A_389 = arith.shrsi %reduce_sum3A_376, %shift_right_arithmetic3A : i32
        %and3A = arith.constant 7 : i32
        %and3A_390 = arith.andi %reduce_sum3A_376, %and3A : i32
        %dma_start3A_391 = arith.constant 0 : i32
        %dma_start3A_392 = tpu.memref_slice %arg14[%add3A_388, %dma_start3A_391] : memref<64x64xf32, #tpu.memory_space<vmem>> -> memref<1x64xf32, #tpu.memory_space<vmem>>
        %dma_start3A_393 = arith.constant 0 : i32
        %dma_start3A_394 = tpu.memref_slice %arg5[%shift_right_arithmetic3A_389, %and3A_390, %dma_start3A_393] : memref<125000x8x64xf32, #tpu.memory_space<hbm>> -> memref<1x1x64xf32, #tpu.memory_space<hbm>>
        %dma_start3A_395 = tpu.memref_squeeze %dma_start3A_394 : memref<1x1x64xf32, #tpu.memory_space<hbm>> -> memref<1x64xf32, #tpu.memory_space<hbm>>
        %dma_start3A_396 = arith.constant 0 : i32
        %dma_start3A_397 = tpu.memref_slice %arg14[%add3A_388, %dma_start3A_396] : memref<64x64xf32, #tpu.memory_space<vmem>> -> memref<1x64xf32, #tpu.memory_space<vmem>>
        %dma_start3A_398 = arith.constant 0 : i32
        %dma_start3A_399 = tpu.memref_slice %arg5[%shift_right_arithmetic3A_389, %and3A_390, %dma_start3A_398] : memref<125000x8x64xf32, #tpu.memory_space<hbm>> -> memref<1x1x64xf32, #tpu.memory_space<hbm>>
        %dma_start3A_400 = tpu.memref_squeeze %dma_start3A_399 : memref<1x1x64xf32, #tpu.memory_space<hbm>> -> memref<1x64xf32, #tpu.memory_space<hbm>>
        tpu.enqueue_dma source(%dma_start3A_400 : memref<1x64xf32, #tpu.memory_space<hbm>>) target(%dma_start3A_397 : memref<1x64xf32, #tpu.memory_space<vmem>>) target_semaphore(%arg24 : memref<!tpu.dma_semaphore, #tpu.memory_space<semaphore_mem>>)
        %shift_right_arithmetic3A_401 = arith.constant 3 : i32
        %shift_right_arithmetic3A_402 = arith.shrsi %reduce_sum3A_385, %shift_right_arithmetic3A_401 : i32
        %and3A_403 = arith.constant 7 : i32
        %and3A_404 = arith.andi %reduce_sum3A_385, %and3A_403 : i32
        %dma_start3A_405 = arith.constant 0 : i32
        %dma_start3A_406 = tpu.memref_slice %arg15[%add3A_388, %dma_start3A_405] : memref<64x64xf32, #tpu.memory_space<vmem>> -> memref<1x64xf32, #tpu.memory_space<vmem>>
        %dma_start3A_407 = arith.constant 0 : i32
        %dma_start3A_408 = tpu.memref_slice %arg5[%shift_right_arithmetic3A_402, %and3A_404, %dma_start3A_407] : memref<125000x8x64xf32, #tpu.memory_space<hbm>> -> memref<1x1x64xf32, #tpu.memory_space<hbm>>
        %dma_start3A_409 = tpu.memref_squeeze %dma_start3A_408 : memref<1x1x64xf32, #tpu.memory_space<hbm>> -> memref<1x64xf32, #tpu.memory_space<hbm>>
        %dma_start3A_410 = arith.constant 0 : i32
        %dma_start3A_411 = tpu.memref_slice %arg15[%add3A_388, %dma_start3A_410] : memref<64x64xf32, #tpu.memory_space<vmem>> -> memref<1x64xf32, #tpu.memory_space<vmem>>
        %dma_start3A_412 = arith.constant 0 : i32
        %dma_start3A_413 = tpu.memref_slice %arg5[%shift_right_arithmetic3A_402, %and3A_404, %dma_start3A_412] : memref<125000x8x64xf32, #tpu.memory_space<hbm>> -> memref<1x1x64xf32, #tpu.memory_space<hbm>>
        %dma_start3A_414 = tpu.memref_squeeze %dma_start3A_413 : memref<1x1x64xf32, #tpu.memory_space<hbm>> -> memref<1x64xf32, #tpu.memory_space<hbm>>
        tpu.enqueue_dma source(%dma_start3A_414 : memref<1x64xf32, #tpu.memory_space<hbm>>) target(%dma_start3A_411 : memref<1x64xf32, #tpu.memory_space<vmem>>) target_semaphore(%arg24 : memref<!tpu.dma_semaphore, #tpu.memory_space<semaphore_mem>>)
        %scan3A_415 = arith.constant 0 : i32
        %scan3A_416 = arith.constant 1 : i32
        %scan3A_417 = arith.addi %scan3A_370, %scan3A_416 : i32
        %eq3A_418 = vector.broadcast %scan3A_417 : i32 to vector<16xi32>
        %eq3A_419 = arith.cmpi eq, %iota3A, %eq3A_418 : vector<16xi32>
        %jit3A_420 = arith.constant 0 : i32
        %broadcast_in_dim3A_421 = vector.broadcast %jit3A_420 : i32 to vector<16xi32>
        %select_n3A_422 = arith.select %eq3A_419, %get3A_355, %broadcast_in_dim3A_421 : vector<16xi1>, vector<16xi32>
        %reduce_sum3A_423 = arith.constant true
        %reduce_sum3A_424 = vector.broadcast %reduce_sum3A_423 : i1 to vector<16xi1>
        %reduce_sum3A_425 = tpu.scan <sum>, %select_n3A_422 masked %reduce_sum3A_424 : vector<16xi32>, vector<16xi1> -> vector<16xi32>
        %reduce_sum3A_426 = vector.extract %reduce_sum3A_425[15] : i32 from vector<16xi32>
        %eq3A_427 = vector.broadcast %scan3A_417 : i32 to vector<16xi32>
        %eq3A_428 = arith.cmpi eq, %iota3A, %eq3A_427 : vector<16xi32>
        %jit3A_429 = arith.constant 0 : i32
        %broadcast_in_dim3A_430 = vector.broadcast %jit3A_429 : i32 to vector<16xi32>
        %select_n3A_431 = arith.select %eq3A_428, %get3A_361, %broadcast_in_dim3A_430 : vector<16xi1>, vector<16xi32>
        %reduce_sum3A_432 = arith.constant true
        %reduce_sum3A_433 = vector.broadcast %reduce_sum3A_432 : i1 to vector<16xi1>
        %reduce_sum3A_434 = tpu.scan <sum>, %select_n3A_431 masked %reduce_sum3A_433 : vector<16xi32>, vector<16xi1> -> vector<16xi32>
        %reduce_sum3A_435 = vector.extract %reduce_sum3A_434[15] : i32 from vector<16xi32>
        %mul3A_436 = arith.constant 16 : i32
        %mul3A_437 = arith.muli %scan3A_349, %mul3A_436 : i32
        %add3A_438 = arith.addi %mul3A_437, %scan3A_417 : i32
        %shift_right_arithmetic3A_439 = arith.constant 3 : i32
        %shift_right_arithmetic3A_440 = arith.shrsi %reduce_sum3A_426, %shift_right_arithmetic3A_439 : i32
        %and3A_441 = arith.constant 7 : i32
        %and3A_442 = arith.andi %reduce_sum3A_426, %and3A_441 : i32
        %dma_start3A_443 = arith.constant 0 : i32
        %dma_start3A_444 = tpu.memref_slice %arg14[%add3A_438, %dma_start3A_443] : memref<64x64xf32, #tpu.memory_space<vmem>> -> memref<1x64xf32, #tpu.memory_space<vmem>>
        %dma_start3A_445 = arith.constant 0 : i32
        %dma_start3A_446 = tpu.memref_slice %arg5[%shift_right_arithmetic3A_440, %and3A_442, %dma_start3A_445] : memref<125000x8x64xf32, #tpu.memory_space<hbm>> -> memref<1x1x64xf32, #tpu.memory_space<hbm>>
        %dma_start3A_447 = tpu.memref_squeeze %dma_start3A_446 : memref<1x1x64xf32, #tpu.memory_space<hbm>> -> memref<1x64xf32, #tpu.memory_space<hbm>>
        %dma_start3A_448 = arith.constant 0 : i32
        %dma_start3A_449 = tpu.memref_slice %arg14[%add3A_438, %dma_start3A_448] : memref<64x64xf32, #tpu.memory_space<vmem>> -> memref<1x64xf32, #tpu.memory_space<vmem>>
        %dma_start3A_450 = arith.constant 0 : i32
        %dma_start3A_451 = tpu.memref_slice %arg5[%shift_right_arithmetic3A_440, %and3A_442, %dma_start3A_450] : memref<125000x8x64xf32, #tpu.memory_space<hbm>> -> memref<1x1x64xf32, #tpu.memory_space<hbm>>
        %dma_start3A_452 = tpu.memref_squeeze %dma_start3A_451 : memref<1x1x64xf32, #tpu.memory_space<hbm>> -> memref<1x64xf32, #tpu.memory_space<hbm>>
        tpu.enqueue_dma source(%dma_start3A_452 : memref<1x64xf32, #tpu.memory_space<hbm>>) target(%dma_start3A_449 : memref<1x64xf32, #tpu.memory_space<vmem>>) target_semaphore(%arg24 : memref<!tpu.dma_semaphore, #tpu.memory_space<semaphore_mem>>)
        %shift_right_arithmetic3A_453 = arith.constant 3 : i32
        %shift_right_arithmetic3A_454 = arith.shrsi %reduce_sum3A_435, %shift_right_arithmetic3A_453 : i32
        %and3A_455 = arith.constant 7 : i32
        %and3A_456 = arith.andi %reduce_sum3A_435, %and3A_455 : i32
        %dma_start3A_457 = arith.constant 0 : i32
        %dma_start3A_458 = tpu.memref_slice %arg15[%add3A_438, %dma_start3A_457] : memref<64x64xf32, #tpu.memory_space<vmem>> -> memref<1x64xf32, #tpu.memory_space<vmem>>
        %dma_start3A_459 = arith.constant 0 : i32
        %dma_start3A_460 = tpu.memref_slice %arg5[%shift_right_arithmetic3A_454, %and3A_456, %dma_start3A_459] : memref<125000x8x64xf32, #tpu.memory_space<hbm>> -> memref<1x1x64xf32, #tpu.memory_space<hbm>>
        %dma_start3A_461 = tpu.memref_squeeze %dma_start3A_460 : memref<1x1x64xf32, #tpu.memory_space<hbm>> -> memref<1x64xf32, #tpu.memory_space<hbm>>
        %dma_start3A_462 = arith.constant 0 : i32
        %dma_start3A_463 = tpu.memref_slice %arg15[%add3A_438, %dma_start3A_462] : memref<64x64xf32, #tpu.memory_space<vmem>> -> memref<1x64xf32, #tpu.memory_space<vmem>>
        %dma_start3A_464 = arith.constant 0 : i32
        %dma_start3A_465 = tpu.memref_slice %arg5[%shift_right_arithmetic3A_454, %and3A_456, %dma_start3A_464] : memref<125000x8x64xf32, #tpu.memory_space<hbm>> -> memref<1x1x64xf32, #tpu.memory_space<hbm>>
        %dma_start3A_466 = tpu.memref_squeeze %dma_start3A_465 : memref<1x1x64xf32, #tpu.memory_space<hbm>> -> memref<1x64xf32, #tpu.memory_space<hbm>>
        tpu.enqueue_dma source(%dma_start3A_466 : memref<1x64xf32, #tpu.memory_space<hbm>>) target(%dma_start3A_463 : memref<1x64xf32, #tpu.memory_space<vmem>>) target_semaphore(%arg24 : memref<!tpu.dma_semaphore, #tpu.memory_space<semaphore_mem>>)
        %scan3A_467 = arith.constant 0 : i32
        scf.yield %scan3A_467 : i32
      }
      %scan3A_368 = arith.constant 16 : i32
      %scan3A_369 = arith.constant 0 : i32
      scf.yield %scan3A_369 : i32
    }
    %scan3A_75 = arith.constant 4 : i32
    %dma_start3A_76 = arith.constant 128 : i32
    %dma_start3A_77 = tpu.memref_slice %arg13[%dma_start3A_76] : memref<512xi32, #tpu.memory_space<vmem>> -> memref<64xi32, #tpu.memory_space<vmem>>
    %dma_start3A_78 = arith.constant 0 : i32
    %dma_start3A_79 = arith.constant 0 : i32
    %dma_start3A_80 = tpu.memref_slice %arg6[%dma_start3A_78, %dma_start3A_79] : memref<500x128xf32, #tpu.memory_space<hbm>> -> memref<500x128xf32, #tpu.memory_space<hbm>>
    tpu.enqueue_indirect_dma source(%dma_start3A_80 : memref<500x128xf32, #tpu.memory_space<hbm>>) target(%arg16 : memref<64x128xf32, #tpu.memory_space<vmem>>) offsets(%dma_start3A_77 : memref<64xi32, #tpu.memory_space<vmem>>) semaphore(%arg25 : memref<!tpu.dma_semaphore, #tpu.memory_space<semaphore_mem>>)
    %dma_start3A_81 = arith.constant 128 : i32
    %dma_start3A_82 = tpu.memref_slice %arg13[%dma_start3A_81] : memref<512xi32, #tpu.memory_space<vmem>> -> memref<64xi32, #tpu.memory_space<vmem>>
    %dma_start3A_83 = arith.constant 0 : i32
    %dma_start3A_84 = arith.constant 0 : i32
    %dma_start3A_85 = tpu.memref_slice %arg7[%dma_start3A_83, %dma_start3A_84] : memref<500x128xf32, #tpu.memory_space<hbm>> -> memref<500x128xf32, #tpu.memory_space<hbm>>
    tpu.enqueue_indirect_dma source(%dma_start3A_85 : memref<500x128xf32, #tpu.memory_space<hbm>>) target(%arg17 : memref<64x128xf32, #tpu.memory_space<vmem>>) offsets(%dma_start3A_82 : memref<64xi32, #tpu.memory_space<vmem>>) semaphore(%arg25 : memref<!tpu.dma_semaphore, #tpu.memory_space<semaphore_mem>>)
    %scan3A_86 = arith.constant 0 : i32
    %scan3A_87 = arith.constant 0 : i32
    %scan3A_88 = arith.constant 128 : i32
    %scan3A_89 = arith.addi %scan3A_87, %scan3A_88 : i32
    %scan3A_90 = arith.constant 1 : i32
    %scan3A_91 = scf.for %scan3A_349 = %scan3A_87 to %scan3A_89 step %scan3A_90 iter_args(%scan3A_350 = %scan3A_86) -> (i32)  : i32 {
      %dma_wait3A_351 = arith.constant 0 : i32
      %dma_wait3A_352 = arith.constant 0 : i32
      %dma_wait3A_353 = arith.constant 0 : i32
      %dma_wait3A_354 = tpu.memref_slice %arg18[%dma_wait3A_352, %dma_wait3A_353] : memref<64x64xf32, #tpu.memory_space<vmem>> -> memref<1x64xf32, #tpu.memory_space<vmem>>
      %dma_wait3A_355 = arith.constant 0 : i32
      %dma_wait3A_356 = arith.constant 0 : i32
      %dma_wait3A_357 = tpu.memref_slice %arg5[%dma_wait3A_351, %dma_wait3A_355, %dma_wait3A_356] : memref<125000x8x64xf32, #tpu.memory_space<hbm>> -> memref<1x1x64xf32, #tpu.memory_space<hbm>>
      %dma_wait3A_358 = tpu.memref_squeeze %dma_wait3A_357 : memref<1x1x64xf32, #tpu.memory_space<hbm>> -> memref<1x64xf32, #tpu.memory_space<hbm>>
      %dma_wait3A_359 = arith.constant 0 : i32
      %dma_wait3A_360 = arith.constant 0 : i32
      %dma_wait3A_361 = tpu.memref_slice %arg18[%dma_wait3A_359, %dma_wait3A_360] : memref<64x64xf32, #tpu.memory_space<vmem>> -> memref<1x64xf32, #tpu.memory_space<vmem>>
      %dma_wait3A_362 = arith.constant 0 : i32
      %dma_wait3A_363 = arith.constant 0 : i32
      %dma_wait3A_364 = tpu.memref_slice %arg5[%dma_wait3A_351, %dma_wait3A_362, %dma_wait3A_363] : memref<125000x8x64xf32, #tpu.memory_space<hbm>> -> memref<1x1x64xf32, #tpu.memory_space<hbm>>
      %dma_wait3A_365 = tpu.memref_squeeze %dma_wait3A_364 : memref<1x1x64xf32, #tpu.memory_space<hbm>> -> memref<1x64xf32, #tpu.memory_space<hbm>>
      tpu.wait_dma2 semaphore(%arg26 : memref<!tpu.dma_semaphore, #tpu.memory_space<semaphore_mem>>) src(%dma_wait3A_365 : memref<1x64xf32, #tpu.memory_space<hbm>>) dst(%dma_wait3A_361 : memref<1x64xf32, #tpu.memory_space<vmem>>)
      %scan3A_366 = arith.constant 0 : i32
      scf.yield %scan3A_366 : i32
    }
    %scan3A_92 = arith.constant 128 : i32
    %dma_wait3A_93 = arith.constant 64 : i32
    %dma_wait3A_94 = tpu.memref_slice %arg13[%dma_wait3A_93] : memref<512xi32, #tpu.memory_space<vmem>> -> memref<64xi32, #tpu.memory_space<vmem>>
    %dma_wait3A_95 = arith.constant 0 : i32
    %dma_wait3A_96 = arith.constant 0 : i32
    %dma_wait3A_97 = tpu.memref_slice %arg6[%dma_wait3A_95, %dma_wait3A_96] : memref<500x128xf32, #tpu.memory_space<hbm>> -> memref<500x128xf32, #tpu.memory_space<hbm>>
    tpu.wait_indirect_dma semaphore(%arg27 : memref<!tpu.dma_semaphore, #tpu.memory_space<semaphore_mem>>) src(%dma_wait3A_97 : memref<500x128xf32, #tpu.memory_space<hbm>>) dst(%arg20 : memref<64x128xf32, #tpu.memory_space<vmem>>)
    %dma_wait3A_98 = arith.constant 64 : i32
    %dma_wait3A_99 = tpu.memref_slice %arg13[%dma_wait3A_98] : memref<512xi32, #tpu.memory_space<vmem>> -> memref<64xi32, #tpu.memory_space<vmem>>
    %dma_wait3A_100 = arith.constant 0 : i32
    %dma_wait3A_101 = arith.constant 0 : i32
    %dma_wait3A_102 = tpu.memref_slice %arg7[%dma_wait3A_100, %dma_wait3A_101] : memref<500x128xf32, #tpu.memory_space<hbm>> -> memref<500x128xf32, #tpu.memory_space<hbm>>
    tpu.wait_indirect_dma semaphore(%arg27 : memref<!tpu.dma_semaphore, #tpu.memory_space<semaphore_mem>>) src(%dma_wait3A_102 : memref<500x128xf32, #tpu.memory_space<hbm>>) dst(%arg21 : memref<64x128xf32, #tpu.memory_space<vmem>>)
    %scan3A_103 = arith.constant 0 : i32
    %scan3A_104 = arith.constant 4 : i32
    %scan3A_105 = arith.addi %scan3A_103, %scan3A_104 : i32
    %scan3A_106 = arith.constant 1 : i32
    %scan3A_107:3 = scf.for %scan3A_349 = %scan3A_103 to %scan3A_105 step %scan3A_106 iter_args(%scan3A_350 = %scan3A_67#0, %scan3A_351 = %scan3A_67#1, %scan3A_352 = %scan3A_67#2) -> (vector<16xf32>, vector<16xf32>, vector<16xf32>)  : i32 {
      %mul3A_353 = arith.constant 16 : i32
      %mul3A_354 = arith.muli %scan3A_349, %mul3A_353 : i32
      %add3A_355 = arith.constant 64 : i32
      %add3A_356 = arith.addi %add3A_355, %mul3A_354 : i32
      %get3A = arith.index_cast %add3A_356 : i32 to index
      %get3A_357 = tpu.vector_load %arg12[%get3A] {strides = array<i32>} : memref<512xi32, #tpu.memory_space<vmem>>, vector<16xi32>,
      %and3A = arith.constant 1 : i32
      %and3A_358 = vector.broadcast %and3A : i32 to vector<16xi32>
      %and3A_359 = arith.andi %get3A_357, %and3A_358 : vector<16xi32>
      %shift_left3A = arith.constant 6 : i32
      %shift_left3A_360 = vector.broadcast %shift_left3A : i32 to vector<16xi32>
      %shift_left3A_361 = arith.shli %and3A_359, %shift_left3A_360 : vector<16xi32>
      %mul3A_362 = arith.constant 16 : i32
      %mul3A_363 = arith.muli %scan3A_349, %mul3A_362 : i32
      %add3A_364 = vector.broadcast %mul3A_363 : i32 to vector<16xi32>
      %add3A_365 = arith.addi %add3A_364, %iota3A : vector<16xi32>
      %broadcast_in_dim3A_366 = arith.constant 0.000000e+00 : f32
      %broadcast_in_dim3A_367 = vector.broadcast %broadcast_in_dim3A_366 : f32 to vector<16xf32>
      %scan3A_368 = arith.constant 0 : i32
      %scan3A_369 = arith.constant 64 : i32
      %scan3A_370 = arith.addi %scan3A_368, %scan3A_369 : i32
      %scan3A_371 = arith.constant 2 : i32
      %scan3A_372:9 = scf.for %scan3A_498 = %scan3A_368 to %scan3A_370 step %scan3A_371 iter_args(%scan3A_499 = %broadcast_in_dim3A_367, %scan3A_500 = %broadcast_in_dim3A_367, %scan3A_501 = %broadcast_in_dim3A_367, %scan3A_502 = %broadcast_in_dim3A_367, %scan3A_503 = %broadcast_in_dim3A_367, %scan3A_504 = %broadcast_in_dim3A_367, %scan3A_505 = %broadcast_in_dim3A_367, %scan3A_506 = %broadcast_in_dim3A_367, %scan3A_507 = %broadcast_in_dim3A_367) -> (vector<16xf32>, vector<16xf32>, vector<16xf32>, vector<16xf32>, vector<16xf32>, vector<16xf32>, vector<16xf32>, vector<16xf32>, vector<16xf32>)  : i32 {
        %add3A_508 = vector.broadcast %scan3A_498 : i32 to vector<16xi32>
        %add3A_509 = arith.addi %iota3A, %add3A_508 : vector<16xi32>
        %and3A_510 = arith.constant 63 : i32
        %and3A_511 = vector.broadcast %and3A_510 : i32 to vector<16xi32>
        %and3A_512 = arith.andi %add3A_509, %and3A_511 : vector<16xi32>
        %gather3A = tpu.vector_load_idx %arg18[%add3A_365, %and3A_512] : memref<64x64xf32, #tpu.memory_space<vmem>>[vector<16xi32>, vector<16xi32>], vector<16xf32>,
        %gather3A_513 = tpu.vector_load_idx %arg19[%add3A_365, %and3A_512] : memref<64x64xf32, #tpu.memory_space<vmem>>[vector<16xi32>, vector<16xi32>], vector<16xf32>,
        %add3A_514 = arith.addi %shift_left3A_361, %and3A_512 : vector<16xi32>
        %gather3A_515 = tpu.vector_load_idx %arg20[%add3A_365, %add3A_514] : memref<64x128xf32, #tpu.memory_space<vmem>>[vector<16xi32>, vector<16xi32>], vector<16xf32>,
        %add3A_516 = arith.addi %shift_left3A_361, %and3A_512 : vector<16xi32>
        %gather3A_517 = tpu.vector_load_idx %arg21[%add3A_365, %add3A_516] : memref<64x128xf32, #tpu.memory_space<vmem>>[vector<16xi32>, vector<16xi32>], vector<16xf32>,
        %sub3A_518 = arith.subf %gather3A, %gather3A_513 : vector<16xf32>
        %mul3A_519 = arith.mulf %gather3A_517, %gather3A_517 : vector<16xf32>
        %add3A_520 = arith.addf %scan3A_499, %mul3A_519 : vector<16xf32>
        %mul3A_521 = arith.mulf %gather3A_517, %gather3A : vector<16xf32>
        %add3A_522 = arith.addf %scan3A_500, %mul3A_521 : vector<16xf32>
        %mul3A_523 = arith.mulf %gather3A_517, %gather3A_513 : vector<16xf32>
        %add3A_524 = arith.addf %scan3A_501, %mul3A_523 : vector<16xf32>
        %mul3A_525 = arith.mulf %gather3A_517, %gather3A_515 : vector<16xf32>
        %add3A_526 = arith.addf %scan3A_502, %mul3A_525 : vector<16xf32>
        %mul3A_527 = arith.mulf %gather3A_515, %gather3A_515 : vector<16xf32>
        %add3A_528 = arith.addf %scan3A_503, %mul3A_527 : vector<16xf32>
        %mul3A_529 = arith.mulf %gather3A, %gather3A : vector<16xf32>
        %add3A_530 = arith.addf %scan3A_504, %mul3A_529 : vector<16xf32>
        %mul3A_531 = arith.mulf %gather3A_513, %gather3A_513 : vector<16xf32>
        %add3A_532 = arith.addf %scan3A_505, %mul3A_531 : vector<16xf32>
        %mul3A_533 = arith.mulf %sub3A_518, %sub3A_518 : vector<16xf32>
        %add3A_534 = arith.addf %scan3A_506, %mul3A_533 : vector<16xf32>
        %mul3A_535 = arith.mulf %sub3A_518, %gather3A_515 : vector<16xf32>
        %add3A_536 = arith.addf %scan3A_507, %mul3A_535 : vector<16xf32>
        %scan3A_537 = arith.constant 1 : i32
        %scan3A_538 = arith.addi %scan3A_498, %scan3A_537 : i32
        %add3A_539 = vector.broadcast %scan3A_538 : i32 to vector<16xi32>
        %add3A_540 = arith.addi %iota3A, %add3A_539 : vector<16xi32>
        %and3A_541 = arith.constant 63 : i32
        %and3A_542 = vector.broadcast %and3A_541 : i32 to vector<16xi32>
        %and3A_543 = arith.andi %add3A_540, %and3A_542 : vector<16xi32>
        %gather3A_544 = tpu.vector_load_idx %arg18[%add3A_365, %and3A_543] : memref<64x64xf32, #tpu.memory_space<vmem>>[vector<16xi32>, vector<16xi32>], vector<16xf32>,
        %gather3A_545 = tpu.vector_load_idx %arg19[%add3A_365, %and3A_543] : memref<64x64xf32, #tpu.memory_space<vmem>>[vector<16xi32>, vector<16xi32>], vector<16xf32>,
        %add3A_546 = arith.addi %shift_left3A_361, %and3A_543 : vector<16xi32>
        %gather3A_547 = tpu.vector_load_idx %arg20[%add3A_365, %add3A_546] : memref<64x128xf32, #tpu.memory_space<vmem>>[vector<16xi32>, vector<16xi32>], vector<16xf32>,
        %add3A_548 = arith.addi %shift_left3A_361, %and3A_543 : vector<16xi32>
        %gather3A_549 = tpu.vector_load_idx %arg21[%add3A_365, %add3A_548] : memref<64x128xf32, #tpu.memory_space<vmem>>[vector<16xi32>, vector<16xi32>], vector<16xf32>,
        %sub3A_550 = arith.subf %gather3A_544, %gather3A_545 : vector<16xf32>
        %mul3A_551 = arith.mulf %gather3A_549, %gather3A_549 : vector<16xf32>
        %add3A_552 = arith.addf %add3A_520, %mul3A_551 : vector<16xf32>
        %mul3A_553 = arith.mulf %gather3A_549, %gather3A_544 : vector<16xf32>
        %add3A_554 = arith.addf %add3A_522, %mul3A_553 : vector<16xf32>
        %mul3A_555 = arith.mulf %gather3A_549, %gather3A_545 : vector<16xf32>
        %add3A_556 = arith.addf %add3A_524, %mul3A_555 : vector<16xf32>
        %mul3A_557 = arith.mulf %gather3A_549, %gather3A_547 : vector<16xf32>
        %add3A_558 = arith.addf %add3A_526, %mul3A_557 : vector<16xf32>
        %mul3A_559 = arith.mulf %gather3A_547, %gather3A_547 : vector<16xf32>
        %add3A_560 = arith.addf %add3A_528, %mul3A_559 : vector<16xf32>
        %mul3A_561 = arith.mulf %gather3A_544, %gather3A_544 : vector<16xf32>
        %add3A_562 = arith.addf %add3A_530, %mul3A_561 : vector<16xf32>
        %mul3A_563 = arith.mulf %gather3A_545, %gather3A_545 : vector<16xf32>
        %add3A_564 = arith.addf %add3A_532, %mul3A_563 : vector<16xf32>
        %mul3A_565 = arith.mulf %sub3A_550, %sub3A_550 : vector<16xf32>
        %add3A_566 = arith.addf %add3A_534, %mul3A_565 : vector<16xf32>
        %mul3A_567 = arith.mulf %sub3A_550, %gather3A_547 : vector<16xf32>
        %add3A_568 = arith.addf %add3A_536, %mul3A_567 : vector<16xf32>
        scf.yield %add3A_552, %add3A_554, %add3A_556, %add3A_558, %add3A_560, %add3A_562, %add3A_564, %add3A_566, %add3A_568 : vector<16xf32>, vector<16xf32>, vector<16xf32>, vector<16xf32>, vector<16xf32>, vector<16xf32>, vector<16xf32>, vector<16xf32>, vector<16xf32>
      }
      %scan3A_373 = arith.constant 64 : i32
      %max3A = arith.constant 1.000000e-24 : f32
      %max3A_374 = vector.broadcast %max3A : f32 to vector<16xf32>
      %max3A_375 = arith.maximumf %scan3A_372#0, %max3A_374 : vector<16xf32>
      %div3A = arith.constant 1.000000e+00 : f32
      %div3A_376 = vector.broadcast %div3A : f32 to vector<16xf32>
      %div3A_377 = arith.divf %div3A_376, %max3A_375 : vector<16xf32>
      %bitcast3A = vector.bitcast %max3A_375 : vector<16xf32> to vector<16xi32>
      %shift_right_arithmetic3A = arith.constant 1 : i32
      %shift_right_arithmetic3A_378 = vector.broadcast %shift_right_arithmetic3A : i32 to vector<16xi32>
      %shift_right_arithmetic3A_379 = arith.shrsi %bitcast3A, %shift_right_arithmetic3A_378 : vector<16xi32>
      %sub3A = arith.constant 1597463007 : i32
      %sub3A_380 = vector.broadcast %sub3A : i32 to vector<16xi32>
      %sub3A_381 = arith.subi %sub3A_380, %shift_right_arithmetic3A_379 : vector<16xi32>
      %bitcast3A_382 = vector.bitcast %sub3A_381 : vector<16xi32> to vector<16xf32>
      %mul3A_383 = arith.constant 5.000000e-01 : f32
      %mul3A_384 = vector.broadcast %mul3A_383 : f32 to vector<16xf32>
      %mul3A_385 = arith.mulf %mul3A_384, %max3A_375 : vector<16xf32>
      %mul3A_386 = arith.mulf %mul3A_385, %bitcast3A_382 : vector<16xf32>
      %mul3A_387 = arith.mulf %mul3A_386, %bitcast3A_382 : vector<16xf32>
      %sub3A_388 = arith.constant 1.500000e+00 : f32
      %sub3A_389 = vector.broadcast %sub3A_388 : f32 to vector<16xf32>
      %sub3A_390 = arith.subf %sub3A_389, %mul3A_387 : vector<16xf32>
      %mul3A_391 = arith.mulf %bitcast3A_382, %sub3A_390 : vector<16xf32>
      %mul3A_392 = arith.constant 5.000000e-01 : f32
      %mul3A_393 = vector.broadcast %mul3A_392 : f32 to vector<16xf32>
      %mul3A_394 = arith.mulf %mul3A_393, %max3A_375 : vector<16xf32>
      %mul3A_395 = arith.mulf %mul3A_394, %mul3A_391 : vector<16xf32>
      %mul3A_396 = arith.mulf %mul3A_395, %mul3A_391 : vector<16xf32>
      %sub3A_397 = arith.constant 1.500000e+00 : f32
      %sub3A_398 = vector.broadcast %sub3A_397 : f32 to vector<16xf32>
      %sub3A_399 = arith.subf %sub3A_398, %mul3A_396 : vector<16xf32>
      %mul3A_400 = arith.mulf %mul3A_391, %sub3A_399 : vector<16xf32>
      %mul3A_401 = arith.constant 5.000000e-01 : f32
      %mul3A_402 = vector.broadcast %mul3A_401 : f32 to vector<16xf32>
      %mul3A_403 = arith.mulf %mul3A_402, %max3A_375 : vector<16xf32>
      %mul3A_404 = arith.mulf %mul3A_403, %mul3A_400 : vector<16xf32>
      %mul3A_405 = arith.mulf %mul3A_404, %mul3A_400 : vector<16xf32>
      %sub3A_406 = arith.constant 1.500000e+00 : f32
      %sub3A_407 = vector.broadcast %sub3A_406 : f32 to vector<16xf32>
      %sub3A_408 = arith.subf %sub3A_407, %mul3A_405 : vector<16xf32>
      %mul3A_409 = arith.mulf %mul3A_400, %sub3A_408 : vector<16xf32>
      %mul3A_410 = arith.mulf %scan3A_372#0, %div3A_377 : vector<16xf32>
      %sub3A_411 = arith.subf %scan3A_372#1, %scan3A_372#2 : vector<16xf32>
      %mul3A_412 = arith.mulf %sub3A_411, %sub3A_411 : vector<16xf32>
      %mul3A_413 = arith.mulf %mul3A_412, %div3A_377 : vector<16xf32>
      %sub3A_414 = arith.constant 2.000000e+00 : f32
      %sub3A_415 = vector.broadcast %sub3A_414 : f32 to vector<16xf32>
      %sub3A_416 = arith.subf %mul3A_410, %sub3A_415 : vector<16xf32>
      %mul3A_417 = arith.mulf %mul3A_413, %sub3A_416 : vector<16xf32>
      %add3A_418 = arith.addf %scan3A_372#7, %mul3A_417 : vector<16xf32>
      %add3A_419 = arith.addf %add3A_418, %scan3A_372#4 : vector<16xf32>
      %mul3A_420 = arith.constant 2.000000e+00 : f32
      %mul3A_421 = vector.broadcast %mul3A_420 : f32 to vector<16xf32>
      %mul3A_422 = arith.mulf %mul3A_421, %scan3A_372#8 : vector<16xf32>
      %add3A_423 = arith.addf %add3A_419, %mul3A_422 : vector<16xf32>
      %mul3A_424 = arith.constant 2.000000e+00 : f32
      %mul3A_425 = vector.broadcast %mul3A_424 : f32 to vector<16xf32>
      %mul3A_426 = arith.mulf %mul3A_425, %sub3A_411 : vector<16xf32>
      %mul3A_427 = arith.mulf %mul3A_426, %scan3A_372#3 : vector<16xf32>
      %mul3A_428 = arith.mulf %mul3A_427, %div3A_377 : vector<16xf32>
      %sub3A_429 = arith.subf %add3A_423, %mul3A_428 : vector<16xf32>
      %max3A_430 = arith.constant 0.000000e+00 : f32
      %max3A_431 = vector.broadcast %max3A_430 : f32 to vector<16xf32>
      %max3A_432 = arith.maximumf %sub3A_429, %max3A_431 : vector<16xf32>
      %max3A_433 = arith.constant 1.000000e-30 : f32
      %max3A_434 = vector.broadcast %max3A_433 : f32 to vector<16xf32>
      %max3A_435 = arith.maximumf %max3A_432, %max3A_434 : vector<16xf32>
      %bitcast3A_436 = vector.bitcast %max3A_435 : vector<16xf32> to vector<16xi32>
      %shift_right_arithmetic3A_437 = arith.constant 1 : i32
      %shift_right_arithmetic3A_438 = vector.broadcast %shift_right_arithmetic3A_437 : i32 to vector<16xi32>
      %shift_right_arithmetic3A_439 = arith.shrsi %bitcast3A_436, %shift_right_arithmetic3A_438 : vector<16xi32>
      %sub3A_440 = arith.constant 1597463007 : i32
      %sub3A_441 = vector.broadcast %sub3A_440 : i32 to vector<16xi32>
      %sub3A_442 = arith.subi %sub3A_441, %shift_right_arithmetic3A_439 : vector<16xi32>
      %bitcast3A_443 = vector.bitcast %sub3A_442 : vector<16xi32> to vector<16xf32>
      %mul3A_444 = arith.constant 5.000000e-01 : f32
      %mul3A_445 = vector.broadcast %mul3A_444 : f32 to vector<16xf32>
      %mul3A_446 = arith.mulf %mul3A_445, %max3A_435 : vector<16xf32>
      %mul3A_447 = arith.mulf %mul3A_446, %bitcast3A_443 : vector<16xf32>
      %mul3A_448 = arith.mulf %mul3A_447, %bitcast3A_443 : vector<16xf32>
      %sub3A_449 = arith.constant 1.500000e+00 : f32
      %sub3A_450 = vector.broadcast %sub3A_449 : f32 to vector<16xf32>
      %sub3A_451 = arith.subf %sub3A_450, %mul3A_448 : vector<16xf32>
      %mul3A_452 = arith.mulf %bitcast3A_443, %sub3A_451 : vector<16xf32>
      %mul3A_453 = arith.constant 5.000000e-01 : f32
      %mul3A_454 = vector.broadcast %mul3A_453 : f32 to vector<16xf32>
      %mul3A_455 = arith.mulf %mul3A_454, %max3A_435 : vector<16xf32>
      %mul3A_456 = arith.mulf %mul3A_455, %mul3A_452 : vector<16xf32>
      %mul3A_457 = arith.mulf %mul3A_456, %mul3A_452 : vector<16xf32>
      %sub3A_458 = arith.constant 1.500000e+00 : f32
      %sub3A_459 = vector.broadcast %sub3A_458 : f32 to vector<16xf32>
      %sub3A_460 = arith.subf %sub3A_459, %mul3A_457 : vector<16xf32>
      %mul3A_461 = arith.mulf %mul3A_452, %sub3A_460 : vector<16xf32>
      %mul3A_462 = arith.constant 5.000000e-01 : f32
      %mul3A_463 = vector.broadcast %mul3A_462 : f32 to vector<16xf32>
      %mul3A_464 = arith.mulf %mul3A_463, %max3A_435 : vector<16xf32>
      %mul3A_465 = arith.mulf %mul3A_464, %mul3A_461 : vector<16xf32>
      %mul3A_466 = arith.mulf %mul3A_465, %mul3A_461 : vector<16xf32>
      %sub3A_467 = arith.constant 1.500000e+00 : f32
      %sub3A_468 = vector.broadcast %sub3A_467 : f32 to vector<16xf32>
      %sub3A_469 = arith.subf %sub3A_468, %mul3A_466 : vector<16xf32>
      %mul3A_470 = arith.mulf %mul3A_461, %sub3A_469 : vector<16xf32>
      %mul3A_471 = arith.mulf %max3A_432, %mul3A_470 : vector<16xf32>
      %swap3A_472 = arith.index_cast %add3A_356 : i32 to index
      %swap3A_473 = tpu.vector_load %arg22[%swap3A_472] {strides = array<i32>} : memref<512xf32, #tpu.memory_space<vmem>>, vector<16xf32>,
      tpu.vector_store %arg22[%swap3A_472], %mul3A_471 {strides = array<i32>} : memref<512xf32, #tpu.memory_space<vmem>>, vector<16xf32>,
      %mul3A_474 = arith.mulf %scan3A_372#3, %mul3A_409 : vector<16xf32>
      %sub3A_475 = arith.constant 9.99999997E-7 : f32
      %sub3A_476 = vector.broadcast %sub3A_475 : f32 to vector<16xf32>
      %sub3A_477 = arith.subf %mul3A_474, %sub3A_476 : vector<16xf32>
      %max3A_478 = arith.constant 0.000000e+00 : f32
      %max3A_479 = vector.broadcast %max3A_478 : f32 to vector<16xf32>
      %max3A_480 = arith.maximumf %sub3A_477, %max3A_479 : vector<16xf32>
      %add3A_481 = arith.addf %scan3A_350, %max3A_480 : vector<16xf32>
      %add3A_482 = arith.addf %scan3A_351, %scan3A_372#5 : vector<16xf32>
      %mul3A_483 = arith.mulf %scan3A_372#1, %scan3A_372#1 : vector<16xf32>
      %mul3A_484 = arith.mulf %mul3A_483, %div3A_377 : vector<16xf32>
      %sub3A_485 = arith.constant 2.000000e+00 : f32
      %sub3A_486 = vector.broadcast %sub3A_485 : f32 to vector<16xf32>
      %sub3A_487 = arith.subf %mul3A_410, %sub3A_486 : vector<16xf32>
      %mul3A_488 = arith.mulf %mul3A_484, %sub3A_487 : vector<16xf32>
      %add3A_489 = arith.addf %add3A_482, %mul3A_488 : vector<16xf32>
      %add3A_490 = arith.addf %scan3A_352, %scan3A_372#6 : vector<16xf32>
      %mul3A_491 = arith.mulf %scan3A_372#2, %scan3A_372#2 : vector<16xf32>
      %mul3A_492 = arith.mulf %mul3A_491, %div3A_377 : vector<16xf32>
      %sub3A_493 = arith.constant 2.000000e+00 : f32
      %sub3A_494 = vector.broadcast %sub3A_493 : f32 to vector<16xf32>
      %sub3A_495 = arith.subf %mul3A_410, %sub3A_494 : vector<16xf32>
      %mul3A_496 = arith.mulf %mul3A_492, %sub3A_495 : vector<16xf32>
      %add3A_497 = arith.addf %add3A_490, %mul3A_496 : vector<16xf32>
      scf.yield %add3A_481, %add3A_489, %add3A_497 : vector<16xf32>, vector<16xf32>, vector<16xf32>
    }
    %scan3A_108 = arith.constant 4 : i32
    %scan3A_109 = arith.constant 0 : i32
    %scan3A_110 = arith.constant 0 : i32
    %scan3A_111 = arith.constant 4 : i32
    %scan3A_112 = arith.addi %scan3A_110, %scan3A_111 : i32
    %scan3A_113 = arith.constant 1 : i32
    %scan3A_114 = scf.for %scan3A_349 = %scan3A_110 to %scan3A_112 step %scan3A_113 iter_args(%scan3A_350 = %scan3A_109) -> (i32)  : i32 {
      %mul3A_351 = arith.constant 16 : i32
      %mul3A_352 = arith.muli %scan3A_349, %mul3A_351 : i32
      %add3A_353 = arith.constant 192 : i32
      %add3A_354 = arith.addi %add3A_353, %mul3A_352 : i32
      %get3A = arith.index_cast %add3A_354 : i32 to index
      %get3A_355 = tpu.vector_load %arg10[%get3A] {strides = array<i32>} : memref<512xi32, #tpu.memory_space<vmem>>, vector<16xi32>,
      %mul3A_356 = arith.constant 16 : i32
      %mul3A_357 = arith.muli %scan3A_349, %mul3A_356 : i32
      %add3A_358 = arith.constant 192 : i32
      %add3A_359 = arith.addi %add3A_358, %mul3A_357 : i32
      %get3A_360 = arith.index_cast %add3A_359 : i32 to index
      %get3A_361 = tpu.vector_load %arg11[%get3A_360] {strides = array<i32>} : memref<512xi32, #tpu.memory_space<vmem>>, vector<16xi32>,
      %scan3A_362 = arith.constant 0 : i32
      %scan3A_363 = arith.constant 0 : i32
      %scan3A_364 = arith.constant 16 : i32
      %scan3A_365 = arith.addi %scan3A_363, %scan3A_364 : i32
      %scan3A_366 = arith.constant 2 : i32
      %scan3A_367 = scf.for %scan3A_370 = %scan3A_363 to %scan3A_365 step %scan3A_366 iter_args(%scan3A_371 = %scan3A_362) -> (i32)  : i32 {
        %eq3A = vector.broadcast %scan3A_370 : i32 to vector<16xi32>
        %eq3A_372 = arith.cmpi eq, %iota3A, %eq3A : vector<16xi32>
        %jit3A = arith.constant 0 : i32
        %broadcast_in_dim3A_373 = vector.broadcast %jit3A : i32 to vector<16xi32>
        %select_n3A = arith.select %eq3A_372, %get3A_355, %broadcast_in_dim3A_373 : vector<16xi1>, vector<16xi32>
        %reduce_sum3A = arith.constant true
        %reduce_sum3A_374 = vector.broadcast %reduce_sum3A : i1 to vector<16xi1>
        %reduce_sum3A_375 = tpu.scan <sum>, %select_n3A masked %reduce_sum3A_374 : vector<16xi32>, vector<16xi1> -> vector<16xi32>
        %reduce_sum3A_376 = vector.extract %reduce_sum3A_375[15] : i32 from vector<16xi32>
        %eq3A_377 = vector.broadcast %scan3A_370 : i32 to vector<16xi32>
        %eq3A_378 = arith.cmpi eq, %iota3A, %eq3A_377 : vector<16xi32>
        %jit3A_379 = arith.constant 0 : i32
        %broadcast_in_dim3A_380 = vector.broadcast %jit3A_379 : i32 to vector<16xi32>
        %select_n3A_381 = arith.select %eq3A_378, %get3A_361, %broadcast_in_dim3A_380 : vector<16xi1>, vector<16xi32>
        %reduce_sum3A_382 = arith.constant true
        %reduce_sum3A_383 = vector.broadcast %reduce_sum3A_382 : i1 to vector<16xi1>
        %reduce_sum3A_384 = tpu.scan <sum>, %select_n3A_381 masked %reduce_sum3A_383 : vector<16xi32>, vector<16xi1> -> vector<16xi32>
        %reduce_sum3A_385 = vector.extract %reduce_sum3A_384[15] : i32 from vector<16xi32>
        %mul3A_386 = arith.constant 16 : i32
        %mul3A_387 = arith.muli %scan3A_349, %mul3A_386 : i32
        %add3A_388 = arith.addi %mul3A_387, %scan3A_370 : i32
        %shift_right_arithmetic3A = arith.constant 3 : i32
        %shift_right_arithmetic3A_389 = arith.shrsi %reduce_sum3A_376, %shift_right_arithmetic3A : i32
        %and3A = arith.constant 7 : i32
        %and3A_390 = arith.andi %reduce_sum3A_376, %and3A : i32
        %dma_start3A_391 = arith.constant 0 : i32
        %dma_start3A_392 = tpu.memref_slice %arg18[%add3A_388, %dma_start3A_391] : memref<64x64xf32, #tpu.memory_space<vmem>> -> memref<1x64xf32, #tpu.memory_space<vmem>>
        %dma_start3A_393 = arith.constant 0 : i32
        %dma_start3A_394 = tpu.memref_slice %arg5[%shift_right_arithmetic3A_389, %and3A_390, %dma_start3A_393] : memref<125000x8x64xf32, #tpu.memory_space<hbm>> -> memref<1x1x64xf32, #tpu.memory_space<hbm>>
        %dma_start3A_395 = tpu.memref_squeeze %dma_start3A_394 : memref<1x1x64xf32, #tpu.memory_space<hbm>> -> memref<1x64xf32, #tpu.memory_space<hbm>>
        %dma_start3A_396 = arith.constant 0 : i32
        %dma_start3A_397 = tpu.memref_slice %arg18[%add3A_388, %dma_start3A_396] : memref<64x64xf32, #tpu.memory_space<vmem>> -> memref<1x64xf32, #tpu.memory_space<vmem>>
        %dma_start3A_398 = arith.constant 0 : i32
        %dma_start3A_399 = tpu.memref_slice %arg5[%shift_right_arithmetic3A_389, %and3A_390, %dma_start3A_398] : memref<125000x8x64xf32, #tpu.memory_space<hbm>> -> memref<1x1x64xf32, #tpu.memory_space<hbm>>
        %dma_start3A_400 = tpu.memref_squeeze %dma_start3A_399 : memref<1x1x64xf32, #tpu.memory_space<hbm>> -> memref<1x64xf32, #tpu.memory_space<hbm>>
        tpu.enqueue_dma source(%dma_start3A_400 : memref<1x64xf32, #tpu.memory_space<hbm>>) target(%dma_start3A_397 : memref<1x64xf32, #tpu.memory_space<vmem>>) target_semaphore(%arg26 : memref<!tpu.dma_semaphore, #tpu.memory_space<semaphore_mem>>)
        %shift_right_arithmetic3A_401 = arith.constant 3 : i32
        %shift_right_arithmetic3A_402 = arith.shrsi %reduce_sum3A_385, %shift_right_arithmetic3A_401 : i32
        %and3A_403 = arith.constant 7 : i32
        %and3A_404 = arith.andi %reduce_sum3A_385, %and3A_403 : i32
        %dma_start3A_405 = arith.constant 0 : i32
        %dma_start3A_406 = tpu.memref_slice %arg19[%add3A_388, %dma_start3A_405] : memref<64x64xf32, #tpu.memory_space<vmem>> -> memref<1x64xf32, #tpu.memory_space<vmem>>
        %dma_start3A_407 = arith.constant 0 : i32
        %dma_start3A_408 = tpu.memref_slice %arg5[%shift_right_arithmetic3A_402, %and3A_404, %dma_start3A_407] : memref<125000x8x64xf32, #tpu.memory_space<hbm>> -> memref<1x1x64xf32, #tpu.memory_space<hbm>>
        %dma_start3A_409 = tpu.memref_squeeze %dma_start3A_408 : memref<1x1x64xf32, #tpu.memory_space<hbm>> -> memref<1x64xf32, #tpu.memory_space<hbm>>
        %dma_start3A_410 = arith.constant 0 : i32
        %dma_start3A_411 = tpu.memref_slice %arg19[%add3A_388, %dma_start3A_410] : memref<64x64xf32, #tpu.memory_space<vmem>> -> memref<1x64xf32, #tpu.memory_space<vmem>>
        %dma_start3A_412 = arith.constant 0 : i32
        %dma_start3A_413 = tpu.memref_slice %arg5[%shift_right_arithmetic3A_402, %and3A_404, %dma_start3A_412] : memref<125000x8x64xf32, #tpu.memory_space<hbm>> -> memref<1x1x64xf32, #tpu.memory_space<hbm>>
        %dma_start3A_414 = tpu.memref_squeeze %dma_start3A_413 : memref<1x1x64xf32, #tpu.memory_space<hbm>> -> memref<1x64xf32, #tpu.memory_space<hbm>>
        tpu.enqueue_dma source(%dma_start3A_414 : memref<1x64xf32, #tpu.memory_space<hbm>>) target(%dma_start3A_411 : memref<1x64xf32, #tpu.memory_space<vmem>>) target_semaphore(%arg26 : memref<!tpu.dma_semaphore, #tpu.memory_space<semaphore_mem>>)
        %scan3A_415 = arith.constant 0 : i32
        %scan3A_416 = arith.constant 1 : i32
        %scan3A_417 = arith.addi %scan3A_370, %scan3A_416 : i32
        %eq3A_418 = vector.broadcast %scan3A_417 : i32 to vector<16xi32>
        %eq3A_419 = arith.cmpi eq, %iota3A, %eq3A_418 : vector<16xi32>
        %jit3A_420 = arith.constant 0 : i32
        %broadcast_in_dim3A_421 = vector.broadcast %jit3A_420 : i32 to vector<16xi32>
        %select_n3A_422 = arith.select %eq3A_419, %get3A_355, %broadcast_in_dim3A_421 : vector<16xi1>, vector<16xi32>
        %reduce_sum3A_423 = arith.constant true
        %reduce_sum3A_424 = vector.broadcast %reduce_sum3A_423 : i1 to vector<16xi1>
        %reduce_sum3A_425 = tpu.scan <sum>, %select_n3A_422 masked %reduce_sum3A_424 : vector<16xi32>, vector<16xi1> -> vector<16xi32>
        %reduce_sum3A_426 = vector.extract %reduce_sum3A_425[15] : i32 from vector<16xi32>
        %eq3A_427 = vector.broadcast %scan3A_417 : i32 to vector<16xi32>
        %eq3A_428 = arith.cmpi eq, %iota3A, %eq3A_427 : vector<16xi32>
        %jit3A_429 = arith.constant 0 : i32
        %broadcast_in_dim3A_430 = vector.broadcast %jit3A_429 : i32 to vector<16xi32>
        %select_n3A_431 = arith.select %eq3A_428, %get3A_361, %broadcast_in_dim3A_430 : vector<16xi1>, vector<16xi32>
        %reduce_sum3A_432 = arith.constant true
        %reduce_sum3A_433 = vector.broadcast %reduce_sum3A_432 : i1 to vector<16xi1>
        %reduce_sum3A_434 = tpu.scan <sum>, %select_n3A_431 masked %reduce_sum3A_433 : vector<16xi32>, vector<16xi1> -> vector<16xi32>
        %reduce_sum3A_435 = vector.extract %reduce_sum3A_434[15] : i32 from vector<16xi32>
        %mul3A_436 = arith.constant 16 : i32
        %mul3A_437 = arith.muli %scan3A_349, %mul3A_436 : i32
        %add3A_438 = arith.addi %mul3A_437, %scan3A_417 : i32
        %shift_right_arithmetic3A_439 = arith.constant 3 : i32
        %shift_right_arithmetic3A_440 = arith.shrsi %reduce_sum3A_426, %shift_right_arithmetic3A_439 : i32
        %and3A_441 = arith.constant 7 : i32
        %and3A_442 = arith.andi %reduce_sum3A_426, %and3A_441 : i32
        %dma_start3A_443 = arith.constant 0 : i32
        %dma_start3A_444 = tpu.memref_slice %arg18[%add3A_438, %dma_start3A_443] : memref<64x64xf32, #tpu.memory_space<vmem>> -> memref<1x64xf32, #tpu.memory_space<vmem>>
        %dma_start3A_445 = arith.constant 0 : i32
        %dma_start3A_446 = tpu.memref_slice %arg5[%shift_right_arithmetic3A_440, %and3A_442, %dma_start3A_445] : memref<125000x8x64xf32, #tpu.memory_space<hbm>> -> memref<1x1x64xf32, #tpu.memory_space<hbm>>
        %dma_start3A_447 = tpu.memref_squeeze %dma_start3A_446 : memref<1x1x64xf32, #tpu.memory_space<hbm>> -> memref<1x64xf32, #tpu.memory_space<hbm>>
        %dma_start3A_448 = arith.constant 0 : i32
        %dma_start3A_449 = tpu.memref_slice %arg18[%add3A_438, %dma_start3A_448] : memref<64x64xf32, #tpu.memory_space<vmem>> -> memref<1x64xf32, #tpu.memory_space<vmem>>
        %dma_start3A_450 = arith.constant 0 : i32
        %dma_start3A_451 = tpu.memref_slice %arg5[%shift_right_arithmetic3A_440, %and3A_442, %dma_start3A_450] : memref<125000x8x64xf32, #tpu.memory_space<hbm>> -> memref<1x1x64xf32, #tpu.memory_space<hbm>>
        %dma_start3A_452 = tpu.memref_squeeze %dma_start3A_451 : memref<1x1x64xf32, #tpu.memory_space<hbm>> -> memref<1x64xf32, #tpu.memory_space<hbm>>
        tpu.enqueue_dma source(%dma_start3A_452 : memref<1x64xf32, #tpu.memory_space<hbm>>) target(%dma_start3A_449 : memref<1x64xf32, #tpu.memory_space<vmem>>) target_semaphore(%arg26 : memref<!tpu.dma_semaphore, #tpu.memory_space<semaphore_mem>>)
        %shift_right_arithmetic3A_453 = arith.constant 3 : i32
        %shift_right_arithmetic3A_454 = arith.shrsi %reduce_sum3A_435, %shift_right_arithmetic3A_453 : i32
        %and3A_455 = arith.constant 7 : i32
        %and3A_456 = arith.andi %reduce_sum3A_435, %and3A_455 : i32
        %dma_start3A_457 = arith.constant 0 : i32
        %dma_start3A_458 = tpu.memref_slice %arg19[%add3A_438, %dma_start3A_457] : memref<64x64xf32, #tpu.memory_space<vmem>> -> memref<1x64xf32, #tpu.memory_space<vmem>>
        %dma_start3A_459 = arith.constant 0 : i32
        %dma_start3A_460 = tpu.memref_slice %arg5[%shift_right_arithmetic3A_454, %and3A_456, %dma_start3A_459] : memref<125000x8x64xf32, #tpu.memory_space<hbm>> -> memref<1x1x64xf32, #tpu.memory_space<hbm>>
        %dma_start3A_461 = tpu.memref_squeeze %dma_start3A_460 : memref<1x1x64xf32, #tpu.memory_space<hbm>> -> memref<1x64xf32, #tpu.memory_space<hbm>>
        %dma_start3A_462 = arith.constant 0 : i32
        %dma_start3A_463 = tpu.memref_slice %arg19[%add3A_438, %dma_start3A_462] : memref<64x64xf32, #tpu.memory_space<vmem>> -> memref<1x64xf32, #tpu.memory_space<vmem>>
        %dma_start3A_464 = arith.constant 0 : i32
        %dma_start3A_465 = tpu.memref_slice %arg5[%shift_right_arithmetic3A_454, %and3A_456, %dma_start3A_464] : memref<125000x8x64xf32, #tpu.memory_space<hbm>> -> memref<1x1x64xf32, #tpu.memory_space<hbm>>
        %dma_start3A_466 = tpu.memref_squeeze %dma_start3A_465 : memref<1x1x64xf32, #tpu.memory_space<hbm>> -> memref<1x64xf32, #tpu.memory_space<hbm>>
        tpu.enqueue_dma source(%dma_start3A_466 : memref<1x64xf32, #tpu.memory_space<hbm>>) target(%dma_start3A_463 : memref<1x64xf32, #tpu.memory_space<vmem>>) target_semaphore(%arg26 : memref<!tpu.dma_semaphore, #tpu.memory_space<semaphore_mem>>)
        %scan3A_467 = arith.constant 0 : i32
        scf.yield %scan3A_467 : i32
      }
      %scan3A_368 = arith.constant 16 : i32
      %scan3A_369 = arith.constant 0 : i32
      scf.yield %scan3A_369 : i32
    }
    %scan3A_115 = arith.constant 4 : i32
    %dma_start3A_116 = arith.constant 192 : i32
    %dma_start3A_117 = tpu.memref_slice %arg13[%dma_start3A_116] : memref<512xi32, #tpu.memory_space<vmem>> -> memref<64xi32, #tpu.memory_space<vmem>>
    %dma_start3A_118 = arith.constant 0 : i32
    %dma_start3A_119 = arith.constant 0 : i32
    %dma_start3A_120 = tpu.memref_slice %arg6[%dma_start3A_118, %dma_start3A_119] : memref<500x128xf32, #tpu.memory_space<hbm>> -> memref<500x128xf32, #tpu.memory_space<hbm>>
    tpu.enqueue_indirect_dma source(%dma_start3A_120 : memref<500x128xf32, #tpu.memory_space<hbm>>) target(%arg20 : memref<64x128xf32, #tpu.memory_space<vmem>>) offsets(%dma_start3A_117 : memref<64xi32, #tpu.memory_space<vmem>>) semaphore(%arg27 : memref<!tpu.dma_semaphore, #tpu.memory_space<semaphore_mem>>)
    %dma_start3A_121 = arith.constant 192 : i32
    %dma_start3A_122 = tpu.memref_slice %arg13[%dma_start3A_121] : memref<512xi32, #tpu.memory_space<vmem>> -> memref<64xi32, #tpu.memory_space<vmem>>
    %dma_start3A_123 = arith.constant 0 : i32
    %dma_start3A_124 = arith.constant 0 : i32
    %dma_start3A_125 = tpu.memref_slice %arg7[%dma_start3A_123, %dma_start3A_124] : memref<500x128xf32, #tpu.memory_space<hbm>> -> memref<500x128xf32, #tpu.memory_space<hbm>>
    tpu.enqueue_indirect_dma source(%dma_start3A_125 : memref<500x128xf32, #tpu.memory_space<hbm>>) target(%arg21 : memref<64x128xf32, #tpu.memory_space<vmem>>) offsets(%dma_start3A_122 : memref<64xi32, #tpu.memory_space<vmem>>) semaphore(%arg27 : memref<!tpu.dma_semaphore, #tpu.memory_space<semaphore_mem>>)
    %scan3A_126 = arith.constant 0 : i32
    %scan3A_127 = arith.constant 0 : i32
    %scan3A_128 = arith.constant 128 : i32
    %scan3A_129 = arith.addi %scan3A_127, %scan3A_128 : i32
    %scan3A_130 = arith.constant 1 : i32
    %scan3A_131 = scf.for %scan3A_349 = %scan3A_127 to %scan3A_129 step %scan3A_130 iter_args(%scan3A_350 = %scan3A_126) -> (i32)  : i32 {
      %dma_wait3A_351 = arith.constant 0 : i32
      %dma_wait3A_352 = arith.constant 0 : i32
      %dma_wait3A_353 = arith.constant 0 : i32
      %dma_wait3A_354 = tpu.memref_slice %arg14[%dma_wait3A_352, %dma_wait3A_353] : memref<64x64xf32, #tpu.memory_space<vmem>> -> memref<1x64xf32, #tpu.memory_space<vmem>>
      %dma_wait3A_355 = arith.constant 0 : i32
      %dma_wait3A_356 = arith.constant 0 : i32
      %dma_wait3A_357 = tpu.memref_slice %arg5[%dma_wait3A_351, %dma_wait3A_355, %dma_wait3A_356] : memref<125000x8x64xf32, #tpu.memory_space<hbm>> -> memref<1x1x64xf32, #tpu.memory_space<hbm>>
      %dma_wait3A_358 = tpu.memref_squeeze %dma_wait3A_357 : memref<1x1x64xf32, #tpu.memory_space<hbm>> -> memref<1x64xf32, #tpu.memory_space<hbm>>
      %dma_wait3A_359 = arith.constant 0 : i32
      %dma_wait3A_360 = arith.constant 0 : i32
      %dma_wait3A_361 = tpu.memref_slice %arg14[%dma_wait3A_359, %dma_wait3A_360] : memref<64x64xf32, #tpu.memory_space<vmem>> -> memref<1x64xf32, #tpu.memory_space<vmem>>
      %dma_wait3A_362 = arith.constant 0 : i32
      %dma_wait3A_363 = arith.constant 0 : i32
      %dma_wait3A_364 = tpu.memref_slice %arg5[%dma_wait3A_351, %dma_wait3A_362, %dma_wait3A_363] : memref<125000x8x64xf32, #tpu.memory_space<hbm>> -> memref<1x1x64xf32, #tpu.memory_space<hbm>>
      %dma_wait3A_365 = tpu.memref_squeeze %dma_wait3A_364 : memref<1x1x64xf32, #tpu.memory_space<hbm>> -> memref<1x64xf32, #tpu.memory_space<hbm>>
      tpu.wait_dma2 semaphore(%arg24 : memref<!tpu.dma_semaphore, #tpu.memory_space<semaphore_mem>>) src(%dma_wait3A_365 : memref<1x64xf32, #tpu.memory_space<hbm>>) dst(%dma_wait3A_361 : memref<1x64xf32, #tpu.memory_space<vmem>>)
      %scan3A_366 = arith.constant 0 : i32
      scf.yield %scan3A_366 : i32
    }
    %scan3A_132 = arith.constant 128 : i32
    %dma_wait3A_133 = arith.constant 128 : i32
    %dma_wait3A_134 = tpu.memref_slice %arg13[%dma_wait3A_133] : memref<512xi32, #tpu.memory_space<vmem>> -> memref<64xi32, #tpu.memory_space<vmem>>
    %dma_wait3A_135 = arith.constant 0 : i32
    %dma_wait3A_136 = arith.constant 0 : i32
    %dma_wait3A_137 = tpu.memref_slice %arg6[%dma_wait3A_135, %dma_wait3A_136] : memref<500x128xf32, #tpu.memory_space<hbm>> -> memref<500x128xf32, #tpu.memory_space<hbm>>
    tpu.wait_indirect_dma semaphore(%arg25 : memref<!tpu.dma_semaphore, #tpu.memory_space<semaphore_mem>>) src(%dma_wait3A_137 : memref<500x128xf32, #tpu.memory_space<hbm>>) dst(%arg16 : memref<64x128xf32, #tpu.memory_space<vmem>>)
    %dma_wait3A_138 = arith.constant 128 : i32
    %dma_wait3A_139 = tpu.memref_slice %arg13[%dma_wait3A_138] : memref<512xi32, #tpu.memory_space<vmem>> -> memref<64xi32, #tpu.memory_space<vmem>>
    %dma_wait3A_140 = arith.constant 0 : i32
    %dma_wait3A_141 = arith.constant 0 : i32
    %dma_wait3A_142 = tpu.memref_slice %arg7[%dma_wait3A_140, %dma_wait3A_141] : memref<500x128xf32, #tpu.memory_space<hbm>> -> memref<500x128xf32, #tpu.memory_space<hbm>>
    tpu.wait_indirect_dma semaphore(%arg25 : memref<!tpu.dma_semaphore, #tpu.memory_space<semaphore_mem>>) src(%dma_wait3A_142 : memref<500x128xf32, #tpu.memory_space<hbm>>) dst(%arg17 : memref<64x128xf32, #tpu.memory_space<vmem>>)
    %scan3A_143 = arith.constant 0 : i32
    %scan3A_144 = arith.constant 4 : i32
    %scan3A_145 = arith.addi %scan3A_143, %scan3A_144 : i32
    %scan3A_146 = arith.constant 1 : i32
    %scan3A_147:3 = scf.for %scan3A_349 = %scan3A_143 to %scan3A_145 step %scan3A_146 iter_args(%scan3A_350 = %scan3A_107#0, %scan3A_351 = %scan3A_107#1, %scan3A_352 = %scan3A_107#2) -> (vector<16xf32>, vector<16xf32>, vector<16xf32>)  : i32 {
      %mul3A_353 = arith.constant 16 : i32
      %mul3A_354 = arith.muli %scan3A_349, %mul3A_353 : i32
      %add3A_355 = arith.constant 128 : i32
      %add3A_356 = arith.addi %add3A_355, %mul3A_354 : i32
      %get3A = arith.index_cast %add3A_356 : i32 to index
      %get3A_357 = tpu.vector_load %arg12[%get3A] {strides = array<i32>} : memref<512xi32, #tpu.memory_space<vmem>>, vector<16xi32>,
      %and3A = arith.constant 1 : i32
      %and3A_358 = vector.broadcast %and3A : i32 to vector<16xi32>
      %and3A_359 = arith.andi %get3A_357, %and3A_358 : vector<16xi32>
      %shift_left3A = arith.constant 6 : i32
      %shift_left3A_360 = vector.broadcast %shift_left3A : i32 to vector<16xi32>
      %shift_left3A_361 = arith.shli %and3A_359, %shift_left3A_360 : vector<16xi32>
      %mul3A_362 = arith.constant 16 : i32
      %mul3A_363 = arith.muli %scan3A_349, %mul3A_362 : i32
      %add3A_364 = vector.broadcast %mul3A_363 : i32 to vector<16xi32>
      %add3A_365 = arith.addi %add3A_364, %iota3A : vector<16xi32>
      %broadcast_in_dim3A_366 = arith.constant 0.000000e+00 : f32
      %broadcast_in_dim3A_367 = vector.broadcast %broadcast_in_dim3A_366 : f32 to vector<16xf32>
      %scan3A_368 = arith.constant 0 : i32
      %scan3A_369 = arith.constant 64 : i32
      %scan3A_370 = arith.addi %scan3A_368, %scan3A_369 : i32
      %scan3A_371 = arith.constant 2 : i32
      %scan3A_372:9 = scf.for %scan3A_498 = %scan3A_368 to %scan3A_370 step %scan3A_371 iter_args(%scan3A_499 = %broadcast_in_dim3A_367, %scan3A_500 = %broadcast_in_dim3A_367, %scan3A_501 = %broadcast_in_dim3A_367, %scan3A_502 = %broadcast_in_dim3A_367, %scan3A_503 = %broadcast_in_dim3A_367, %scan3A_504 = %broadcast_in_dim3A_367, %scan3A_505 = %broadcast_in_dim3A_367, %scan3A_506 = %broadcast_in_dim3A_367, %scan3A_507 = %broadcast_in_dim3A_367) -> (vector<16xf32>, vector<16xf32>, vector<16xf32>, vector<16xf32>, vector<16xf32>, vector<16xf32>, vector<16xf32>, vector<16xf32>, vector<16xf32>)  : i32 {
        %add3A_508 = vector.broadcast %scan3A_498 : i32 to vector<16xi32>
        %add3A_509 = arith.addi %iota3A, %add3A_508 : vector<16xi32>
        %and3A_510 = arith.constant 63 : i32
        %and3A_511 = vector.broadcast %and3A_510 : i32 to vector<16xi32>
        %and3A_512 = arith.andi %add3A_509, %and3A_511 : vector<16xi32>
        %gather3A = tpu.vector_load_idx %arg14[%add3A_365, %and3A_512] : memref<64x64xf32, #tpu.memory_space<vmem>>[vector<16xi32>, vector<16xi32>], vector<16xf32>,
        %gather3A_513 = tpu.vector_load_idx %arg15[%add3A_365, %and3A_512] : memref<64x64xf32, #tpu.memory_space<vmem>>[vector<16xi32>, vector<16xi32>], vector<16xf32>,
        %add3A_514 = arith.addi %shift_left3A_361, %and3A_512 : vector<16xi32>
        %gather3A_515 = tpu.vector_load_idx %arg16[%add3A_365, %add3A_514] : memref<64x128xf32, #tpu.memory_space<vmem>>[vector<16xi32>, vector<16xi32>], vector<16xf32>,
        %add3A_516 = arith.addi %shift_left3A_361, %and3A_512 : vector<16xi32>
        %gather3A_517 = tpu.vector_load_idx %arg17[%add3A_365, %add3A_516] : memref<64x128xf32, #tpu.memory_space<vmem>>[vector<16xi32>, vector<16xi32>], vector<16xf32>,
        %sub3A_518 = arith.subf %gather3A, %gather3A_513 : vector<16xf32>
        %mul3A_519 = arith.mulf %gather3A_517, %gather3A_517 : vector<16xf32>
        %add3A_520 = arith.addf %scan3A_499, %mul3A_519 : vector<16xf32>
        %mul3A_521 = arith.mulf %gather3A_517, %gather3A : vector<16xf32>
        %add3A_522 = arith.addf %scan3A_500, %mul3A_521 : vector<16xf32>
        %mul3A_523 = arith.mulf %gather3A_517, %gather3A_513 : vector<16xf32>
        %add3A_524 = arith.addf %scan3A_501, %mul3A_523 : vector<16xf32>
        %mul3A_525 = arith.mulf %gather3A_517, %gather3A_515 : vector<16xf32>
        %add3A_526 = arith.addf %scan3A_502, %mul3A_525 : vector<16xf32>
        %mul3A_527 = arith.mulf %gather3A_515, %gather3A_515 : vector<16xf32>
        %add3A_528 = arith.addf %scan3A_503, %mul3A_527 : vector<16xf32>
        %mul3A_529 = arith.mulf %gather3A, %gather3A : vector<16xf32>
        %add3A_530 = arith.addf %scan3A_504, %mul3A_529 : vector<16xf32>
        %mul3A_531 = arith.mulf %gather3A_513, %gather3A_513 : vector<16xf32>
        %add3A_532 = arith.addf %scan3A_505, %mul3A_531 : vector<16xf32>
        %mul3A_533 = arith.mulf %sub3A_518, %sub3A_518 : vector<16xf32>
        %add3A_534 = arith.addf %scan3A_506, %mul3A_533 : vector<16xf32>
        %mul3A_535 = arith.mulf %sub3A_518, %gather3A_515 : vector<16xf32>
        %add3A_536 = arith.addf %scan3A_507, %mul3A_535 : vector<16xf32>
        %scan3A_537 = arith.constant 1 : i32
        %scan3A_538 = arith.addi %scan3A_498, %scan3A_537 : i32
        %add3A_539 = vector.broadcast %scan3A_538 : i32 to vector<16xi32>
        %add3A_540 = arith.addi %iota3A, %add3A_539 : vector<16xi32>
        %and3A_541 = arith.constant 63 : i32
        %and3A_542 = vector.broadcast %and3A_541 : i32 to vector<16xi32>
        %and3A_543 = arith.andi %add3A_540, %and3A_542 : vector<16xi32>
        %gather3A_544 = tpu.vector_load_idx %arg14[%add3A_365, %and3A_543] : memref<64x64xf32, #tpu.memory_space<vmem>>[vector<16xi32>, vector<16xi32>], vector<16xf32>,
        %gather3A_545 = tpu.vector_load_idx %arg15[%add3A_365, %and3A_543] : memref<64x64xf32, #tpu.memory_space<vmem>>[vector<16xi32>, vector<16xi32>], vector<16xf32>,
        %add3A_546 = arith.addi %shift_left3A_361, %and3A_543 : vector<16xi32>
        %gather3A_547 = tpu.vector_load_idx %arg16[%add3A_365, %add3A_546] : memref<64x128xf32, #tpu.memory_space<vmem>>[vector<16xi32>, vector<16xi32>], vector<16xf32>,
        %add3A_548 = arith.addi %shift_left3A_361, %and3A_543 : vector<16xi32>
        %gather3A_549 = tpu.vector_load_idx %arg17[%add3A_365, %add3A_548] : memref<64x128xf32, #tpu.memory_space<vmem>>[vector<16xi32>, vector<16xi32>], vector<16xf32>,
        %sub3A_550 = arith.subf %gather3A_544, %gather3A_545 : vector<16xf32>
        %mul3A_551 = arith.mulf %gather3A_549, %gather3A_549 : vector<16xf32>
        %add3A_552 = arith.addf %add3A_520, %mul3A_551 : vector<16xf32>
        %mul3A_553 = arith.mulf %gather3A_549, %gather3A_544 : vector<16xf32>
        %add3A_554 = arith.addf %add3A_522, %mul3A_553 : vector<16xf32>
        %mul3A_555 = arith.mulf %gather3A_549, %gather3A_545 : vector<16xf32>
        %add3A_556 = arith.addf %add3A_524, %mul3A_555 : vector<16xf32>
        %mul3A_557 = arith.mulf %gather3A_549, %gather3A_547 : vector<16xf32>
        %add3A_558 = arith.addf %add3A_526, %mul3A_557 : vector<16xf32>
        %mul3A_559 = arith.mulf %gather3A_547, %gather3A_547 : vector<16xf32>
        %add3A_560 = arith.addf %add3A_528, %mul3A_559 : vector<16xf32>
        %mul3A_561 = arith.mulf %gather3A_544, %gather3A_544 : vector<16xf32>
        %add3A_562 = arith.addf %add3A_530, %mul3A_561 : vector<16xf32>
        %mul3A_563 = arith.mulf %gather3A_545, %gather3A_545 : vector<16xf32>
        %add3A_564 = arith.addf %add3A_532, %mul3A_563 : vector<16xf32>
        %mul3A_565 = arith.mulf %sub3A_550, %sub3A_550 : vector<16xf32>
        %add3A_566 = arith.addf %add3A_534, %mul3A_565 : vector<16xf32>
        %mul3A_567 = arith.mulf %sub3A_550, %gather3A_547 : vector<16xf32>
        %add3A_568 = arith.addf %add3A_536, %mul3A_567 : vector<16xf32>
        scf.yield %add3A_552, %add3A_554, %add3A_556, %add3A_558, %add3A_560, %add3A_562, %add3A_564, %add3A_566, %add3A_568 : vector<16xf32>, vector<16xf32>, vector<16xf32>, vector<16xf32>, vector<16xf32>, vector<16xf32>, vector<16xf32>, vector<16xf32>, vector<16xf32>
      }
      %scan3A_373 = arith.constant 64 : i32
      %max3A = arith.constant 1.000000e-24 : f32
      %max3A_374 = vector.broadcast %max3A : f32 to vector<16xf32>
      %max3A_375 = arith.maximumf %scan3A_372#0, %max3A_374 : vector<16xf32>
      %div3A = arith.constant 1.000000e+00 : f32
      %div3A_376 = vector.broadcast %div3A : f32 to vector<16xf32>
      %div3A_377 = arith.divf %div3A_376, %max3A_375 : vector<16xf32>
      %bitcast3A = vector.bitcast %max3A_375 : vector<16xf32> to vector<16xi32>
      %shift_right_arithmetic3A = arith.constant 1 : i32
      %shift_right_arithmetic3A_378 = vector.broadcast %shift_right_arithmetic3A : i32 to vector<16xi32>
      %shift_right_arithmetic3A_379 = arith.shrsi %bitcast3A, %shift_right_arithmetic3A_378 : vector<16xi32>
      %sub3A = arith.constant 1597463007 : i32
      %sub3A_380 = vector.broadcast %sub3A : i32 to vector<16xi32>
      %sub3A_381 = arith.subi %sub3A_380, %shift_right_arithmetic3A_379 : vector<16xi32>
      %bitcast3A_382 = vector.bitcast %sub3A_381 : vector<16xi32> to vector<16xf32>
      %mul3A_383 = arith.constant 5.000000e-01 : f32
      %mul3A_384 = vector.broadcast %mul3A_383 : f32 to vector<16xf32>
      %mul3A_385 = arith.mulf %mul3A_384, %max3A_375 : vector<16xf32>
      %mul3A_386 = arith.mulf %mul3A_385, %bitcast3A_382 : vector<16xf32>
      %mul3A_387 = arith.mulf %mul3A_386, %bitcast3A_382 : vector<16xf32>
      %sub3A_388 = arith.constant 1.500000e+00 : f32
      %sub3A_389 = vector.broadcast %sub3A_388 : f32 to vector<16xf32>
      %sub3A_390 = arith.subf %sub3A_389, %mul3A_387 : vector<16xf32>
      %mul3A_391 = arith.mulf %bitcast3A_382, %sub3A_390 : vector<16xf32>
      %mul3A_392 = arith.constant 5.000000e-01 : f32
      %mul3A_393 = vector.broadcast %mul3A_392 : f32 to vector<16xf32>
      %mul3A_394 = arith.mulf %mul3A_393, %max3A_375 : vector<16xf32>
      %mul3A_395 = arith.mulf %mul3A_394, %mul3A_391 : vector<16xf32>
      %mul3A_396 = arith.mulf %mul3A_395, %mul3A_391 : vector<16xf32>
      %sub3A_397 = arith.constant 1.500000e+00 : f32
      %sub3A_398 = vector.broadcast %sub3A_397 : f32 to vector<16xf32>
      %sub3A_399 = arith.subf %sub3A_398, %mul3A_396 : vector<16xf32>
      %mul3A_400 = arith.mulf %mul3A_391, %sub3A_399 : vector<16xf32>
      %mul3A_401 = arith.constant 5.000000e-01 : f32
      %mul3A_402 = vector.broadcast %mul3A_401 : f32 to vector<16xf32>
      %mul3A_403 = arith.mulf %mul3A_402, %max3A_375 : vector<16xf32>
      %mul3A_404 = arith.mulf %mul3A_403, %mul3A_400 : vector<16xf32>
      %mul3A_405 = arith.mulf %mul3A_404, %mul3A_400 : vector<16xf32>
      %sub3A_406 = arith.constant 1.500000e+00 : f32
      %sub3A_407 = vector.broadcast %sub3A_406 : f32 to vector<16xf32>
      %sub3A_408 = arith.subf %sub3A_407, %mul3A_405 : vector<16xf32>
      %mul3A_409 = arith.mulf %mul3A_400, %sub3A_408 : vector<16xf32>
      %mul3A_410 = arith.mulf %scan3A_372#0, %div3A_377 : vector<16xf32>
      %sub3A_411 = arith.subf %scan3A_372#1, %scan3A_372#2 : vector<16xf32>
      %mul3A_412 = arith.mulf %sub3A_411, %sub3A_411 : vector<16xf32>
      %mul3A_413 = arith.mulf %mul3A_412, %div3A_377 : vector<16xf32>
      %sub3A_414 = arith.constant 2.000000e+00 : f32
      %sub3A_415 = vector.broadcast %sub3A_414 : f32 to vector<16xf32>
      %sub3A_416 = arith.subf %mul3A_410, %sub3A_415 : vector<16xf32>
      %mul3A_417 = arith.mulf %mul3A_413, %sub3A_416 : vector<16xf32>
      %add3A_418 = arith.addf %scan3A_372#7, %mul3A_417 : vector<16xf32>
      %add3A_419 = arith.addf %add3A_418, %scan3A_372#4 : vector<16xf32>
      %mul3A_420 = arith.constant 2.000000e+00 : f32
      %mul3A_421 = vector.broadcast %mul3A_420 : f32 to vector<16xf32>
      %mul3A_422 = arith.mulf %mul3A_421, %scan3A_372#8 : vector<16xf32>
      %add3A_423 = arith.addf %add3A_419, %mul3A_422 : vector<16xf32>
      %mul3A_424 = arith.constant 2.000000e+00 : f32
      %mul3A_425 = vector.broadcast %mul3A_424 : f32 to vector<16xf32>
      %mul3A_426 = arith.mulf %mul3A_425, %sub3A_411 : vector<16xf32>
      %mul3A_427 = arith.mulf %mul3A_426, %scan3A_372#3 : vector<16xf32>
      %mul3A_428 = arith.mulf %mul3A_427, %div3A_377 : vector<16xf32>
      %sub3A_429 = arith.subf %add3A_423, %mul3A_428 : vector<16xf32>
      %max3A_430 = arith.constant 0.000000e+00 : f32
      %max3A_431 = vector.broadcast %max3A_430 : f32 to vector<16xf32>
      %max3A_432 = arith.maximumf %sub3A_429, %max3A_431 : vector<16xf32>
      %max3A_433 = arith.constant 1.000000e-30 : f32
      %max3A_434 = vector.broadcast %max3A_433 : f32 to vector<16xf32>
      %max3A_435 = arith.maximumf %max3A_432, %max3A_434 : vector<16xf32>
      %bitcast3A_436 = vector.bitcast %max3A_435 : vector<16xf32> to vector<16xi32>
      %shift_right_arithmetic3A_437 = arith.constant 1 : i32
      %shift_right_arithmetic3A_438 = vector.broadcast %shift_right_arithmetic3A_437 : i32 to vector<16xi32>
      %shift_right_arithmetic3A_439 = arith.shrsi %bitcast3A_436, %shift_right_arithmetic3A_438 : vector<16xi32>
      %sub3A_440 = arith.constant 1597463007 : i32
      %sub3A_441 = vector.broadcast %sub3A_440 : i32 to vector<16xi32>
      %sub3A_442 = arith.subi %sub3A_441, %shift_right_arithmetic3A_439 : vector<16xi32>
      %bitcast3A_443 = vector.bitcast %sub3A_442 : vector<16xi32> to vector<16xf32>
      %mul3A_444 = arith.constant 5.000000e-01 : f32
      %mul3A_445 = vector.broadcast %mul3A_444 : f32 to vector<16xf32>
      %mul3A_446 = arith.mulf %mul3A_445, %max3A_435 : vector<16xf32>
      %mul3A_447 = arith.mulf %mul3A_446, %bitcast3A_443 : vector<16xf32>
      %mul3A_448 = arith.mulf %mul3A_447, %bitcast3A_443 : vector<16xf32>
      %sub3A_449 = arith.constant 1.500000e+00 : f32
      %sub3A_450 = vector.broadcast %sub3A_449 : f32 to vector<16xf32>
      %sub3A_451 = arith.subf %sub3A_450, %mul3A_448 : vector<16xf32>
      %mul3A_452 = arith.mulf %bitcast3A_443, %sub3A_451 : vector<16xf32>
      %mul3A_453 = arith.constant 5.000000e-01 : f32
      %mul3A_454 = vector.broadcast %mul3A_453 : f32 to vector<16xf32>
      %mul3A_455 = arith.mulf %mul3A_454, %max3A_435 : vector<16xf32>
      %mul3A_456 = arith.mulf %mul3A_455, %mul3A_452 : vector<16xf32>
      %mul3A_457 = arith.mulf %mul3A_456, %mul3A_452 : vector<16xf32>
      %sub3A_458 = arith.constant 1.500000e+00 : f32
      %sub3A_459 = vector.broadcast %sub3A_458 : f32 to vector<16xf32>
      %sub3A_460 = arith.subf %sub3A_459, %mul3A_457 : vector<16xf32>
      %mul3A_461 = arith.mulf %mul3A_452, %sub3A_460 : vector<16xf32>
      %mul3A_462 = arith.constant 5.000000e-01 : f32
      %mul3A_463 = vector.broadcast %mul3A_462 : f32 to vector<16xf32>
      %mul3A_464 = arith.mulf %mul3A_463, %max3A_435 : vector<16xf32>
      %mul3A_465 = arith.mulf %mul3A_464, %mul3A_461 : vector<16xf32>
      %mul3A_466 = arith.mulf %mul3A_465, %mul3A_461 : vector<16xf32>
      %sub3A_467 = arith.constant 1.500000e+00 : f32
      %sub3A_468 = vector.broadcast %sub3A_467 : f32 to vector<16xf32>
      %sub3A_469 = arith.subf %sub3A_468, %mul3A_466 : vector<16xf32>
      %mul3A_470 = arith.mulf %mul3A_461, %sub3A_469 : vector<16xf32>
      %mul3A_471 = arith.mulf %max3A_432, %mul3A_470 : vector<16xf32>
      %swap3A_472 = arith.index_cast %add3A_356 : i32 to index
      %swap3A_473 = tpu.vector_load %arg22[%swap3A_472] {strides = array<i32>} : memref<512xf32, #tpu.memory_space<vmem>>, vector<16xf32>,
      tpu.vector_store %arg22[%swap3A_472], %mul3A_471 {strides = array<i32>} : memref<512xf32, #tpu.memory_space<vmem>>, vector<16xf32>,
      %mul3A_474 = arith.mulf %scan3A_372#3, %mul3A_409 : vector<16xf32>
      %sub3A_475 = arith.constant 9.99999997E-7 : f32
      %sub3A_476 = vector.broadcast %sub3A_475 : f32 to vector<16xf32>
      %sub3A_477 = arith.subf %mul3A_474, %sub3A_476 : vector<16xf32>
      %max3A_478 = arith.constant 0.000000e+00 : f32
      %max3A_479 = vector.broadcast %max3A_478 : f32 to vector<16xf32>
      %max3A_480 = arith.maximumf %sub3A_477, %max3A_479 : vector<16xf32>
      %add3A_481 = arith.addf %scan3A_350, %max3A_480 : vector<16xf32>
      %add3A_482 = arith.addf %scan3A_351, %scan3A_372#5 : vector<16xf32>
      %mul3A_483 = arith.mulf %scan3A_372#1, %scan3A_372#1 : vector<16xf32>
      %mul3A_484 = arith.mulf %mul3A_483, %div3A_377 : vector<16xf32>
      %sub3A_485 = arith.constant 2.000000e+00 : f32
      %sub3A_486 = vector.broadcast %sub3A_485 : f32 to vector<16xf32>
      %sub3A_487 = arith.subf %mul3A_410, %sub3A_486 : vector<16xf32>
      %mul3A_488 = arith.mulf %mul3A_484, %sub3A_487 : vector<16xf32>
      %add3A_489 = arith.addf %add3A_482, %mul3A_488 : vector<16xf32>
      %add3A_490 = arith.addf %scan3A_352, %scan3A_372#6 : vector<16xf32>
      %mul3A_491 = arith.mulf %scan3A_372#2, %scan3A_372#2 : vector<16xf32>
      %mul3A_492 = arith.mulf %mul3A_491, %div3A_377 : vector<16xf32>
      %sub3A_493 = arith.constant 2.000000e+00 : f32
      %sub3A_494 = vector.broadcast %sub3A_493 : f32 to vector<16xf32>
      %sub3A_495 = arith.subf %mul3A_410, %sub3A_494 : vector<16xf32>
      %mul3A_496 = arith.mulf %mul3A_492, %sub3A_495 : vector<16xf32>
      %add3A_497 = arith.addf %add3A_490, %mul3A_496 : vector<16xf32>
      scf.yield %add3A_481, %add3A_489, %add3A_497 : vector<16xf32>, vector<16xf32>, vector<16xf32>
    }
    %scan3A_148 = arith.constant 4 : i32
    %scan3A_149 = arith.constant 0 : i32
    %scan3A_150 = arith.constant 0 : i32
    %scan3A_151 = arith.constant 4 : i32
    %scan3A_152 = arith.addi %scan3A_150, %scan3A_151 : i32
    %scan3A_153 = arith.constant 1 : i32
    %scan3A_154 = scf.for %scan3A_349 = %scan3A_150 to %scan3A_152 step %scan3A_153 iter_args(%scan3A_350 = %scan3A_149) -> (i32)  : i32 {
      %mul3A_351 = arith.constant 16 : i32
      %mul3A_352 = arith.muli %scan3A_349, %mul3A_351 : i32
      %add3A_353 = arith.constant 256 : i32
      %add3A_354 = arith.addi %add3A_353, %mul3A_352 : i32
      %get3A = arith.index_cast %add3A_354 : i32 to index
      %get3A_355 = tpu.vector_load %arg10[%get3A] {strides = array<i32>} : memref<512xi32, #tpu.memory_space<vmem>>, vector<16xi32>,
      %mul3A_356 = arith.constant 16 : i32
      %mul3A_357 = arith.muli %scan3A_349, %mul3A_356 : i32
      %add3A_358 = arith.constant 256 : i32
      %add3A_359 = arith.addi %add3A_358, %mul3A_357 : i32
      %get3A_360 = arith.index_cast %add3A_359 : i32 to index
      %get3A_361 = tpu.vector_load %arg11[%get3A_360] {strides = array<i32>} : memref<512xi32, #tpu.memory_space<vmem>>, vector<16xi32>,
      %scan3A_362 = arith.constant 0 : i32
      %scan3A_363 = arith.constant 0 : i32
      %scan3A_364 = arith.constant 16 : i32
      %scan3A_365 = arith.addi %scan3A_363, %scan3A_364 : i32
      %scan3A_366 = arith.constant 2 : i32
      %scan3A_367 = scf.for %scan3A_370 = %scan3A_363 to %scan3A_365 step %scan3A_366 iter_args(%scan3A_371 = %scan3A_362) -> (i32)  : i32 {
        %eq3A = vector.broadcast %scan3A_370 : i32 to vector<16xi32>
        %eq3A_372 = arith.cmpi eq, %iota3A, %eq3A : vector<16xi32>
        %jit3A = arith.constant 0 : i32
        %broadcast_in_dim3A_373 = vector.broadcast %jit3A : i32 to vector<16xi32>
        %select_n3A = arith.select %eq3A_372, %get3A_355, %broadcast_in_dim3A_373 : vector<16xi1>, vector<16xi32>
        %reduce_sum3A = arith.constant true
        %reduce_sum3A_374 = vector.broadcast %reduce_sum3A : i1 to vector<16xi1>
        %reduce_sum3A_375 = tpu.scan <sum>, %select_n3A masked %reduce_sum3A_374 : vector<16xi32>, vector<16xi1> -> vector<16xi32>
        %reduce_sum3A_376 = vector.extract %reduce_sum3A_375[15] : i32 from vector<16xi32>
        %eq3A_377 = vector.broadcast %scan3A_370 : i32 to vector<16xi32>
        %eq3A_378 = arith.cmpi eq, %iota3A, %eq3A_377 : vector<16xi32>
        %jit3A_379 = arith.constant 0 : i32
        %broadcast_in_dim3A_380 = vector.broadcast %jit3A_379 : i32 to vector<16xi32>
        %select_n3A_381 = arith.select %eq3A_378, %get3A_361, %broadcast_in_dim3A_380 : vector<16xi1>, vector<16xi32>
        %reduce_sum3A_382 = arith.constant true
        %reduce_sum3A_383 = vector.broadcast %reduce_sum3A_382 : i1 to vector<16xi1>
        %reduce_sum3A_384 = tpu.scan <sum>, %select_n3A_381 masked %reduce_sum3A_383 : vector<16xi32>, vector<16xi1> -> vector<16xi32>
        %reduce_sum3A_385 = vector.extract %reduce_sum3A_384[15] : i32 from vector<16xi32>
        %mul3A_386 = arith.constant 16 : i32
        %mul3A_387 = arith.muli %scan3A_349, %mul3A_386 : i32
        %add3A_388 = arith.addi %mul3A_387, %scan3A_370 : i32
        %shift_right_arithmetic3A = arith.constant 3 : i32
        %shift_right_arithmetic3A_389 = arith.shrsi %reduce_sum3A_376, %shift_right_arithmetic3A : i32
        %and3A = arith.constant 7 : i32
        %and3A_390 = arith.andi %reduce_sum3A_376, %and3A : i32
        %dma_start3A_391 = arith.constant 0 : i32
        %dma_start3A_392 = tpu.memref_slice %arg14[%add3A_388, %dma_start3A_391] : memref<64x64xf32, #tpu.memory_space<vmem>> -> memref<1x64xf32, #tpu.memory_space<vmem>>
        %dma_start3A_393 = arith.constant 0 : i32
        %dma_start3A_394 = tpu.memref_slice %arg5[%shift_right_arithmetic3A_389, %and3A_390, %dma_start3A_393] : memref<125000x8x64xf32, #tpu.memory_space<hbm>> -> memref<1x1x64xf32, #tpu.memory_space<hbm>>
        %dma_start3A_395 = tpu.memref_squeeze %dma_start3A_394 : memref<1x1x64xf32, #tpu.memory_space<hbm>> -> memref<1x64xf32, #tpu.memory_space<hbm>>
        %dma_start3A_396 = arith.constant 0 : i32
        %dma_start3A_397 = tpu.memref_slice %arg14[%add3A_388, %dma_start3A_396] : memref<64x64xf32, #tpu.memory_space<vmem>> -> memref<1x64xf32, #tpu.memory_space<vmem>>
        %dma_start3A_398 = arith.constant 0 : i32
        %dma_start3A_399 = tpu.memref_slice %arg5[%shift_right_arithmetic3A_389, %and3A_390, %dma_start3A_398] : memref<125000x8x64xf32, #tpu.memory_space<hbm>> -> memref<1x1x64xf32, #tpu.memory_space<hbm>>
        %dma_start3A_400 = tpu.memref_squeeze %dma_start3A_399 : memref<1x1x64xf32, #tpu.memory_space<hbm>> -> memref<1x64xf32, #tpu.memory_space<hbm>>
        tpu.enqueue_dma source(%dma_start3A_400 : memref<1x64xf32, #tpu.memory_space<hbm>>) target(%dma_start3A_397 : memref<1x64xf32, #tpu.memory_space<vmem>>) target_semaphore(%arg24 : memref<!tpu.dma_semaphore, #tpu.memory_space<semaphore_mem>>)
        %shift_right_arithmetic3A_401 = arith.constant 3 : i32
        %shift_right_arithmetic3A_402 = arith.shrsi %reduce_sum3A_385, %shift_right_arithmetic3A_401 : i32
        %and3A_403 = arith.constant 7 : i32
        %and3A_404 = arith.andi %reduce_sum3A_385, %and3A_403 : i32
        %dma_start3A_405 = arith.constant 0 : i32
        %dma_start3A_406 = tpu.memref_slice %arg15[%add3A_388, %dma_start3A_405] : memref<64x64xf32, #tpu.memory_space<vmem>> -> memref<1x64xf32, #tpu.memory_space<vmem>>
        %dma_start3A_407 = arith.constant 0 : i32
        %dma_start3A_408 = tpu.memref_slice %arg5[%shift_right_arithmetic3A_402, %and3A_404, %dma_start3A_407] : memref<125000x8x64xf32, #tpu.memory_space<hbm>> -> memref<1x1x64xf32, #tpu.memory_space<hbm>>
        %dma_start3A_409 = tpu.memref_squeeze %dma_start3A_408 : memref<1x1x64xf32, #tpu.memory_space<hbm>> -> memref<1x64xf32, #tpu.memory_space<hbm>>
        %dma_start3A_410 = arith.constant 0 : i32
        %dma_start3A_411 = tpu.memref_slice %arg15[%add3A_388, %dma_start3A_410] : memref<64x64xf32, #tpu.memory_space<vmem>> -> memref<1x64xf32, #tpu.memory_space<vmem>>
        %dma_start3A_412 = arith.constant 0 : i32
        %dma_start3A_413 = tpu.memref_slice %arg5[%shift_right_arithmetic3A_402, %and3A_404, %dma_start3A_412] : memref<125000x8x64xf32, #tpu.memory_space<hbm>> -> memref<1x1x64xf32, #tpu.memory_space<hbm>>
        %dma_start3A_414 = tpu.memref_squeeze %dma_start3A_413 : memref<1x1x64xf32, #tpu.memory_space<hbm>> -> memref<1x64xf32, #tpu.memory_space<hbm>>
        tpu.enqueue_dma source(%dma_start3A_414 : memref<1x64xf32, #tpu.memory_space<hbm>>) target(%dma_start3A_411 : memref<1x64xf32, #tpu.memory_space<vmem>>) target_semaphore(%arg24 : memref<!tpu.dma_semaphore, #tpu.memory_space<semaphore_mem>>)
        %scan3A_415 = arith.constant 0 : i32
        %scan3A_416 = arith.constant 1 : i32
        %scan3A_417 = arith.addi %scan3A_370, %scan3A_416 : i32
        %eq3A_418 = vector.broadcast %scan3A_417 : i32 to vector<16xi32>
        %eq3A_419 = arith.cmpi eq, %iota3A, %eq3A_418 : vector<16xi32>
        %jit3A_420 = arith.constant 0 : i32
        %broadcast_in_dim3A_421 = vector.broadcast %jit3A_420 : i32 to vector<16xi32>
        %select_n3A_422 = arith.select %eq3A_419, %get3A_355, %broadcast_in_dim3A_421 : vector<16xi1>, vector<16xi32>
        %reduce_sum3A_423 = arith.constant true
        %reduce_sum3A_424 = vector.broadcast %reduce_sum3A_423 : i1 to vector<16xi1>
        %reduce_sum3A_425 = tpu.scan <sum>, %select_n3A_422 masked %reduce_sum3A_424 : vector<16xi32>, vector<16xi1> -> vector<16xi32>
        %reduce_sum3A_426 = vector.extract %reduce_sum3A_425[15] : i32 from vector<16xi32>
        %eq3A_427 = vector.broadcast %scan3A_417 : i32 to vector<16xi32>
        %eq3A_428 = arith.cmpi eq, %iota3A, %eq3A_427 : vector<16xi32>
        %jit3A_429 = arith.constant 0 : i32
        %broadcast_in_dim3A_430 = vector.broadcast %jit3A_429 : i32 to vector<16xi32>
        %select_n3A_431 = arith.select %eq3A_428, %get3A_361, %broadcast_in_dim3A_430 : vector<16xi1>, vector<16xi32>
        %reduce_sum3A_432 = arith.constant true
        %reduce_sum3A_433 = vector.broadcast %reduce_sum3A_432 : i1 to vector<16xi1>
        %reduce_sum3A_434 = tpu.scan <sum>, %select_n3A_431 masked %reduce_sum3A_433 : vector<16xi32>, vector<16xi1> -> vector<16xi32>
        %reduce_sum3A_435 = vector.extract %reduce_sum3A_434[15] : i32 from vector<16xi32>
        %mul3A_436 = arith.constant 16 : i32
        %mul3A_437 = arith.muli %scan3A_349, %mul3A_436 : i32
        %add3A_438 = arith.addi %mul3A_437, %scan3A_417 : i32
        %shift_right_arithmetic3A_439 = arith.constant 3 : i32
        %shift_right_arithmetic3A_440 = arith.shrsi %reduce_sum3A_426, %shift_right_arithmetic3A_439 : i32
        %and3A_441 = arith.constant 7 : i32
        %and3A_442 = arith.andi %reduce_sum3A_426, %and3A_441 : i32
        %dma_start3A_443 = arith.constant 0 : i32
        %dma_start3A_444 = tpu.memref_slice %arg14[%add3A_438, %dma_start3A_443] : memref<64x64xf32, #tpu.memory_space<vmem>> -> memref<1x64xf32, #tpu.memory_space<vmem>>
        %dma_start3A_445 = arith.constant 0 : i32
        %dma_start3A_446 = tpu.memref_slice %arg5[%shift_right_arithmetic3A_440, %and3A_442, %dma_start3A_445] : memref<125000x8x64xf32, #tpu.memory_space<hbm>> -> memref<1x1x64xf32, #tpu.memory_space<hbm>>
        %dma_start3A_447 = tpu.memref_squeeze %dma_start3A_446 : memref<1x1x64xf32, #tpu.memory_space<hbm>> -> memref<1x64xf32, #tpu.memory_space<hbm>>
        %dma_start3A_448 = arith.constant 0 : i32
        %dma_start3A_449 = tpu.memref_slice %arg14[%add3A_438, %dma_start3A_448] : memref<64x64xf32, #tpu.memory_space<vmem>> -> memref<1x64xf32, #tpu.memory_space<vmem>>
        %dma_start3A_450 = arith.constant 0 : i32
        %dma_start3A_451 = tpu.memref_slice %arg5[%shift_right_arithmetic3A_440, %and3A_442, %dma_start3A_450] : memref<125000x8x64xf32, #tpu.memory_space<hbm>> -> memref<1x1x64xf32, #tpu.memory_space<hbm>>
        %dma_start3A_452 = tpu.memref_squeeze %dma_start3A_451 : memref<1x1x64xf32, #tpu.memory_space<hbm>> -> memref<1x64xf32, #tpu.memory_space<hbm>>
        tpu.enqueue_dma source(%dma_start3A_452 : memref<1x64xf32, #tpu.memory_space<hbm>>) target(%dma_start3A_449 : memref<1x64xf32, #tpu.memory_space<vmem>>) target_semaphore(%arg24 : memref<!tpu.dma_semaphore, #tpu.memory_space<semaphore_mem>>)
        %shift_right_arithmetic3A_453 = arith.constant 3 : i32
        %shift_right_arithmetic3A_454 = arith.shrsi %reduce_sum3A_435, %shift_right_arithmetic3A_453 : i32
        %and3A_455 = arith.constant 7 : i32
        %and3A_456 = arith.andi %reduce_sum3A_435, %and3A_455 : i32
        %dma_start3A_457 = arith.constant 0 : i32
        %dma_start3A_458 = tpu.memref_slice %arg15[%add3A_438, %dma_start3A_457] : memref<64x64xf32, #tpu.memory_space<vmem>> -> memref<1x64xf32, #tpu.memory_space<vmem>>
        %dma_start3A_459 = arith.constant 0 : i32
        %dma_start3A_460 = tpu.memref_slice %arg5[%shift_right_arithmetic3A_454, %and3A_456, %dma_start3A_459] : memref<125000x8x64xf32, #tpu.memory_space<hbm>> -> memref<1x1x64xf32, #tpu.memory_space<hbm>>
        %dma_start3A_461 = tpu.memref_squeeze %dma_start3A_460 : memref<1x1x64xf32, #tpu.memory_space<hbm>> -> memref<1x64xf32, #tpu.memory_space<hbm>>
        %dma_start3A_462 = arith.constant 0 : i32
        %dma_start3A_463 = tpu.memref_slice %arg15[%add3A_438, %dma_start3A_462] : memref<64x64xf32, #tpu.memory_space<vmem>> -> memref<1x64xf32, #tpu.memory_space<vmem>>
        %dma_start3A_464 = arith.constant 0 : i32
        %dma_start3A_465 = tpu.memref_slice %arg5[%shift_right_arithmetic3A_454, %and3A_456, %dma_start3A_464] : memref<125000x8x64xf32, #tpu.memory_space<hbm>> -> memref<1x1x64xf32, #tpu.memory_space<hbm>>
        %dma_start3A_466 = tpu.memref_squeeze %dma_start3A_465 : memref<1x1x64xf32, #tpu.memory_space<hbm>> -> memref<1x64xf32, #tpu.memory_space<hbm>>
        tpu.enqueue_dma source(%dma_start3A_466 : memref<1x64xf32, #tpu.memory_space<hbm>>) target(%dma_start3A_463 : memref<1x64xf32, #tpu.memory_space<vmem>>) target_semaphore(%arg24 : memref<!tpu.dma_semaphore, #tpu.memory_space<semaphore_mem>>)
        %scan3A_467 = arith.constant 0 : i32
        scf.yield %scan3A_467 : i32
      }
      %scan3A_368 = arith.constant 16 : i32
      %scan3A_369 = arith.constant 0 : i32
      scf.yield %scan3A_369 : i32
    }
    %scan3A_155 = arith.constant 4 : i32
    %dma_start3A_156 = arith.constant 256 : i32
    %dma_start3A_157 = tpu.memref_slice %arg13[%dma_start3A_156] : memref<512xi32, #tpu.memory_space<vmem>> -> memref<64xi32, #tpu.memory_space<vmem>>
    %dma_start3A_158 = arith.constant 0 : i32
    %dma_start3A_159 = arith.constant 0 : i32
    %dma_start3A_160 = tpu.memref_slice %arg6[%dma_start3A_158, %dma_start3A_159] : memref<500x128xf32, #tpu.memory_space<hbm>> -> memref<500x128xf32, #tpu.memory_space<hbm>>
    tpu.enqueue_indirect_dma source(%dma_start3A_160 : memref<500x128xf32, #tpu.memory_space<hbm>>) target(%arg16 : memref<64x128xf32, #tpu.memory_space<vmem>>) offsets(%dma_start3A_157 : memref<64xi32, #tpu.memory_space<vmem>>) semaphore(%arg25 : memref<!tpu.dma_semaphore, #tpu.memory_space<semaphore_mem>>)
    %dma_start3A_161 = arith.constant 256 : i32
    %dma_start3A_162 = tpu.memref_slice %arg13[%dma_start3A_161] : memref<512xi32, #tpu.memory_space<vmem>> -> memref<64xi32, #tpu.memory_space<vmem>>
    %dma_start3A_163 = arith.constant 0 : i32
    %dma_start3A_164 = arith.constant 0 : i32
    %dma_start3A_165 = tpu.memref_slice %arg7[%dma_start3A_163, %dma_start3A_164] : memref<500x128xf32, #tpu.memory_space<hbm>> -> memref<500x128xf32, #tpu.memory_space<hbm>>
    tpu.enqueue_indirect_dma source(%dma_start3A_165 : memref<500x128xf32, #tpu.memory_space<hbm>>) target(%arg17 : memref<64x128xf32, #tpu.memory_space<vmem>>) offsets(%dma_start3A_162 : memref<64xi32, #tpu.memory_space<vmem>>) semaphore(%arg25 : memref<!tpu.dma_semaphore, #tpu.memory_space<semaphore_mem>>)
    %scan3A_166 = arith.constant 0 : i32
    %scan3A_167 = arith.constant 0 : i32
    %scan3A_168 = arith.constant 128 : i32
    %scan3A_169 = arith.addi %scan3A_167, %scan3A_168 : i32
    %scan3A_170 = arith.constant 1 : i32
    %scan3A_171 = scf.for %scan3A_349 = %scan3A_167 to %scan3A_169 step %scan3A_170 iter_args(%scan3A_350 = %scan3A_166) -> (i32)  : i32 {
      %dma_wait3A_351 = arith.constant 0 : i32
      %dma_wait3A_352 = arith.constant 0 : i32
      %dma_wait3A_353 = arith.constant 0 : i32
      %dma_wait3A_354 = tpu.memref_slice %arg18[%dma_wait3A_352, %dma_wait3A_353] : memref<64x64xf32, #tpu.memory_space<vmem>> -> memref<1x64xf32, #tpu.memory_space<vmem>>
      %dma_wait3A_355 = arith.constant 0 : i32
      %dma_wait3A_356 = arith.constant 0 : i32
      %dma_wait3A_357 = tpu.memref_slice %arg5[%dma_wait3A_351, %dma_wait3A_355, %dma_wait3A_356] : memref<125000x8x64xf32, #tpu.memory_space<hbm>> -> memref<1x1x64xf32, #tpu.memory_space<hbm>>
      %dma_wait3A_358 = tpu.memref_squeeze %dma_wait3A_357 : memref<1x1x64xf32, #tpu.memory_space<hbm>> -> memref<1x64xf32, #tpu.memory_space<hbm>>
      %dma_wait3A_359 = arith.constant 0 : i32
      %dma_wait3A_360 = arith.constant 0 : i32
      %dma_wait3A_361 = tpu.memref_slice %arg18[%dma_wait3A_359, %dma_wait3A_360] : memref<64x64xf32, #tpu.memory_space<vmem>> -> memref<1x64xf32, #tpu.memory_space<vmem>>
      %dma_wait3A_362 = arith.constant 0 : i32
      %dma_wait3A_363 = arith.constant 0 : i32
      %dma_wait3A_364 = tpu.memref_slice %arg5[%dma_wait3A_351, %dma_wait3A_362, %dma_wait3A_363] : memref<125000x8x64xf32, #tpu.memory_space<hbm>> -> memref<1x1x64xf32, #tpu.memory_space<hbm>>
      %dma_wait3A_365 = tpu.memref_squeeze %dma_wait3A_364 : memref<1x1x64xf32, #tpu.memory_space<hbm>> -> memref<1x64xf32, #tpu.memory_space<hbm>>
      tpu.wait_dma2 semaphore(%arg26 : memref<!tpu.dma_semaphore, #tpu.memory_space<semaphore_mem>>) src(%dma_wait3A_365 : memref<1x64xf32, #tpu.memory_space<hbm>>) dst(%dma_wait3A_361 : memref<1x64xf32, #tpu.memory_space<vmem>>)
      %scan3A_366 = arith.constant 0 : i32
      scf.yield %scan3A_366 : i32
    }
    %scan3A_172 = arith.constant 128 : i32
    %dma_wait3A_173 = arith.constant 192 : i32
    %dma_wait3A_174 = tpu.memref_slice %arg13[%dma_wait3A_173] : memref<512xi32, #tpu.memory_space<vmem>> -> memref<64xi32, #tpu.memory_space<vmem>>
    %dma_wait3A_175 = arith.constant 0 : i32
    %dma_wait3A_176 = arith.constant 0 : i32
    %dma_wait3A_177 = tpu.memref_slice %arg6[%dma_wait3A_175, %dma_wait3A_176] : memref<500x128xf32, #tpu.memory_space<hbm>> -> memref<500x128xf32, #tpu.memory_space<hbm>>
    tpu.wait_indirect_dma semaphore(%arg27 : memref<!tpu.dma_semaphore, #tpu.memory_space<semaphore_mem>>) src(%dma_wait3A_177 : memref<500x128xf32, #tpu.memory_space<hbm>>) dst(%arg20 : memref<64x128xf32, #tpu.memory_space<vmem>>)
    %dma_wait3A_178 = arith.constant 192 : i32
    %dma_wait3A_179 = tpu.memref_slice %arg13[%dma_wait3A_178] : memref<512xi32, #tpu.memory_space<vmem>> -> memref<64xi32, #tpu.memory_space<vmem>>
    %dma_wait3A_180 = arith.constant 0 : i32
    %dma_wait3A_181 = arith.constant 0 : i32
    %dma_wait3A_182 = tpu.memref_slice %arg7[%dma_wait3A_180, %dma_wait3A_181] : memref<500x128xf32, #tpu.memory_space<hbm>> -> memref<500x128xf32, #tpu.memory_space<hbm>>
    tpu.wait_indirect_dma semaphore(%arg27 : memref<!tpu.dma_semaphore, #tpu.memory_space<semaphore_mem>>) src(%dma_wait3A_182 : memref<500x128xf32, #tpu.memory_space<hbm>>) dst(%arg21 : memref<64x128xf32, #tpu.memory_space<vmem>>)
    %scan3A_183 = arith.constant 0 : i32
    %scan3A_184 = arith.constant 4 : i32
    %scan3A_185 = arith.addi %scan3A_183, %scan3A_184 : i32
    %scan3A_186 = arith.constant 1 : i32
    %scan3A_187:3 = scf.for %scan3A_349 = %scan3A_183 to %scan3A_185 step %scan3A_186 iter_args(%scan3A_350 = %scan3A_147#0, %scan3A_351 = %scan3A_147#1, %scan3A_352 = %scan3A_147#2) -> (vector<16xf32>, vector<16xf32>, vector<16xf32>)  : i32 {
      %mul3A_353 = arith.constant 16 : i32
      %mul3A_354 = arith.muli %scan3A_349, %mul3A_353 : i32
      %add3A_355 = arith.constant 192 : i32
      %add3A_356 = arith.addi %add3A_355, %mul3A_354 : i32
      %get3A = arith.index_cast %add3A_356 : i32 to index
      %get3A_357 = tpu.vector_load %arg12[%get3A] {strides = array<i32>} : memref<512xi32, #tpu.memory_space<vmem>>, vector<16xi32>,
      %and3A = arith.constant 1 : i32
      %and3A_358 = vector.broadcast %and3A : i32 to vector<16xi32>
      %and3A_359 = arith.andi %get3A_357, %and3A_358 : vector<16xi32>
      %shift_left3A = arith.constant 6 : i32
      %shift_left3A_360 = vector.broadcast %shift_left3A : i32 to vector<16xi32>
      %shift_left3A_361 = arith.shli %and3A_359, %shift_left3A_360 : vector<16xi32>
      %mul3A_362 = arith.constant 16 : i32
      %mul3A_363 = arith.muli %scan3A_349, %mul3A_362 : i32
      %add3A_364 = vector.broadcast %mul3A_363 : i32 to vector<16xi32>
      %add3A_365 = arith.addi %add3A_364, %iota3A : vector<16xi32>
      %broadcast_in_dim3A_366 = arith.constant 0.000000e+00 : f32
      %broadcast_in_dim3A_367 = vector.broadcast %broadcast_in_dim3A_366 : f32 to vector<16xf32>
      %scan3A_368 = arith.constant 0 : i32
      %scan3A_369 = arith.constant 64 : i32
      %scan3A_370 = arith.addi %scan3A_368, %scan3A_369 : i32
      %scan3A_371 = arith.constant 2 : i32
      %scan3A_372:9 = scf.for %scan3A_498 = %scan3A_368 to %scan3A_370 step %scan3A_371 iter_args(%scan3A_499 = %broadcast_in_dim3A_367, %scan3A_500 = %broadcast_in_dim3A_367, %scan3A_501 = %broadcast_in_dim3A_367, %scan3A_502 = %broadcast_in_dim3A_367, %scan3A_503 = %broadcast_in_dim3A_367, %scan3A_504 = %broadcast_in_dim3A_367, %scan3A_505 = %broadcast_in_dim3A_367, %scan3A_506 = %broadcast_in_dim3A_367, %scan3A_507 = %broadcast_in_dim3A_367) -> (vector<16xf32>, vector<16xf32>, vector<16xf32>, vector<16xf32>, vector<16xf32>, vector<16xf32>, vector<16xf32>, vector<16xf32>, vector<16xf32>)  : i32 {
        %add3A_508 = vector.broadcast %scan3A_498 : i32 to vector<16xi32>
        %add3A_509 = arith.addi %iota3A, %add3A_508 : vector<16xi32>
        %and3A_510 = arith.constant 63 : i32
        %and3A_511 = vector.broadcast %and3A_510 : i32 to vector<16xi32>
        %and3A_512 = arith.andi %add3A_509, %and3A_511 : vector<16xi32>
        %gather3A = tpu.vector_load_idx %arg18[%add3A_365, %and3A_512] : memref<64x64xf32, #tpu.memory_space<vmem>>[vector<16xi32>, vector<16xi32>], vector<16xf32>,
        %gather3A_513 = tpu.vector_load_idx %arg19[%add3A_365, %and3A_512] : memref<64x64xf32, #tpu.memory_space<vmem>>[vector<16xi32>, vector<16xi32>], vector<16xf32>,
        %add3A_514 = arith.addi %shift_left3A_361, %and3A_512 : vector<16xi32>
        %gather3A_515 = tpu.vector_load_idx %arg20[%add3A_365, %add3A_514] : memref<64x128xf32, #tpu.memory_space<vmem>>[vector<16xi32>, vector<16xi32>], vector<16xf32>,
        %add3A_516 = arith.addi %shift_left3A_361, %and3A_512 : vector<16xi32>
        %gather3A_517 = tpu.vector_load_idx %arg21[%add3A_365, %add3A_516] : memref<64x128xf32, #tpu.memory_space<vmem>>[vector<16xi32>, vector<16xi32>], vector<16xf32>,
        %sub3A_518 = arith.subf %gather3A, %gather3A_513 : vector<16xf32>
        %mul3A_519 = arith.mulf %gather3A_517, %gather3A_517 : vector<16xf32>
        %add3A_520 = arith.addf %scan3A_499, %mul3A_519 : vector<16xf32>
        %mul3A_521 = arith.mulf %gather3A_517, %gather3A : vector<16xf32>
        %add3A_522 = arith.addf %scan3A_500, %mul3A_521 : vector<16xf32>
        %mul3A_523 = arith.mulf %gather3A_517, %gather3A_513 : vector<16xf32>
        %add3A_524 = arith.addf %scan3A_501, %mul3A_523 : vector<16xf32>
        %mul3A_525 = arith.mulf %gather3A_517, %gather3A_515 : vector<16xf32>
        %add3A_526 = arith.addf %scan3A_502, %mul3A_525 : vector<16xf32>
        %mul3A_527 = arith.mulf %gather3A_515, %gather3A_515 : vector<16xf32>
        %add3A_528 = arith.addf %scan3A_503, %mul3A_527 : vector<16xf32>
        %mul3A_529 = arith.mulf %gather3A, %gather3A : vector<16xf32>
        %add3A_530 = arith.addf %scan3A_504, %mul3A_529 : vector<16xf32>
        %mul3A_531 = arith.mulf %gather3A_513, %gather3A_513 : vector<16xf32>
        %add3A_532 = arith.addf %scan3A_505, %mul3A_531 : vector<16xf32>
        %mul3A_533 = arith.mulf %sub3A_518, %sub3A_518 : vector<16xf32>
        %add3A_534 = arith.addf %scan3A_506, %mul3A_533 : vector<16xf32>
        %mul3A_535 = arith.mulf %sub3A_518, %gather3A_515 : vector<16xf32>
        %add3A_536 = arith.addf %scan3A_507, %mul3A_535 : vector<16xf32>
        %scan3A_537 = arith.constant 1 : i32
        %scan3A_538 = arith.addi %scan3A_498, %scan3A_537 : i32
        %add3A_539 = vector.broadcast %scan3A_538 : i32 to vector<16xi32>
        %add3A_540 = arith.addi %iota3A, %add3A_539 : vector<16xi32>
        %and3A_541 = arith.constant 63 : i32
        %and3A_542 = vector.broadcast %and3A_541 : i32 to vector<16xi32>
        %and3A_543 = arith.andi %add3A_540, %and3A_542 : vector<16xi32>
        %gather3A_544 = tpu.vector_load_idx %arg18[%add3A_365, %and3A_543] : memref<64x64xf32, #tpu.memory_space<vmem>>[vector<16xi32>, vector<16xi32>], vector<16xf32>,
        %gather3A_545 = tpu.vector_load_idx %arg19[%add3A_365, %and3A_543] : memref<64x64xf32, #tpu.memory_space<vmem>>[vector<16xi32>, vector<16xi32>], vector<16xf32>,
        %add3A_546 = arith.addi %shift_left3A_361, %and3A_543 : vector<16xi32>
        %gather3A_547 = tpu.vector_load_idx %arg20[%add3A_365, %add3A_546] : memref<64x128xf32, #tpu.memory_space<vmem>>[vector<16xi32>, vector<16xi32>], vector<16xf32>,
        %add3A_548 = arith.addi %shift_left3A_361, %and3A_543 : vector<16xi32>
        %gather3A_549 = tpu.vector_load_idx %arg21[%add3A_365, %add3A_548] : memref<64x128xf32, #tpu.memory_space<vmem>>[vector<16xi32>, vector<16xi32>], vector<16xf32>,
        %sub3A_550 = arith.subf %gather3A_544, %gather3A_545 : vector<16xf32>
        %mul3A_551 = arith.mulf %gather3A_549, %gather3A_549 : vector<16xf32>
        %add3A_552 = arith.addf %add3A_520, %mul3A_551 : vector<16xf32>
        %mul3A_553 = arith.mulf %gather3A_549, %gather3A_544 : vector<16xf32>
        %add3A_554 = arith.addf %add3A_522, %mul3A_553 : vector<16xf32>
        %mul3A_555 = arith.mulf %gather3A_549, %gather3A_545 : vector<16xf32>
        %add3A_556 = arith.addf %add3A_524, %mul3A_555 : vector<16xf32>
        %mul3A_557 = arith.mulf %gather3A_549, %gather3A_547 : vector<16xf32>
        %add3A_558 = arith.addf %add3A_526, %mul3A_557 : vector<16xf32>
        %mul3A_559 = arith.mulf %gather3A_547, %gather3A_547 : vector<16xf32>
        %add3A_560 = arith.addf %add3A_528, %mul3A_559 : vector<16xf32>
        %mul3A_561 = arith.mulf %gather3A_544, %gather3A_544 : vector<16xf32>
        %add3A_562 = arith.addf %add3A_530, %mul3A_561 : vector<16xf32>
        %mul3A_563 = arith.mulf %gather3A_545, %gather3A_545 : vector<16xf32>
        %add3A_564 = arith.addf %add3A_532, %mul3A_563 : vector<16xf32>
        %mul3A_565 = arith.mulf %sub3A_550, %sub3A_550 : vector<16xf32>
        %add3A_566 = arith.addf %add3A_534, %mul3A_565 : vector<16xf32>
        %mul3A_567 = arith.mulf %sub3A_550, %gather3A_547 : vector<16xf32>
        %add3A_568 = arith.addf %add3A_536, %mul3A_567 : vector<16xf32>
        scf.yield %add3A_552, %add3A_554, %add3A_556, %add3A_558, %add3A_560, %add3A_562, %add3A_564, %add3A_566, %add3A_568 : vector<16xf32>, vector<16xf32>, vector<16xf32>, vector<16xf32>, vector<16xf32>, vector<16xf32>, vector<16xf32>, vector<16xf32>, vector<16xf32>
      }
      %scan3A_373 = arith.constant 64 : i32
      %max3A = arith.constant 1.000000e-24 : f32
      %max3A_374 = vector.broadcast %max3A : f32 to vector<16xf32>
      %max3A_375 = arith.maximumf %scan3A_372#0, %max3A_374 : vector<16xf32>
      %div3A = arith.constant 1.000000e+00 : f32
      %div3A_376 = vector.broadcast %div3A : f32 to vector<16xf32>
      %div3A_377 = arith.divf %div3A_376, %max3A_375 : vector<16xf32>
      %bitcast3A = vector.bitcast %max3A_375 : vector<16xf32> to vector<16xi32>
      %shift_right_arithmetic3A = arith.constant 1 : i32
      %shift_right_arithmetic3A_378 = vector.broadcast %shift_right_arithmetic3A : i32 to vector<16xi32>
      %shift_right_arithmetic3A_379 = arith.shrsi %bitcast3A, %shift_right_arithmetic3A_378 : vector<16xi32>
      %sub3A = arith.constant 1597463007 : i32
      %sub3A_380 = vector.broadcast %sub3A : i32 to vector<16xi32>
      %sub3A_381 = arith.subi %sub3A_380, %shift_right_arithmetic3A_379 : vector<16xi32>
      %bitcast3A_382 = vector.bitcast %sub3A_381 : vector<16xi32> to vector<16xf32>
      %mul3A_383 = arith.constant 5.000000e-01 : f32
      %mul3A_384 = vector.broadcast %mul3A_383 : f32 to vector<16xf32>
      %mul3A_385 = arith.mulf %mul3A_384, %max3A_375 : vector<16xf32>
      %mul3A_386 = arith.mulf %mul3A_385, %bitcast3A_382 : vector<16xf32>
      %mul3A_387 = arith.mulf %mul3A_386, %bitcast3A_382 : vector<16xf32>
      %sub3A_388 = arith.constant 1.500000e+00 : f32
      %sub3A_389 = vector.broadcast %sub3A_388 : f32 to vector<16xf32>
      %sub3A_390 = arith.subf %sub3A_389, %mul3A_387 : vector<16xf32>
      %mul3A_391 = arith.mulf %bitcast3A_382, %sub3A_390 : vector<16xf32>
      %mul3A_392 = arith.constant 5.000000e-01 : f32
      %mul3A_393 = vector.broadcast %mul3A_392 : f32 to vector<16xf32>
      %mul3A_394 = arith.mulf %mul3A_393, %max3A_375 : vector<16xf32>
      %mul3A_395 = arith.mulf %mul3A_394, %mul3A_391 : vector<16xf32>
      %mul3A_396 = arith.mulf %mul3A_395, %mul3A_391 : vector<16xf32>
      %sub3A_397 = arith.constant 1.500000e+00 : f32
      %sub3A_398 = vector.broadcast %sub3A_397 : f32 to vector<16xf32>
      %sub3A_399 = arith.subf %sub3A_398, %mul3A_396 : vector<16xf32>
      %mul3A_400 = arith.mulf %mul3A_391, %sub3A_399 : vector<16xf32>
      %mul3A_401 = arith.constant 5.000000e-01 : f32
      %mul3A_402 = vector.broadcast %mul3A_401 : f32 to vector<16xf32>
      %mul3A_403 = arith.mulf %mul3A_402, %max3A_375 : vector<16xf32>
      %mul3A_404 = arith.mulf %mul3A_403, %mul3A_400 : vector<16xf32>
      %mul3A_405 = arith.mulf %mul3A_404, %mul3A_400 : vector<16xf32>
      %sub3A_406 = arith.constant 1.500000e+00 : f32
      %sub3A_407 = vector.broadcast %sub3A_406 : f32 to vector<16xf32>
      %sub3A_408 = arith.subf %sub3A_407, %mul3A_405 : vector<16xf32>
      %mul3A_409 = arith.mulf %mul3A_400, %sub3A_408 : vector<16xf32>
      %mul3A_410 = arith.mulf %scan3A_372#0, %div3A_377 : vector<16xf32>
      %sub3A_411 = arith.subf %scan3A_372#1, %scan3A_372#2 : vector<16xf32>
      %mul3A_412 = arith.mulf %sub3A_411, %sub3A_411 : vector<16xf32>
      %mul3A_413 = arith.mulf %mul3A_412, %div3A_377 : vector<16xf32>
      %sub3A_414 = arith.constant 2.000000e+00 : f32
      %sub3A_415 = vector.broadcast %sub3A_414 : f32 to vector<16xf32>
      %sub3A_416 = arith.subf %mul3A_410, %sub3A_415 : vector<16xf32>
      %mul3A_417 = arith.mulf %mul3A_413, %sub3A_416 : vector<16xf32>
      %add3A_418 = arith.addf %scan3A_372#7, %mul3A_417 : vector<16xf32>
      %add3A_419 = arith.addf %add3A_418, %scan3A_372#4 : vector<16xf32>
      %mul3A_420 = arith.constant 2.000000e+00 : f32
      %mul3A_421 = vector.broadcast %mul3A_420 : f32 to vector<16xf32>
      %mul3A_422 = arith.mulf %mul3A_421, %scan3A_372#8 : vector<16xf32>
      %add3A_423 = arith.addf %add3A_419, %mul3A_422 : vector<16xf32>
      %mul3A_424 = arith.constant 2.000000e+00 : f32
      %mul3A_425 = vector.broadcast %mul3A_424 : f32 to vector<16xf32>
      %mul3A_426 = arith.mulf %mul3A_425, %sub3A_411 : vector<16xf32>
      %mul3A_427 = arith.mulf %mul3A_426, %scan3A_372#3 : vector<16xf32>
      %mul3A_428 = arith.mulf %mul3A_427, %div3A_377 : vector<16xf32>
      %sub3A_429 = arith.subf %add3A_423, %mul3A_428 : vector<16xf32>
      %max3A_430 = arith.constant 0.000000e+00 : f32
      %max3A_431 = vector.broadcast %max3A_430 : f32 to vector<16xf32>
      %max3A_432 = arith.maximumf %sub3A_429, %max3A_431 : vector<16xf32>
      %max3A_433 = arith.constant 1.000000e-30 : f32
      %max3A_434 = vector.broadcast %max3A_433 : f32 to vector<16xf32>
      %max3A_435 = arith.maximumf %max3A_432, %max3A_434 : vector<16xf32>
      %bitcast3A_436 = vector.bitcast %max3A_435 : vector<16xf32> to vector<16xi32>
      %shift_right_arithmetic3A_437 = arith.constant 1 : i32
      %shift_right_arithmetic3A_438 = vector.broadcast %shift_right_arithmetic3A_437 : i32 to vector<16xi32>
      %shift_right_arithmetic3A_439 = arith.shrsi %bitcast3A_436, %shift_right_arithmetic3A_438 : vector<16xi32>
      %sub3A_440 = arith.constant 1597463007 : i32
      %sub3A_441 = vector.broadcast %sub3A_440 : i32 to vector<16xi32>
      %sub3A_442 = arith.subi %sub3A_441, %shift_right_arithmetic3A_439 : vector<16xi32>
      %bitcast3A_443 = vector.bitcast %sub3A_442 : vector<16xi32> to vector<16xf32>
      %mul3A_444 = arith.constant 5.000000e-01 : f32
      %mul3A_445 = vector.broadcast %mul3A_444 : f32 to vector<16xf32>
      %mul3A_446 = arith.mulf %mul3A_445, %max3A_435 : vector<16xf32>
      %mul3A_447 = arith.mulf %mul3A_446, %bitcast3A_443 : vector<16xf32>
      %mul3A_448 = arith.mulf %mul3A_447, %bitcast3A_443 : vector<16xf32>
      %sub3A_449 = arith.constant 1.500000e+00 : f32
      %sub3A_450 = vector.broadcast %sub3A_449 : f32 to vector<16xf32>
      %sub3A_451 = arith.subf %sub3A_450, %mul3A_448 : vector<16xf32>
      %mul3A_452 = arith.mulf %bitcast3A_443, %sub3A_451 : vector<16xf32>
      %mul3A_453 = arith.constant 5.000000e-01 : f32
      %mul3A_454 = vector.broadcast %mul3A_453 : f32 to vector<16xf32>
      %mul3A_455 = arith.mulf %mul3A_454, %max3A_435 : vector<16xf32>
      %mul3A_456 = arith.mulf %mul3A_455, %mul3A_452 : vector<16xf32>
      %mul3A_457 = arith.mulf %mul3A_456, %mul3A_452 : vector<16xf32>
      %sub3A_458 = arith.constant 1.500000e+00 : f32
      %sub3A_459 = vector.broadcast %sub3A_458 : f32 to vector<16xf32>
      %sub3A_460 = arith.subf %sub3A_459, %mul3A_457 : vector<16xf32>
      %mul3A_461 = arith.mulf %mul3A_452, %sub3A_460 : vector<16xf32>
      %mul3A_462 = arith.constant 5.000000e-01 : f32
      %mul3A_463 = vector.broadcast %mul3A_462 : f32 to vector<16xf32>
      %mul3A_464 = arith.mulf %mul3A_463, %max3A_435 : vector<16xf32>
      %mul3A_465 = arith.mulf %mul3A_464, %mul3A_461 : vector<16xf32>
      %mul3A_466 = arith.mulf %mul3A_465, %mul3A_461 : vector<16xf32>
      %sub3A_467 = arith.constant 1.500000e+00 : f32
      %sub3A_468 = vector.broadcast %sub3A_467 : f32 to vector<16xf32>
      %sub3A_469 = arith.subf %sub3A_468, %mul3A_466 : vector<16xf32>
      %mul3A_470 = arith.mulf %mul3A_461, %sub3A_469 : vector<16xf32>
      %mul3A_471 = arith.mulf %max3A_432, %mul3A_470 : vector<16xf32>
      %swap3A_472 = arith.index_cast %add3A_356 : i32 to index
      %swap3A_473 = tpu.vector_load %arg22[%swap3A_472] {strides = array<i32>} : memref<512xf32, #tpu.memory_space<vmem>>, vector<16xf32>,
      tpu.vector_store %arg22[%swap3A_472], %mul3A_471 {strides = array<i32>} : memref<512xf32, #tpu.memory_space<vmem>>, vector<16xf32>,
      %mul3A_474 = arith.mulf %scan3A_372#3, %mul3A_409 : vector<16xf32>
      %sub3A_475 = arith.constant 9.99999997E-7 : f32
      %sub3A_476 = vector.broadcast %sub3A_475 : f32 to vector<16xf32>
      %sub3A_477 = arith.subf %mul3A_474, %sub3A_476 : vector<16xf32>
      %max3A_478 = arith.constant 0.000000e+00 : f32
      %max3A_479 = vector.broadcast %max3A_478 : f32 to vector<16xf32>
      %max3A_480 = arith.maximumf %sub3A_477, %max3A_479 : vector<16xf32>
      %add3A_481 = arith.addf %scan3A_350, %max3A_480 : vector<16xf32>
      %add3A_482 = arith.addf %scan3A_351, %scan3A_372#5 : vector<16xf32>
      %mul3A_483 = arith.mulf %scan3A_372#1, %scan3A_372#1 : vector<16xf32>
      %mul3A_484 = arith.mulf %mul3A_483, %div3A_377 : vector<16xf32>
      %sub3A_485 = arith.constant 2.000000e+00 : f32
      %sub3A_486 = vector.broadcast %sub3A_485 : f32 to vector<16xf32>
      %sub3A_487 = arith.subf %mul3A_410, %sub3A_486 : vector<16xf32>
      %mul3A_488 = arith.mulf %mul3A_484, %sub3A_487 : vector<16xf32>
      %add3A_489 = arith.addf %add3A_482, %mul3A_488 : vector<16xf32>
      %add3A_490 = arith.addf %scan3A_352, %scan3A_372#6 : vector<16xf32>
      %mul3A_491 = arith.mulf %scan3A_372#2, %scan3A_372#2 : vector<16xf32>
      %mul3A_492 = arith.mulf %mul3A_491, %div3A_377 : vector<16xf32>
      %sub3A_493 = arith.constant 2.000000e+00 : f32
      %sub3A_494 = vector.broadcast %sub3A_493 : f32 to vector<16xf32>
      %sub3A_495 = arith.subf %mul3A_410, %sub3A_494 : vector<16xf32>
      %mul3A_496 = arith.mulf %mul3A_492, %sub3A_495 : vector<16xf32>
      %add3A_497 = arith.addf %add3A_490, %mul3A_496 : vector<16xf32>
      scf.yield %add3A_481, %add3A_489, %add3A_497 : vector<16xf32>, vector<16xf32>, vector<16xf32>
    }
    %scan3A_188 = arith.constant 4 : i32
    %scan3A_189 = arith.constant 0 : i32
    %scan3A_190 = arith.constant 0 : i32
    %scan3A_191 = arith.constant 4 : i32
    %scan3A_192 = arith.addi %scan3A_190, %scan3A_191 : i32
    %scan3A_193 = arith.constant 1 : i32
    %scan3A_194 = scf.for %scan3A_349 = %scan3A_190 to %scan3A_192 step %scan3A_193 iter_args(%scan3A_350 = %scan3A_189) -> (i32)  : i32 {
      %mul3A_351 = arith.constant 16 : i32
      %mul3A_352 = arith.muli %scan3A_349, %mul3A_351 : i32
      %add3A_353 = arith.constant 320 : i32
      %add3A_354 = arith.addi %add3A_353, %mul3A_352 : i32
      %get3A = arith.index_cast %add3A_354 : i32 to index
      %get3A_355 = tpu.vector_load %arg10[%get3A] {strides = array<i32>} : memref<512xi32, #tpu.memory_space<vmem>>, vector<16xi32>,
      %mul3A_356 = arith.constant 16 : i32
      %mul3A_357 = arith.muli %scan3A_349, %mul3A_356 : i32
      %add3A_358 = arith.constant 320 : i32
      %add3A_359 = arith.addi %add3A_358, %mul3A_357 : i32
      %get3A_360 = arith.index_cast %add3A_359 : i32 to index
      %get3A_361 = tpu.vector_load %arg11[%get3A_360] {strides = array<i32>} : memref<512xi32, #tpu.memory_space<vmem>>, vector<16xi32>,
      %scan3A_362 = arith.constant 0 : i32
      %scan3A_363 = arith.constant 0 : i32
      %scan3A_364 = arith.constant 16 : i32
      %scan3A_365 = arith.addi %scan3A_363, %scan3A_364 : i32
      %scan3A_366 = arith.constant 2 : i32
      %scan3A_367 = scf.for %scan3A_370 = %scan3A_363 to %scan3A_365 step %scan3A_366 iter_args(%scan3A_371 = %scan3A_362) -> (i32)  : i32 {
        %eq3A = vector.broadcast %scan3A_370 : i32 to vector<16xi32>
        %eq3A_372 = arith.cmpi eq, %iota3A, %eq3A : vector<16xi32>
        %jit3A = arith.constant 0 : i32
        %broadcast_in_dim3A_373 = vector.broadcast %jit3A : i32 to vector<16xi32>
        %select_n3A = arith.select %eq3A_372, %get3A_355, %broadcast_in_dim3A_373 : vector<16xi1>, vector<16xi32>
        %reduce_sum3A = arith.constant true
        %reduce_sum3A_374 = vector.broadcast %reduce_sum3A : i1 to vector<16xi1>
        %reduce_sum3A_375 = tpu.scan <sum>, %select_n3A masked %reduce_sum3A_374 : vector<16xi32>, vector<16xi1> -> vector<16xi32>
        %reduce_sum3A_376 = vector.extract %reduce_sum3A_375[15] : i32 from vector<16xi32>
        %eq3A_377 = vector.broadcast %scan3A_370 : i32 to vector<16xi32>
        %eq3A_378 = arith.cmpi eq, %iota3A, %eq3A_377 : vector<16xi32>
        %jit3A_379 = arith.constant 0 : i32
        %broadcast_in_dim3A_380 = vector.broadcast %jit3A_379 : i32 to vector<16xi32>
        %select_n3A_381 = arith.select %eq3A_378, %get3A_361, %broadcast_in_dim3A_380 : vector<16xi1>, vector<16xi32>
        %reduce_sum3A_382 = arith.constant true
        %reduce_sum3A_383 = vector.broadcast %reduce_sum3A_382 : i1 to vector<16xi1>
        %reduce_sum3A_384 = tpu.scan <sum>, %select_n3A_381 masked %reduce_sum3A_383 : vector<16xi32>, vector<16xi1> -> vector<16xi32>
        %reduce_sum3A_385 = vector.extract %reduce_sum3A_384[15] : i32 from vector<16xi32>
        %mul3A_386 = arith.constant 16 : i32
        %mul3A_387 = arith.muli %scan3A_349, %mul3A_386 : i32
        %add3A_388 = arith.addi %mul3A_387, %scan3A_370 : i32
        %shift_right_arithmetic3A = arith.constant 3 : i32
        %shift_right_arithmetic3A_389 = arith.shrsi %reduce_sum3A_376, %shift_right_arithmetic3A : i32
        %and3A = arith.constant 7 : i32
        %and3A_390 = arith.andi %reduce_sum3A_376, %and3A : i32
        %dma_start3A_391 = arith.constant 0 : i32
        %dma_start3A_392 = tpu.memref_slice %arg18[%add3A_388, %dma_start3A_391] : memref<64x64xf32, #tpu.memory_space<vmem>> -> memref<1x64xf32, #tpu.memory_space<vmem>>
        %dma_start3A_393 = arith.constant 0 : i32
        %dma_start3A_394 = tpu.memref_slice %arg5[%shift_right_arithmetic3A_389, %and3A_390, %dma_start3A_393] : memref<125000x8x64xf32, #tpu.memory_space<hbm>> -> memref<1x1x64xf32, #tpu.memory_space<hbm>>
        %dma_start3A_395 = tpu.memref_squeeze %dma_start3A_394 : memref<1x1x64xf32, #tpu.memory_space<hbm>> -> memref<1x64xf32, #tpu.memory_space<hbm>>
        %dma_start3A_396 = arith.constant 0 : i32
        %dma_start3A_397 = tpu.memref_slice %arg18[%add3A_388, %dma_start3A_396] : memref<64x64xf32, #tpu.memory_space<vmem>> -> memref<1x64xf32, #tpu.memory_space<vmem>>
        %dma_start3A_398 = arith.constant 0 : i32
        %dma_start3A_399 = tpu.memref_slice %arg5[%shift_right_arithmetic3A_389, %and3A_390, %dma_start3A_398] : memref<125000x8x64xf32, #tpu.memory_space<hbm>> -> memref<1x1x64xf32, #tpu.memory_space<hbm>>
        %dma_start3A_400 = tpu.memref_squeeze %dma_start3A_399 : memref<1x1x64xf32, #tpu.memory_space<hbm>> -> memref<1x64xf32, #tpu.memory_space<hbm>>
        tpu.enqueue_dma source(%dma_start3A_400 : memref<1x64xf32, #tpu.memory_space<hbm>>) target(%dma_start3A_397 : memref<1x64xf32, #tpu.memory_space<vmem>>) target_semaphore(%arg26 : memref<!tpu.dma_semaphore, #tpu.memory_space<semaphore_mem>>)
        %shift_right_arithmetic3A_401 = arith.constant 3 : i32
        %shift_right_arithmetic3A_402 = arith.shrsi %reduce_sum3A_385, %shift_right_arithmetic3A_401 : i32
        %and3A_403 = arith.constant 7 : i32
        %and3A_404 = arith.andi %reduce_sum3A_385, %and3A_403 : i32
        %dma_start3A_405 = arith.constant 0 : i32
        %dma_start3A_406 = tpu.memref_slice %arg19[%add3A_388, %dma_start3A_405] : memref<64x64xf32, #tpu.memory_space<vmem>> -> memref<1x64xf32, #tpu.memory_space<vmem>>
        %dma_start3A_407 = arith.constant 0 : i32
        %dma_start3A_408 = tpu.memref_slice %arg5[%shift_right_arithmetic3A_402, %and3A_404, %dma_start3A_407] : memref<125000x8x64xf32, #tpu.memory_space<hbm>> -> memref<1x1x64xf32, #tpu.memory_space<hbm>>
        %dma_start3A_409 = tpu.memref_squeeze %dma_start3A_408 : memref<1x1x64xf32, #tpu.memory_space<hbm>> -> memref<1x64xf32, #tpu.memory_space<hbm>>
        %dma_start3A_410 = arith.constant 0 : i32
        %dma_start3A_411 = tpu.memref_slice %arg19[%add3A_388, %dma_start3A_410] : memref<64x64xf32, #tpu.memory_space<vmem>> -> memref<1x64xf32, #tpu.memory_space<vmem>>
        %dma_start3A_412 = arith.constant 0 : i32
        %dma_start3A_413 = tpu.memref_slice %arg5[%shift_right_arithmetic3A_402, %and3A_404, %dma_start3A_412] : memref<125000x8x64xf32, #tpu.memory_space<hbm>> -> memref<1x1x64xf32, #tpu.memory_space<hbm>>
        %dma_start3A_414 = tpu.memref_squeeze %dma_start3A_413 : memref<1x1x64xf32, #tpu.memory_space<hbm>> -> memref<1x64xf32, #tpu.memory_space<hbm>>
        tpu.enqueue_dma source(%dma_start3A_414 : memref<1x64xf32, #tpu.memory_space<hbm>>) target(%dma_start3A_411 : memref<1x64xf32, #tpu.memory_space<vmem>>) target_semaphore(%arg26 : memref<!tpu.dma_semaphore, #tpu.memory_space<semaphore_mem>>)
        %scan3A_415 = arith.constant 0 : i32
        %scan3A_416 = arith.constant 1 : i32
        %scan3A_417 = arith.addi %scan3A_370, %scan3A_416 : i32
        %eq3A_418 = vector.broadcast %scan3A_417 : i32 to vector<16xi32>
        %eq3A_419 = arith.cmpi eq, %iota3A, %eq3A_418 : vector<16xi32>
        %jit3A_420 = arith.constant 0 : i32
        %broadcast_in_dim3A_421 = vector.broadcast %jit3A_420 : i32 to vector<16xi32>
        %select_n3A_422 = arith.select %eq3A_419, %get3A_355, %broadcast_in_dim3A_421 : vector<16xi1>, vector<16xi32>
        %reduce_sum3A_423 = arith.constant true
        %reduce_sum3A_424 = vector.broadcast %reduce_sum3A_423 : i1 to vector<16xi1>
        %reduce_sum3A_425 = tpu.scan <sum>, %select_n3A_422 masked %reduce_sum3A_424 : vector<16xi32>, vector<16xi1> -> vector<16xi32>
        %reduce_sum3A_426 = vector.extract %reduce_sum3A_425[15] : i32 from vector<16xi32>
        %eq3A_427 = vector.broadcast %scan3A_417 : i32 to vector<16xi32>
        %eq3A_428 = arith.cmpi eq, %iota3A, %eq3A_427 : vector<16xi32>
        %jit3A_429 = arith.constant 0 : i32
        %broadcast_in_dim3A_430 = vector.broadcast %jit3A_429 : i32 to vector<16xi32>
        %select_n3A_431 = arith.select %eq3A_428, %get3A_361, %broadcast_in_dim3A_430 : vector<16xi1>, vector<16xi32>
        %reduce_sum3A_432 = arith.constant true
        %reduce_sum3A_433 = vector.broadcast %reduce_sum3A_432 : i1 to vector<16xi1>
        %reduce_sum3A_434 = tpu.scan <sum>, %select_n3A_431 masked %reduce_sum3A_433 : vector<16xi32>, vector<16xi1> -> vector<16xi32>
        %reduce_sum3A_435 = vector.extract %reduce_sum3A_434[15] : i32 from vector<16xi32>
        %mul3A_436 = arith.constant 16 : i32
        %mul3A_437 = arith.muli %scan3A_349, %mul3A_436 : i32
        %add3A_438 = arith.addi %mul3A_437, %scan3A_417 : i32
        %shift_right_arithmetic3A_439 = arith.constant 3 : i32
        %shift_right_arithmetic3A_440 = arith.shrsi %reduce_sum3A_426, %shift_right_arithmetic3A_439 : i32
        %and3A_441 = arith.constant 7 : i32
        %and3A_442 = arith.andi %reduce_sum3A_426, %and3A_441 : i32
        %dma_start3A_443 = arith.constant 0 : i32
        %dma_start3A_444 = tpu.memref_slice %arg18[%add3A_438, %dma_start3A_443] : memref<64x64xf32, #tpu.memory_space<vmem>> -> memref<1x64xf32, #tpu.memory_space<vmem>>
        %dma_start3A_445 = arith.constant 0 : i32
        %dma_start3A_446 = tpu.memref_slice %arg5[%shift_right_arithmetic3A_440, %and3A_442, %dma_start3A_445] : memref<125000x8x64xf32, #tpu.memory_space<hbm>> -> memref<1x1x64xf32, #tpu.memory_space<hbm>>
        %dma_start3A_447 = tpu.memref_squeeze %dma_start3A_446 : memref<1x1x64xf32, #tpu.memory_space<hbm>> -> memref<1x64xf32, #tpu.memory_space<hbm>>
        %dma_start3A_448 = arith.constant 0 : i32
        %dma_start3A_449 = tpu.memref_slice %arg18[%add3A_438, %dma_start3A_448] : memref<64x64xf32, #tpu.memory_space<vmem>> -> memref<1x64xf32, #tpu.memory_space<vmem>>
        %dma_start3A_450 = arith.constant 0 : i32
        %dma_start3A_451 = tpu.memref_slice %arg5[%shift_right_arithmetic3A_440, %and3A_442, %dma_start3A_450] : memref<125000x8x64xf32, #tpu.memory_space<hbm>> -> memref<1x1x64xf32, #tpu.memory_space<hbm>>
        %dma_start3A_452 = tpu.memref_squeeze %dma_start3A_451 : memref<1x1x64xf32, #tpu.memory_space<hbm>> -> memref<1x64xf32, #tpu.memory_space<hbm>>
        tpu.enqueue_dma source(%dma_start3A_452 : memref<1x64xf32, #tpu.memory_space<hbm>>) target(%dma_start3A_449 : memref<1x64xf32, #tpu.memory_space<vmem>>) target_semaphore(%arg26 : memref<!tpu.dma_semaphore, #tpu.memory_space<semaphore_mem>>)
        %shift_right_arithmetic3A_453 = arith.constant 3 : i32
        %shift_right_arithmetic3A_454 = arith.shrsi %reduce_sum3A_435, %shift_right_arithmetic3A_453 : i32
        %and3A_455 = arith.constant 7 : i32
        %and3A_456 = arith.andi %reduce_sum3A_435, %and3A_455 : i32
        %dma_start3A_457 = arith.constant 0 : i32
        %dma_start3A_458 = tpu.memref_slice %arg19[%add3A_438, %dma_start3A_457] : memref<64x64xf32, #tpu.memory_space<vmem>> -> memref<1x64xf32, #tpu.memory_space<vmem>>
        %dma_start3A_459 = arith.constant 0 : i32
        %dma_start3A_460 = tpu.memref_slice %arg5[%shift_right_arithmetic3A_454, %and3A_456, %dma_start3A_459] : memref<125000x8x64xf32, #tpu.memory_space<hbm>> -> memref<1x1x64xf32, #tpu.memory_space<hbm>>
        %dma_start3A_461 = tpu.memref_squeeze %dma_start3A_460 : memref<1x1x64xf32, #tpu.memory_space<hbm>> -> memref<1x64xf32, #tpu.memory_space<hbm>>
        %dma_start3A_462 = arith.constant 0 : i32
        %dma_start3A_463 = tpu.memref_slice %arg19[%add3A_438, %dma_start3A_462] : memref<64x64xf32, #tpu.memory_space<vmem>> -> memref<1x64xf32, #tpu.memory_space<vmem>>
        %dma_start3A_464 = arith.constant 0 : i32
        %dma_start3A_465 = tpu.memref_slice %arg5[%shift_right_arithmetic3A_454, %and3A_456, %dma_start3A_464] : memref<125000x8x64xf32, #tpu.memory_space<hbm>> -> memref<1x1x64xf32, #tpu.memory_space<hbm>>
        %dma_start3A_466 = tpu.memref_squeeze %dma_start3A_465 : memref<1x1x64xf32, #tpu.memory_space<hbm>> -> memref<1x64xf32, #tpu.memory_space<hbm>>
        tpu.enqueue_dma source(%dma_start3A_466 : memref<1x64xf32, #tpu.memory_space<hbm>>) target(%dma_start3A_463 : memref<1x64xf32, #tpu.memory_space<vmem>>) target_semaphore(%arg26 : memref<!tpu.dma_semaphore, #tpu.memory_space<semaphore_mem>>)
        %scan3A_467 = arith.constant 0 : i32
        scf.yield %scan3A_467 : i32
      }
      %scan3A_368 = arith.constant 16 : i32
      %scan3A_369 = arith.constant 0 : i32
      scf.yield %scan3A_369 : i32
    }
    %scan3A_195 = arith.constant 4 : i32
    %dma_start3A_196 = arith.constant 320 : i32
    %dma_start3A_197 = tpu.memref_slice %arg13[%dma_start3A_196] : memref<512xi32, #tpu.memory_space<vmem>> -> memref<64xi32, #tpu.memory_space<vmem>>
    %dma_start3A_198 = arith.constant 0 : i32
    %dma_start3A_199 = arith.constant 0 : i32
    %dma_start3A_200 = tpu.memref_slice %arg6[%dma_start3A_198, %dma_start3A_199] : memref<500x128xf32, #tpu.memory_space<hbm>> -> memref<500x128xf32, #tpu.memory_space<hbm>>
    tpu.enqueue_indirect_dma source(%dma_start3A_200 : memref<500x128xf32, #tpu.memory_space<hbm>>) target(%arg20 : memref<64x128xf32, #tpu.memory_space<vmem>>) offsets(%dma_start3A_197 : memref<64xi32, #tpu.memory_space<vmem>>) semaphore(%arg27 : memref<!tpu.dma_semaphore, #tpu.memory_space<semaphore_mem>>)
    %dma_start3A_201 = arith.constant 320 : i32
    %dma_start3A_202 = tpu.memref_slice %arg13[%dma_start3A_201] : memref<512xi32, #tpu.memory_space<vmem>> -> memref<64xi32, #tpu.memory_space<vmem>>
    %dma_start3A_203 = arith.constant 0 : i32
    %dma_start3A_204 = arith.constant 0 : i32
    %dma_start3A_205 = tpu.memref_slice %arg7[%dma_start3A_203, %dma_start3A_204] : memref<500x128xf32, #tpu.memory_space<hbm>> -> memref<500x128xf32, #tpu.memory_space<hbm>>
    tpu.enqueue_indirect_dma source(%dma_start3A_205 : memref<500x128xf32, #tpu.memory_space<hbm>>) target(%arg21 : memref<64x128xf32, #tpu.memory_space<vmem>>) offsets(%dma_start3A_202 : memref<64xi32, #tpu.memory_space<vmem>>) semaphore(%arg27 : memref<!tpu.dma_semaphore, #tpu.memory_space<semaphore_mem>>)
    %scan3A_206 = arith.constant 0 : i32
    %scan3A_207 = arith.constant 0 : i32
    %scan3A_208 = arith.constant 128 : i32
    %scan3A_209 = arith.addi %scan3A_207, %scan3A_208 : i32
    %scan3A_210 = arith.constant 1 : i32
    %scan3A_211 = scf.for %scan3A_349 = %scan3A_207 to %scan3A_209 step %scan3A_210 iter_args(%scan3A_350 = %scan3A_206) -> (i32)  : i32 {
      %dma_wait3A_351 = arith.constant 0 : i32
      %dma_wait3A_352 = arith.constant 0 : i32
      %dma_wait3A_353 = arith.constant 0 : i32
      %dma_wait3A_354 = tpu.memref_slice %arg14[%dma_wait3A_352, %dma_wait3A_353] : memref<64x64xf32, #tpu.memory_space<vmem>> -> memref<1x64xf32, #tpu.memory_space<vmem>>
      %dma_wait3A_355 = arith.constant 0 : i32
      %dma_wait3A_356 = arith.constant 0 : i32
      %dma_wait3A_357 = tpu.memref_slice %arg5[%dma_wait3A_351, %dma_wait3A_355, %dma_wait3A_356] : memref<125000x8x64xf32, #tpu.memory_space<hbm>> -> memref<1x1x64xf32, #tpu.memory_space<hbm>>
      %dma_wait3A_358 = tpu.memref_squeeze %dma_wait3A_357 : memref<1x1x64xf32, #tpu.memory_space<hbm>> -> memref<1x64xf32, #tpu.memory_space<hbm>>
      %dma_wait3A_359 = arith.constant 0 : i32
      %dma_wait3A_360 = arith.constant 0 : i32
      %dma_wait3A_361 = tpu.memref_slice %arg14[%dma_wait3A_359, %dma_wait3A_360] : memref<64x64xf32, #tpu.memory_space<vmem>> -> memref<1x64xf32, #tpu.memory_space<vmem>>
      %dma_wait3A_362 = arith.constant 0 : i32
      %dma_wait3A_363 = arith.constant 0 : i32
      %dma_wait3A_364 = tpu.memref_slice %arg5[%dma_wait3A_351, %dma_wait3A_362, %dma_wait3A_363] : memref<125000x8x64xf32, #tpu.memory_space<hbm>> -> memref<1x1x64xf32, #tpu.memory_space<hbm>>
      %dma_wait3A_365 = tpu.memref_squeeze %dma_wait3A_364 : memref<1x1x64xf32, #tpu.memory_space<hbm>> -> memref<1x64xf32, #tpu.memory_space<hbm>>
      tpu.wait_dma2 semaphore(%arg24 : memref<!tpu.dma_semaphore, #tpu.memory_space<semaphore_mem>>) src(%dma_wait3A_365 : memref<1x64xf32, #tpu.memory_space<hbm>>) dst(%dma_wait3A_361 : memref<1x64xf32, #tpu.memory_space<vmem>>)
      %scan3A_366 = arith.constant 0 : i32
      scf.yield %scan3A_366 : i32
    }
    %scan3A_212 = arith.constant 128 : i32
    %dma_wait3A_213 = arith.constant 256 : i32
    %dma_wait3A_214 = tpu.memref_slice %arg13[%dma_wait3A_213] : memref<512xi32, #tpu.memory_space<vmem>> -> memref<64xi32, #tpu.memory_space<vmem>>
    %dma_wait3A_215 = arith.constant 0 : i32
    %dma_wait3A_216 = arith.constant 0 : i32
    %dma_wait3A_217 = tpu.memref_slice %arg6[%dma_wait3A_215, %dma_wait3A_216] : memref<500x128xf32, #tpu.memory_space<hbm>> -> memref<500x128xf32, #tpu.memory_space<hbm>>
    tpu.wait_indirect_dma semaphore(%arg25 : memref<!tpu.dma_semaphore, #tpu.memory_space<semaphore_mem>>) src(%dma_wait3A_217 : memref<500x128xf32, #tpu.memory_space<hbm>>) dst(%arg16 : memref<64x128xf32, #tpu.memory_space<vmem>>)
    %dma_wait3A_218 = arith.constant 256 : i32
    %dma_wait3A_219 = tpu.memref_slice %arg13[%dma_wait3A_218] : memref<512xi32, #tpu.memory_space<vmem>> -> memref<64xi32, #tpu.memory_space<vmem>>
    %dma_wait3A_220 = arith.constant 0 : i32
    %dma_wait3A_221 = arith.constant 0 : i32
    %dma_wait3A_222 = tpu.memref_slice %arg7[%dma_wait3A_220, %dma_wait3A_221] : memref<500x128xf32, #tpu.memory_space<hbm>> -> memref<500x128xf32, #tpu.memory_space<hbm>>
    tpu.wait_indirect_dma semaphore(%arg25 : memref<!tpu.dma_semaphore, #tpu.memory_space<semaphore_mem>>) src(%dma_wait3A_222 : memref<500x128xf32, #tpu.memory_space<hbm>>) dst(%arg17 : memref<64x128xf32, #tpu.memory_space<vmem>>)
    %scan3A_223 = arith.constant 0 : i32
    %scan3A_224 = arith.constant 4 : i32
    %scan3A_225 = arith.addi %scan3A_223, %scan3A_224 : i32
    %scan3A_226 = arith.constant 1 : i32
    %scan3A_227:3 = scf.for %scan3A_349 = %scan3A_223 to %scan3A_225 step %scan3A_226 iter_args(%scan3A_350 = %scan3A_187#0, %scan3A_351 = %scan3A_187#1, %scan3A_352 = %scan3A_187#2) -> (vector<16xf32>, vector<16xf32>, vector<16xf32>)  : i32 {
      %mul3A_353 = arith.constant 16 : i32
      %mul3A_354 = arith.muli %scan3A_349, %mul3A_353 : i32
      %add3A_355 = arith.constant 256 : i32
      %add3A_356 = arith.addi %add3A_355, %mul3A_354 : i32
      %get3A = arith.index_cast %add3A_356 : i32 to index
      %get3A_357 = tpu.vector_load %arg12[%get3A] {strides = array<i32>} : memref<512xi32, #tpu.memory_space<vmem>>, vector<16xi32>,
      %and3A = arith.constant 1 : i32
      %and3A_358 = vector.broadcast %and3A : i32 to vector<16xi32>
      %and3A_359 = arith.andi %get3A_357, %and3A_358 : vector<16xi32>
      %shift_left3A = arith.constant 6 : i32
      %shift_left3A_360 = vector.broadcast %shift_left3A : i32 to vector<16xi32>
      %shift_left3A_361 = arith.shli %and3A_359, %shift_left3A_360 : vector<16xi32>
      %mul3A_362 = arith.constant 16 : i32
      %mul3A_363 = arith.muli %scan3A_349, %mul3A_362 : i32
      %add3A_364 = vector.broadcast %mul3A_363 : i32 to vector<16xi32>
      %add3A_365 = arith.addi %add3A_364, %iota3A : vector<16xi32>
      %broadcast_in_dim3A_366 = arith.constant 0.000000e+00 : f32
      %broadcast_in_dim3A_367 = vector.broadcast %broadcast_in_dim3A_366 : f32 to vector<16xf32>
      %scan3A_368 = arith.constant 0 : i32
      %scan3A_369 = arith.constant 64 : i32
      %scan3A_370 = arith.addi %scan3A_368, %scan3A_369 : i32
      %scan3A_371 = arith.constant 2 : i32
      %scan3A_372:9 = scf.for %scan3A_498 = %scan3A_368 to %scan3A_370 step %scan3A_371 iter_args(%scan3A_499 = %broadcast_in_dim3A_367, %scan3A_500 = %broadcast_in_dim3A_367, %scan3A_501 = %broadcast_in_dim3A_367, %scan3A_502 = %broadcast_in_dim3A_367, %scan3A_503 = %broadcast_in_dim3A_367, %scan3A_504 = %broadcast_in_dim3A_367, %scan3A_505 = %broadcast_in_dim3A_367, %scan3A_506 = %broadcast_in_dim3A_367, %scan3A_507 = %broadcast_in_dim3A_367) -> (vector<16xf32>, vector<16xf32>, vector<16xf32>, vector<16xf32>, vector<16xf32>, vector<16xf32>, vector<16xf32>, vector<16xf32>, vector<16xf32>)  : i32 {
        %add3A_508 = vector.broadcast %scan3A_498 : i32 to vector<16xi32>
        %add3A_509 = arith.addi %iota3A, %add3A_508 : vector<16xi32>
        %and3A_510 = arith.constant 63 : i32
        %and3A_511 = vector.broadcast %and3A_510 : i32 to vector<16xi32>
        %and3A_512 = arith.andi %add3A_509, %and3A_511 : vector<16xi32>
        %gather3A = tpu.vector_load_idx %arg14[%add3A_365, %and3A_512] : memref<64x64xf32, #tpu.memory_space<vmem>>[vector<16xi32>, vector<16xi32>], vector<16xf32>,
        %gather3A_513 = tpu.vector_load_idx %arg15[%add3A_365, %and3A_512] : memref<64x64xf32, #tpu.memory_space<vmem>>[vector<16xi32>, vector<16xi32>], vector<16xf32>,
        %add3A_514 = arith.addi %shift_left3A_361, %and3A_512 : vector<16xi32>
        %gather3A_515 = tpu.vector_load_idx %arg16[%add3A_365, %add3A_514] : memref<64x128xf32, #tpu.memory_space<vmem>>[vector<16xi32>, vector<16xi32>], vector<16xf32>,
        %add3A_516 = arith.addi %shift_left3A_361, %and3A_512 : vector<16xi32>
        %gather3A_517 = tpu.vector_load_idx %arg17[%add3A_365, %add3A_516] : memref<64x128xf32, #tpu.memory_space<vmem>>[vector<16xi32>, vector<16xi32>], vector<16xf32>,
        %sub3A_518 = arith.subf %gather3A, %gather3A_513 : vector<16xf32>
        %mul3A_519 = arith.mulf %gather3A_517, %gather3A_517 : vector<16xf32>
        %add3A_520 = arith.addf %scan3A_499, %mul3A_519 : vector<16xf32>
        %mul3A_521 = arith.mulf %gather3A_517, %gather3A : vector<16xf32>
        %add3A_522 = arith.addf %scan3A_500, %mul3A_521 : vector<16xf32>
        %mul3A_523 = arith.mulf %gather3A_517, %gather3A_513 : vector<16xf32>
        %add3A_524 = arith.addf %scan3A_501, %mul3A_523 : vector<16xf32>
        %mul3A_525 = arith.mulf %gather3A_517, %gather3A_515 : vector<16xf32>
        %add3A_526 = arith.addf %scan3A_502, %mul3A_525 : vector<16xf32>
        %mul3A_527 = arith.mulf %gather3A_515, %gather3A_515 : vector<16xf32>
        %add3A_528 = arith.addf %scan3A_503, %mul3A_527 : vector<16xf32>
        %mul3A_529 = arith.mulf %gather3A, %gather3A : vector<16xf32>
        %add3A_530 = arith.addf %scan3A_504, %mul3A_529 : vector<16xf32>
        %mul3A_531 = arith.mulf %gather3A_513, %gather3A_513 : vector<16xf32>
        %add3A_532 = arith.addf %scan3A_505, %mul3A_531 : vector<16xf32>
        %mul3A_533 = arith.mulf %sub3A_518, %sub3A_518 : vector<16xf32>
        %add3A_534 = arith.addf %scan3A_506, %mul3A_533 : vector<16xf32>
        %mul3A_535 = arith.mulf %sub3A_518, %gather3A_515 : vector<16xf32>
        %add3A_536 = arith.addf %scan3A_507, %mul3A_535 : vector<16xf32>
        %scan3A_537 = arith.constant 1 : i32
        %scan3A_538 = arith.addi %scan3A_498, %scan3A_537 : i32
        %add3A_539 = vector.broadcast %scan3A_538 : i32 to vector<16xi32>
        %add3A_540 = arith.addi %iota3A, %add3A_539 : vector<16xi32>
        %and3A_541 = arith.constant 63 : i32
        %and3A_542 = vector.broadcast %and3A_541 : i32 to vector<16xi32>
        %and3A_543 = arith.andi %add3A_540, %and3A_542 : vector<16xi32>
        %gather3A_544 = tpu.vector_load_idx %arg14[%add3A_365, %and3A_543] : memref<64x64xf32, #tpu.memory_space<vmem>>[vector<16xi32>, vector<16xi32>], vector<16xf32>,
        %gather3A_545 = tpu.vector_load_idx %arg15[%add3A_365, %and3A_543] : memref<64x64xf32, #tpu.memory_space<vmem>>[vector<16xi32>, vector<16xi32>], vector<16xf32>,
        %add3A_546 = arith.addi %shift_left3A_361, %and3A_543 : vector<16xi32>
        %gather3A_547 = tpu.vector_load_idx %arg16[%add3A_365, %add3A_546] : memref<64x128xf32, #tpu.memory_space<vmem>>[vector<16xi32>, vector<16xi32>], vector<16xf32>,
        %add3A_548 = arith.addi %shift_left3A_361, %and3A_543 : vector<16xi32>
        %gather3A_549 = tpu.vector_load_idx %arg17[%add3A_365, %add3A_548] : memref<64x128xf32, #tpu.memory_space<vmem>>[vector<16xi32>, vector<16xi32>], vector<16xf32>,
        %sub3A_550 = arith.subf %gather3A_544, %gather3A_545 : vector<16xf32>
        %mul3A_551 = arith.mulf %gather3A_549, %gather3A_549 : vector<16xf32>
        %add3A_552 = arith.addf %add3A_520, %mul3A_551 : vector<16xf32>
        %mul3A_553 = arith.mulf %gather3A_549, %gather3A_544 : vector<16xf32>
        %add3A_554 = arith.addf %add3A_522, %mul3A_553 : vector<16xf32>
        %mul3A_555 = arith.mulf %gather3A_549, %gather3A_545 : vector<16xf32>
        %add3A_556 = arith.addf %add3A_524, %mul3A_555 : vector<16xf32>
        %mul3A_557 = arith.mulf %gather3A_549, %gather3A_547 : vector<16xf32>
        %add3A_558 = arith.addf %add3A_526, %mul3A_557 : vector<16xf32>
        %mul3A_559 = arith.mulf %gather3A_547, %gather3A_547 : vector<16xf32>
        %add3A_560 = arith.addf %add3A_528, %mul3A_559 : vector<16xf32>
        %mul3A_561 = arith.mulf %gather3A_544, %gather3A_544 : vector<16xf32>
        %add3A_562 = arith.addf %add3A_530, %mul3A_561 : vector<16xf32>
        %mul3A_563 = arith.mulf %gather3A_545, %gather3A_545 : vector<16xf32>
        %add3A_564 = arith.addf %add3A_532, %mul3A_563 : vector<16xf32>
        %mul3A_565 = arith.mulf %sub3A_550, %sub3A_550 : vector<16xf32>
        %add3A_566 = arith.addf %add3A_534, %mul3A_565 : vector<16xf32>
        %mul3A_567 = arith.mulf %sub3A_550, %gather3A_547 : vector<16xf32>
        %add3A_568 = arith.addf %add3A_536, %mul3A_567 : vector<16xf32>
        scf.yield %add3A_552, %add3A_554, %add3A_556, %add3A_558, %add3A_560, %add3A_562, %add3A_564, %add3A_566, %add3A_568 : vector<16xf32>, vector<16xf32>, vector<16xf32>, vector<16xf32>, vector<16xf32>, vector<16xf32>, vector<16xf32>, vector<16xf32>, vector<16xf32>
      }
      %scan3A_373 = arith.constant 64 : i32
      %max3A = arith.constant 1.000000e-24 : f32
      %max3A_374 = vector.broadcast %max3A : f32 to vector<16xf32>
      %max3A_375 = arith.maximumf %scan3A_372#0, %max3A_374 : vector<16xf32>
      %div3A = arith.constant 1.000000e+00 : f32
      %div3A_376 = vector.broadcast %div3A : f32 to vector<16xf32>
      %div3A_377 = arith.divf %div3A_376, %max3A_375 : vector<16xf32>
      %bitcast3A = vector.bitcast %max3A_375 : vector<16xf32> to vector<16xi32>
      %shift_right_arithmetic3A = arith.constant 1 : i32
      %shift_right_arithmetic3A_378 = vector.broadcast %shift_right_arithmetic3A : i32 to vector<16xi32>
      %shift_right_arithmetic3A_379 = arith.shrsi %bitcast3A, %shift_right_arithmetic3A_378 : vector<16xi32>
      %sub3A = arith.constant 1597463007 : i32
      %sub3A_380 = vector.broadcast %sub3A : i32 to vector<16xi32>
      %sub3A_381 = arith.subi %sub3A_380, %shift_right_arithmetic3A_379 : vector<16xi32>
      %bitcast3A_382 = vector.bitcast %sub3A_381 : vector<16xi32> to vector<16xf32>
      %mul3A_383 = arith.constant 5.000000e-01 : f32
      %mul3A_384 = vector.broadcast %mul3A_383 : f32 to vector<16xf32>
      %mul3A_385 = arith.mulf %mul3A_384, %max3A_375 : vector<16xf32>
      %mul3A_386 = arith.mulf %mul3A_385, %bitcast3A_382 : vector<16xf32>
      %mul3A_387 = arith.mulf %mul3A_386, %bitcast3A_382 : vector<16xf32>
      %sub3A_388 = arith.constant 1.500000e+00 : f32
      %sub3A_389 = vector.broadcast %sub3A_388 : f32 to vector<16xf32>
      %sub3A_390 = arith.subf %sub3A_389, %mul3A_387 : vector<16xf32>
      %mul3A_391 = arith.mulf %bitcast3A_382, %sub3A_390 : vector<16xf32>
      %mul3A_392 = arith.constant 5.000000e-01 : f32
      %mul3A_393 = vector.broadcast %mul3A_392 : f32 to vector<16xf32>
      %mul3A_394 = arith.mulf %mul3A_393, %max3A_375 : vector<16xf32>
      %mul3A_395 = arith.mulf %mul3A_394, %mul3A_391 : vector<16xf32>
      %mul3A_396 = arith.mulf %mul3A_395, %mul3A_391 : vector<16xf32>
      %sub3A_397 = arith.constant 1.500000e+00 : f32
      %sub3A_398 = vector.broadcast %sub3A_397 : f32 to vector<16xf32>
      %sub3A_399 = arith.subf %sub3A_398, %mul3A_396 : vector<16xf32>
      %mul3A_400 = arith.mulf %mul3A_391, %sub3A_399 : vector<16xf32>
      %mul3A_401 = arith.constant 5.000000e-01 : f32
      %mul3A_402 = vector.broadcast %mul3A_401 : f32 to vector<16xf32>
      %mul3A_403 = arith.mulf %mul3A_402, %max3A_375 : vector<16xf32>
      %mul3A_404 = arith.mulf %mul3A_403, %mul3A_400 : vector<16xf32>
      %mul3A_405 = arith.mulf %mul3A_404, %mul3A_400 : vector<16xf32>
      %sub3A_406 = arith.constant 1.500000e+00 : f32
      %sub3A_407 = vector.broadcast %sub3A_406 : f32 to vector<16xf32>
      %sub3A_408 = arith.subf %sub3A_407, %mul3A_405 : vector<16xf32>
      %mul3A_409 = arith.mulf %mul3A_400, %sub3A_408 : vector<16xf32>
      %mul3A_410 = arith.mulf %scan3A_372#0, %div3A_377 : vector<16xf32>
      %sub3A_411 = arith.subf %scan3A_372#1, %scan3A_372#2 : vector<16xf32>
      %mul3A_412 = arith.mulf %sub3A_411, %sub3A_411 : vector<16xf32>
      %mul3A_413 = arith.mulf %mul3A_412, %div3A_377 : vector<16xf32>
      %sub3A_414 = arith.constant 2.000000e+00 : f32
      %sub3A_415 = vector.broadcast %sub3A_414 : f32 to vector<16xf32>
      %sub3A_416 = arith.subf %mul3A_410, %sub3A_415 : vector<16xf32>
      %mul3A_417 = arith.mulf %mul3A_413, %sub3A_416 : vector<16xf32>
      %add3A_418 = arith.addf %scan3A_372#7, %mul3A_417 : vector<16xf32>
      %add3A_419 = arith.addf %add3A_418, %scan3A_372#4 : vector<16xf32>
      %mul3A_420 = arith.constant 2.000000e+00 : f32
      %mul3A_421 = vector.broadcast %mul3A_420 : f32 to vector<16xf32>
      %mul3A_422 = arith.mulf %mul3A_421, %scan3A_372#8 : vector<16xf32>
      %add3A_423 = arith.addf %add3A_419, %mul3A_422 : vector<16xf32>
      %mul3A_424 = arith.constant 2.000000e+00 : f32
      %mul3A_425 = vector.broadcast %mul3A_424 : f32 to vector<16xf32>
      %mul3A_426 = arith.mulf %mul3A_425, %sub3A_411 : vector<16xf32>
      %mul3A_427 = arith.mulf %mul3A_426, %scan3A_372#3 : vector<16xf32>
      %mul3A_428 = arith.mulf %mul3A_427, %div3A_377 : vector<16xf32>
      %sub3A_429 = arith.subf %add3A_423, %mul3A_428 : vector<16xf32>
      %max3A_430 = arith.constant 0.000000e+00 : f32
      %max3A_431 = vector.broadcast %max3A_430 : f32 to vector<16xf32>
      %max3A_432 = arith.maximumf %sub3A_429, %max3A_431 : vector<16xf32>
      %max3A_433 = arith.constant 1.000000e-30 : f32
      %max3A_434 = vector.broadcast %max3A_433 : f32 to vector<16xf32>
      %max3A_435 = arith.maximumf %max3A_432, %max3A_434 : vector<16xf32>
      %bitcast3A_436 = vector.bitcast %max3A_435 : vector<16xf32> to vector<16xi32>
      %shift_right_arithmetic3A_437 = arith.constant 1 : i32
      %shift_right_arithmetic3A_438 = vector.broadcast %shift_right_arithmetic3A_437 : i32 to vector<16xi32>
      %shift_right_arithmetic3A_439 = arith.shrsi %bitcast3A_436, %shift_right_arithmetic3A_438 : vector<16xi32>
      %sub3A_440 = arith.constant 1597463007 : i32
      %sub3A_441 = vector.broadcast %sub3A_440 : i32 to vector<16xi32>
      %sub3A_442 = arith.subi %sub3A_441, %shift_right_arithmetic3A_439 : vector<16xi32>
      %bitcast3A_443 = vector.bitcast %sub3A_442 : vector<16xi32> to vector<16xf32>
      %mul3A_444 = arith.constant 5.000000e-01 : f32
      %mul3A_445 = vector.broadcast %mul3A_444 : f32 to vector<16xf32>
      %mul3A_446 = arith.mulf %mul3A_445, %max3A_435 : vector<16xf32>
      %mul3A_447 = arith.mulf %mul3A_446, %bitcast3A_443 : vector<16xf32>
      %mul3A_448 = arith.mulf %mul3A_447, %bitcast3A_443 : vector<16xf32>
      %sub3A_449 = arith.constant 1.500000e+00 : f32
      %sub3A_450 = vector.broadcast %sub3A_449 : f32 to vector<16xf32>
      %sub3A_451 = arith.subf %sub3A_450, %mul3A_448 : vector<16xf32>
      %mul3A_452 = arith.mulf %bitcast3A_443, %sub3A_451 : vector<16xf32>
      %mul3A_453 = arith.constant 5.000000e-01 : f32
      %mul3A_454 = vector.broadcast %mul3A_453 : f32 to vector<16xf32>
      %mul3A_455 = arith.mulf %mul3A_454, %max3A_435 : vector<16xf32>
      %mul3A_456 = arith.mulf %mul3A_455, %mul3A_452 : vector<16xf32>
      %mul3A_457 = arith.mulf %mul3A_456, %mul3A_452 : vector<16xf32>
      %sub3A_458 = arith.constant 1.500000e+00 : f32
      %sub3A_459 = vector.broadcast %sub3A_458 : f32 to vector<16xf32>
      %sub3A_460 = arith.subf %sub3A_459, %mul3A_457 : vector<16xf32>
      %mul3A_461 = arith.mulf %mul3A_452, %sub3A_460 : vector<16xf32>
      %mul3A_462 = arith.constant 5.000000e-01 : f32
      %mul3A_463 = vector.broadcast %mul3A_462 : f32 to vector<16xf32>
      %mul3A_464 = arith.mulf %mul3A_463, %max3A_435 : vector<16xf32>
      %mul3A_465 = arith.mulf %mul3A_464, %mul3A_461 : vector<16xf32>
      %mul3A_466 = arith.mulf %mul3A_465, %mul3A_461 : vector<16xf32>
      %sub3A_467 = arith.constant 1.500000e+00 : f32
      %sub3A_468 = vector.broadcast %sub3A_467 : f32 to vector<16xf32>
      %sub3A_469 = arith.subf %sub3A_468, %mul3A_466 : vector<16xf32>
      %mul3A_470 = arith.mulf %mul3A_461, %sub3A_469 : vector<16xf32>
      %mul3A_471 = arith.mulf %max3A_432, %mul3A_470 : vector<16xf32>
      %swap3A_472 = arith.index_cast %add3A_356 : i32 to index
      %swap3A_473 = tpu.vector_load %arg22[%swap3A_472] {strides = array<i32>} : memref<512xf32, #tpu.memory_space<vmem>>, vector<16xf32>,
      tpu.vector_store %arg22[%swap3A_472], %mul3A_471 {strides = array<i32>} : memref<512xf32, #tpu.memory_space<vmem>>, vector<16xf32>,
      %mul3A_474 = arith.mulf %scan3A_372#3, %mul3A_409 : vector<16xf32>
      %sub3A_475 = arith.constant 9.99999997E-7 : f32
      %sub3A_476 = vector.broadcast %sub3A_475 : f32 to vector<16xf32>
      %sub3A_477 = arith.subf %mul3A_474, %sub3A_476 : vector<16xf32>
      %max3A_478 = arith.constant 0.000000e+00 : f32
      %max3A_479 = vector.broadcast %max3A_478 : f32 to vector<16xf32>
      %max3A_480 = arith.maximumf %sub3A_477, %max3A_479 : vector<16xf32>
      %add3A_481 = arith.addf %scan3A_350, %max3A_480 : vector<16xf32>
      %add3A_482 = arith.addf %scan3A_351, %scan3A_372#5 : vector<16xf32>
      %mul3A_483 = arith.mulf %scan3A_372#1, %scan3A_372#1 : vector<16xf32>
      %mul3A_484 = arith.mulf %mul3A_483, %div3A_377 : vector<16xf32>
      %sub3A_485 = arith.constant 2.000000e+00 : f32
      %sub3A_486 = vector.broadcast %sub3A_485 : f32 to vector<16xf32>
      %sub3A_487 = arith.subf %mul3A_410, %sub3A_486 : vector<16xf32>
      %mul3A_488 = arith.mulf %mul3A_484, %sub3A_487 : vector<16xf32>
      %add3A_489 = arith.addf %add3A_482, %mul3A_488 : vector<16xf32>
      %add3A_490 = arith.addf %scan3A_352, %scan3A_372#6 : vector<16xf32>
      %mul3A_491 = arith.mulf %scan3A_372#2, %scan3A_372#2 : vector<16xf32>
      %mul3A_492 = arith.mulf %mul3A_491, %div3A_377 : vector<16xf32>
      %sub3A_493 = arith.constant 2.000000e+00 : f32
      %sub3A_494 = vector.broadcast %sub3A_493 : f32 to vector<16xf32>
      %sub3A_495 = arith.subf %mul3A_410, %sub3A_494 : vector<16xf32>
      %mul3A_496 = arith.mulf %mul3A_492, %sub3A_495 : vector<16xf32>
      %add3A_497 = arith.addf %add3A_490, %mul3A_496 : vector<16xf32>
      scf.yield %add3A_481, %add3A_489, %add3A_497 : vector<16xf32>, vector<16xf32>, vector<16xf32>
    }
    %scan3A_228 = arith.constant 4 : i32
    %scan3A_229 = arith.constant 0 : i32
    %scan3A_230 = arith.constant 0 : i32
    %scan3A_231 = arith.constant 4 : i32
    %scan3A_232 = arith.addi %scan3A_230, %scan3A_231 : i32
    %scan3A_233 = arith.constant 1 : i32
    %scan3A_234 = scf.for %scan3A_349 = %scan3A_230 to %scan3A_232 step %scan3A_233 iter_args(%scan3A_350 = %scan3A_229) -> (i32)  : i32 {
      %mul3A_351 = arith.constant 16 : i32
      %mul3A_352 = arith.muli %scan3A_349, %mul3A_351 : i32
      %add3A_353 = arith.constant 384 : i32
      %add3A_354 = arith.addi %add3A_353, %mul3A_352 : i32
      %get3A = arith.index_cast %add3A_354 : i32 to index
      %get3A_355 = tpu.vector_load %arg10[%get3A] {strides = array<i32>} : memref<512xi32, #tpu.memory_space<vmem>>, vector<16xi32>,
      %mul3A_356 = arith.constant 16 : i32
      %mul3A_357 = arith.muli %scan3A_349, %mul3A_356 : i32
      %add3A_358 = arith.constant 384 : i32
      %add3A_359 = arith.addi %add3A_358, %mul3A_357 : i32
      %get3A_360 = arith.index_cast %add3A_359 : i32 to index
      %get3A_361 = tpu.vector_load %arg11[%get3A_360] {strides = array<i32>} : memref<512xi32, #tpu.memory_space<vmem>>, vector<16xi32>,
      %scan3A_362 = arith.constant 0 : i32
      %scan3A_363 = arith.constant 0 : i32
      %scan3A_364 = arith.constant 16 : i32
      %scan3A_365 = arith.addi %scan3A_363, %scan3A_364 : i32
      %scan3A_366 = arith.constant 2 : i32
      %scan3A_367 = scf.for %scan3A_370 = %scan3A_363 to %scan3A_365 step %scan3A_366 iter_args(%scan3A_371 = %scan3A_362) -> (i32)  : i32 {
        %eq3A = vector.broadcast %scan3A_370 : i32 to vector<16xi32>
        %eq3A_372 = arith.cmpi eq, %iota3A, %eq3A : vector<16xi32>
        %jit3A = arith.constant 0 : i32
        %broadcast_in_dim3A_373 = vector.broadcast %jit3A : i32 to vector<16xi32>
        %select_n3A = arith.select %eq3A_372, %get3A_355, %broadcast_in_dim3A_373 : vector<16xi1>, vector<16xi32>
        %reduce_sum3A = arith.constant true
        %reduce_sum3A_374 = vector.broadcast %reduce_sum3A : i1 to vector<16xi1>
        %reduce_sum3A_375 = tpu.scan <sum>, %select_n3A masked %reduce_sum3A_374 : vector<16xi32>, vector<16xi1> -> vector<16xi32>
        %reduce_sum3A_376 = vector.extract %reduce_sum3A_375[15] : i32 from vector<16xi32>
        %eq3A_377 = vector.broadcast %scan3A_370 : i32 to vector<16xi32>
        %eq3A_378 = arith.cmpi eq, %iota3A, %eq3A_377 : vector<16xi32>
        %jit3A_379 = arith.constant 0 : i32
        %broadcast_in_dim3A_380 = vector.broadcast %jit3A_379 : i32 to vector<16xi32>
        %select_n3A_381 = arith.select %eq3A_378, %get3A_361, %broadcast_in_dim3A_380 : vector<16xi1>, vector<16xi32>
        %reduce_sum3A_382 = arith.constant true
        %reduce_sum3A_383 = vector.broadcast %reduce_sum3A_382 : i1 to vector<16xi1>
        %reduce_sum3A_384 = tpu.scan <sum>, %select_n3A_381 masked %reduce_sum3A_383 : vector<16xi32>, vector<16xi1> -> vector<16xi32>
        %reduce_sum3A_385 = vector.extract %reduce_sum3A_384[15] : i32 from vector<16xi32>
        %mul3A_386 = arith.constant 16 : i32
        %mul3A_387 = arith.muli %scan3A_349, %mul3A_386 : i32
        %add3A_388 = arith.addi %mul3A_387, %scan3A_370 : i32
        %shift_right_arithmetic3A = arith.constant 3 : i32
        %shift_right_arithmetic3A_389 = arith.shrsi %reduce_sum3A_376, %shift_right_arithmetic3A : i32
        %and3A = arith.constant 7 : i32
        %and3A_390 = arith.andi %reduce_sum3A_376, %and3A : i32
        %dma_start3A_391 = arith.constant 0 : i32
        %dma_start3A_392 = tpu.memref_slice %arg14[%add3A_388, %dma_start3A_391] : memref<64x64xf32, #tpu.memory_space<vmem>> -> memref<1x64xf32, #tpu.memory_space<vmem>>
        %dma_start3A_393 = arith.constant 0 : i32
        %dma_start3A_394 = tpu.memref_slice %arg5[%shift_right_arithmetic3A_389, %and3A_390, %dma_start3A_393] : memref<125000x8x64xf32, #tpu.memory_space<hbm>> -> memref<1x1x64xf32, #tpu.memory_space<hbm>>
        %dma_start3A_395 = tpu.memref_squeeze %dma_start3A_394 : memref<1x1x64xf32, #tpu.memory_space<hbm>> -> memref<1x64xf32, #tpu.memory_space<hbm>>
        %dma_start3A_396 = arith.constant 0 : i32
        %dma_start3A_397 = tpu.memref_slice %arg14[%add3A_388, %dma_start3A_396] : memref<64x64xf32, #tpu.memory_space<vmem>> -> memref<1x64xf32, #tpu.memory_space<vmem>>
        %dma_start3A_398 = arith.constant 0 : i32
        %dma_start3A_399 = tpu.memref_slice %arg5[%shift_right_arithmetic3A_389, %and3A_390, %dma_start3A_398] : memref<125000x8x64xf32, #tpu.memory_space<hbm>> -> memref<1x1x64xf32, #tpu.memory_space<hbm>>
        %dma_start3A_400 = tpu.memref_squeeze %dma_start3A_399 : memref<1x1x64xf32, #tpu.memory_space<hbm>> -> memref<1x64xf32, #tpu.memory_space<hbm>>
        tpu.enqueue_dma source(%dma_start3A_400 : memref<1x64xf32, #tpu.memory_space<hbm>>) target(%dma_start3A_397 : memref<1x64xf32, #tpu.memory_space<vmem>>) target_semaphore(%arg24 : memref<!tpu.dma_semaphore, #tpu.memory_space<semaphore_mem>>)
        %shift_right_arithmetic3A_401 = arith.constant 3 : i32
        %shift_right_arithmetic3A_402 = arith.shrsi %reduce_sum3A_385, %shift_right_arithmetic3A_401 : i32
        %and3A_403 = arith.constant 7 : i32
        %and3A_404 = arith.andi %reduce_sum3A_385, %and3A_403 : i32
        %dma_start3A_405 = arith.constant 0 : i32
        %dma_start3A_406 = tpu.memref_slice %arg15[%add3A_388, %dma_start3A_405] : memref<64x64xf32, #tpu.memory_space<vmem>> -> memref<1x64xf32, #tpu.memory_space<vmem>>
        %dma_start3A_407 = arith.constant 0 : i32
        %dma_start3A_408 = tpu.memref_slice %arg5[%shift_right_arithmetic3A_402, %and3A_404, %dma_start3A_407] : memref<125000x8x64xf32, #tpu.memory_space<hbm>> -> memref<1x1x64xf32, #tpu.memory_space<hbm>>
        %dma_start3A_409 = tpu.memref_squeeze %dma_start3A_408 : memref<1x1x64xf32, #tpu.memory_space<hbm>> -> memref<1x64xf32, #tpu.memory_space<hbm>>
        %dma_start3A_410 = arith.constant 0 : i32
        %dma_start3A_411 = tpu.memref_slice %arg15[%add3A_388, %dma_start3A_410] : memref<64x64xf32, #tpu.memory_space<vmem>> -> memref<1x64xf32, #tpu.memory_space<vmem>>
        %dma_start3A_412 = arith.constant 0 : i32
        %dma_start3A_413 = tpu.memref_slice %arg5[%shift_right_arithmetic3A_402, %and3A_404, %dma_start3A_412] : memref<125000x8x64xf32, #tpu.memory_space<hbm>> -> memref<1x1x64xf32, #tpu.memory_space<hbm>>
        %dma_start3A_414 = tpu.memref_squeeze %dma_start3A_413 : memref<1x1x64xf32, #tpu.memory_space<hbm>> -> memref<1x64xf32, #tpu.memory_space<hbm>>
        tpu.enqueue_dma source(%dma_start3A_414 : memref<1x64xf32, #tpu.memory_space<hbm>>) target(%dma_start3A_411 : memref<1x64xf32, #tpu.memory_space<vmem>>) target_semaphore(%arg24 : memref<!tpu.dma_semaphore, #tpu.memory_space<semaphore_mem>>)
        %scan3A_415 = arith.constant 0 : i32
        %scan3A_416 = arith.constant 1 : i32
        %scan3A_417 = arith.addi %scan3A_370, %scan3A_416 : i32
        %eq3A_418 = vector.broadcast %scan3A_417 : i32 to vector<16xi32>
        %eq3A_419 = arith.cmpi eq, %iota3A, %eq3A_418 : vector<16xi32>
        %jit3A_420 = arith.constant 0 : i32
        %broadcast_in_dim3A_421 = vector.broadcast %jit3A_420 : i32 to vector<16xi32>
        %select_n3A_422 = arith.select %eq3A_419, %get3A_355, %broadcast_in_dim3A_421 : vector<16xi1>, vector<16xi32>
        %reduce_sum3A_423 = arith.constant true
        %reduce_sum3A_424 = vector.broadcast %reduce_sum3A_423 : i1 to vector<16xi1>
        %reduce_sum3A_425 = tpu.scan <sum>, %select_n3A_422 masked %reduce_sum3A_424 : vector<16xi32>, vector<16xi1> -> vector<16xi32>
        %reduce_sum3A_426 = vector.extract %reduce_sum3A_425[15] : i32 from vector<16xi32>
        %eq3A_427 = vector.broadcast %scan3A_417 : i32 to vector<16xi32>
        %eq3A_428 = arith.cmpi eq, %iota3A, %eq3A_427 : vector<16xi32>
        %jit3A_429 = arith.constant 0 : i32
        %broadcast_in_dim3A_430 = vector.broadcast %jit3A_429 : i32 to vector<16xi32>
        %select_n3A_431 = arith.select %eq3A_428, %get3A_361, %broadcast_in_dim3A_430 : vector<16xi1>, vector<16xi32>
        %reduce_sum3A_432 = arith.constant true
        %reduce_sum3A_433 = vector.broadcast %reduce_sum3A_432 : i1 to vector<16xi1>
        %reduce_sum3A_434 = tpu.scan <sum>, %select_n3A_431 masked %reduce_sum3A_433 : vector<16xi32>, vector<16xi1> -> vector<16xi32>
        %reduce_sum3A_435 = vector.extract %reduce_sum3A_434[15] : i32 from vector<16xi32>
        %mul3A_436 = arith.constant 16 : i32
        %mul3A_437 = arith.muli %scan3A_349, %mul3A_436 : i32
        %add3A_438 = arith.addi %mul3A_437, %scan3A_417 : i32
        %shift_right_arithmetic3A_439 = arith.constant 3 : i32
        %shift_right_arithmetic3A_440 = arith.shrsi %reduce_sum3A_426, %shift_right_arithmetic3A_439 : i32
        %and3A_441 = arith.constant 7 : i32
        %and3A_442 = arith.andi %reduce_sum3A_426, %and3A_441 : i32
        %dma_start3A_443 = arith.constant 0 : i32
        %dma_start3A_444 = tpu.memref_slice %arg14[%add3A_438, %dma_start3A_443] : memref<64x64xf32, #tpu.memory_space<vmem>> -> memref<1x64xf32, #tpu.memory_space<vmem>>
        %dma_start3A_445 = arith.constant 0 : i32
        %dma_start3A_446 = tpu.memref_slice %arg5[%shift_right_arithmetic3A_440, %and3A_442, %dma_start3A_445] : memref<125000x8x64xf32, #tpu.memory_space<hbm>> -> memref<1x1x64xf32, #tpu.memory_space<hbm>>
        %dma_start3A_447 = tpu.memref_squeeze %dma_start3A_446 : memref<1x1x64xf32, #tpu.memory_space<hbm>> -> memref<1x64xf32, #tpu.memory_space<hbm>>
        %dma_start3A_448 = arith.constant 0 : i32
        %dma_start3A_449 = tpu.memref_slice %arg14[%add3A_438, %dma_start3A_448] : memref<64x64xf32, #tpu.memory_space<vmem>> -> memref<1x64xf32, #tpu.memory_space<vmem>>
        %dma_start3A_450 = arith.constant 0 : i32
        %dma_start3A_451 = tpu.memref_slice %arg5[%shift_right_arithmetic3A_440, %and3A_442, %dma_start3A_450] : memref<125000x8x64xf32, #tpu.memory_space<hbm>> -> memref<1x1x64xf32, #tpu.memory_space<hbm>>
        %dma_start3A_452 = tpu.memref_squeeze %dma_start3A_451 : memref<1x1x64xf32, #tpu.memory_space<hbm>> -> memref<1x64xf32, #tpu.memory_space<hbm>>
        tpu.enqueue_dma source(%dma_start3A_452 : memref<1x64xf32, #tpu.memory_space<hbm>>) target(%dma_start3A_449 : memref<1x64xf32, #tpu.memory_space<vmem>>) target_semaphore(%arg24 : memref<!tpu.dma_semaphore, #tpu.memory_space<semaphore_mem>>)
        %shift_right_arithmetic3A_453 = arith.constant 3 : i32
        %shift_right_arithmetic3A_454 = arith.shrsi %reduce_sum3A_435, %shift_right_arithmetic3A_453 : i32
        %and3A_455 = arith.constant 7 : i32
        %and3A_456 = arith.andi %reduce_sum3A_435, %and3A_455 : i32
        %dma_start3A_457 = arith.constant 0 : i32
        %dma_start3A_458 = tpu.memref_slice %arg15[%add3A_438, %dma_start3A_457] : memref<64x64xf32, #tpu.memory_space<vmem>> -> memref<1x64xf32, #tpu.memory_space<vmem>>
        %dma_start3A_459 = arith.constant 0 : i32
        %dma_start3A_460 = tpu.memref_slice %arg5[%shift_right_arithmetic3A_454, %and3A_456, %dma_start3A_459] : memref<125000x8x64xf32, #tpu.memory_space<hbm>> -> memref<1x1x64xf32, #tpu.memory_space<hbm>>
        %dma_start3A_461 = tpu.memref_squeeze %dma_start3A_460 : memref<1x1x64xf32, #tpu.memory_space<hbm>> -> memref<1x64xf32, #tpu.memory_space<hbm>>
        %dma_start3A_462 = arith.constant 0 : i32
        %dma_start3A_463 = tpu.memref_slice %arg15[%add3A_438, %dma_start3A_462] : memref<64x64xf32, #tpu.memory_space<vmem>> -> memref<1x64xf32, #tpu.memory_space<vmem>>
        %dma_start3A_464 = arith.constant 0 : i32
        %dma_start3A_465 = tpu.memref_slice %arg5[%shift_right_arithmetic3A_454, %and3A_456, %dma_start3A_464] : memref<125000x8x64xf32, #tpu.memory_space<hbm>> -> memref<1x1x64xf32, #tpu.memory_space<hbm>>
        %dma_start3A_466 = tpu.memref_squeeze %dma_start3A_465 : memref<1x1x64xf32, #tpu.memory_space<hbm>> -> memref<1x64xf32, #tpu.memory_space<hbm>>
        tpu.enqueue_dma source(%dma_start3A_466 : memref<1x64xf32, #tpu.memory_space<hbm>>) target(%dma_start3A_463 : memref<1x64xf32, #tpu.memory_space<vmem>>) target_semaphore(%arg24 : memref<!tpu.dma_semaphore, #tpu.memory_space<semaphore_mem>>)
        %scan3A_467 = arith.constant 0 : i32
        scf.yield %scan3A_467 : i32
      }
      %scan3A_368 = arith.constant 16 : i32
      %scan3A_369 = arith.constant 0 : i32
      scf.yield %scan3A_369 : i32
    }
    %scan3A_235 = arith.constant 4 : i32
    %dma_start3A_236 = arith.constant 384 : i32
    %dma_start3A_237 = tpu.memref_slice %arg13[%dma_start3A_236] : memref<512xi32, #tpu.memory_space<vmem>> -> memref<64xi32, #tpu.memory_space<vmem>>
    %dma_start3A_238 = arith.constant 0 : i32
    %dma_start3A_239 = arith.constant 0 : i32
    %dma_start3A_240 = tpu.memref_slice %arg6[%dma_start3A_238, %dma_start3A_239] : memref<500x128xf32, #tpu.memory_space<hbm>> -> memref<500x128xf32, #tpu.memory_space<hbm>>
    tpu.enqueue_indirect_dma source(%dma_start3A_240 : memref<500x128xf32, #tpu.memory_space<hbm>>) target(%arg16 : memref<64x128xf32, #tpu.memory_space<vmem>>) offsets(%dma_start3A_237 : memref<64xi32, #tpu.memory_space<vmem>>) semaphore(%arg25 : memref<!tpu.dma_semaphore, #tpu.memory_space<semaphore_mem>>)
    %dma_start3A_241 = arith.constant 384 : i32
    %dma_start3A_242 = tpu.memref_slice %arg13[%dma_start3A_241] : memref<512xi32, #tpu.memory_space<vmem>> -> memref<64xi32, #tpu.memory_space<vmem>>
    %dma_start3A_243 = arith.constant 0 : i32
    %dma_start3A_244 = arith.constant 0 : i32
    %dma_start3A_245 = tpu.memref_slice %arg7[%dma_start3A_243, %dma_start3A_244] : memref<500x128xf32, #tpu.memory_space<hbm>> -> memref<500x128xf32, #tpu.memory_space<hbm>>
    tpu.enqueue_indirect_dma source(%dma_start3A_245 : memref<500x128xf32, #tpu.memory_space<hbm>>) target(%arg17 : memref<64x128xf32, #tpu.memory_space<vmem>>) offsets(%dma_start3A_242 : memref<64xi32, #tpu.memory_space<vmem>>) semaphore(%arg25 : memref<!tpu.dma_semaphore, #tpu.memory_space<semaphore_mem>>)
    %scan3A_246 = arith.constant 0 : i32
    %scan3A_247 = arith.constant 0 : i32
    %scan3A_248 = arith.constant 128 : i32
    %scan3A_249 = arith.addi %scan3A_247, %scan3A_248 : i32
    %scan3A_250 = arith.constant 1 : i32
    %scan3A_251 = scf.for %scan3A_349 = %scan3A_247 to %scan3A_249 step %scan3A_250 iter_args(%scan3A_350 = %scan3A_246) -> (i32)  : i32 {
      %dma_wait3A_351 = arith.constant 0 : i32
      %dma_wait3A_352 = arith.constant 0 : i32
      %dma_wait3A_353 = arith.constant 0 : i32
      %dma_wait3A_354 = tpu.memref_slice %arg18[%dma_wait3A_352, %dma_wait3A_353] : memref<64x64xf32, #tpu.memory_space<vmem>> -> memref<1x64xf32, #tpu.memory_space<vmem>>
      %dma_wait3A_355 = arith.constant 0 : i32
      %dma_wait3A_356 = arith.constant 0 : i32
      %dma_wait3A_357 = tpu.memref_slice %arg5[%dma_wait3A_351, %dma_wait3A_355, %dma_wait3A_356] : memref<125000x8x64xf32, #tpu.memory_space<hbm>> -> memref<1x1x64xf32, #tpu.memory_space<hbm>>
      %dma_wait3A_358 = tpu.memref_squeeze %dma_wait3A_357 : memref<1x1x64xf32, #tpu.memory_space<hbm>> -> memref<1x64xf32, #tpu.memory_space<hbm>>
      %dma_wait3A_359 = arith.constant 0 : i32
      %dma_wait3A_360 = arith.constant 0 : i32
      %dma_wait3A_361 = tpu.memref_slice %arg18[%dma_wait3A_359, %dma_wait3A_360] : memref<64x64xf32, #tpu.memory_space<vmem>> -> memref<1x64xf32, #tpu.memory_space<vmem>>
      %dma_wait3A_362 = arith.constant 0 : i32
      %dma_wait3A_363 = arith.constant 0 : i32
      %dma_wait3A_364 = tpu.memref_slice %arg5[%dma_wait3A_351, %dma_wait3A_362, %dma_wait3A_363] : memref<125000x8x64xf32, #tpu.memory_space<hbm>> -> memref<1x1x64xf32, #tpu.memory_space<hbm>>
      %dma_wait3A_365 = tpu.memref_squeeze %dma_wait3A_364 : memref<1x1x64xf32, #tpu.memory_space<hbm>> -> memref<1x64xf32, #tpu.memory_space<hbm>>
      tpu.wait_dma2 semaphore(%arg26 : memref<!tpu.dma_semaphore, #tpu.memory_space<semaphore_mem>>) src(%dma_wait3A_365 : memref<1x64xf32, #tpu.memory_space<hbm>>) dst(%dma_wait3A_361 : memref<1x64xf32, #tpu.memory_space<vmem>>)
      %scan3A_366 = arith.constant 0 : i32
      scf.yield %scan3A_366 : i32
    }
    %scan3A_252 = arith.constant 128 : i32
    %dma_wait3A_253 = arith.constant 320 : i32
    %dma_wait3A_254 = tpu.memref_slice %arg13[%dma_wait3A_253] : memref<512xi32, #tpu.memory_space<vmem>> -> memref<64xi32, #tpu.memory_space<vmem>>
    %dma_wait3A_255 = arith.constant 0 : i32
    %dma_wait3A_256 = arith.constant 0 : i32
    %dma_wait3A_257 = tpu.memref_slice %arg6[%dma_wait3A_255, %dma_wait3A_256] : memref<500x128xf32, #tpu.memory_space<hbm>> -> memref<500x128xf32, #tpu.memory_space<hbm>>
    tpu.wait_indirect_dma semaphore(%arg27 : memref<!tpu.dma_semaphore, #tpu.memory_space<semaphore_mem>>) src(%dma_wait3A_257 : memref<500x128xf32, #tpu.memory_space<hbm>>) dst(%arg20 : memref<64x128xf32, #tpu.memory_space<vmem>>)
    %dma_wait3A_258 = arith.constant 320 : i32
    %dma_wait3A_259 = tpu.memref_slice %arg13[%dma_wait3A_258] : memref<512xi32, #tpu.memory_space<vmem>> -> memref<64xi32, #tpu.memory_space<vmem>>
    %dma_wait3A_260 = arith.constant 0 : i32
    %dma_wait3A_261 = arith.constant 0 : i32
    %dma_wait3A_262 = tpu.memref_slice %arg7[%dma_wait3A_260, %dma_wait3A_261] : memref<500x128xf32, #tpu.memory_space<hbm>> -> memref<500x128xf32, #tpu.memory_space<hbm>>
    tpu.wait_indirect_dma semaphore(%arg27 : memref<!tpu.dma_semaphore, #tpu.memory_space<semaphore_mem>>) src(%dma_wait3A_262 : memref<500x128xf32, #tpu.memory_space<hbm>>) dst(%arg21 : memref<64x128xf32, #tpu.memory_space<vmem>>)
    %scan3A_263 = arith.constant 0 : i32
    %scan3A_264 = arith.constant 4 : i32
    %scan3A_265 = arith.addi %scan3A_263, %scan3A_264 : i32
    %scan3A_266 = arith.constant 1 : i32
    %scan3A_267:3 = scf.for %scan3A_349 = %scan3A_263 to %scan3A_265 step %scan3A_266 iter_args(%scan3A_350 = %scan3A_227#0, %scan3A_351 = %scan3A_227#1, %scan3A_352 = %scan3A_227#2) -> (vector<16xf32>, vector<16xf32>, vector<16xf32>)  : i32 {
      %mul3A_353 = arith.constant 16 : i32
      %mul3A_354 = arith.muli %scan3A_349, %mul3A_353 : i32
      %add3A_355 = arith.constant 320 : i32
      %add3A_356 = arith.addi %add3A_355, %mul3A_354 : i32
      %get3A = arith.index_cast %add3A_356 : i32 to index
      %get3A_357 = tpu.vector_load %arg12[%get3A] {strides = array<i32>} : memref<512xi32, #tpu.memory_space<vmem>>, vector<16xi32>,
      %and3A = arith.constant 1 : i32
      %and3A_358 = vector.broadcast %and3A : i32 to vector<16xi32>
      %and3A_359 = arith.andi %get3A_357, %and3A_358 : vector<16xi32>
      %shift_left3A = arith.constant 6 : i32
      %shift_left3A_360 = vector.broadcast %shift_left3A : i32 to vector<16xi32>
      %shift_left3A_361 = arith.shli %and3A_359, %shift_left3A_360 : vector<16xi32>
      %mul3A_362 = arith.constant 16 : i32
      %mul3A_363 = arith.muli %scan3A_349, %mul3A_362 : i32
      %add3A_364 = vector.broadcast %mul3A_363 : i32 to vector<16xi32>
      %add3A_365 = arith.addi %add3A_364, %iota3A : vector<16xi32>
      %broadcast_in_dim3A_366 = arith.constant 0.000000e+00 : f32
      %broadcast_in_dim3A_367 = vector.broadcast %broadcast_in_dim3A_366 : f32 to vector<16xf32>
      %scan3A_368 = arith.constant 0 : i32
      %scan3A_369 = arith.constant 64 : i32
      %scan3A_370 = arith.addi %scan3A_368, %scan3A_369 : i32
      %scan3A_371 = arith.constant 2 : i32
      %scan3A_372:9 = scf.for %scan3A_498 = %scan3A_368 to %scan3A_370 step %scan3A_371 iter_args(%scan3A_499 = %broadcast_in_dim3A_367, %scan3A_500 = %broadcast_in_dim3A_367, %scan3A_501 = %broadcast_in_dim3A_367, %scan3A_502 = %broadcast_in_dim3A_367, %scan3A_503 = %broadcast_in_dim3A_367, %scan3A_504 = %broadcast_in_dim3A_367, %scan3A_505 = %broadcast_in_dim3A_367, %scan3A_506 = %broadcast_in_dim3A_367, %scan3A_507 = %broadcast_in_dim3A_367) -> (vector<16xf32>, vector<16xf32>, vector<16xf32>, vector<16xf32>, vector<16xf32>, vector<16xf32>, vector<16xf32>, vector<16xf32>, vector<16xf32>)  : i32 {
        %add3A_508 = vector.broadcast %scan3A_498 : i32 to vector<16xi32>
        %add3A_509 = arith.addi %iota3A, %add3A_508 : vector<16xi32>
        %and3A_510 = arith.constant 63 : i32
        %and3A_511 = vector.broadcast %and3A_510 : i32 to vector<16xi32>
        %and3A_512 = arith.andi %add3A_509, %and3A_511 : vector<16xi32>
        %gather3A = tpu.vector_load_idx %arg18[%add3A_365, %and3A_512] : memref<64x64xf32, #tpu.memory_space<vmem>>[vector<16xi32>, vector<16xi32>], vector<16xf32>,
        %gather3A_513 = tpu.vector_load_idx %arg19[%add3A_365, %and3A_512] : memref<64x64xf32, #tpu.memory_space<vmem>>[vector<16xi32>, vector<16xi32>], vector<16xf32>,
        %add3A_514 = arith.addi %shift_left3A_361, %and3A_512 : vector<16xi32>
        %gather3A_515 = tpu.vector_load_idx %arg20[%add3A_365, %add3A_514] : memref<64x128xf32, #tpu.memory_space<vmem>>[vector<16xi32>, vector<16xi32>], vector<16xf32>,
        %add3A_516 = arith.addi %shift_left3A_361, %and3A_512 : vector<16xi32>
        %gather3A_517 = tpu.vector_load_idx %arg21[%add3A_365, %add3A_516] : memref<64x128xf32, #tpu.memory_space<vmem>>[vector<16xi32>, vector<16xi32>], vector<16xf32>,
        %sub3A_518 = arith.subf %gather3A, %gather3A_513 : vector<16xf32>
        %mul3A_519 = arith.mulf %gather3A_517, %gather3A_517 : vector<16xf32>
        %add3A_520 = arith.addf %scan3A_499, %mul3A_519 : vector<16xf32>
        %mul3A_521 = arith.mulf %gather3A_517, %gather3A : vector<16xf32>
        %add3A_522 = arith.addf %scan3A_500, %mul3A_521 : vector<16xf32>
        %mul3A_523 = arith.mulf %gather3A_517, %gather3A_513 : vector<16xf32>
        %add3A_524 = arith.addf %scan3A_501, %mul3A_523 : vector<16xf32>
        %mul3A_525 = arith.mulf %gather3A_517, %gather3A_515 : vector<16xf32>
        %add3A_526 = arith.addf %scan3A_502, %mul3A_525 : vector<16xf32>
        %mul3A_527 = arith.mulf %gather3A_515, %gather3A_515 : vector<16xf32>
        %add3A_528 = arith.addf %scan3A_503, %mul3A_527 : vector<16xf32>
        %mul3A_529 = arith.mulf %gather3A, %gather3A : vector<16xf32>
        %add3A_530 = arith.addf %scan3A_504, %mul3A_529 : vector<16xf32>
        %mul3A_531 = arith.mulf %gather3A_513, %gather3A_513 : vector<16xf32>
        %add3A_532 = arith.addf %scan3A_505, %mul3A_531 : vector<16xf32>
        %mul3A_533 = arith.mulf %sub3A_518, %sub3A_518 : vector<16xf32>
        %add3A_534 = arith.addf %scan3A_506, %mul3A_533 : vector<16xf32>
        %mul3A_535 = arith.mulf %sub3A_518, %gather3A_515 : vector<16xf32>
        %add3A_536 = arith.addf %scan3A_507, %mul3A_535 : vector<16xf32>
        %scan3A_537 = arith.constant 1 : i32
        %scan3A_538 = arith.addi %scan3A_498, %scan3A_537 : i32
        %add3A_539 = vector.broadcast %scan3A_538 : i32 to vector<16xi32>
        %add3A_540 = arith.addi %iota3A, %add3A_539 : vector<16xi32>
        %and3A_541 = arith.constant 63 : i32
        %and3A_542 = vector.broadcast %and3A_541 : i32 to vector<16xi32>
        %and3A_543 = arith.andi %add3A_540, %and3A_542 : vector<16xi32>
        %gather3A_544 = tpu.vector_load_idx %arg18[%add3A_365, %and3A_543] : memref<64x64xf32, #tpu.memory_space<vmem>>[vector<16xi32>, vector<16xi32>], vector<16xf32>,
        %gather3A_545 = tpu.vector_load_idx %arg19[%add3A_365, %and3A_543] : memref<64x64xf32, #tpu.memory_space<vmem>>[vector<16xi32>, vector<16xi32>], vector<16xf32>,
        %add3A_546 = arith.addi %shift_left3A_361, %and3A_543 : vector<16xi32>
        %gather3A_547 = tpu.vector_load_idx %arg20[%add3A_365, %add3A_546] : memref<64x128xf32, #tpu.memory_space<vmem>>[vector<16xi32>, vector<16xi32>], vector<16xf32>,
        %add3A_548 = arith.addi %shift_left3A_361, %and3A_543 : vector<16xi32>
        %gather3A_549 = tpu.vector_load_idx %arg21[%add3A_365, %add3A_548] : memref<64x128xf32, #tpu.memory_space<vmem>>[vector<16xi32>, vector<16xi32>], vector<16xf32>,
        %sub3A_550 = arith.subf %gather3A_544, %gather3A_545 : vector<16xf32>
        %mul3A_551 = arith.mulf %gather3A_549, %gather3A_549 : vector<16xf32>
        %add3A_552 = arith.addf %add3A_520, %mul3A_551 : vector<16xf32>
        %mul3A_553 = arith.mulf %gather3A_549, %gather3A_544 : vector<16xf32>
        %add3A_554 = arith.addf %add3A_522, %mul3A_553 : vector<16xf32>
        %mul3A_555 = arith.mulf %gather3A_549, %gather3A_545 : vector<16xf32>
        %add3A_556 = arith.addf %add3A_524, %mul3A_555 : vector<16xf32>
        %mul3A_557 = arith.mulf %gather3A_549, %gather3A_547 : vector<16xf32>
        %add3A_558 = arith.addf %add3A_526, %mul3A_557 : vector<16xf32>
        %mul3A_559 = arith.mulf %gather3A_547, %gather3A_547 : vector<16xf32>
        %add3A_560 = arith.addf %add3A_528, %mul3A_559 : vector<16xf32>
        %mul3A_561 = arith.mulf %gather3A_544, %gather3A_544 : vector<16xf32>
        %add3A_562 = arith.addf %add3A_530, %mul3A_561 : vector<16xf32>
        %mul3A_563 = arith.mulf %gather3A_545, %gather3A_545 : vector<16xf32>
        %add3A_564 = arith.addf %add3A_532, %mul3A_563 : vector<16xf32>
        %mul3A_565 = arith.mulf %sub3A_550, %sub3A_550 : vector<16xf32>
        %add3A_566 = arith.addf %add3A_534, %mul3A_565 : vector<16xf32>
        %mul3A_567 = arith.mulf %sub3A_550, %gather3A_547 : vector<16xf32>
        %add3A_568 = arith.addf %add3A_536, %mul3A_567 : vector<16xf32>
        scf.yield %add3A_552, %add3A_554, %add3A_556, %add3A_558, %add3A_560, %add3A_562, %add3A_564, %add3A_566, %add3A_568 : vector<16xf32>, vector<16xf32>, vector<16xf32>, vector<16xf32>, vector<16xf32>, vector<16xf32>, vector<16xf32>, vector<16xf32>, vector<16xf32>
      }
      %scan3A_373 = arith.constant 64 : i32
      %max3A = arith.constant 1.000000e-24 : f32
      %max3A_374 = vector.broadcast %max3A : f32 to vector<16xf32>
      %max3A_375 = arith.maximumf %scan3A_372#0, %max3A_374 : vector<16xf32>
      %div3A = arith.constant 1.000000e+00 : f32
      %div3A_376 = vector.broadcast %div3A : f32 to vector<16xf32>
      %div3A_377 = arith.divf %div3A_376, %max3A_375 : vector<16xf32>
      %bitcast3A = vector.bitcast %max3A_375 : vector<16xf32> to vector<16xi32>
      %shift_right_arithmetic3A = arith.constant 1 : i32
      %shift_right_arithmetic3A_378 = vector.broadcast %shift_right_arithmetic3A : i32 to vector<16xi32>
      %shift_right_arithmetic3A_379 = arith.shrsi %bitcast3A, %shift_right_arithmetic3A_378 : vector<16xi32>
      %sub3A = arith.constant 1597463007 : i32
      %sub3A_380 = vector.broadcast %sub3A : i32 to vector<16xi32>
      %sub3A_381 = arith.subi %sub3A_380, %shift_right_arithmetic3A_379 : vector<16xi32>
      %bitcast3A_382 = vector.bitcast %sub3A_381 : vector<16xi32> to vector<16xf32>
      %mul3A_383 = arith.constant 5.000000e-01 : f32
      %mul3A_384 = vector.broadcast %mul3A_383 : f32 to vector<16xf32>
      %mul3A_385 = arith.mulf %mul3A_384, %max3A_375 : vector<16xf32>
      %mul3A_386 = arith.mulf %mul3A_385, %bitcast3A_382 : vector<16xf32>
      %mul3A_387 = arith.mulf %mul3A_386, %bitcast3A_382 : vector<16xf32>
      %sub3A_388 = arith.constant 1.500000e+00 : f32
      %sub3A_389 = vector.broadcast %sub3A_388 : f32 to vector<16xf32>
      %sub3A_390 = arith.subf %sub3A_389, %mul3A_387 : vector<16xf32>
      %mul3A_391 = arith.mulf %bitcast3A_382, %sub3A_390 : vector<16xf32>
      %mul3A_392 = arith.constant 5.000000e-01 : f32
      %mul3A_393 = vector.broadcast %mul3A_392 : f32 to vector<16xf32>
      %mul3A_394 = arith.mulf %mul3A_393, %max3A_375 : vector<16xf32>
      %mul3A_395 = arith.mulf %mul3A_394, %mul3A_391 : vector<16xf32>
      %mul3A_396 = arith.mulf %mul3A_395, %mul3A_391 : vector<16xf32>
      %sub3A_397 = arith.constant 1.500000e+00 : f32
      %sub3A_398 = vector.broadcast %sub3A_397 : f32 to vector<16xf32>
      %sub3A_399 = arith.subf %sub3A_398, %mul3A_396 : vector<16xf32>
      %mul3A_400 = arith.mulf %mul3A_391, %sub3A_399 : vector<16xf32>
      %mul3A_401 = arith.constant 5.000000e-01 : f32
      %mul3A_402 = vector.broadcast %mul3A_401 : f32 to vector<16xf32>
      %mul3A_403 = arith.mulf %mul3A_402, %max3A_375 : vector<16xf32>
      %mul3A_404 = arith.mulf %mul3A_403, %mul3A_400 : vector<16xf32>
      %mul3A_405 = arith.mulf %mul3A_404, %mul3A_400 : vector<16xf32>
      %sub3A_406 = arith.constant 1.500000e+00 : f32
      %sub3A_407 = vector.broadcast %sub3A_406 : f32 to vector<16xf32>
      %sub3A_408 = arith.subf %sub3A_407, %mul3A_405 : vector<16xf32>
      %mul3A_409 = arith.mulf %mul3A_400, %sub3A_408 : vector<16xf32>
      %mul3A_410 = arith.mulf %scan3A_372#0, %div3A_377 : vector<16xf32>
      %sub3A_411 = arith.subf %scan3A_372#1, %scan3A_372#2 : vector<16xf32>
      %mul3A_412 = arith.mulf %sub3A_411, %sub3A_411 : vector<16xf32>
      %mul3A_413 = arith.mulf %mul3A_412, %div3A_377 : vector<16xf32>
      %sub3A_414 = arith.constant 2.000000e+00 : f32
      %sub3A_415 = vector.broadcast %sub3A_414 : f32 to vector<16xf32>
      %sub3A_416 = arith.subf %mul3A_410, %sub3A_415 : vector<16xf32>
      %mul3A_417 = arith.mulf %mul3A_413, %sub3A_416 : vector<16xf32>
      %add3A_418 = arith.addf %scan3A_372#7, %mul3A_417 : vector<16xf32>
      %add3A_419 = arith.addf %add3A_418, %scan3A_372#4 : vector<16xf32>
      %mul3A_420 = arith.constant 2.000000e+00 : f32
      %mul3A_421 = vector.broadcast %mul3A_420 : f32 to vector<16xf32>
      %mul3A_422 = arith.mulf %mul3A_421, %scan3A_372#8 : vector<16xf32>
      %add3A_423 = arith.addf %add3A_419, %mul3A_422 : vector<16xf32>
      %mul3A_424 = arith.constant 2.000000e+00 : f32
      %mul3A_425 = vector.broadcast %mul3A_424 : f32 to vector<16xf32>
      %mul3A_426 = arith.mulf %mul3A_425, %sub3A_411 : vector<16xf32>
      %mul3A_427 = arith.mulf %mul3A_426, %scan3A_372#3 : vector<16xf32>
      %mul3A_428 = arith.mulf %mul3A_427, %div3A_377 : vector<16xf32>
      %sub3A_429 = arith.subf %add3A_423, %mul3A_428 : vector<16xf32>
      %max3A_430 = arith.constant 0.000000e+00 : f32
      %max3A_431 = vector.broadcast %max3A_430 : f32 to vector<16xf32>
      %max3A_432 = arith.maximumf %sub3A_429, %max3A_431 : vector<16xf32>
      %max3A_433 = arith.constant 1.000000e-30 : f32
      %max3A_434 = vector.broadcast %max3A_433 : f32 to vector<16xf32>
      %max3A_435 = arith.maximumf %max3A_432, %max3A_434 : vector<16xf32>
      %bitcast3A_436 = vector.bitcast %max3A_435 : vector<16xf32> to vector<16xi32>
      %shift_right_arithmetic3A_437 = arith.constant 1 : i32
      %shift_right_arithmetic3A_438 = vector.broadcast %shift_right_arithmetic3A_437 : i32 to vector<16xi32>
      %shift_right_arithmetic3A_439 = arith.shrsi %bitcast3A_436, %shift_right_arithmetic3A_438 : vector<16xi32>
      %sub3A_440 = arith.constant 1597463007 : i32
      %sub3A_441 = vector.broadcast %sub3A_440 : i32 to vector<16xi32>
      %sub3A_442 = arith.subi %sub3A_441, %shift_right_arithmetic3A_439 : vector<16xi32>
      %bitcast3A_443 = vector.bitcast %sub3A_442 : vector<16xi32> to vector<16xf32>
      %mul3A_444 = arith.constant 5.000000e-01 : f32
      %mul3A_445 = vector.broadcast %mul3A_444 : f32 to vector<16xf32>
      %mul3A_446 = arith.mulf %mul3A_445, %max3A_435 : vector<16xf32>
      %mul3A_447 = arith.mulf %mul3A_446, %bitcast3A_443 : vector<16xf32>
      %mul3A_448 = arith.mulf %mul3A_447, %bitcast3A_443 : vector<16xf32>
      %sub3A_449 = arith.constant 1.500000e+00 : f32
      %sub3A_450 = vector.broadcast %sub3A_449 : f32 to vector<16xf32>
      %sub3A_451 = arith.subf %sub3A_450, %mul3A_448 : vector<16xf32>
      %mul3A_452 = arith.mulf %bitcast3A_443, %sub3A_451 : vector<16xf32>
      %mul3A_453 = arith.constant 5.000000e-01 : f32
      %mul3A_454 = vector.broadcast %mul3A_453 : f32 to vector<16xf32>
      %mul3A_455 = arith.mulf %mul3A_454, %max3A_435 : vector<16xf32>
      %mul3A_456 = arith.mulf %mul3A_455, %mul3A_452 : vector<16xf32>
      %mul3A_457 = arith.mulf %mul3A_456, %mul3A_452 : vector<16xf32>
      %sub3A_458 = arith.constant 1.500000e+00 : f32
      %sub3A_459 = vector.broadcast %sub3A_458 : f32 to vector<16xf32>
      %sub3A_460 = arith.subf %sub3A_459, %mul3A_457 : vector<16xf32>
      %mul3A_461 = arith.mulf %mul3A_452, %sub3A_460 : vector<16xf32>
      %mul3A_462 = arith.constant 5.000000e-01 : f32
      %mul3A_463 = vector.broadcast %mul3A_462 : f32 to vector<16xf32>
      %mul3A_464 = arith.mulf %mul3A_463, %max3A_435 : vector<16xf32>
      %mul3A_465 = arith.mulf %mul3A_464, %mul3A_461 : vector<16xf32>
      %mul3A_466 = arith.mulf %mul3A_465, %mul3A_461 : vector<16xf32>
      %sub3A_467 = arith.constant 1.500000e+00 : f32
      %sub3A_468 = vector.broadcast %sub3A_467 : f32 to vector<16xf32>
      %sub3A_469 = arith.subf %sub3A_468, %mul3A_466 : vector<16xf32>
      %mul3A_470 = arith.mulf %mul3A_461, %sub3A_469 : vector<16xf32>
      %mul3A_471 = arith.mulf %max3A_432, %mul3A_470 : vector<16xf32>
      %swap3A_472 = arith.index_cast %add3A_356 : i32 to index
      %swap3A_473 = tpu.vector_load %arg22[%swap3A_472] {strides = array<i32>} : memref<512xf32, #tpu.memory_space<vmem>>, vector<16xf32>,
      tpu.vector_store %arg22[%swap3A_472], %mul3A_471 {strides = array<i32>} : memref<512xf32, #tpu.memory_space<vmem>>, vector<16xf32>,
      %mul3A_474 = arith.mulf %scan3A_372#3, %mul3A_409 : vector<16xf32>
      %sub3A_475 = arith.constant 9.99999997E-7 : f32
      %sub3A_476 = vector.broadcast %sub3A_475 : f32 to vector<16xf32>
      %sub3A_477 = arith.subf %mul3A_474, %sub3A_476 : vector<16xf32>
      %max3A_478 = arith.constant 0.000000e+00 : f32
      %max3A_479 = vector.broadcast %max3A_478 : f32 to vector<16xf32>
      %max3A_480 = arith.maximumf %sub3A_477, %max3A_479 : vector<16xf32>
      %add3A_481 = arith.addf %scan3A_350, %max3A_480 : vector<16xf32>
      %add3A_482 = arith.addf %scan3A_351, %scan3A_372#5 : vector<16xf32>
      %mul3A_483 = arith.mulf %scan3A_372#1, %scan3A_372#1 : vector<16xf32>
      %mul3A_484 = arith.mulf %mul3A_483, %div3A_377 : vector<16xf32>
      %sub3A_485 = arith.constant 2.000000e+00 : f32
      %sub3A_486 = vector.broadcast %sub3A_485 : f32 to vector<16xf32>
      %sub3A_487 = arith.subf %mul3A_410, %sub3A_486 : vector<16xf32>
      %mul3A_488 = arith.mulf %mul3A_484, %sub3A_487 : vector<16xf32>
      %add3A_489 = arith.addf %add3A_482, %mul3A_488 : vector<16xf32>
      %add3A_490 = arith.addf %scan3A_352, %scan3A_372#6 : vector<16xf32>
      %mul3A_491 = arith.mulf %scan3A_372#2, %scan3A_372#2 : vector<16xf32>
      %mul3A_492 = arith.mulf %mul3A_491, %div3A_377 : vector<16xf32>
      %sub3A_493 = arith.constant 2.000000e+00 : f32
      %sub3A_494 = vector.broadcast %sub3A_493 : f32 to vector<16xf32>
      %sub3A_495 = arith.subf %mul3A_410, %sub3A_494 : vector<16xf32>
      %mul3A_496 = arith.mulf %mul3A_492, %sub3A_495 : vector<16xf32>
      %add3A_497 = arith.addf %add3A_490, %mul3A_496 : vector<16xf32>
      scf.yield %add3A_481, %add3A_489, %add3A_497 : vector<16xf32>, vector<16xf32>, vector<16xf32>
    }
    %scan3A_268 = arith.constant 4 : i32
    %scan3A_269 = arith.constant 0 : i32
    %scan3A_270 = arith.constant 0 : i32
    %scan3A_271 = arith.constant 4 : i32
    %scan3A_272 = arith.addi %scan3A_270, %scan3A_271 : i32
    %scan3A_273 = arith.constant 1 : i32
    %scan3A_274 = scf.for %scan3A_349 = %scan3A_270 to %scan3A_272 step %scan3A_273 iter_args(%scan3A_350 = %scan3A_269) -> (i32)  : i32 {
      %mul3A_351 = arith.constant 16 : i32
      %mul3A_352 = arith.muli %scan3A_349, %mul3A_351 : i32
      %add3A_353 = arith.constant 448 : i32
      %add3A_354 = arith.addi %add3A_353, %mul3A_352 : i32
      %get3A = arith.index_cast %add3A_354 : i32 to index
      %get3A_355 = tpu.vector_load %arg10[%get3A] {strides = array<i32>} : memref<512xi32, #tpu.memory_space<vmem>>, vector<16xi32>,
      %mul3A_356 = arith.constant 16 : i32
      %mul3A_357 = arith.muli %scan3A_349, %mul3A_356 : i32
      %add3A_358 = arith.constant 448 : i32
      %add3A_359 = arith.addi %add3A_358, %mul3A_357 : i32
      %get3A_360 = arith.index_cast %add3A_359 : i32 to index
      %get3A_361 = tpu.vector_load %arg11[%get3A_360] {strides = array<i32>} : memref<512xi32, #tpu.memory_space<vmem>>, vector<16xi32>,
      %scan3A_362 = arith.constant 0 : i32
      %scan3A_363 = arith.constant 0 : i32
      %scan3A_364 = arith.constant 16 : i32
      %scan3A_365 = arith.addi %scan3A_363, %scan3A_364 : i32
      %scan3A_366 = arith.constant 2 : i32
      %scan3A_367 = scf.for %scan3A_370 = %scan3A_363 to %scan3A_365 step %scan3A_366 iter_args(%scan3A_371 = %scan3A_362) -> (i32)  : i32 {
        %eq3A = vector.broadcast %scan3A_370 : i32 to vector<16xi32>
        %eq3A_372 = arith.cmpi eq, %iota3A, %eq3A : vector<16xi32>
        %jit3A = arith.constant 0 : i32
        %broadcast_in_dim3A_373 = vector.broadcast %jit3A : i32 to vector<16xi32>
        %select_n3A = arith.select %eq3A_372, %get3A_355, %broadcast_in_dim3A_373 : vector<16xi1>, vector<16xi32>
        %reduce_sum3A = arith.constant true
        %reduce_sum3A_374 = vector.broadcast %reduce_sum3A : i1 to vector<16xi1>
        %reduce_sum3A_375 = tpu.scan <sum>, %select_n3A masked %reduce_sum3A_374 : vector<16xi32>, vector<16xi1> -> vector<16xi32>
        %reduce_sum3A_376 = vector.extract %reduce_sum3A_375[15] : i32 from vector<16xi32>
        %eq3A_377 = vector.broadcast %scan3A_370 : i32 to vector<16xi32>
        %eq3A_378 = arith.cmpi eq, %iota3A, %eq3A_377 : vector<16xi32>
        %jit3A_379 = arith.constant 0 : i32
        %broadcast_in_dim3A_380 = vector.broadcast %jit3A_379 : i32 to vector<16xi32>
        %select_n3A_381 = arith.select %eq3A_378, %get3A_361, %broadcast_in_dim3A_380 : vector<16xi1>, vector<16xi32>
        %reduce_sum3A_382 = arith.constant true
        %reduce_sum3A_383 = vector.broadcast %reduce_sum3A_382 : i1 to vector<16xi1>
        %reduce_sum3A_384 = tpu.scan <sum>, %select_n3A_381 masked %reduce_sum3A_383 : vector<16xi32>, vector<16xi1> -> vector<16xi32>
        %reduce_sum3A_385 = vector.extract %reduce_sum3A_384[15] : i32 from vector<16xi32>
        %mul3A_386 = arith.constant 16 : i32
        %mul3A_387 = arith.muli %scan3A_349, %mul3A_386 : i32
        %add3A_388 = arith.addi %mul3A_387, %scan3A_370 : i32
        %shift_right_arithmetic3A = arith.constant 3 : i32
        %shift_right_arithmetic3A_389 = arith.shrsi %reduce_sum3A_376, %shift_right_arithmetic3A : i32
        %and3A = arith.constant 7 : i32
        %and3A_390 = arith.andi %reduce_sum3A_376, %and3A : i32
        %dma_start3A_391 = arith.constant 0 : i32
        %dma_start3A_392 = tpu.memref_slice %arg18[%add3A_388, %dma_start3A_391] : memref<64x64xf32, #tpu.memory_space<vmem>> -> memref<1x64xf32, #tpu.memory_space<vmem>>
        %dma_start3A_393 = arith.constant 0 : i32
        %dma_start3A_394 = tpu.memref_slice %arg5[%shift_right_arithmetic3A_389, %and3A_390, %dma_start3A_393] : memref<125000x8x64xf32, #tpu.memory_space<hbm>> -> memref<1x1x64xf32, #tpu.memory_space<hbm>>
        %dma_start3A_395 = tpu.memref_squeeze %dma_start3A_394 : memref<1x1x64xf32, #tpu.memory_space<hbm>> -> memref<1x64xf32, #tpu.memory_space<hbm>>
        %dma_start3A_396 = arith.constant 0 : i32
        %dma_start3A_397 = tpu.memref_slice %arg18[%add3A_388, %dma_start3A_396] : memref<64x64xf32, #tpu.memory_space<vmem>> -> memref<1x64xf32, #tpu.memory_space<vmem>>
        %dma_start3A_398 = arith.constant 0 : i32
        %dma_start3A_399 = tpu.memref_slice %arg5[%shift_right_arithmetic3A_389, %and3A_390, %dma_start3A_398] : memref<125000x8x64xf32, #tpu.memory_space<hbm>> -> memref<1x1x64xf32, #tpu.memory_space<hbm>>
        %dma_start3A_400 = tpu.memref_squeeze %dma_start3A_399 : memref<1x1x64xf32, #tpu.memory_space<hbm>> -> memref<1x64xf32, #tpu.memory_space<hbm>>
        tpu.enqueue_dma source(%dma_start3A_400 : memref<1x64xf32, #tpu.memory_space<hbm>>) target(%dma_start3A_397 : memref<1x64xf32, #tpu.memory_space<vmem>>) target_semaphore(%arg26 : memref<!tpu.dma_semaphore, #tpu.memory_space<semaphore_mem>>)
        %shift_right_arithmetic3A_401 = arith.constant 3 : i32
        %shift_right_arithmetic3A_402 = arith.shrsi %reduce_sum3A_385, %shift_right_arithmetic3A_401 : i32
        %and3A_403 = arith.constant 7 : i32
        %and3A_404 = arith.andi %reduce_sum3A_385, %and3A_403 : i32
        %dma_start3A_405 = arith.constant 0 : i32
        %dma_start3A_406 = tpu.memref_slice %arg19[%add3A_388, %dma_start3A_405] : memref<64x64xf32, #tpu.memory_space<vmem>> -> memref<1x64xf32, #tpu.memory_space<vmem>>
        %dma_start3A_407 = arith.constant 0 : i32
        %dma_start3A_408 = tpu.memref_slice %arg5[%shift_right_arithmetic3A_402, %and3A_404, %dma_start3A_407] : memref<125000x8x64xf32, #tpu.memory_space<hbm>> -> memref<1x1x64xf32, #tpu.memory_space<hbm>>
        %dma_start3A_409 = tpu.memref_squeeze %dma_start3A_408 : memref<1x1x64xf32, #tpu.memory_space<hbm>> -> memref<1x64xf32, #tpu.memory_space<hbm>>
        %dma_start3A_410 = arith.constant 0 : i32
        %dma_start3A_411 = tpu.memref_slice %arg19[%add3A_388, %dma_start3A_410] : memref<64x64xf32, #tpu.memory_space<vmem>> -> memref<1x64xf32, #tpu.memory_space<vmem>>
        %dma_start3A_412 = arith.constant 0 : i32
        %dma_start3A_413 = tpu.memref_slice %arg5[%shift_right_arithmetic3A_402, %and3A_404, %dma_start3A_412] : memref<125000x8x64xf32, #tpu.memory_space<hbm>> -> memref<1x1x64xf32, #tpu.memory_space<hbm>>
        %dma_start3A_414 = tpu.memref_squeeze %dma_start3A_413 : memref<1x1x64xf32, #tpu.memory_space<hbm>> -> memref<1x64xf32, #tpu.memory_space<hbm>>
        tpu.enqueue_dma source(%dma_start3A_414 : memref<1x64xf32, #tpu.memory_space<hbm>>) target(%dma_start3A_411 : memref<1x64xf32, #tpu.memory_space<vmem>>) target_semaphore(%arg26 : memref<!tpu.dma_semaphore, #tpu.memory_space<semaphore_mem>>)
        %scan3A_415 = arith.constant 0 : i32
        %scan3A_416 = arith.constant 1 : i32
        %scan3A_417 = arith.addi %scan3A_370, %scan3A_416 : i32
        %eq3A_418 = vector.broadcast %scan3A_417 : i32 to vector<16xi32>
        %eq3A_419 = arith.cmpi eq, %iota3A, %eq3A_418 : vector<16xi32>
        %jit3A_420 = arith.constant 0 : i32
        %broadcast_in_dim3A_421 = vector.broadcast %jit3A_420 : i32 to vector<16xi32>
        %select_n3A_422 = arith.select %eq3A_419, %get3A_355, %broadcast_in_dim3A_421 : vector<16xi1>, vector<16xi32>
        %reduce_sum3A_423 = arith.constant true
        %reduce_sum3A_424 = vector.broadcast %reduce_sum3A_423 : i1 to vector<16xi1>
        %reduce_sum3A_425 = tpu.scan <sum>, %select_n3A_422 masked %reduce_sum3A_424 : vector<16xi32>, vector<16xi1> -> vector<16xi32>
        %reduce_sum3A_426 = vector.extract %reduce_sum3A_425[15] : i32 from vector<16xi32>
        %eq3A_427 = vector.broadcast %scan3A_417 : i32 to vector<16xi32>
        %eq3A_428 = arith.cmpi eq, %iota3A, %eq3A_427 : vector<16xi32>
        %jit3A_429 = arith.constant 0 : i32
        %broadcast_in_dim3A_430 = vector.broadcast %jit3A_429 : i32 to vector<16xi32>
        %select_n3A_431 = arith.select %eq3A_428, %get3A_361, %broadcast_in_dim3A_430 : vector<16xi1>, vector<16xi32>
        %reduce_sum3A_432 = arith.constant true
        %reduce_sum3A_433 = vector.broadcast %reduce_sum3A_432 : i1 to vector<16xi1>
        %reduce_sum3A_434 = tpu.scan <sum>, %select_n3A_431 masked %reduce_sum3A_433 : vector<16xi32>, vector<16xi1> -> vector<16xi32>
        %reduce_sum3A_435 = vector.extract %reduce_sum3A_434[15] : i32 from vector<16xi32>
        %mul3A_436 = arith.constant 16 : i32
        %mul3A_437 = arith.muli %scan3A_349, %mul3A_436 : i32
        %add3A_438 = arith.addi %mul3A_437, %scan3A_417 : i32
        %shift_right_arithmetic3A_439 = arith.constant 3 : i32
        %shift_right_arithmetic3A_440 = arith.shrsi %reduce_sum3A_426, %shift_right_arithmetic3A_439 : i32
        %and3A_441 = arith.constant 7 : i32
        %and3A_442 = arith.andi %reduce_sum3A_426, %and3A_441 : i32
        %dma_start3A_443 = arith.constant 0 : i32
        %dma_start3A_444 = tpu.memref_slice %arg18[%add3A_438, %dma_start3A_443] : memref<64x64xf32, #tpu.memory_space<vmem>> -> memref<1x64xf32, #tpu.memory_space<vmem>>
        %dma_start3A_445 = arith.constant 0 : i32
        %dma_start3A_446 = tpu.memref_slice %arg5[%shift_right_arithmetic3A_440, %and3A_442, %dma_start3A_445] : memref<125000x8x64xf32, #tpu.memory_space<hbm>> -> memref<1x1x64xf32, #tpu.memory_space<hbm>>
        %dma_start3A_447 = tpu.memref_squeeze %dma_start3A_446 : memref<1x1x64xf32, #tpu.memory_space<hbm>> -> memref<1x64xf32, #tpu.memory_space<hbm>>
        %dma_start3A_448 = arith.constant 0 : i32
        %dma_start3A_449 = tpu.memref_slice %arg18[%add3A_438, %dma_start3A_448] : memref<64x64xf32, #tpu.memory_space<vmem>> -> memref<1x64xf32, #tpu.memory_space<vmem>>
        %dma_start3A_450 = arith.constant 0 : i32
        %dma_start3A_451 = tpu.memref_slice %arg5[%shift_right_arithmetic3A_440, %and3A_442, %dma_start3A_450] : memref<125000x8x64xf32, #tpu.memory_space<hbm>> -> memref<1x1x64xf32, #tpu.memory_space<hbm>>
        %dma_start3A_452 = tpu.memref_squeeze %dma_start3A_451 : memref<1x1x64xf32, #tpu.memory_space<hbm>> -> memref<1x64xf32, #tpu.memory_space<hbm>>
        tpu.enqueue_dma source(%dma_start3A_452 : memref<1x64xf32, #tpu.memory_space<hbm>>) target(%dma_start3A_449 : memref<1x64xf32, #tpu.memory_space<vmem>>) target_semaphore(%arg26 : memref<!tpu.dma_semaphore, #tpu.memory_space<semaphore_mem>>)
        %shift_right_arithmetic3A_453 = arith.constant 3 : i32
        %shift_right_arithmetic3A_454 = arith.shrsi %reduce_sum3A_435, %shift_right_arithmetic3A_453 : i32
        %and3A_455 = arith.constant 7 : i32
        %and3A_456 = arith.andi %reduce_sum3A_435, %and3A_455 : i32
        %dma_start3A_457 = arith.constant 0 : i32
        %dma_start3A_458 = tpu.memref_slice %arg19[%add3A_438, %dma_start3A_457] : memref<64x64xf32, #tpu.memory_space<vmem>> -> memref<1x64xf32, #tpu.memory_space<vmem>>
        %dma_start3A_459 = arith.constant 0 : i32
        %dma_start3A_460 = tpu.memref_slice %arg5[%shift_right_arithmetic3A_454, %and3A_456, %dma_start3A_459] : memref<125000x8x64xf32, #tpu.memory_space<hbm>> -> memref<1x1x64xf32, #tpu.memory_space<hbm>>
        %dma_start3A_461 = tpu.memref_squeeze %dma_start3A_460 : memref<1x1x64xf32, #tpu.memory_space<hbm>> -> memref<1x64xf32, #tpu.memory_space<hbm>>
        %dma_start3A_462 = arith.constant 0 : i32
        %dma_start3A_463 = tpu.memref_slice %arg19[%add3A_438, %dma_start3A_462] : memref<64x64xf32, #tpu.memory_space<vmem>> -> memref<1x64xf32, #tpu.memory_space<vmem>>
        %dma_start3A_464 = arith.constant 0 : i32
        %dma_start3A_465 = tpu.memref_slice %arg5[%shift_right_arithmetic3A_454, %and3A_456, %dma_start3A_464] : memref<125000x8x64xf32, #tpu.memory_space<hbm>> -> memref<1x1x64xf32, #tpu.memory_space<hbm>>
        %dma_start3A_466 = tpu.memref_squeeze %dma_start3A_465 : memref<1x1x64xf32, #tpu.memory_space<hbm>> -> memref<1x64xf32, #tpu.memory_space<hbm>>
        tpu.enqueue_dma source(%dma_start3A_466 : memref<1x64xf32, #tpu.memory_space<hbm>>) target(%dma_start3A_463 : memref<1x64xf32, #tpu.memory_space<vmem>>) target_semaphore(%arg26 : memref<!tpu.dma_semaphore, #tpu.memory_space<semaphore_mem>>)
        %scan3A_467 = arith.constant 0 : i32
        scf.yield %scan3A_467 : i32
      }
      %scan3A_368 = arith.constant 16 : i32
      %scan3A_369 = arith.constant 0 : i32
      scf.yield %scan3A_369 : i32
    }
    %scan3A_275 = arith.constant 4 : i32
    %dma_start3A_276 = arith.constant 448 : i32
    %dma_start3A_277 = tpu.memref_slice %arg13[%dma_start3A_276] : memref<512xi32, #tpu.memory_space<vmem>> -> memref<64xi32, #tpu.memory_space<vmem>>
    %dma_start3A_278 = arith.constant 0 : i32
    %dma_start3A_279 = arith.constant 0 : i32
    %dma_start3A_280 = tpu.memref_slice %arg6[%dma_start3A_278, %dma_start3A_279] : memref<500x128xf32, #tpu.memory_space<hbm>> -> memref<500x128xf32, #tpu.memory_space<hbm>>
    tpu.enqueue_indirect_dma source(%dma_start3A_280 : memref<500x128xf32, #tpu.memory_space<hbm>>) target(%arg20 : memref<64x128xf32, #tpu.memory_space<vmem>>) offsets(%dma_start3A_277 : memref<64xi32, #tpu.memory_space<vmem>>) semaphore(%arg27 : memref<!tpu.dma_semaphore, #tpu.memory_space<semaphore_mem>>)
    %dma_start3A_281 = arith.constant 448 : i32
    %dma_start3A_282 = tpu.memref_slice %arg13[%dma_start3A_281] : memref<512xi32, #tpu.memory_space<vmem>> -> memref<64xi32, #tpu.memory_space<vmem>>
    %dma_start3A_283 = arith.constant 0 : i32
    %dma_start3A_284 = arith.constant 0 : i32
    %dma_start3A_285 = tpu.memref_slice %arg7[%dma_start3A_283, %dma_start3A_284] : memref<500x128xf32, #tpu.memory_space<hbm>> -> memref<500x128xf32, #tpu.memory_space<hbm>>
    tpu.enqueue_indirect_dma source(%dma_start3A_285 : memref<500x128xf32, #tpu.memory_space<hbm>>) target(%arg21 : memref<64x128xf32, #tpu.memory_space<vmem>>) offsets(%dma_start3A_282 : memref<64xi32, #tpu.memory_space<vmem>>) semaphore(%arg27 : memref<!tpu.dma_semaphore, #tpu.memory_space<semaphore_mem>>)
    %scan3A_286 = arith.constant 0 : i32
    %scan3A_287 = arith.constant 0 : i32
    %scan3A_288 = arith.constant 128 : i32
    %scan3A_289 = arith.addi %scan3A_287, %scan3A_288 : i32
    %scan3A_290 = arith.constant 1 : i32
    %scan3A_291 = scf.for %scan3A_349 = %scan3A_287 to %scan3A_289 step %scan3A_290 iter_args(%scan3A_350 = %scan3A_286) -> (i32)  : i32 {
      %dma_wait3A_351 = arith.constant 0 : i32
      %dma_wait3A_352 = arith.constant 0 : i32
      %dma_wait3A_353 = arith.constant 0 : i32
      %dma_wait3A_354 = tpu.memref_slice %arg14[%dma_wait3A_352, %dma_wait3A_353] : memref<64x64xf32, #tpu.memory_space<vmem>> -> memref<1x64xf32, #tpu.memory_space<vmem>>
      %dma_wait3A_355 = arith.constant 0 : i32
      %dma_wait3A_356 = arith.constant 0 : i32
      %dma_wait3A_357 = tpu.memref_slice %arg5[%dma_wait3A_351, %dma_wait3A_355, %dma_wait3A_356] : memref<125000x8x64xf32, #tpu.memory_space<hbm>> -> memref<1x1x64xf32, #tpu.memory_space<hbm>>
      %dma_wait3A_358 = tpu.memref_squeeze %dma_wait3A_357 : memref<1x1x64xf32, #tpu.memory_space<hbm>> -> memref<1x64xf32, #tpu.memory_space<hbm>>
      %dma_wait3A_359 = arith.constant 0 : i32
      %dma_wait3A_360 = arith.constant 0 : i32
      %dma_wait3A_361 = tpu.memref_slice %arg14[%dma_wait3A_359, %dma_wait3A_360] : memref<64x64xf32, #tpu.memory_space<vmem>> -> memref<1x64xf32, #tpu.memory_space<vmem>>
      %dma_wait3A_362 = arith.constant 0 : i32
      %dma_wait3A_363 = arith.constant 0 : i32
      %dma_wait3A_364 = tpu.memref_slice %arg5[%dma_wait3A_351, %dma_wait3A_362, %dma_wait3A_363] : memref<125000x8x64xf32, #tpu.memory_space<hbm>> -> memref<1x1x64xf32, #tpu.memory_space<hbm>>
      %dma_wait3A_365 = tpu.memref_squeeze %dma_wait3A_364 : memref<1x1x64xf32, #tpu.memory_space<hbm>> -> memref<1x64xf32, #tpu.memory_space<hbm>>
      tpu.wait_dma2 semaphore(%arg24 : memref<!tpu.dma_semaphore, #tpu.memory_space<semaphore_mem>>) src(%dma_wait3A_365 : memref<1x64xf32, #tpu.memory_space<hbm>>) dst(%dma_wait3A_361 : memref<1x64xf32, #tpu.memory_space<vmem>>)
      %scan3A_366 = arith.constant 0 : i32
      scf.yield %scan3A_366 : i32
    }
    %scan3A_292 = arith.constant 128 : i32
    %dma_wait3A_293 = arith.constant 384 : i32
    %dma_wait3A_294 = tpu.memref_slice %arg13[%dma_wait3A_293] : memref<512xi32, #tpu.memory_space<vmem>> -> memref<64xi32, #tpu.memory_space<vmem>>
    %dma_wait3A_295 = arith.constant 0 : i32
    %dma_wait3A_296 = arith.constant 0 : i32
    %dma_wait3A_297 = tpu.memref_slice %arg6[%dma_wait3A_295, %dma_wait3A_296] : memref<500x128xf32, #tpu.memory_space<hbm>> -> memref<500x128xf32, #tpu.memory_space<hbm>>
    tpu.wait_indirect_dma semaphore(%arg25 : memref<!tpu.dma_semaphore, #tpu.memory_space<semaphore_mem>>) src(%dma_wait3A_297 : memref<500x128xf32, #tpu.memory_space<hbm>>) dst(%arg16 : memref<64x128xf32, #tpu.memory_space<vmem>>)
    %dma_wait3A_298 = arith.constant 384 : i32
    %dma_wait3A_299 = tpu.memref_slice %arg13[%dma_wait3A_298] : memref<512xi32, #tpu.memory_space<vmem>> -> memref<64xi32, #tpu.memory_space<vmem>>
    %dma_wait3A_300 = arith.constant 0 : i32
    %dma_wait3A_301 = arith.constant 0 : i32
    %dma_wait3A_302 = tpu.memref_slice %arg7[%dma_wait3A_300, %dma_wait3A_301] : memref<500x128xf32, #tpu.memory_space<hbm>> -> memref<500x128xf32, #tpu.memory_space<hbm>>
    tpu.wait_indirect_dma semaphore(%arg25 : memref<!tpu.dma_semaphore, #tpu.memory_space<semaphore_mem>>) src(%dma_wait3A_302 : memref<500x128xf32, #tpu.memory_space<hbm>>) dst(%arg17 : memref<64x128xf32, #tpu.memory_space<vmem>>)
    %scan3A_303 = arith.constant 0 : i32
    %scan3A_304 = arith.constant 4 : i32
    %scan3A_305 = arith.addi %scan3A_303, %scan3A_304 : i32
    %scan3A_306 = arith.constant 1 : i32
    %scan3A_307:3 = scf.for %scan3A_349 = %scan3A_303 to %scan3A_305 step %scan3A_306 iter_args(%scan3A_350 = %scan3A_267#0, %scan3A_351 = %scan3A_267#1, %scan3A_352 = %scan3A_267#2) -> (vector<16xf32>, vector<16xf32>, vector<16xf32>)  : i32 {
      %mul3A_353 = arith.constant 16 : i32
      %mul3A_354 = arith.muli %scan3A_349, %mul3A_353 : i32
      %add3A_355 = arith.constant 384 : i32
      %add3A_356 = arith.addi %add3A_355, %mul3A_354 : i32
      %get3A = arith.index_cast %add3A_356 : i32 to index
      %get3A_357 = tpu.vector_load %arg12[%get3A] {strides = array<i32>} : memref<512xi32, #tpu.memory_space<vmem>>, vector<16xi32>,
      %and3A = arith.constant 1 : i32
      %and3A_358 = vector.broadcast %and3A : i32 to vector<16xi32>
      %and3A_359 = arith.andi %get3A_357, %and3A_358 : vector<16xi32>
      %shift_left3A = arith.constant 6 : i32
      %shift_left3A_360 = vector.broadcast %shift_left3A : i32 to vector<16xi32>
      %shift_left3A_361 = arith.shli %and3A_359, %shift_left3A_360 : vector<16xi32>
      %mul3A_362 = arith.constant 16 : i32
      %mul3A_363 = arith.muli %scan3A_349, %mul3A_362 : i32
      %add3A_364 = vector.broadcast %mul3A_363 : i32 to vector<16xi32>
      %add3A_365 = arith.addi %add3A_364, %iota3A : vector<16xi32>
      %broadcast_in_dim3A_366 = arith.constant 0.000000e+00 : f32
      %broadcast_in_dim3A_367 = vector.broadcast %broadcast_in_dim3A_366 : f32 to vector<16xf32>
      %scan3A_368 = arith.constant 0 : i32
      %scan3A_369 = arith.constant 64 : i32
      %scan3A_370 = arith.addi %scan3A_368, %scan3A_369 : i32
      %scan3A_371 = arith.constant 2 : i32
      %scan3A_372:9 = scf.for %scan3A_498 = %scan3A_368 to %scan3A_370 step %scan3A_371 iter_args(%scan3A_499 = %broadcast_in_dim3A_367, %scan3A_500 = %broadcast_in_dim3A_367, %scan3A_501 = %broadcast_in_dim3A_367, %scan3A_502 = %broadcast_in_dim3A_367, %scan3A_503 = %broadcast_in_dim3A_367, %scan3A_504 = %broadcast_in_dim3A_367, %scan3A_505 = %broadcast_in_dim3A_367, %scan3A_506 = %broadcast_in_dim3A_367, %scan3A_507 = %broadcast_in_dim3A_367) -> (vector<16xf32>, vector<16xf32>, vector<16xf32>, vector<16xf32>, vector<16xf32>, vector<16xf32>, vector<16xf32>, vector<16xf32>, vector<16xf32>)  : i32 {
        %add3A_508 = vector.broadcast %scan3A_498 : i32 to vector<16xi32>
        %add3A_509 = arith.addi %iota3A, %add3A_508 : vector<16xi32>
        %and3A_510 = arith.constant 63 : i32
        %and3A_511 = vector.broadcast %and3A_510 : i32 to vector<16xi32>
        %and3A_512 = arith.andi %add3A_509, %and3A_511 : vector<16xi32>
        %gather3A = tpu.vector_load_idx %arg14[%add3A_365, %and3A_512] : memref<64x64xf32, #tpu.memory_space<vmem>>[vector<16xi32>, vector<16xi32>], vector<16xf32>,
        %gather3A_513 = tpu.vector_load_idx %arg15[%add3A_365, %and3A_512] : memref<64x64xf32, #tpu.memory_space<vmem>>[vector<16xi32>, vector<16xi32>], vector<16xf32>,
        %add3A_514 = arith.addi %shift_left3A_361, %and3A_512 : vector<16xi32>
        %gather3A_515 = tpu.vector_load_idx %arg16[%add3A_365, %add3A_514] : memref<64x128xf32, #tpu.memory_space<vmem>>[vector<16xi32>, vector<16xi32>], vector<16xf32>,
        %add3A_516 = arith.addi %shift_left3A_361, %and3A_512 : vector<16xi32>
        %gather3A_517 = tpu.vector_load_idx %arg17[%add3A_365, %add3A_516] : memref<64x128xf32, #tpu.memory_space<vmem>>[vector<16xi32>, vector<16xi32>], vector<16xf32>,
        %sub3A_518 = arith.subf %gather3A, %gather3A_513 : vector<16xf32>
        %mul3A_519 = arith.mulf %gather3A_517, %gather3A_517 : vector<16xf32>
        %add3A_520 = arith.addf %scan3A_499, %mul3A_519 : vector<16xf32>
        %mul3A_521 = arith.mulf %gather3A_517, %gather3A : vector<16xf32>
        %add3A_522 = arith.addf %scan3A_500, %mul3A_521 : vector<16xf32>
        %mul3A_523 = arith.mulf %gather3A_517, %gather3A_513 : vector<16xf32>
        %add3A_524 = arith.addf %scan3A_501, %mul3A_523 : vector<16xf32>
        %mul3A_525 = arith.mulf %gather3A_517, %gather3A_515 : vector<16xf32>
        %add3A_526 = arith.addf %scan3A_502, %mul3A_525 : vector<16xf32>
        %mul3A_527 = arith.mulf %gather3A_515, %gather3A_515 : vector<16xf32>
        %add3A_528 = arith.addf %scan3A_503, %mul3A_527 : vector<16xf32>
        %mul3A_529 = arith.mulf %gather3A, %gather3A : vector<16xf32>
        %add3A_530 = arith.addf %scan3A_504, %mul3A_529 : vector<16xf32>
        %mul3A_531 = arith.mulf %gather3A_513, %gather3A_513 : vector<16xf32>
        %add3A_532 = arith.addf %scan3A_505, %mul3A_531 : vector<16xf32>
        %mul3A_533 = arith.mulf %sub3A_518, %sub3A_518 : vector<16xf32>
        %add3A_534 = arith.addf %scan3A_506, %mul3A_533 : vector<16xf32>
        %mul3A_535 = arith.mulf %sub3A_518, %gather3A_515 : vector<16xf32>
        %add3A_536 = arith.addf %scan3A_507, %mul3A_535 : vector<16xf32>
        %scan3A_537 = arith.constant 1 : i32
        %scan3A_538 = arith.addi %scan3A_498, %scan3A_537 : i32
        %add3A_539 = vector.broadcast %scan3A_538 : i32 to vector<16xi32>
        %add3A_540 = arith.addi %iota3A, %add3A_539 : vector<16xi32>
        %and3A_541 = arith.constant 63 : i32
        %and3A_542 = vector.broadcast %and3A_541 : i32 to vector<16xi32>
        %and3A_543 = arith.andi %add3A_540, %and3A_542 : vector<16xi32>
        %gather3A_544 = tpu.vector_load_idx %arg14[%add3A_365, %and3A_543] : memref<64x64xf32, #tpu.memory_space<vmem>>[vector<16xi32>, vector<16xi32>], vector<16xf32>,
        %gather3A_545 = tpu.vector_load_idx %arg15[%add3A_365, %and3A_543] : memref<64x64xf32, #tpu.memory_space<vmem>>[vector<16xi32>, vector<16xi32>], vector<16xf32>,
        %add3A_546 = arith.addi %shift_left3A_361, %and3A_543 : vector<16xi32>
        %gather3A_547 = tpu.vector_load_idx %arg16[%add3A_365, %add3A_546] : memref<64x128xf32, #tpu.memory_space<vmem>>[vector<16xi32>, vector<16xi32>], vector<16xf32>,
        %add3A_548 = arith.addi %shift_left3A_361, %and3A_543 : vector<16xi32>
        %gather3A_549 = tpu.vector_load_idx %arg17[%add3A_365, %add3A_548] : memref<64x128xf32, #tpu.memory_space<vmem>>[vector<16xi32>, vector<16xi32>], vector<16xf32>,
        %sub3A_550 = arith.subf %gather3A_544, %gather3A_545 : vector<16xf32>
        %mul3A_551 = arith.mulf %gather3A_549, %gather3A_549 : vector<16xf32>
        %add3A_552 = arith.addf %add3A_520, %mul3A_551 : vector<16xf32>
        %mul3A_553 = arith.mulf %gather3A_549, %gather3A_544 : vector<16xf32>
        %add3A_554 = arith.addf %add3A_522, %mul3A_553 : vector<16xf32>
        %mul3A_555 = arith.mulf %gather3A_549, %gather3A_545 : vector<16xf32>
        %add3A_556 = arith.addf %add3A_524, %mul3A_555 : vector<16xf32>
        %mul3A_557 = arith.mulf %gather3A_549, %gather3A_547 : vector<16xf32>
        %add3A_558 = arith.addf %add3A_526, %mul3A_557 : vector<16xf32>
        %mul3A_559 = arith.mulf %gather3A_547, %gather3A_547 : vector<16xf32>
        %add3A_560 = arith.addf %add3A_528, %mul3A_559 : vector<16xf32>
        %mul3A_561 = arith.mulf %gather3A_544, %gather3A_544 : vector<16xf32>
        %add3A_562 = arith.addf %add3A_530, %mul3A_561 : vector<16xf32>
        %mul3A_563 = arith.mulf %gather3A_545, %gather3A_545 : vector<16xf32>
        %add3A_564 = arith.addf %add3A_532, %mul3A_563 : vector<16xf32>
        %mul3A_565 = arith.mulf %sub3A_550, %sub3A_550 : vector<16xf32>
        %add3A_566 = arith.addf %add3A_534, %mul3A_565 : vector<16xf32>
        %mul3A_567 = arith.mulf %sub3A_550, %gather3A_547 : vector<16xf32>
        %add3A_568 = arith.addf %add3A_536, %mul3A_567 : vector<16xf32>
        scf.yield %add3A_552, %add3A_554, %add3A_556, %add3A_558, %add3A_560, %add3A_562, %add3A_564, %add3A_566, %add3A_568 : vector<16xf32>, vector<16xf32>, vector<16xf32>, vector<16xf32>, vector<16xf32>, vector<16xf32>, vector<16xf32>, vector<16xf32>, vector<16xf32>
      }
      %scan3A_373 = arith.constant 64 : i32
      %max3A = arith.constant 1.000000e-24 : f32
      %max3A_374 = vector.broadcast %max3A : f32 to vector<16xf32>
      %max3A_375 = arith.maximumf %scan3A_372#0, %max3A_374 : vector<16xf32>
      %div3A = arith.constant 1.000000e+00 : f32
      %div3A_376 = vector.broadcast %div3A : f32 to vector<16xf32>
      %div3A_377 = arith.divf %div3A_376, %max3A_375 : vector<16xf32>
      %bitcast3A = vector.bitcast %max3A_375 : vector<16xf32> to vector<16xi32>
      %shift_right_arithmetic3A = arith.constant 1 : i32
      %shift_right_arithmetic3A_378 = vector.broadcast %shift_right_arithmetic3A : i32 to vector<16xi32>
      %shift_right_arithmetic3A_379 = arith.shrsi %bitcast3A, %shift_right_arithmetic3A_378 : vector<16xi32>
      %sub3A = arith.constant 1597463007 : i32
      %sub3A_380 = vector.broadcast %sub3A : i32 to vector<16xi32>
      %sub3A_381 = arith.subi %sub3A_380, %shift_right_arithmetic3A_379 : vector<16xi32>
      %bitcast3A_382 = vector.bitcast %sub3A_381 : vector<16xi32> to vector<16xf32>
      %mul3A_383 = arith.constant 5.000000e-01 : f32
      %mul3A_384 = vector.broadcast %mul3A_383 : f32 to vector<16xf32>
      %mul3A_385 = arith.mulf %mul3A_384, %max3A_375 : vector<16xf32>
      %mul3A_386 = arith.mulf %mul3A_385, %bitcast3A_382 : vector<16xf32>
      %mul3A_387 = arith.mulf %mul3A_386, %bitcast3A_382 : vector<16xf32>
      %sub3A_388 = arith.constant 1.500000e+00 : f32
      %sub3A_389 = vector.broadcast %sub3A_388 : f32 to vector<16xf32>
      %sub3A_390 = arith.subf %sub3A_389, %mul3A_387 : vector<16xf32>
      %mul3A_391 = arith.mulf %bitcast3A_382, %sub3A_390 : vector<16xf32>
      %mul3A_392 = arith.constant 5.000000e-01 : f32
      %mul3A_393 = vector.broadcast %mul3A_392 : f32 to vector<16xf32>
      %mul3A_394 = arith.mulf %mul3A_393, %max3A_375 : vector<16xf32>
      %mul3A_395 = arith.mulf %mul3A_394, %mul3A_391 : vector<16xf32>
      %mul3A_396 = arith.mulf %mul3A_395, %mul3A_391 : vector<16xf32>
      %sub3A_397 = arith.constant 1.500000e+00 : f32
      %sub3A_398 = vector.broadcast %sub3A_397 : f32 to vector<16xf32>
      %sub3A_399 = arith.subf %sub3A_398, %mul3A_396 : vector<16xf32>
      %mul3A_400 = arith.mulf %mul3A_391, %sub3A_399 : vector<16xf32>
      %mul3A_401 = arith.constant 5.000000e-01 : f32
      %mul3A_402 = vector.broadcast %mul3A_401 : f32 to vector<16xf32>
      %mul3A_403 = arith.mulf %mul3A_402, %max3A_375 : vector<16xf32>
      %mul3A_404 = arith.mulf %mul3A_403, %mul3A_400 : vector<16xf32>
      %mul3A_405 = arith.mulf %mul3A_404, %mul3A_400 : vector<16xf32>
      %sub3A_406 = arith.constant 1.500000e+00 : f32
      %sub3A_407 = vector.broadcast %sub3A_406 : f32 to vector<16xf32>
      %sub3A_408 = arith.subf %sub3A_407, %mul3A_405 : vector<16xf32>
      %mul3A_409 = arith.mulf %mul3A_400, %sub3A_408 : vector<16xf32>
      %mul3A_410 = arith.mulf %scan3A_372#0, %div3A_377 : vector<16xf32>
      %sub3A_411 = arith.subf %scan3A_372#1, %scan3A_372#2 : vector<16xf32>
      %mul3A_412 = arith.mulf %sub3A_411, %sub3A_411 : vector<16xf32>
      %mul3A_413 = arith.mulf %mul3A_412, %div3A_377 : vector<16xf32>
      %sub3A_414 = arith.constant 2.000000e+00 : f32
      %sub3A_415 = vector.broadcast %sub3A_414 : f32 to vector<16xf32>
      %sub3A_416 = arith.subf %mul3A_410, %sub3A_415 : vector<16xf32>
      %mul3A_417 = arith.mulf %mul3A_413, %sub3A_416 : vector<16xf32>
      %add3A_418 = arith.addf %scan3A_372#7, %mul3A_417 : vector<16xf32>
      %add3A_419 = arith.addf %add3A_418, %scan3A_372#4 : vector<16xf32>
      %mul3A_420 = arith.constant 2.000000e+00 : f32
      %mul3A_421 = vector.broadcast %mul3A_420 : f32 to vector<16xf32>
      %mul3A_422 = arith.mulf %mul3A_421, %scan3A_372#8 : vector<16xf32>
      %add3A_423 = arith.addf %add3A_419, %mul3A_422 : vector<16xf32>
      %mul3A_424 = arith.constant 2.000000e+00 : f32
      %mul3A_425 = vector.broadcast %mul3A_424 : f32 to vector<16xf32>
      %mul3A_426 = arith.mulf %mul3A_425, %sub3A_411 : vector<16xf32>
      %mul3A_427 = arith.mulf %mul3A_426, %scan3A_372#3 : vector<16xf32>
      %mul3A_428 = arith.mulf %mul3A_427, %div3A_377 : vector<16xf32>
      %sub3A_429 = arith.subf %add3A_423, %mul3A_428 : vector<16xf32>
      %max3A_430 = arith.constant 0.000000e+00 : f32
      %max3A_431 = vector.broadcast %max3A_430 : f32 to vector<16xf32>
      %max3A_432 = arith.maximumf %sub3A_429, %max3A_431 : vector<16xf32>
      %max3A_433 = arith.constant 1.000000e-30 : f32
      %max3A_434 = vector.broadcast %max3A_433 : f32 to vector<16xf32>
      %max3A_435 = arith.maximumf %max3A_432, %max3A_434 : vector<16xf32>
      %bitcast3A_436 = vector.bitcast %max3A_435 : vector<16xf32> to vector<16xi32>
      %shift_right_arithmetic3A_437 = arith.constant 1 : i32
      %shift_right_arithmetic3A_438 = vector.broadcast %shift_right_arithmetic3A_437 : i32 to vector<16xi32>
      %shift_right_arithmetic3A_439 = arith.shrsi %bitcast3A_436, %shift_right_arithmetic3A_438 : vector<16xi32>
      %sub3A_440 = arith.constant 1597463007 : i32
      %sub3A_441 = vector.broadcast %sub3A_440 : i32 to vector<16xi32>
      %sub3A_442 = arith.subi %sub3A_441, %shift_right_arithmetic3A_439 : vector<16xi32>
      %bitcast3A_443 = vector.bitcast %sub3A_442 : vector<16xi32> to vector<16xf32>
      %mul3A_444 = arith.constant 5.000000e-01 : f32
      %mul3A_445 = vector.broadcast %mul3A_444 : f32 to vector<16xf32>
      %mul3A_446 = arith.mulf %mul3A_445, %max3A_435 : vector<16xf32>
      %mul3A_447 = arith.mulf %mul3A_446, %bitcast3A_443 : vector<16xf32>
      %mul3A_448 = arith.mulf %mul3A_447, %bitcast3A_443 : vector<16xf32>
      %sub3A_449 = arith.constant 1.500000e+00 : f32
      %sub3A_450 = vector.broadcast %sub3A_449 : f32 to vector<16xf32>
      %sub3A_451 = arith.subf %sub3A_450, %mul3A_448 : vector<16xf32>
      %mul3A_452 = arith.mulf %bitcast3A_443, %sub3A_451 : vector<16xf32>
      %mul3A_453 = arith.constant 5.000000e-01 : f32
      %mul3A_454 = vector.broadcast %mul3A_453 : f32 to vector<16xf32>
      %mul3A_455 = arith.mulf %mul3A_454, %max3A_435 : vector<16xf32>
      %mul3A_456 = arith.mulf %mul3A_455, %mul3A_452 : vector<16xf32>
      %mul3A_457 = arith.mulf %mul3A_456, %mul3A_452 : vector<16xf32>
      %sub3A_458 = arith.constant 1.500000e+00 : f32
      %sub3A_459 = vector.broadcast %sub3A_458 : f32 to vector<16xf32>
      %sub3A_460 = arith.subf %sub3A_459, %mul3A_457 : vector<16xf32>
      %mul3A_461 = arith.mulf %mul3A_452, %sub3A_460 : vector<16xf32>
      %mul3A_462 = arith.constant 5.000000e-01 : f32
      %mul3A_463 = vector.broadcast %mul3A_462 : f32 to vector<16xf32>
      %mul3A_464 = arith.mulf %mul3A_463, %max3A_435 : vector<16xf32>
      %mul3A_465 = arith.mulf %mul3A_464, %mul3A_461 : vector<16xf32>
      %mul3A_466 = arith.mulf %mul3A_465, %mul3A_461 : vector<16xf32>
      %sub3A_467 = arith.constant 1.500000e+00 : f32
      %sub3A_468 = vector.broadcast %sub3A_467 : f32 to vector<16xf32>
      %sub3A_469 = arith.subf %sub3A_468, %mul3A_466 : vector<16xf32>
      %mul3A_470 = arith.mulf %mul3A_461, %sub3A_469 : vector<16xf32>
      %mul3A_471 = arith.mulf %max3A_432, %mul3A_470 : vector<16xf32>
      %swap3A_472 = arith.index_cast %add3A_356 : i32 to index
      %swap3A_473 = tpu.vector_load %arg22[%swap3A_472] {strides = array<i32>} : memref<512xf32, #tpu.memory_space<vmem>>, vector<16xf32>,
      tpu.vector_store %arg22[%swap3A_472], %mul3A_471 {strides = array<i32>} : memref<512xf32, #tpu.memory_space<vmem>>, vector<16xf32>,
      %mul3A_474 = arith.mulf %scan3A_372#3, %mul3A_409 : vector<16xf32>
      %sub3A_475 = arith.constant 9.99999997E-7 : f32
      %sub3A_476 = vector.broadcast %sub3A_475 : f32 to vector<16xf32>
      %sub3A_477 = arith.subf %mul3A_474, %sub3A_476 : vector<16xf32>
      %max3A_478 = arith.constant 0.000000e+00 : f32
      %max3A_479 = vector.broadcast %max3A_478 : f32 to vector<16xf32>
      %max3A_480 = arith.maximumf %sub3A_477, %max3A_479 : vector<16xf32>
      %add3A_481 = arith.addf %scan3A_350, %max3A_480 : vector<16xf32>
      %add3A_482 = arith.addf %scan3A_351, %scan3A_372#5 : vector<16xf32>
      %mul3A_483 = arith.mulf %scan3A_372#1, %scan3A_372#1 : vector<16xf32>
      %mul3A_484 = arith.mulf %mul3A_483, %div3A_377 : vector<16xf32>
      %sub3A_485 = arith.constant 2.000000e+00 : f32
      %sub3A_486 = vector.broadcast %sub3A_485 : f32 to vector<16xf32>
      %sub3A_487 = arith.subf %mul3A_410, %sub3A_486 : vector<16xf32>
      %mul3A_488 = arith.mulf %mul3A_484, %sub3A_487 : vector<16xf32>
      %add3A_489 = arith.addf %add3A_482, %mul3A_488 : vector<16xf32>
      %add3A_490 = arith.addf %scan3A_352, %scan3A_372#6 : vector<16xf32>
      %mul3A_491 = arith.mulf %scan3A_372#2, %scan3A_372#2 : vector<16xf32>
      %mul3A_492 = arith.mulf %mul3A_491, %div3A_377 : vector<16xf32>
      %sub3A_493 = arith.constant 2.000000e+00 : f32
      %sub3A_494 = vector.broadcast %sub3A_493 : f32 to vector<16xf32>
      %sub3A_495 = arith.subf %mul3A_410, %sub3A_494 : vector<16xf32>
      %mul3A_496 = arith.mulf %mul3A_492, %sub3A_495 : vector<16xf32>
      %add3A_497 = arith.addf %add3A_490, %mul3A_496 : vector<16xf32>
      scf.yield %add3A_481, %add3A_489, %add3A_497 : vector<16xf32>, vector<16xf32>, vector<16xf32>
    }
    %scan3A_308 = arith.constant 4 : i32
    %scan3A_309 = arith.constant 0 : i32
    %scan3A_310 = arith.constant 0 : i32
    %scan3A_311 = arith.constant 128 : i32
    %scan3A_312 = arith.addi %scan3A_310, %scan3A_311 : i32
    %scan3A_313 = arith.constant 1 : i32
    %scan3A_314 = scf.for %scan3A_349 = %scan3A_310 to %scan3A_312 step %scan3A_313 iter_args(%scan3A_350 = %scan3A_309) -> (i32)  : i32 {
      %dma_wait3A_351 = arith.constant 0 : i32
      %dma_wait3A_352 = arith.constant 0 : i32
      %dma_wait3A_353 = arith.constant 0 : i32
      %dma_wait3A_354 = tpu.memref_slice %arg18[%dma_wait3A_352, %dma_wait3A_353] : memref<64x64xf32, #tpu.memory_space<vmem>> -> memref<1x64xf32, #tpu.memory_space<vmem>>
      %dma_wait3A_355 = arith.constant 0 : i32
      %dma_wait3A_356 = arith.constant 0 : i32
      %dma_wait3A_357 = tpu.memref_slice %arg5[%dma_wait3A_351, %dma_wait3A_355, %dma_wait3A_356] : memref<125000x8x64xf32, #tpu.memory_space<hbm>> -> memref<1x1x64xf32, #tpu.memory_space<hbm>>
      %dma_wait3A_358 = tpu.memref_squeeze %dma_wait3A_357 : memref<1x1x64xf32, #tpu.memory_space<hbm>> -> memref<1x64xf32, #tpu.memory_space<hbm>>
      %dma_wait3A_359 = arith.constant 0 : i32
      %dma_wait3A_360 = arith.constant 0 : i32
      %dma_wait3A_361 = tpu.memref_slice %arg18[%dma_wait3A_359, %dma_wait3A_360] : memref<64x64xf32, #tpu.memory_space<vmem>> -> memref<1x64xf32, #tpu.memory_space<vmem>>
      %dma_wait3A_362 = arith.constant 0 : i32
      %dma_wait3A_363 = arith.constant 0 : i32
      %dma_wait3A_364 = tpu.memref_slice %arg5[%dma_wait3A_351, %dma_wait3A_362, %dma_wait3A_363] : memref<125000x8x64xf32, #tpu.memory_space<hbm>> -> memref<1x1x64xf32, #tpu.memory_space<hbm>>
      %dma_wait3A_365 = tpu.memref_squeeze %dma_wait3A_364 : memref<1x1x64xf32, #tpu.memory_space<hbm>> -> memref<1x64xf32, #tpu.memory_space<hbm>>
      tpu.wait_dma2 semaphore(%arg26 : memref<!tpu.dma_semaphore, #tpu.memory_space<semaphore_mem>>) src(%dma_wait3A_365 : memref<1x64xf32, #tpu.memory_space<hbm>>) dst(%dma_wait3A_361 : memref<1x64xf32, #tpu.memory_space<vmem>>)
      %scan3A_366 = arith.constant 0 : i32
      scf.yield %scan3A_366 : i32
    }
    %scan3A_315 = arith.constant 128 : i32
    %dma_wait3A_316 = arith.constant 448 : i32
    %dma_wait3A_317 = tpu.memref_slice %arg13[%dma_wait3A_316] : memref<512xi32, #tpu.memory_space<vmem>> -> memref<64xi32, #tpu.memory_space<vmem>>
    %dma_wait3A_318 = arith.constant 0 : i32
    %dma_wait3A_319 = arith.constant 0 : i32
    %dma_wait3A_320 = tpu.memref_slice %arg6[%dma_wait3A_318, %dma_wait3A_319] : memref<500x128xf32, #tpu.memory_space<hbm>> -> memref<500x128xf32, #tpu.memory_space<hbm>>
    tpu.wait_indirect_dma semaphore(%arg27 : memref<!tpu.dma_semaphore, #tpu.memory_space<semaphore_mem>>) src(%dma_wait3A_320 : memref<500x128xf32, #tpu.memory_space<hbm>>) dst(%arg20 : memref<64x128xf32, #tpu.memory_space<vmem>>)
    %dma_wait3A_321 = arith.constant 448 : i32
    %dma_wait3A_322 = tpu.memref_slice %arg13[%dma_wait3A_321] : memref<512xi32, #tpu.memory_space<vmem>> -> memref<64xi32, #tpu.memory_space<vmem>>
    %dma_wait3A_323 = arith.constant 0 : i32
    %dma_wait3A_324 = arith.constant 0 : i32
    %dma_wait3A_325 = tpu.memref_slice %arg7[%dma_wait3A_323, %dma_wait3A_324] : memref<500x128xf32, #tpu.memory_space<hbm>> -> memref<500x128xf32, #tpu.memory_space<hbm>>
    tpu.wait_indirect_dma semaphore(%arg27 : memref<!tpu.dma_semaphore, #tpu.memory_space<semaphore_mem>>) src(%dma_wait3A_325 : memref<500x128xf32, #tpu.memory_space<hbm>>) dst(%arg21 : memref<64x128xf32, #tpu.memory_space<vmem>>)
    %scan3A_326 = arith.constant 0 : i32
    %scan3A_327 = arith.constant 4 : i32
    %scan3A_328 = arith.addi %scan3A_326, %scan3A_327 : i32
    %scan3A_329 = arith.constant 1 : i32
    %scan3A_330:3 = scf.for %scan3A_349 = %scan3A_326 to %scan3A_328 step %scan3A_329 iter_args(%scan3A_350 = %scan3A_307#0, %scan3A_351 = %scan3A_307#1, %scan3A_352 = %scan3A_307#2) -> (vector<16xf32>, vector<16xf32>, vector<16xf32>)  : i32 {
      %mul3A_353 = arith.constant 16 : i32
      %mul3A_354 = arith.muli %scan3A_349, %mul3A_353 : i32
      %add3A_355 = arith.constant 448 : i32
      %add3A_356 = arith.addi %add3A_355, %mul3A_354 : i32
      %get3A = arith.index_cast %add3A_356 : i32 to index
      %get3A_357 = tpu.vector_load %arg12[%get3A] {strides = array<i32>} : memref<512xi32, #tpu.memory_space<vmem>>, vector<16xi32>,
      %and3A = arith.constant 1 : i32
      %and3A_358 = vector.broadcast %and3A : i32 to vector<16xi32>
      %and3A_359 = arith.andi %get3A_357, %and3A_358 : vector<16xi32>
      %shift_left3A = arith.constant 6 : i32
      %shift_left3A_360 = vector.broadcast %shift_left3A : i32 to vector<16xi32>
      %shift_left3A_361 = arith.shli %and3A_359, %shift_left3A_360 : vector<16xi32>
      %mul3A_362 = arith.constant 16 : i32
      %mul3A_363 = arith.muli %scan3A_349, %mul3A_362 : i32
      %add3A_364 = vector.broadcast %mul3A_363 : i32 to vector<16xi32>
      %add3A_365 = arith.addi %add3A_364, %iota3A : vector<16xi32>
      %broadcast_in_dim3A_366 = arith.constant 0.000000e+00 : f32
      %broadcast_in_dim3A_367 = vector.broadcast %broadcast_in_dim3A_366 : f32 to vector<16xf32>
      %scan3A_368 = arith.constant 0 : i32
      %scan3A_369 = arith.constant 64 : i32
      %scan3A_370 = arith.addi %scan3A_368, %scan3A_369 : i32
      %scan3A_371 = arith.constant 2 : i32
      %scan3A_372:9 = scf.for %scan3A_498 = %scan3A_368 to %scan3A_370 step %scan3A_371 iter_args(%scan3A_499 = %broadcast_in_dim3A_367, %scan3A_500 = %broadcast_in_dim3A_367, %scan3A_501 = %broadcast_in_dim3A_367, %scan3A_502 = %broadcast_in_dim3A_367, %scan3A_503 = %broadcast_in_dim3A_367, %scan3A_504 = %broadcast_in_dim3A_367, %scan3A_505 = %broadcast_in_dim3A_367, %scan3A_506 = %broadcast_in_dim3A_367, %scan3A_507 = %broadcast_in_dim3A_367) -> (vector<16xf32>, vector<16xf32>, vector<16xf32>, vector<16xf32>, vector<16xf32>, vector<16xf32>, vector<16xf32>, vector<16xf32>, vector<16xf32>)  : i32 {
        %add3A_508 = vector.broadcast %scan3A_498 : i32 to vector<16xi32>
        %add3A_509 = arith.addi %iota3A, %add3A_508 : vector<16xi32>
        %and3A_510 = arith.constant 63 : i32
        %and3A_511 = vector.broadcast %and3A_510 : i32 to vector<16xi32>
        %and3A_512 = arith.andi %add3A_509, %and3A_511 : vector<16xi32>
        %gather3A = tpu.vector_load_idx %arg18[%add3A_365, %and3A_512] : memref<64x64xf32, #tpu.memory_space<vmem>>[vector<16xi32>, vector<16xi32>], vector<16xf32>,
        %gather3A_513 = tpu.vector_load_idx %arg19[%add3A_365, %and3A_512] : memref<64x64xf32, #tpu.memory_space<vmem>>[vector<16xi32>, vector<16xi32>], vector<16xf32>,
        %add3A_514 = arith.addi %shift_left3A_361, %and3A_512 : vector<16xi32>
        %gather3A_515 = tpu.vector_load_idx %arg20[%add3A_365, %add3A_514] : memref<64x128xf32, #tpu.memory_space<vmem>>[vector<16xi32>, vector<16xi32>], vector<16xf32>,
        %add3A_516 = arith.addi %shift_left3A_361, %and3A_512 : vector<16xi32>
        %gather3A_517 = tpu.vector_load_idx %arg21[%add3A_365, %add3A_516] : memref<64x128xf32, #tpu.memory_space<vmem>>[vector<16xi32>, vector<16xi32>], vector<16xf32>,
        %sub3A_518 = arith.subf %gather3A, %gather3A_513 : vector<16xf32>
        %mul3A_519 = arith.mulf %gather3A_517, %gather3A_517 : vector<16xf32>
        %add3A_520 = arith.addf %scan3A_499, %mul3A_519 : vector<16xf32>
        %mul3A_521 = arith.mulf %gather3A_517, %gather3A : vector<16xf32>
        %add3A_522 = arith.addf %scan3A_500, %mul3A_521 : vector<16xf32>
        %mul3A_523 = arith.mulf %gather3A_517, %gather3A_513 : vector<16xf32>
        %add3A_524 = arith.addf %scan3A_501, %mul3A_523 : vector<16xf32>
        %mul3A_525 = arith.mulf %gather3A_517, %gather3A_515 : vector<16xf32>
        %add3A_526 = arith.addf %scan3A_502, %mul3A_525 : vector<16xf32>
        %mul3A_527 = arith.mulf %gather3A_515, %gather3A_515 : vector<16xf32>
        %add3A_528 = arith.addf %scan3A_503, %mul3A_527 : vector<16xf32>
        %mul3A_529 = arith.mulf %gather3A, %gather3A : vector<16xf32>
        %add3A_530 = arith.addf %scan3A_504, %mul3A_529 : vector<16xf32>
        %mul3A_531 = arith.mulf %gather3A_513, %gather3A_513 : vector<16xf32>
        %add3A_532 = arith.addf %scan3A_505, %mul3A_531 : vector<16xf32>
        %mul3A_533 = arith.mulf %sub3A_518, %sub3A_518 : vector<16xf32>
        %add3A_534 = arith.addf %scan3A_506, %mul3A_533 : vector<16xf32>
        %mul3A_535 = arith.mulf %sub3A_518, %gather3A_515 : vector<16xf32>
        %add3A_536 = arith.addf %scan3A_507, %mul3A_535 : vector<16xf32>
        %scan3A_537 = arith.constant 1 : i32
        %scan3A_538 = arith.addi %scan3A_498, %scan3A_537 : i32
        %add3A_539 = vector.broadcast %scan3A_538 : i32 to vector<16xi32>
        %add3A_540 = arith.addi %iota3A, %add3A_539 : vector<16xi32>
        %and3A_541 = arith.constant 63 : i32
        %and3A_542 = vector.broadcast %and3A_541 : i32 to vector<16xi32>
        %and3A_543 = arith.andi %add3A_540, %and3A_542 : vector<16xi32>
        %gather3A_544 = tpu.vector_load_idx %arg18[%add3A_365, %and3A_543] : memref<64x64xf32, #tpu.memory_space<vmem>>[vector<16xi32>, vector<16xi32>], vector<16xf32>,
        %gather3A_545 = tpu.vector_load_idx %arg19[%add3A_365, %and3A_543] : memref<64x64xf32, #tpu.memory_space<vmem>>[vector<16xi32>, vector<16xi32>], vector<16xf32>,
        %add3A_546 = arith.addi %shift_left3A_361, %and3A_543 : vector<16xi32>
        %gather3A_547 = tpu.vector_load_idx %arg20[%add3A_365, %add3A_546] : memref<64x128xf32, #tpu.memory_space<vmem>>[vector<16xi32>, vector<16xi32>], vector<16xf32>,
        %add3A_548 = arith.addi %shift_left3A_361, %and3A_543 : vector<16xi32>
        %gather3A_549 = tpu.vector_load_idx %arg21[%add3A_365, %add3A_548] : memref<64x128xf32, #tpu.memory_space<vmem>>[vector<16xi32>, vector<16xi32>], vector<16xf32>,
        %sub3A_550 = arith.subf %gather3A_544, %gather3A_545 : vector<16xf32>
        %mul3A_551 = arith.mulf %gather3A_549, %gather3A_549 : vector<16xf32>
        %add3A_552 = arith.addf %add3A_520, %mul3A_551 : vector<16xf32>
        %mul3A_553 = arith.mulf %gather3A_549, %gather3A_544 : vector<16xf32>
        %add3A_554 = arith.addf %add3A_522, %mul3A_553 : vector<16xf32>
        %mul3A_555 = arith.mulf %gather3A_549, %gather3A_545 : vector<16xf32>
        %add3A_556 = arith.addf %add3A_524, %mul3A_555 : vector<16xf32>
        %mul3A_557 = arith.mulf %gather3A_549, %gather3A_547 : vector<16xf32>
        %add3A_558 = arith.addf %add3A_526, %mul3A_557 : vector<16xf32>
        %mul3A_559 = arith.mulf %gather3A_547, %gather3A_547 : vector<16xf32>
        %add3A_560 = arith.addf %add3A_528, %mul3A_559 : vector<16xf32>
        %mul3A_561 = arith.mulf %gather3A_544, %gather3A_544 : vector<16xf32>
        %add3A_562 = arith.addf %add3A_530, %mul3A_561 : vector<16xf32>
        %mul3A_563 = arith.mulf %gather3A_545, %gather3A_545 : vector<16xf32>
        %add3A_564 = arith.addf %add3A_532, %mul3A_563 : vector<16xf32>
        %mul3A_565 = arith.mulf %sub3A_550, %sub3A_550 : vector<16xf32>
        %add3A_566 = arith.addf %add3A_534, %mul3A_565 : vector<16xf32>
        %mul3A_567 = arith.mulf %sub3A_550, %gather3A_547 : vector<16xf32>
        %add3A_568 = arith.addf %add3A_536, %mul3A_567 : vector<16xf32>
        scf.yield %add3A_552, %add3A_554, %add3A_556, %add3A_558, %add3A_560, %add3A_562, %add3A_564, %add3A_566, %add3A_568 : vector<16xf32>, vector<16xf32>, vector<16xf32>, vector<16xf32>, vector<16xf32>, vector<16xf32>, vector<16xf32>, vector<16xf32>, vector<16xf32>
      }
      %scan3A_373 = arith.constant 64 : i32
      %max3A = arith.constant 1.000000e-24 : f32
      %max3A_374 = vector.broadcast %max3A : f32 to vector<16xf32>
      %max3A_375 = arith.maximumf %scan3A_372#0, %max3A_374 : vector<16xf32>
      %div3A = arith.constant 1.000000e+00 : f32
      %div3A_376 = vector.broadcast %div3A : f32 to vector<16xf32>
      %div3A_377 = arith.divf %div3A_376, %max3A_375 : vector<16xf32>
      %bitcast3A = vector.bitcast %max3A_375 : vector<16xf32> to vector<16xi32>
      %shift_right_arithmetic3A = arith.constant 1 : i32
      %shift_right_arithmetic3A_378 = vector.broadcast %shift_right_arithmetic3A : i32 to vector<16xi32>
      %shift_right_arithmetic3A_379 = arith.shrsi %bitcast3A, %shift_right_arithmetic3A_378 : vector<16xi32>
      %sub3A = arith.constant 1597463007 : i32
      %sub3A_380 = vector.broadcast %sub3A : i32 to vector<16xi32>
      %sub3A_381 = arith.subi %sub3A_380, %shift_right_arithmetic3A_379 : vector<16xi32>
      %bitcast3A_382 = vector.bitcast %sub3A_381 : vector<16xi32> to vector<16xf32>
      %mul3A_383 = arith.constant 5.000000e-01 : f32
      %mul3A_384 = vector.broadcast %mul3A_383 : f32 to vector<16xf32>
      %mul3A_385 = arith.mulf %mul3A_384, %max3A_375 : vector<16xf32>
      %mul3A_386 = arith.mulf %mul3A_385, %bitcast3A_382 : vector<16xf32>
      %mul3A_387 = arith.mulf %mul3A_386, %bitcast3A_382 : vector<16xf32>
      %sub3A_388 = arith.constant 1.500000e+00 : f32
      %sub3A_389 = vector.broadcast %sub3A_388 : f32 to vector<16xf32>
      %sub3A_390 = arith.subf %sub3A_389, %mul3A_387 : vector<16xf32>
      %mul3A_391 = arith.mulf %bitcast3A_382, %sub3A_390 : vector<16xf32>
      %mul3A_392 = arith.constant 5.000000e-01 : f32
      %mul3A_393 = vector.broadcast %mul3A_392 : f32 to vector<16xf32>
      %mul3A_394 = arith.mulf %mul3A_393, %max3A_375 : vector<16xf32>
      %mul3A_395 = arith.mulf %mul3A_394, %mul3A_391 : vector<16xf32>
      %mul3A_396 = arith.mulf %mul3A_395, %mul3A_391 : vector<16xf32>
      %sub3A_397 = arith.constant 1.500000e+00 : f32
      %sub3A_398 = vector.broadcast %sub3A_397 : f32 to vector<16xf32>
      %sub3A_399 = arith.subf %sub3A_398, %mul3A_396 : vector<16xf32>
      %mul3A_400 = arith.mulf %mul3A_391, %sub3A_399 : vector<16xf32>
      %mul3A_401 = arith.constant 5.000000e-01 : f32
      %mul3A_402 = vector.broadcast %mul3A_401 : f32 to vector<16xf32>
      %mul3A_403 = arith.mulf %mul3A_402, %max3A_375 : vector<16xf32>
      %mul3A_404 = arith.mulf %mul3A_403, %mul3A_400 : vector<16xf32>
      %mul3A_405 = arith.mulf %mul3A_404, %mul3A_400 : vector<16xf32>
      %sub3A_406 = arith.constant 1.500000e+00 : f32
      %sub3A_407 = vector.broadcast %sub3A_406 : f32 to vector<16xf32>
      %sub3A_408 = arith.subf %sub3A_407, %mul3A_405 : vector<16xf32>
      %mul3A_409 = arith.mulf %mul3A_400, %sub3A_408 : vector<16xf32>
      %mul3A_410 = arith.mulf %scan3A_372#0, %div3A_377 : vector<16xf32>
      %sub3A_411 = arith.subf %scan3A_372#1, %scan3A_372#2 : vector<16xf32>
      %mul3A_412 = arith.mulf %sub3A_411, %sub3A_411 : vector<16xf32>
      %mul3A_413 = arith.mulf %mul3A_412, %div3A_377 : vector<16xf32>
      %sub3A_414 = arith.constant 2.000000e+00 : f32
      %sub3A_415 = vector.broadcast %sub3A_414 : f32 to vector<16xf32>
      %sub3A_416 = arith.subf %mul3A_410, %sub3A_415 : vector<16xf32>
      %mul3A_417 = arith.mulf %mul3A_413, %sub3A_416 : vector<16xf32>
      %add3A_418 = arith.addf %scan3A_372#7, %mul3A_417 : vector<16xf32>
      %add3A_419 = arith.addf %add3A_418, %scan3A_372#4 : vector<16xf32>
      %mul3A_420 = arith.constant 2.000000e+00 : f32
      %mul3A_421 = vector.broadcast %mul3A_420 : f32 to vector<16xf32>
      %mul3A_422 = arith.mulf %mul3A_421, %scan3A_372#8 : vector<16xf32>
      %add3A_423 = arith.addf %add3A_419, %mul3A_422 : vector<16xf32>
      %mul3A_424 = arith.constant 2.000000e+00 : f32
      %mul3A_425 = vector.broadcast %mul3A_424 : f32 to vector<16xf32>
      %mul3A_426 = arith.mulf %mul3A_425, %sub3A_411 : vector<16xf32>
      %mul3A_427 = arith.mulf %mul3A_426, %scan3A_372#3 : vector<16xf32>
      %mul3A_428 = arith.mulf %mul3A_427, %div3A_377 : vector<16xf32>
      %sub3A_429 = arith.subf %add3A_423, %mul3A_428 : vector<16xf32>
      %max3A_430 = arith.constant 0.000000e+00 : f32
      %max3A_431 = vector.broadcast %max3A_430 : f32 to vector<16xf32>
      %max3A_432 = arith.maximumf %sub3A_429, %max3A_431 : vector<16xf32>
      %max3A_433 = arith.constant 1.000000e-30 : f32
      %max3A_434 = vector.broadcast %max3A_433 : f32 to vector<16xf32>
      %max3A_435 = arith.maximumf %max3A_432, %max3A_434 : vector<16xf32>
      %bitcast3A_436 = vector.bitcast %max3A_435 : vector<16xf32> to vector<16xi32>
      %shift_right_arithmetic3A_437 = arith.constant 1 : i32
      %shift_right_arithmetic3A_438 = vector.broadcast %shift_right_arithmetic3A_437 : i32 to vector<16xi32>
      %shift_right_arithmetic3A_439 = arith.shrsi %bitcast3A_436, %shift_right_arithmetic3A_438 : vector<16xi32>
      %sub3A_440 = arith.constant 1597463007 : i32
      %sub3A_441 = vector.broadcast %sub3A_440 : i32 to vector<16xi32>
      %sub3A_442 = arith.subi %sub3A_441, %shift_right_arithmetic3A_439 : vector<16xi32>
      %bitcast3A_443 = vector.bitcast %sub3A_442 : vector<16xi32> to vector<16xf32>
      %mul3A_444 = arith.constant 5.000000e-01 : f32
      %mul3A_445 = vector.broadcast %mul3A_444 : f32 to vector<16xf32>
      %mul3A_446 = arith.mulf %mul3A_445, %max3A_435 : vector<16xf32>
      %mul3A_447 = arith.mulf %mul3A_446, %bitcast3A_443 : vector<16xf32>
      %mul3A_448 = arith.mulf %mul3A_447, %bitcast3A_443 : vector<16xf32>
      %sub3A_449 = arith.constant 1.500000e+00 : f32
      %sub3A_450 = vector.broadcast %sub3A_449 : f32 to vector<16xf32>
      %sub3A_451 = arith.subf %sub3A_450, %mul3A_448 : vector<16xf32>
      %mul3A_452 = arith.mulf %bitcast3A_443, %sub3A_451 : vector<16xf32>
      %mul3A_453 = arith.constant 5.000000e-01 : f32
      %mul3A_454 = vector.broadcast %mul3A_453 : f32 to vector<16xf32>
      %mul3A_455 = arith.mulf %mul3A_454, %max3A_435 : vector<16xf32>
      %mul3A_456 = arith.mulf %mul3A_455, %mul3A_452 : vector<16xf32>
      %mul3A_457 = arith.mulf %mul3A_456, %mul3A_452 : vector<16xf32>
      %sub3A_458 = arith.constant 1.500000e+00 : f32
      %sub3A_459 = vector.broadcast %sub3A_458 : f32 to vector<16xf32>
      %sub3A_460 = arith.subf %sub3A_459, %mul3A_457 : vector<16xf32>
      %mul3A_461 = arith.mulf %mul3A_452, %sub3A_460 : vector<16xf32>
      %mul3A_462 = arith.constant 5.000000e-01 : f32
      %mul3A_463 = vector.broadcast %mul3A_462 : f32 to vector<16xf32>
      %mul3A_464 = arith.mulf %mul3A_463, %max3A_435 : vector<16xf32>
      %mul3A_465 = arith.mulf %mul3A_464, %mul3A_461 : vector<16xf32>
      %mul3A_466 = arith.mulf %mul3A_465, %mul3A_461 : vector<16xf32>
      %sub3A_467 = arith.constant 1.500000e+00 : f32
      %sub3A_468 = vector.broadcast %sub3A_467 : f32 to vector<16xf32>
      %sub3A_469 = arith.subf %sub3A_468, %mul3A_466 : vector<16xf32>
      %mul3A_470 = arith.mulf %mul3A_461, %sub3A_469 : vector<16xf32>
      %mul3A_471 = arith.mulf %max3A_432, %mul3A_470 : vector<16xf32>
      %swap3A_472 = arith.index_cast %add3A_356 : i32 to index
      %swap3A_473 = tpu.vector_load %arg22[%swap3A_472] {strides = array<i32>} : memref<512xf32, #tpu.memory_space<vmem>>, vector<16xf32>,
      tpu.vector_store %arg22[%swap3A_472], %mul3A_471 {strides = array<i32>} : memref<512xf32, #tpu.memory_space<vmem>>, vector<16xf32>,
      %mul3A_474 = arith.mulf %scan3A_372#3, %mul3A_409 : vector<16xf32>
      %sub3A_475 = arith.constant 9.99999997E-7 : f32
      %sub3A_476 = vector.broadcast %sub3A_475 : f32 to vector<16xf32>
      %sub3A_477 = arith.subf %mul3A_474, %sub3A_476 : vector<16xf32>
      %max3A_478 = arith.constant 0.000000e+00 : f32
      %max3A_479 = vector.broadcast %max3A_478 : f32 to vector<16xf32>
      %max3A_480 = arith.maximumf %sub3A_477, %max3A_479 : vector<16xf32>
      %add3A_481 = arith.addf %scan3A_350, %max3A_480 : vector<16xf32>
      %add3A_482 = arith.addf %scan3A_351, %scan3A_372#5 : vector<16xf32>
      %mul3A_483 = arith.mulf %scan3A_372#1, %scan3A_372#1 : vector<16xf32>
      %mul3A_484 = arith.mulf %mul3A_483, %div3A_377 : vector<16xf32>
      %sub3A_485 = arith.constant 2.000000e+00 : f32
      %sub3A_486 = vector.broadcast %sub3A_485 : f32 to vector<16xf32>
      %sub3A_487 = arith.subf %mul3A_410, %sub3A_486 : vector<16xf32>
      %mul3A_488 = arith.mulf %mul3A_484, %sub3A_487 : vector<16xf32>
      %add3A_489 = arith.addf %add3A_482, %mul3A_488 : vector<16xf32>
      %add3A_490 = arith.addf %scan3A_352, %scan3A_372#6 : vector<16xf32>
      %mul3A_491 = arith.mulf %scan3A_372#2, %scan3A_372#2 : vector<16xf32>
      %mul3A_492 = arith.mulf %mul3A_491, %div3A_377 : vector<16xf32>
      %sub3A_493 = arith.constant 2.000000e+00 : f32
      %sub3A_494 = vector.broadcast %sub3A_493 : f32 to vector<16xf32>
      %sub3A_495 = arith.subf %mul3A_410, %sub3A_494 : vector<16xf32>
      %mul3A_496 = arith.mulf %mul3A_492, %sub3A_495 : vector<16xf32>
      %add3A_497 = arith.addf %add3A_490, %mul3A_496 : vector<16xf32>
      scf.yield %add3A_481, %add3A_489, %add3A_497 : vector<16xf32>, vector<16xf32>, vector<16xf32>
    }
    %scan3A_331 = arith.constant 4 : i32
    "tpu.region"() ({
      %run_scoped3A = tpu.sem_alloc : memref<!tpu.dma_semaphore, #tpu.memory_space<semaphore_mem>>
      %dma_start3A_349 = tpu.memref_slice %arg8[%mul3A_2] : memref<16384xf32, #tpu.memory_space<hbm>> -> memref<512xf32, #tpu.memory_space<hbm>>
      %dma_start3A_350 = tpu.memref_slice %arg8[%mul3A_2] : memref<16384xf32, #tpu.memory_space<hbm>> -> memref<512xf32, #tpu.memory_space<hbm>>
      tpu.enqueue_dma source(%arg22 : memref<512xf32, #tpu.memory_space<vmem>>) target(%dma_start3A_350 : memref<512xf32, #tpu.memory_space<hbm>>) target_semaphore(%run_scoped3A : memref<!tpu.dma_semaphore, #tpu.memory_space<semaphore_mem>>)
      %dma_wait3A_351 = tpu.memref_slice %arg8[%mul3A_2] : memref<16384xf32, #tpu.memory_space<hbm>> -> memref<512xf32, #tpu.memory_space<hbm>>
      %dma_wait3A_352 = tpu.memref_slice %arg8[%mul3A_2] : memref<16384xf32, #tpu.memory_space<hbm>> -> memref<512xf32, #tpu.memory_space<hbm>>
      tpu.wait_dma2 semaphore(%run_scoped3A : memref<!tpu.dma_semaphore, #tpu.memory_space<semaphore_mem>>) src(%arg22 : memref<512xf32, #tpu.memory_space<vmem>>) dst(%dma_wait3A_352 : memref<512xf32, #tpu.memory_space<hbm>>)
      tpu.yield
    }) : () -> ()
    %swap3A = arith.constant 0 : index
    %swap3A_332 = tpu.vector_load %arg23[%swap3A] {strides = array<i32>} : memref<48xf32, #tpu.memory_space<vmem>>, vector<16xf32>,
    tpu.vector_store %arg23[%swap3A], %scan3A_330#0 {strides = array<i32>} : memref<48xf32, #tpu.memory_space<vmem>>, vector<16xf32>,
    %swap3A_333 = arith.constant 16 : index
    %swap3A_334 = tpu.vector_load %arg23[%swap3A_333] {strides = array<i32>} : memref<48xf32, #tpu.memory_space<vmem>>, vector<16xf32>,
    tpu.vector_store %arg23[%swap3A_333], %scan3A_330#1 {strides = array<i32>} : memref<48xf32, #tpu.memory_space<vmem>>, vector<16xf32>,
    %swap3A_335 = arith.constant 32 : index
    %swap3A_336 = tpu.vector_load %arg23[%swap3A_335] {strides = array<i32>} : memref<48xf32, #tpu.memory_space<vmem>>, vector<16xf32>,
    tpu.vector_store %arg23[%swap3A_335], %scan3A_330#2 {strides = array<i32>} : memref<48xf32, #tpu.memory_space<vmem>>, vector<16xf32>,
    %mul3A_337 = arith.constant 16 : i32
    %mul3A_338 = arith.muli %add3A, %mul3A_337 : i32
    %add3A_339 = arith.constant 0 : i32
    %add3A_340 = arith.addi %add3A_339, %mul3A_338 : i32
    "tpu.region"() ({
      %run_scoped3A = tpu.sem_alloc : memref<!tpu.dma_semaphore, #tpu.memory_space<semaphore_mem>>
      %dma_start3A_349 = arith.constant 0 : i32
      %dma_start3A_350 = tpu.memref_slice %arg23[%dma_start3A_349] : memref<48xf32, #tpu.memory_space<vmem>> -> memref<16xf32, #tpu.memory_space<vmem>>
      %dma_start3A_351 = tpu.memref_slice %arg9[%add3A_340] : memref<1536xf32, #tpu.memory_space<hbm>> -> memref<16xf32, #tpu.memory_space<hbm>>
      %dma_start3A_352 = tpu.memref_slice %arg9[%add3A_340] : memref<1536xf32, #tpu.memory_space<hbm>> -> memref<16xf32, #tpu.memory_space<hbm>>
      %dma_start3A_353 = arith.constant 0 : i32
      %dma_start3A_354 = tpu.memref_slice %arg23[%dma_start3A_353] : memref<48xf32, #tpu.memory_space<vmem>> -> memref<16xf32, #tpu.memory_space<vmem>>
      tpu.enqueue_dma source(%dma_start3A_354 : memref<16xf32, #tpu.memory_space<vmem>>) target(%dma_start3A_352 : memref<16xf32, #tpu.memory_space<hbm>>) target_semaphore(%run_scoped3A : memref<!tpu.dma_semaphore, #tpu.memory_space<semaphore_mem>>)
      %dma_wait3A_355 = arith.constant 0 : i32
      %dma_wait3A_356 = tpu.memref_slice %arg23[%dma_wait3A_355] : memref<48xf32, #tpu.memory_space<vmem>> -> memref<16xf32, #tpu.memory_space<vmem>>
      %dma_wait3A_357 = tpu.memref_slice %arg9[%add3A_340] : memref<1536xf32, #tpu.memory_space<hbm>> -> memref<16xf32, #tpu.memory_space<hbm>>
      %dma_wait3A_358 = tpu.memref_slice %arg9[%add3A_340] : memref<1536xf32, #tpu.memory_space<hbm>> -> memref<16xf32, #tpu.memory_space<hbm>>
      %dma_wait3A_359 = arith.constant 0 : i32
      %dma_wait3A_360 = tpu.memref_slice %arg23[%dma_wait3A_359] : memref<48xf32, #tpu.memory_space<vmem>> -> memref<16xf32, #tpu.memory_space<vmem>>
      tpu.wait_dma2 semaphore(%run_scoped3A : memref<!tpu.dma_semaphore, #tpu.memory_space<semaphore_mem>>) src(%dma_wait3A_360 : memref<16xf32, #tpu.memory_space<vmem>>) dst(%dma_wait3A_358 : memref<16xf32, #tpu.memory_space<hbm>>)
      tpu.yield
    }) : () -> ()
    %mul3A_341 = arith.constant 16 : i32
    %mul3A_342 = arith.muli %add3A, %mul3A_341 : i32
    %add3A_343 = arith.constant 512 : i32
    %add3A_344 = arith.addi %add3A_343, %mul3A_342 : i32
    "tpu.region"() ({
      %run_scoped3A = tpu.sem_alloc : memref<!tpu.dma_semaphore, #tpu.memory_space<semaphore_mem>>
      %dma_start3A_349 = arith.constant 16 : i32
      %dma_start3A_350 = tpu.memref_slice %arg23[%dma_start3A_349] : memref<48xf32, #tpu.memory_space<vmem>> -> memref<16xf32, #tpu.memory_space<vmem>>
      %dma_start3A_351 = tpu.memref_slice %arg9[%add3A_344] : memref<1536xf32, #tpu.memory_space<hbm>> -> memref<16xf32, #tpu.memory_space<hbm>>
      %dma_start3A_352 = tpu.memref_slice %arg9[%add3A_344] : memref<1536xf32, #tpu.memory_space<hbm>> -> memref<16xf32, #tpu.memory_space<hbm>>
      %dma_start3A_353 = arith.constant 16 : i32
      %dma_start3A_354 = tpu.memref_slice %arg23[%dma_start3A_353] : memref<48xf32, #tpu.memory_space<vmem>> -> memref<16xf32, #tpu.memory_space<vmem>>
      tpu.enqueue_dma source(%dma_start3A_354 : memref<16xf32, #tpu.memory_space<vmem>>) target(%dma_start3A_352 : memref<16xf32, #tpu.memory_space<hbm>>) target_semaphore(%run_scoped3A : memref<!tpu.dma_semaphore, #tpu.memory_space<semaphore_mem>>)
      %dma_wait3A_355 = arith.constant 16 : i32
      %dma_wait3A_356 = tpu.memref_slice %arg23[%dma_wait3A_355] : memref<48xf32, #tpu.memory_space<vmem>> -> memref<16xf32, #tpu.memory_space<vmem>>
      %dma_wait3A_357 = tpu.memref_slice %arg9[%add3A_344] : memref<1536xf32, #tpu.memory_space<hbm>> -> memref<16xf32, #tpu.memory_space<hbm>>
      %dma_wait3A_358 = tpu.memref_slice %arg9[%add3A_344] : memref<1536xf32, #tpu.memory_space<hbm>> -> memref<16xf32, #tpu.memory_space<hbm>>
      %dma_wait3A_359 = arith.constant 16 : i32
      %dma_wait3A_360 = tpu.memref_slice %arg23[%dma_wait3A_359] : memref<48xf32, #tpu.memory_space<vmem>> -> memref<16xf32, #tpu.memory_space<vmem>>
      tpu.wait_dma2 semaphore(%run_scoped3A : memref<!tpu.dma_semaphore, #tpu.memory_space<semaphore_mem>>) src(%dma_wait3A_360 : memref<16xf32, #tpu.memory_space<vmem>>) dst(%dma_wait3A_358 : memref<16xf32, #tpu.memory_space<hbm>>)
      tpu.yield
    }) : () -> ()
    %mul3A_345 = arith.constant 16 : i32
    %mul3A_346 = arith.muli %add3A, %mul3A_345 : i32
    %add3A_347 = arith.constant 1024 : i32
    %add3A_348 = arith.addi %add3A_347, %mul3A_346 : i32
    "tpu.region"() ({
      %run_scoped3A = tpu.sem_alloc : memref<!tpu.dma_semaphore, #tpu.memory_space<semaphore_mem>>
      %dma_start3A_349 = arith.constant 32 : i32
      %dma_start3A_350 = tpu.memref_slice %arg23[%dma_start3A_349] : memref<48xf32, #tpu.memory_space<vmem>> -> memref<16xf32, #tpu.memory_space<vmem>>
      %dma_start3A_351 = tpu.memref_slice %arg9[%add3A_348] : memref<1536xf32, #tpu.memory_space<hbm>> -> memref<16xf32, #tpu.memory_space<hbm>>
      %dma_start3A_352 = tpu.memref_slice %arg9[%add3A_348] : memref<1536xf32, #tpu.memory_space<hbm>> -> memref<16xf32, #tpu.memory_space<hbm>>
      %dma_start3A_353 = arith.constant 32 : i32
      %dma_start3A_354 = tpu.memref_slice %arg23[%dma_start3A_353] : memref<48xf32, #tpu.memory_space<vmem>> -> memref<16xf32, #tpu.memory_space<vmem>>
      tpu.enqueue_dma source(%dma_start3A_354 : memref<16xf32, #tpu.memory_space<vmem>>) target(%dma_start3A_352 : memref<16xf32, #tpu.memory_space<hbm>>) target_semaphore(%run_scoped3A : memref<!tpu.dma_semaphore, #tpu.memory_space<semaphore_mem>>)
      %dma_wait3A_355 = arith.constant 32 : i32
      %dma_wait3A_356 = tpu.memref_slice %arg23[%dma_wait3A_355] : memref<48xf32, #tpu.memory_space<vmem>> -> memref<16xf32, #tpu.memory_space<vmem>>
      %dma_wait3A_357 = tpu.memref_slice %arg9[%add3A_348] : memref<1536xf32, #tpu.memory_space<hbm>> -> memref<16xf32, #tpu.memory_space<hbm>>
      %dma_wait3A_358 = tpu.memref_slice %arg9[%add3A_348] : memref<1536xf32, #tpu.memory_space<hbm>> -> memref<16xf32, #tpu.memory_space<hbm>>
      %dma_wait3A_359 = arith.constant 32 : i32
      %dma_wait3A_360 = tpu.memref_slice %arg23[%dma_wait3A_359] : memref<48xf32, #tpu.memory_space<vmem>> -> memref<16xf32, #tpu.memory_space<vmem>>
      tpu.wait_dma2 semaphore(%run_scoped3A : memref<!tpu.dma_semaphore, #tpu.memory_space<semaphore_mem>>) src(%dma_wait3A_360 : memref<16xf32, #tpu.memory_space<vmem>>) dst(%dma_wait3A_358 : memref<16xf32, #tpu.memory_space<hbm>>)
      tpu.yield
    }) : () -> ()
    return
  }
}

</mosaic_0001>

<sc_bundles>
// kernel: _sc_call.3.cloned.1.call-start
scs
__scs_entry_jumppad:
0x0: {  	(pc) =	sbr.rel $0x88, $3  }
0x1: {  	(tag) =	ssettag $0x0;
	lr =	simm.s32 $0x1  }
0x2: {  	[smem:$0x3F9B] =	sst lr;
	_ =	strace $0xD0000000  }
0x3: {  	_ = 	snop  }
0x4: {  	_ = 	snop  }
0x5: {  	_ = 	snop  }
0x6: {  	_ = 	snop  }
0x7: {  	_ = 	snop  }
__scs_overlays_trampoline_lowered:
0x8: {  	[smem:$0x3FAA] =	sst s0  }
0x9: {  	[smem:$0x3FAB] =	sst s1  }
0xa: {  	[smem:$0x3FAC] =	sst s2  }
0xb: {  	[smem:$0x3FAD] =	sst s3  }
0xc: {  	[smem:$0x3FAE] =	sst s4  }
0xd: {  	[smem:$0x3FAF] =	sst s5  }
0xe: {  	[smem:$0x3FB0] =	sst s6  }
0xf: {  	[smem:$0x3FB1] =	sst s7  }
0x10: {  	[smem:$0x3FB2] =	sst s8  }
0x11: {  	[smem:$0x3FB3] =	sst s9;
	s0 =	simm.s32 @!p0 $0x0  }
0x12: {  	s1 =	sld [smem:$0x3F99];
	s0 =	simm.s32 @p0 $0x1  }
0x13: {  	[smem:$0x3FB4] =	sst s0;
	s0 =	simm.s32 @!p1 $0x0  }
0x14: {  	s2 =	sld [smem:$0x3F98];
	s0 =	simm.s32 @p1 $0x1  }
0x15: {  	[smem:$0x3FB5] =	sst s0;
	s0 =	simm.s32 @!p2 $0x0  }
0x16: {  	s3 =	sld [smem:$0x3FDB];
	s0 =	simm.s32 @p2 $0x1  }
0x17: {  	s4 =	simm.s32 $0x1BF5;
	[smem:$0x3FB7] =	sst s0  }
0x18: {  	s0 =	sld [smem:$0x3F9A];
	_ =	swait.ge [sflag:s4], $0x0  }
0x19: {  	s7 =	sld [smem:$0x3F9B]  }
0x1a: {  	s8 =	sadd.s32 $0xFFFFE003, lr  }
0x1b: {  	s9 =	sadd.s32 $0xFFFFFEF7, lr;
	s5 =	simm.s32 $0xFFFFFFFF;
	p2 =	slt.u32 s8, $0xFFFFF086  }
0x1c: {  	p1 =	slt.u32 s9, $0xF7A;
	s5 =	simm.s32 @!p2 $0x0  }
0x1d: {  	s5 =	simm.s32 @p1 $0x1;
	p0 =	seq.s32 s7, s2  }
0x1e: {  	s7 =	smul.u32 @!p0 $0xF7A, s2;
	p2 =	seq.s32 @!p0 s5, $0x0  }
0x1f: {  	s9 =	smul.u32 $0xF7A, s1;
	s8 =	simm.s32 @!p0 $0x1BF5;
	p2 =	por !p2, p0  }
0x20: {  	[sflag:s8] =	ssyncset.s32 @!p0 $0xFFFFF086;
	s6 =	sadd.s32 @!p0 s3, s7;
	s7 =	simm.s32 @!p0 $0x108  }
0x21: {  	s3 =	sadd.s32 s3, s9;
	s6 =	sadd.s32 @!p0 $0x88, s6;
	s7 =	simm.s32 @p2 $0x1082  }
0x22: {  	[simem:s7], [sflag:s8] =	dma.local @!p0 [hbm:s6], $0xF7A  }
0x23: {  	s9 =	sor.u32 $0xD0000000, s2;
	s6 =	simm.s32 $0x108;
	_ =	swait.ge @!p0 [sflag:s8], $0x0  }
0x24: {  	s3 =	sadd.s32 $0x88, s3;
	s6 =	simm.s32 @!p1 $0x1082;
	[sflag:s4] =	ssyncset.s32 $0xFFFFF086  }
0x25: {  	[simem:s6], [sflag:s4] =	dma.local [hbm:s3], $0xF7A  }
0x26: {  	[smem:$0x3F9B] =	sst s1;
	(tag) =	ssettag s2;
	_ =	strace s9  }
0x27: {  	s1 =	sld [smem:$0x3FAB]  }
0x28: {  	s2 =	sld [smem:$0x3FAC]  }
0x29: {  	s4 =	sld [smem:$0x3FAE]  }
0x2a: {  	p0 =	seq.s32 s5, $0x0;
	s5 =	sld [smem:$0x3FAF]  }
0x2b: {  	s6 =	sld [smem:$0x3FB0]  }
0x2c: {  	s7 =	sld [smem:$0x3FB1]  }
0x2d: {  	s3 =	simm.s32 $0x108;
	s8 =	sld [smem:$0x3FB2]  }
0x2e: {  	s3 =	simm.s32 @!p0 $0x1082;
	s9 =	sld [smem:$0x3FB3]  }
0x2f: {  	lr =	sadd.s32 s0, s3;
	s0 =	sld [smem:$0x3FAA]  }
0x30: {  	s3 =	sld [smem:$0x3FAD]  }
0x31: {  	[smem:$0x3FB6] =	sst s10  }
0x32: {  	s10 =	sld [smem:$0x3FB4];
	_ =	sdelay $0x3  }
0x33: {  	p0 =	seq.s32 s10, $0x1;
	s10 =	sld [smem:$0x3FB6];
	_ =	sdelay $0x3  }
0x34: {  	[smem:$0x3FB6] =	sst s10  }
0x35: {  	s10 =	sld [smem:$0x3FB5];
	_ =	sdelay $0x3  }
0x36: {  	p1 =	seq.s32 s10, $0x1;
	s10 =	sld [smem:$0x3FB6];
	_ =	sdelay $0x3  }
0x37: {  	[smem:$0x3FB6] =	sst s10  }
0x38: {  	s10 =	sld [smem:$0x3FB7]  }
0x39: {  	_ = 	snop;
	(pc) =	sbr.ind lr, $3  }
0x3a: {  	_ = 	snop  }
0x3b: {  	_ = 	snop  }
0x3c: {  	p2 =	seq.s32 s10, $0x1;
	s10 =	sld [smem:$0x3FB6]  }
0x3d: {  	_ =	shalt  }
0x3e: {  	_ =	shalt  }
0x3f: {  	_ =	shalt  }
0x40: {  	_ =	shalt  }
0x41: {  	_ =	shalt  }
0x42: {  	_ =	shalt  }
0x43: {  	_ =	shalt  }
0x44: {  	_ =	shalt  }
0x45: {  	_ =	shalt  }
0x46: {  	_ =	shalt  }
0x47: {  	_ =	shalt  }
0x48: {  	_ =	shalt  }
0x49: {  	_ =	shalt  }
0x4a: {  	_ =	shalt  }
0x4b: {  	_ =	shalt  }
0x4c: {  	_ =	shalt  }
0x4d: {  	_ =	shalt  }
0x4e: {  	_ =	shalt  }
0x4f: {  	_ =	shalt  }
0x50: {  	_ =	shalt  }
0x51: {  	_ =	shalt  }
0x52: {  	_ =	shalt  }
0x53: {  	_ =	shalt  }
0x54: {  	_ =	shalt  }
0x55: {  	_ =	shalt  }
0x56: {  	_ =	shalt  }
0x57: {  	_ =	shalt  }
0x58: {  	_ =	shalt  }
0x59: {  	_ =	shalt  }
0x5a: {  	_ =	shalt  }
0x5b: {  	_ =	shalt  }
0x5c: {  	_ =	shalt  }
0x5d: {  	_ =	shalt  }
0x5e: {  	_ =	shalt  }
0x5f: {  	_ =	shalt  }
0x60: {  	_ =	shalt  }
0x61: {  	_ =	shalt  }
0x62: {  	_ =	shalt  }
0x63: {  	_ =	shalt  }
0x64: {  	_ =	shalt  }
0x65: {  	_ =	shalt  }
0x66: {  	_ =	shalt  }
0x67: {  	_ =	shalt  }
0x68: {  	_ =	shalt  }
0x69: {  	_ =	shalt  }
0x6a: {  	_ =	shalt  }
0x6b: {  	_ =	shalt  }
0x6c: {  	_ =	shalt  }
0x6d: {  	_ =	shalt  }
0x6e: {  	_ =	shalt  }
0x6f: {  	_ =	shalt  }
0x70: {  	_ =	shalt  }
0x71: {  	_ =	shalt  }
0x72: {  	_ =	shalt  }
0x73: {  	_ =	shalt  }
0x74: {  	_ =	shalt  }
0x75: {  	_ =	shalt  }
0x76: {  	_ =	shalt  }
0x77: {  	_ =	shalt  }
0x78: {  	_ =	shalt  }
0x79: {  	_ =	shalt  }
0x7a: {  	_ =	shalt  }
0x7b: {  	_ =	shalt  }
0x7c: {  	_ =	shalt  }
0x7d: {  	_ =	shalt  }
0x7e: {  	_ =	shalt  }
0x7f: {  	_ =	shalt  }
0x80: {  	_ =	shalt  }
0x81: {  	_ =	shalt  }
0x82: {  	_ =	shalt  }
0x83: {  	_ =	shalt  }
0x84: {  	_ =	shalt  }
0x85: {  	_ =	shalt  }
0x86: {  	_ =	shalt  }
0x87: {  	_ =	shalt  }
.Lfunc_end0:
.L_simem_size_0:
called_computation_lowered:
.L_overlay_start_0:
0x88: {  	s2 =	sld [smem:$0x3FD9]  }
0x89: {  	s3 =	sld [smem:$0x3FFE];
	_ =	sdelay $0x1  }
0x8a: {  	s1 =	srdreg.scid  }
0x8b: {  	s0 =	sand.u32 $0x1, s1  }
0x8c: {  	s14 =	sshll.u32 s0, $0xA;
	s2 =	sadd.s32 s3, s2  }
0x8d: {  	s2 =	sadd.s32 s2, s14  }
0x8e: {  	[smem:$0x3FC2] =	sst s2  }
0x8f: {  	_ = 	snop  }
0x90: {  	s2 =	sld [smem:$0x3FC9]  }
0x91: {  	s15 =	sld [smem:$0x3FC8]  }
0x92: {  	s4 =	sld [smem:$0x3FD0]  }
0x93: {  	s5 =	sld [smem:$0x3FC7]  }
0x94: {  	s6 =	sld [smem:$0x3FC5]  }
0x95: {  	s8 =	simm.s32 $0xA;
	s9 =	simm.s32 $0x10;
	s7 =	sld [smem:$0x3FC4]  }
0x96: {  	[smem:s9], [sflag:s8] =	dma.local [hbm:s4], $0x1  }
0x97: {  	_ =	swait.eq [sflag:s8], $0x1  }
0x98: {  	[sflag:s8] =	ssyncset.done $0x0  }
0x99: {  	s16 =	sld [smem:$0x10];
	[sflag:s8] =	ssyncadd.s32 $0xFFFFFFFF  }
0x9a: {  	s17 =	sld [smem:$0x11];
	(tm) =	ssettm $0x1  }
0x9b: {  	s18 =	sld [smem:$0x3FFB];
	_ =	sdelay $0x3  }
0x9c: {  	_ =	strace s18  }
0x9d: {  	s9 =	sld [smem:$0x3FFC];
	_ =	sdelay $0x3  }
0x9e: {  	_ =	strace s9  }
0x9f: {  	s9 =	sld [smem:$0x3FFD];
	_ =	sdelay $0x3  }
0xa0: {  	_ =	strace s9  }
0xa1: {  	_ =	strace $0x8FFFFFFF  }
0xa2: {  	s19 =	sld [smem:$0x3FDB];
	_ =	sdelay $0x1  }
0xa3: {  	s10 =	simm.s32 $_scs_section_size  }
0xa4: {  	s11 =	simm.s32 $_size__tile_overlayer_lowered;
	s12 =	simm.s32 $_tile_overlayer_lowered  }
0xa5: {  	s22 =	simm.s32 $0x1BFF;
	s21 =	sshll.u32 s12, $0x1;
	s9 =	sadd.s32 s10, s19  }
0xa6: {  	s13 =	simm.s32 $0x0;
	s20 =	sshll.u32 s11, $0x1;
	s11 =	sadd.s32 s21, s9  }
0xa7: {  	[timem:s13], [sflag:s22] =	dma.local [hbm:s11], s20  }
0xa8: {  	_ =	swait.ge [sflag:s22], s20  }
0xa9: {  	s10 =	ssub.s32 $0x0, s20;
	[sflag:s22] =	ssyncset.done $0x0  }
0xaa: {  	[sflag:s22] =	ssyncadd.s32 s10;
	_ =	sdelay $0x1  }
0xab: {  	s23 =	simm.s32 $0x1B8B  }
0xac: {  	_ =	swait.ge [sflag:s23], $0x1  }
0xad: {  	[sflag:s23] =	ssyncset.done $0x0  }
0xae: {  	s25 =	simm.s32 $0x1B8E;
	s24 =	sld [smem:$0x3FFE];
	[sflag:s23] =	ssyncadd.s32 $0xFFFFFFFF  }
0xaf: {  	s26 =	simm.s32 $execute0_lowered;
	[smem:$0x3FD2] =	sst s25  }
0xb0: {  	s11 =	sshll.u32 s26, $0x1;
	_ =	strace $0x80000046;
	[dreg:$0x1] =	wrdreg $0xFFFFFFFF  }
0xb1: {  	s28 =	simm.s32 $_size_execute0_lowered;
	s9 =	sadd.s32 s9, s11;
	[dreg:$0x0] =	wrdreg $0x0  }
0xb2: {  	s11 =	sshll.u32 s28, $0x1;
	[dreg:$0x2] =	wrdreg s9  }
0xb3: {  	[dreg:$0x3] =	wrdreg s11  }
0xb4: {  	[dreg:$0x4] =	wrdreg $0xC0  }
0xb5: {  	_ =	task [dreg:s13], $0x5FFFF  }
0xb6: {  	[dreg:$0x1] =	wrdreg $0xFFFFFFFF  }
0xb7: {  	[dreg:$0x0] =	wrdreg $0x60  }
0xb8: {  	[dreg:$0x2] =	wrdreg s2  }
0xb9: {  	[dreg:$0x3] =	wrdreg s15  }
0xba: {  	[dreg:$0x4] =	wrdreg s5  }
0xbb: {  	[dreg:$0x5] =	wrdreg s24  }
0xbc: {  	[dreg:$0x6] =	wrdreg s6  }
0xbd: {  	[dreg:$0x7] =	wrdreg s7  }
0xbe: {  	[dreg:$0x8] =	wrdreg s16  }
0xbf: {  	[dreg:$0x9] =	wrdreg s17  }
0xc0: {  	[dreg:$0xa] =	wrdreg $0x9  }
0xc1: {  	_ =	task.clear_ibuf [dreg:s13], $0xBFFFF;
	_ =	strace $0x90000046  }
0xc2: {  	s29 =	simm.s32 $0x9;
	_ =	strace $0x80000048  }
0xc3: {  	_ =	swait.ge [sflag:s29], $0x1  }
0xc4: {  	[sflag:s29] =	ssyncadd.s32 $0xFFFFFFFF  }
0xc5: {  	_ =	strace $0x90000048  }
0xc6: {  	_ =	sfence  }
0xc7: {  	s30 =	sld [smem:$0x0];
	_ =	sdelay $0x2  }
0xc8: {  	s31 =	sshll.u32 s1, $0xD;
	s1 =	sshrl.u32 s1, $0x2  }
0xc9: {  	s3 =	sand.u32 $0x4000, s31;
	s1 =	sadd.s32 s1, s30  }
0xca: {  	s0 =	sor.u32 s3, s0;
	s1 =	sshll.u32 s1, $0x11  }
0xcb: {  	s0 =	sor.u32 s1, s0  }
0xcc: {  	s0 =	sadd.s32 $0x8F2B, s0  }
0xcd: {  	[sflag:s0] =	ssyncadd.remote.s32 $0x1  }
0xce: {  	_ =	sfence.sel $0xFFFF  }
0xcf: {  	[dreg:$0x0] =	wrdreg $0xFFFFFFFF;
	(pc) =	sbr.abs _section_cstart, $3  }
0xd0: {  	[dreg:$0x1] =	wrdreg $0xFFFFFFFF  }
0xd1: {  	_ =	task.clear_ibuf [dreg:s13], $0x2FFFF;
	_ =	strace $0x9FFFFFFF  }
0xd2: {  	(tm) =	ssettm $0x7FFFFFFF  }
0xd3: {  	_ =	shalt  }
tec
execute0_lowered:
.L_overlay_start_1:
0x0: {  	(tag) =	ssettag $0x1  }
0x1: {  	s0 =	rddreg [dreg:$0x0]  }
0x2: {  	s3 =	rddreg [dreg:$0x1]  }
0x3: {  	s6 =	rddreg [dreg:$0x2]  }
0x4: {  	s5 =	rddreg [dreg:$0x3]  }
0x5: {  	s1 =	rddreg [dreg:$0x4]  }
0x6: {  	s2 =	rddreg [dreg:$0x5]  }
0x7: {  	s7 =	rddreg [dreg:$0x6]  }
0x8: {  	s8 =	rddreg [dreg:$0x7];
	s4 =	simm.s32 $0x0;
	s9 =	srdreg.scid  }
0x9: {  	s10 =	stileid.u32;
	s14 =	simm.s32 $0x5;
	s17 =	simm.s32 $0x40  }
0xa: {  	s19 =	simm.s32 $0x4800;
	s20 =	simm.s32 $0x6800;
	s28 =	simm.s32 $0x2800  }
0xb: {  	s30 =	simm.s32 $0x3;
	s31 =	simm.s32 $0x4;
	s15 =	simm.s32 $0x0  }
0xc: {  	[smem:$0x7FF] =	sst s4;
	s9 =	sand.u32 $0x1, s9;
	s10 =	sshll.u32 s10, $0x1  }
0xd: {  	s5 =	sadd.s32 $0x600, s5;
	s11 =	ssub.s32 $0x2, s9;
	s9 =	sor.u32 s9, s10  }
0xe: {  	_ =	strace $0x80000047;
	s22 =	sshrl.u32 s11, $0x1;
	s12 =	sshll.u32 s9, $0x6  }
0xf: {  	s23 =	sshll.u32 s9, $0x1;
	s10 =	ssub.s32 s11, s22;
	s0 =	sadd.s32 s0, s12  }
0x10: {  	s6 =	sadd.s32 s6, s12;
	s3 =	sadd.s32 s3, s12;
	[dreg:$0x9] =	wrdreg s0  }
0x11: {  	s9 =	sadd.s32 s8, s23;
	s24 =	sadd.s32 s7, s12;
	[dreg:$0xa] =	wrdreg s6  }
0x12: {  	s22 =	simm.s32 $0xC800;
	s23 =	simm.s32 $0xE800;
	[dreg:$0xb] =	wrdreg s3  }
0x13: {  	[dreg:$0xc] =	wrdreg s24;
	s25 =	sadd.s32 $0x40, s9;
	s26 =	sadd.s32 $0x80, s9  }
0x14: {  	s29 =	smax.u32 s10, $0x1;
	s24 =	simm.s32 $0x1;
	[dreg:$0xd] =	wrdreg s25  }
0x15: {  	v0 =	vlaneseq.u32;
	s0 =	simm.s32 $0x8800;
	s3 =	simm.s32 $0xA800;
	[dreg:$0xe] =	wrdreg s26  }
0x16: {  	v1 =	vmul.u32 $0x80, v0;
	[dreg:$0xf] =	wrdreg s29;
	s25 =	simm.s32 $0x2;
	s26 =	simm.s32 $0x800  }
.LBB2_1:
0x17: {  	s6 =	rddreg [dreg:$0x9]  }
0x18: {  	[tilespmem:s4], [sflag:$0x5] =	stream.linear.gather [hbm4b:s6+s4], $0x200, $0x38;
	[tilespmem:$0x10A80] =	vst v63  }
0x19: {  	_ =	swait.ge [sflag:s14], $0x200  }
0x1a: {  	[sflag:s14] =	ssyncset.done $0x0  }
0x1b: {  	s7 =	simm.s32 $0x200;
	s18 =	rddreg [dreg:$0xa];
	[sflag:s14] =	ssyncadd.s32 $0xFFFFFE00  }
0x1c: {  	[tilespmem:s7], [sflag:$0x5] =	stream.linear.gather [hbm4b:s18+s4], $0x200, $0x38;
	[tilespmem:$0x10A80] =	vst v63  }
0x1d: {  	_ =	swait.ge [sflag:s14], $0x200  }
0x1e: {  	[sflag:s14] =	ssyncset.done $0x0  }
0x1f: {  	s29 =	simm.s32 $0x400;
	s21 =	rddreg [dreg:$0xb];
	[sflag:s14] =	ssyncadd.s32 $0xFFFFFE00  }
0x20: {  	[tilespmem:s29], [sflag:$0x5] =	stream.linear.gather [hbm4b:s21+s4], $0x200, $0x38;
	[tilespmem:$0x10A80] =	vst v63  }
0x21: {  	_ =	swait.ge [sflag:s14], $0x200  }
0x22: {  	[sflag:s14] =	ssyncset.done $0x0  }
0x23: {  	s6 =	simm.s32 $0x0;
	[sflag:s14] =	ssyncadd.s32 $0xFFFFFE00  }
0x24: {  	s7 =	simm.s32 $0x40;
	v2 =	vld [tilespmem:s6+$0x400]  }
.LBB2_2:
0x25: {  	p0 =	sne.s32 s7, $0x7C0  }
.Ltmp0:
0x26: {  	_ = 	snop;
	(pc) =	sbr.rel @p0 .LBB2_2-.Ltmp0, $3  }
0x27: {  	_ =	sdelay $0x1  }
0x28: {  	s8 =	sshra.s32 s7, $0x2;
	s7 =	sadd.s32 $0x40, s7;
	v3 =	vshra.s32 v2, $0x1  }
0x29: {  	v2 =	vld [tilespmem:s8+$0x400];
	[tilespmem:s6+$0x600] =	vst v3;
	s6 =	smov.u32 s8  }
0x2a: {  	_ =	sdelay $0x3  }
0x2b: {  	s16 =	simm.s32 $0x0;
	v2 =	vshra.s32 v2, $0x1  }
0x2c: {  	s18 =	simm.s32 $0x880;
	s7 =	simm.s32 $0x2880;
	s29 =	simm.s32 $0x0;
	[tilespmem:s6+$0x600] =	vst v2  }
.LBB2_4:
0x2d: {  	s6 =	sshll.u32 s29, $0x4  }
0x2e: {  	v2 =	vmov s16;
	v3 =	vld [tilespmem:s6+$0x0]  }
0x2f: {  	vm0 =	veq.s32 v2, v0;
	v2 =	vld [tilespmem:s6+$0x200];
	_ =	sdelay $0x3  }
0x30: {  	s10 =	simm.s32 $0x1;
	v4 =	vnsel vm0, $0x0, v3  }
0x31: {  	v5 =	vnsel vm0, $0x0, v2;
	(xrf0) =	vadd.scan.msk.s32 $0xffff, v4;
	v4 =	vmov s10  }
0x32: {  	vm0 =	veq.s32 v4, v0;
	(xrf0) =	vadd.scan.msk.s32 $0xffff, v5  }
0x33: {  	s11 =	simm.s32 $0x2;
	v4 =	vnsel vm0, $0x0, v3  }
0x34: {  	(xrf0) =	vadd.scan.msk.s32 $0xffff, v4;
	v4 =	vmov s11  }
0x35: {  	v6 =	vnsel vm0, $0x0, v2;
	vm0 =	veq.s32 v4, v0  }
0x36: {  	(xrf0) =	vadd.scan.msk.s32 $0xffff, v6;
	v4 =	vnsel vm0, $0x0, v3  }
0x37: {  	v5, _, _ =	vpop (xrf0);
	(xrf0) =	vadd.scan.msk.s32 $0xffff, v4  }
0x38: {  	(v2sf) =	vpush v5, $0xF;
	v5, _, _ =	vpop (xrf0)  }
0x39: {  	(v2sf) =	vpush v5, $0xF  }
0x3a: {  	v4, _, _ =	vpop (xrf0)  }
0x3b: {  	(v2sf) =	vpush v4, $0xF  }
0x3c: {  	v4, _, _ =	vpop (xrf0)  }
0x3d: {  	s12 =	simm.s32 $0x3;
	(v2sf) =	vpush v4, $0xF;
	v4, _, _ =	vpop (xrf0)  }
0x3e: {  	(v2sf) =	vpush v4, $0xF;
	v4 =	vmov s12  }
0x3f: {  	v5 =	vnsel vm0, $0x0, v2;
	vm0 =	veq.s32 v4, v0  }
0x40: {  	s8 =	simm.s32 $0x4;
	(xrf0) =	vadd.scan.msk.s32 $0xffff, v5;
	v4 =	vnsel vm0, $0x0, v3  }
0x41: {  	(xrf0) =	vadd.scan.msk.s32 $0xffff, v4;
	v4 =	vmov s8  }
0x42: {  	s21 =	simm.s32 $0x5;
	v5 =	vnsel vm0, $0x0, v2;
	vm0 =	veq.s32 v4, v0  }
0x43: {  	(xrf0) =	vadd.scan.msk.s32 $0xffff, v5;
	v5 =	vmov s21;
	v4 =	vnsel vm0, $0x0, v3  }
0x44: {  	(xrf0) =	vadd.scan.msk.s32 $0xffff, v4;
	v4 =	vnsel vm0, $0x0, v2;
	vm0 =	veq.s32 v5, v0  }
0x45: {  	v5 =	vnsel vm0, $0x0, v3;
	_ =	sdelay $0x1  }
0x46: {  	(xrf0) =	vadd.scan.msk.s32 $0xffff, v4;
	s13 =	spop (v2sf);
	v4, _, _ =	vpop (xrf0)  }
0x47: {  	(xrf0) =	vadd.scan.msk.s32 $0xffff, v5;
	s6 =	sshll.u32 s13, $0x4;
	s11 =	spop (v2sf);
	v5, _, _ =	vpop (xrf0);
	(v2sf) =	vpush v4, $0xF  }
0x48: {  	s10 =	sadd.s32 $0xFFFFFF80, s18;
	s6 =	sand.u32 $0x1FFFFFF0, s6;
	(v2sf) =	vpush v5, $0xF;
	v4, _, _ =	vpop (xrf0)  }
0x49: {  	s12 =	sadd.s32 $0xFFFFFF80, s7;
	s6 =	sadd.s32 s5, s6;
	s13 =	spop (v2sf);
	(v2sf) =	vpush v4, $0xF  }
0x4a: {  	[tilespmem:s10], [sflag:$0x1] =	stream.linear.gather [hbm4b:s6+s4], $0x80, $0x38;
	[tilespmem:$0x10A80] =	vst v63  }
0x4b: {  	s8 =	simm.s32 $0x8;
	s21 =	simm.s32 $0x6;
	s6 =	sshll.u32 s11, $0x4  }
0x4c: {  	v6 =	vnsel vm0, $0x0, v2;
	v4, _, _ =	vpop (xrf0);
	s10 =	sshll.u32 s13, $0x4;
	s11 =	spop (v2sf);
	s6 =	sand.u32 $0x1FFFFFF0, s6  }
0x4d: {  	(xrf0) =	vadd.scan.msk.s32 $0xffff, v6;
	v5 =	vmov s21;
	(v2sf) =	vpush v4, $0xF;
	s10 =	sand.u32 $0x1FFFFFF0, s10;
	s11 =	sshll.u32 s11, $0x4;
	s6 =	sadd.s32 s5, s6  }
0x4e: {  	vm0 =	veq.s32 v5, v0;
	[tilespmem:s12], [sflag:$0x1] =	stream.linear.gather [hbm4b:s6+s4], $0x80, $0x38;
	[tilespmem:$0x10A80] =	vst v63  }
0x4f: {  	v4 =	vnsel vm0, $0x0, v3;
	s10 =	sadd.s32 s5, s10;
	s11 =	sand.u32 $0x1FFFFFF0, s11;
	s12 =	spop (v2sf)  }
0x50: {  	v5, _, _ =	vpop (xrf0);
	(xrf0) =	vadd.scan.msk.s32 $0xffff, v4;
	s13 =	sadd.s32 s5, s11;
	s6 =	sadd.s32 $0x100, s18;
	s21 =	sshll.u32 s12, $0x4  }
0x51: {  	(v2sf) =	vpush v5, $0xF;
	[tilespmem:s18], [sflag:$0x1] =	stream.linear.gather [hbm4b:s10+s4], $0x80, $0x38;
	[tilespmem:$0x10A80] =	vst v63  }
0x52: {  	s10 =	simm.s32 $0x7;
	s11 =	sand.u32 $0x1FFFFFF0, s21;
	s21 =	smov.u32 s7  }
0x53: {  	v4, _, _ =	vpop (xrf0);
	[tilespmem:s7], [sflag:$0x1] =	stream.linear.gather [hbm4b:s13+s4], $0x80, $0x38;
	[tilespmem:$0x10A80] =	vst v63  }
.LBB2_5:
0x54: {  	p0 =	slt.u32 s8, $0xE;
	(v2sf) =	vpush v4, $0xF;
	v4, _, _ =	vpop (xrf0);
	s12 =	sadd.s32 $0xFFFFFF80, s6;
	s11 =	sadd.s32 s5, s11  }
0x55: {  	(v2sf) =	vpush v4, $0xF;
	[tilespmem:s12], [sflag:$0x1] =	stream.linear.gather [hbm4b:s11+s4], $0x80, $0x38;
	[tilespmem:$0x10A80] =	vst v63  }
0x56: {  	v6 =	vmov s10;
	s21 =	sadd.s32 $0x100, s21;
	s10 =	spop (v2sf)  }
0x57: {  	v5 =	vnsel vm0, $0x0, v2;
	vm0 =	veq.s32 v6, v0;
	s11 =	sadd.s32 $0xFFFFFF80, s21;
	v4, _, _ =	vpop (xrf0);
	s10 =	sshll.u32 s10, $0x4;
	s12 =	spop (v2sf)  }
0x58: {  	v6 =	vnsel vm0, $0x0, v3;
	(v2sf) =	vpush v4, $0xF;
	(xrf0) =	vadd.scan.msk.s32 $0xffff, v5;
	s10 =	sand.u32 $0x1FFFFFF0, s10;
	s12 =	sshll.u32 s12, $0x4;
	s13 =	spop (v2sf)  }
0x59: {  	v4 =	vnsel vm0, $0x0, v2;
	(xrf0) =	vadd.scan.msk.s32 $0xffff, v6;
	s10 =	sadd.s32 s5, s10;
	s12 =	sand.u32 $0x1FFFFFF0, s12;
	s13 =	sshll.u32 s13, $0x4  }
0x5a: {  	[tilespmem:s11], [sflag:$0x1] =	stream.linear.gather [hbm4b:s10+s4], $0x80, $0x38;
	[tilespmem:$0x10A80] =	vst v63  }
0x5b: {  	v5 =	vmov s8;
	(xrf0) =	vadd.scan.msk.s32 $0xffff, v4;
	s11 =	sadd.s32 s5, s12  }
.Ltmp1:
0x5c: {  	vm0 =	veq.s32 v5, v0;
	s12 =	sand.u32 $0x1FFFFFF0, s13;
	s10 =	spop (v2sf);
	(pc) =	sbr.rel @p0 .LBB2_5-.Ltmp1, $4  }
0x5d: {  	v5 =	vnsel vm0, $0x0, v3;
	[tilespmem:s6], [sflag:$0x1] =	stream.linear.gather [hbm4b:s11+s4], $0x80, $0x38;
	[tilespmem:$0x10A80] =	vst v63  }
0x5e: {  	s11 =	sshll.u32 s10, $0x4;
	s10 =	sadd.s32 s5, s12;
	s6 =	sadd.s32 $0x100, s6;
	(xrf0) =	vadd.scan.msk.s32 $0xffff, v5  }
0x5f: {  	v4, _, _ =	vpop (xrf0);
	[tilespmem:s21], [sflag:$0x1] =	stream.linear.gather [hbm4b:s10+s4], $0x80, $0x38;
	[tilespmem:$0x10A80] =	vst v63  }
0x60: {  	s11 =	sand.u32 $0x1FFFFFF0, s11;
	s10 =	sadd.s32 $0x1, s8;
	s8 =	sadd.s32 $0x2, s8;
	(v2sf) =	vpush v4, $0xF;
	v4, _, _ =	vpop (xrf0)  }
0x61: {  	(v2sf) =	vpush v4, $0xF;
	s8 =	sadd.s32 $0xFFFFFF80, s6  }
0x62: {  	v61, _, _ =	vpop (xrf0);
	s11 =	sadd.s32 s5, s11;
	v62 =	vmov s10;
	s13 =	spop (v2sf);
	s10 =	sadd.s32 $0x100, s21  }
0x63: {  	(v2sf) =	vpush v61, $0xF;
	[tilespmem:s8], [sflag:$0x1] =	stream.linear.gather [hbm4b:s11+s4], $0x80, $0x38;
	[tilespmem:$0x10A80] =	vst v63  }
0x64: {  	v5 =	vnsel vm0, $0x0, v2;
	vm15 =	veq.s32 v62, v0;
	s21 =	sadd.s32 $0xFFFFFF80, s10;
	s8 =	sshll.u32 s13, $0x4;
	s12 =	spop (v2sf);
	v63, _, _ =	vpop (xrf0)  }
0x65: {  	v3 =	vnsel vm15, $0x0, v3;
	s8 =	sand.u32 $0x1FFFFFF0, s8;
	(xrf0) =	vadd.scan.msk.s32 $0xffff, v5;
	s12 =	sshll.u32 s12, $0x4;
	s13 =	spop (v2sf);
	(v2sf) =	vpush v63, $0xF  }
0x66: {  	s8 =	sadd.s32 s5, s8;
	(xrf0) =	vadd.scan.msk.s32 $0xffff, v3;
	s12 =	sand.u32 $0x1FFFFFF0, s12;
	s13 =	sshll.u32 s13, $0x4  }
0x67: {  	v2 =	vnsel vm15, $0x0, v2;
	[tilespmem:s21], [sflag:$0x1] =	stream.linear.gather [hbm4b:s8+s4], $0x80, $0x38;
	[tilespmem:$0x10A80] =	vst v63  }
0x68: {  	(xrf0) =	vadd.scan.msk.s32 $0xffff, v2;
	s12 =	sadd.s32 s5, s12;
	s21 =	sand.u32 $0x1FFFFFF0, s13;
	s8 =	spop (v2sf)  }
0x69: {  	[tilespmem:s6], [sflag:$0x1] =	stream.linear.gather [hbm4b:s12+s4], $0x80, $0x38;
	[tilespmem:$0x10A80] =	vst v63  }
0x6a: {  	s13 =	sadd.s32 s5, s21;
	s8 =	sshll.u32 s8, $0x4  }
0x6b: {  	[tilespmem:s10], [sflag:$0x1] =	stream.linear.gather [hbm4b:s13+s4], $0x80, $0x38;
	v2, _, _ =	vpop (xrf0);
	[tilespmem:$0x10A80] =	vst v63  }
0x6c: {  	s6 =	sadd.s32 $0x100, s6;
	s8 =	sand.u32 $0x1FFFFFF0, s8;
	(v2sf) =	vpush v2, $0xF  }
0x6d: {  	s21 =	sadd.s32 $0xFFFFFF80, s6;
	s8 =	sadd.s32 s5, s8;
	v2, _, _ =	vpop (xrf0)  }
0x6e: {  	[tilespmem:s21], [sflag:$0x1] =	stream.linear.gather [hbm4b:s8+s4], $0x80, $0x38;
	(v2sf) =	vpush v2, $0xF;
	v2, _, _ =	vpop (xrf0);
	[tilespmem:$0x10A80] =	vst v63  }
0x6f: {  	(v2sf) =	vpush v2, $0xF;
	s12 =	spop (v2sf)  }
0x70: {  	s10 =	sadd.s32 $0x100, s10;
	s8 =	sshll.u32 s12, $0x4;
	s13 =	spop (v2sf)  }
0x71: {  	s11 =	sadd.s32 $0xFFFFFF80, s10;
	s8 =	sand.u32 $0x1FFFFFF0, s8;
	s12 =	sshll.u32 s13, $0x4  }
0x72: {  	s21 =	spop (v2sf);
	s8 =	sadd.s32 s5, s8;
	s12 =	sand.u32 $0x1FFFFFF0, s12  }
0x73: {  	[tilespmem:s11], [sflag:$0x1] =	stream.linear.gather [hbm4b:s8+s4], $0x80, $0x38;
	[tilespmem:$0x10A80] =	vst v63  }
0x74: {  	s13 =	sshll.u32 s21, $0x4;
	s12 =	sadd.s32 s5, s12;
	s8 =	spop (v2sf)  }
0x75: {  	[tilespmem:s6], [sflag:$0x1] =	stream.linear.gather [hbm4b:s12+s4], $0x80, $0x38;
	[tilespmem:$0x10A80] =	vst v63  }
0x76: {  	s21 =	sand.u32 $0x1FFFFFF0, s13;
	s8 =	sshll.u32 s8, $0x4  }
0x77: {  	s13 =	sadd.s32 s5, s21;
	s6 =	sadd.s32 $0x100, s6;
	s8 =	sand.u32 $0x1FFFFFF0, s8  }
0x78: {  	[tilespmem:s10], [sflag:$0x1] =	stream.linear.gather [hbm4b:s13+s4], $0x80, $0x38;
	[tilespmem:$0x10A80] =	vst v63  }
0x79: {  	s21 =	sadd.s32 $0xFFFFFF80, s6;
	s8 =	sadd.s32 s5, s8  }
0x7a: {  	[tilespmem:s21], [sflag:$0x1] =	stream.linear.gather [hbm4b:s8+s4], $0x80, $0x38;
	[tilespmem:$0x10A80] =	vst v63  }
0x7b: {  	s29 =	sadd.s32 $0x1, s29;
	s12 =	spop (v2sf)  }
0x7c: {  	p0 =	sne.s32 s29, $0x4;
	s10 =	sadd.s32 $0x100, s10;
	s8 =	sshll.u32 s12, $0x4  }
0x7d: {  	s11 =	sadd.s32 $0xFFFFFF80, s10;
	s13 =	spop (v2sf);
	s8 =	sand.u32 $0x1FFFFFF0, s8  }
0x7e: {  	s12 =	sshll.u32 s13, $0x4;
	s21 =	spop (v2sf);
	s8 =	sadd.s32 s5, s8  }
0x7f: {  	[tilespmem:s11], [sflag:$0x1] =	stream.linear.gather [hbm4b:s8+s4], $0x80, $0x38;
	[tilespmem:$0x10A80] =	vst v63  }
.Ltmp2:
0x80: {  	s12 =	sand.u32 $0x1FFFFFF0, s12;
	s13 =	sshll.u32 s21, $0x4;
	(pc) =	sbr.rel @p0 .LBB2_4-.Ltmp2, $4  }
0x81: {  	s12 =	sadd.s32 s5, s12;
	s13 =	sand.u32 $0x1FFFFFF0, s13  }
0x82: {  	[tilespmem:s6], [sflag:$0x1] =	stream.linear.gather [hbm4b:s12+s4], $0x80, $0x38;
	[tilespmem:$0x10A80] =	vst v63  }
0x83: {  	s18 =	sadd.s32 $0x800, s18;
	s7 =	sadd.s32 $0x800, s7;
	s21 =	sadd.s32 s5, s13  }
0x84: {  	[tilespmem:s10], [sflag:$0x1] =	stream.linear.gather [hbm4b:s21+s4], $0x80, $0x38;
	[tilespmem:$0x10A80] =	vst v63  }
0x85: {  	s6 =	simm.s32 $0x600;
	s16 =	simm.s32 $0x0  }
0x86: {  	[tilespmem:s19], [sflag:$0x2] =	stream.indirect.gather [hbm4b:s1+s17], $0x80, s6, s17, $0xb8;
	[tilespmem:$0x10A80] =	vst v63  }
0x87: {  	s18 =	simm.s32 $0x8880;
	s21 =	simm.s32 $0xA880;
	s29 =	simm.s32 $0x0  }
0x88: {  	[tilespmem:s20], [sflag:$0x2] =	stream.indirect.gather [hbm4b:s2+s17], $0x80, s6, s17, $0xb8;
	[tilespmem:$0x10A80] =	vst v63  }
.LBB2_8:
0x89: {  	s6 =	sshll.u32 s29, $0x4  }
0x8a: {  	s7 =	sor.u32 $0x40, s6  }
0x8b: {  	v2 =	vmov s16;
	v3 =	vld [tilespmem:s7+$0x0]  }
0x8c: {  	vm0 =	veq.s32 v2, v0;
	v2 =	vld [tilespmem:s6+$0x240];
	_ =	sdelay $0x3  }
0x8d: {  	s7 =	simm.s32 $0x1;
	v4 =	vnsel vm0, $0x0, v3  }
0x8e: {  	v5 =	vnsel vm0, $0x0, v2;
	(xrf0) =	vadd.scan.msk.s32 $0xffff, v4;
	v4 =	vmov s7  }
0x8f: {  	vm0 =	veq.s32 v4, v0;
	(xrf0) =	vadd.scan.msk.s32 $0xffff, v5  }
0x90: {  	s8 =	simm.s32 $0x2;
	v4 =	vnsel vm0, $0x0, v3  }
0x91: {  	(xrf0) =	vadd.scan.msk.s32 $0xffff, v4;
	v4 =	vmov s8  }
0x92: {  	v6 =	vnsel vm0, $0x0, v2;
	vm0 =	veq.s32 v4, v0  }
0x93: {  	(xrf0) =	vadd.scan.msk.s32 $0xffff, v6;
	v4 =	vnsel vm0, $0x0, v3  }
0x94: {  	v5, _, _ =	vpop (xrf0);
	(xrf0) =	vadd.scan.msk.s32 $0xffff, v4  }
0x95: {  	(v2sf) =	vpush v5, $0xF;
	v5, _, _ =	vpop (xrf0)  }
0x96: {  	(v2sf) =	vpush v5, $0xF  }
0x97: {  	v4, _, _ =	vpop (xrf0)  }
0x98: {  	(v2sf) =	vpush v4, $0xF  }
0x99: {  	v4, _, _ =	vpop (xrf0)  }
0x9a: {  	s10 =	simm.s32 $0x3;
	(v2sf) =	vpush v4, $0xF;
	v4, _, _ =	vpop (xrf0)  }
0x9b: {  	(v2sf) =	vpush v4, $0xF;
	v4 =	vmov s10  }
0x9c: {  	v5 =	vnsel vm0, $0x0, v2;
	vm0 =	veq.s32 v4, v0  }
0x9d: {  	s12 =	simm.s32 $0x4;
	(xrf0) =	vadd.scan.msk.s32 $0xffff, v5;
	v4 =	vnsel vm0, $0x0, v3  }
0x9e: {  	(xrf0) =	vadd.scan.msk.s32 $0xffff, v4;
	v4 =	vmov s12  }
0x9f: {  	s13 =	simm.s32 $0x5;
	v5 =	vnsel vm0, $0x0, v2;
	vm0 =	veq.s32 v4, v0  }
0xa0: {  	(xrf0) =	vadd.scan.msk.s32 $0xffff, v5;
	v5 =	vmov s13;
	v4 =	vnsel vm0, $0x0, v3  }
0xa1: {  	(xrf0) =	vadd.scan.msk.s32 $0xffff, v4;
	v4 =	vnsel vm0, $0x0, v2;
	vm0 =	veq.s32 v5, v0  }
0xa2: {  	v5 =	vnsel vm0, $0x0, v3;
	_ =	sdelay $0x1  }
0xa3: {  	(xrf0) =	vadd.scan.msk.s32 $0xffff, v4;
	s11 =	spop (v2sf);
	v4, _, _ =	vpop (xrf0)  }
0xa4: {  	(xrf0) =	vadd.scan.msk.s32 $0xffff, v5;
	s6 =	sshll.u32 s11, $0x4;
	s10 =	spop (v2sf);
	v5, _, _ =	vpop (xrf0);
	(v2sf) =	vpush v4, $0xF  }
0xa5: {  	s7 =	smov.u32 s21;
	s6 =	sand.u32 $0x1FFFFFF0, s6;
	(v2sf) =	vpush v5, $0xF;
	v4, _, _ =	vpop (xrf0)  }
0xa6: {  	s8 =	sadd.s32 $0xFFFFFF80, s18;
	s6 =	sadd.s32 s5, s6;
	s12 =	spop (v2sf);
	(v2sf) =	vpush v4, $0xF  }
0xa7: {  	[tilespmem:s8], [sflag:$0x3] =	stream.linear.gather [hbm4b:s6+s4], $0x80, $0x38;
	[tilespmem:$0x10A80] =	vst v63  }
0xa8: {  	s13 =	simm.s32 $0x6;
	s11 =	sadd.s32 $0xFFFFFF80, s21;
	s6 =	sshll.u32 s10, $0x4  }
0xa9: {  	v6 =	vnsel vm0, $0x0, v2;
	v4, _, _ =	vpop (xrf0);
	s8 =	sshll.u32 s12, $0x4;
	s10 =	spop (v2sf);
	s6 =	sand.u32 $0x1FFFFFF0, s6  }
0xaa: {  	(xrf0) =	vadd.scan.msk.s32 $0xffff, v6;
	v5 =	vmov s13;
	(v2sf) =	vpush v4, $0xF;
	s8 =	sand.u32 $0x1FFFFFF0, s8;
	s10 =	sshll.u32 s10, $0x4;
	s6 =	sadd.s32 s5, s6  }
0xab: {  	vm0 =	veq.s32 v5, v0;
	[tilespmem:s11], [sflag:$0x3] =	stream.linear.gather [hbm4b:s6+s4], $0x80, $0x38;
	[tilespmem:$0x10A80] =	vst v63  }
0xac: {  	v4 =	vnsel vm0, $0x0, v3;
	s8 =	sadd.s32 s5, s8;
	s10 =	sand.u32 $0x1FFFFFF0, s10;
	s11 =	spop (v2sf)  }
0xad: {  	v5, _, _ =	vpop (xrf0);
	(xrf0) =	vadd.scan.msk.s32 $0xffff, v4;
	s12 =	sadd.s32 s5, s10;
	s6 =	sadd.s32 $0x100, s18;
	s13 =	sshll.u32 s11, $0x4  }
0xae: {  	(v2sf) =	vpush v5, $0xF;
	[tilespmem:s18], [sflag:$0x3] =	stream.linear.gather [hbm4b:s8+s4], $0x80, $0x38;
	[tilespmem:$0x10A80] =	vst v63  }
0xaf: {  	s10 =	simm.s32 $0x7;
	s8 =	simm.s32 $0x8;
	s11 =	sand.u32 $0x1FFFFFF0, s13  }
0xb0: {  	v4, _, _ =	vpop (xrf0);
	[tilespmem:s21], [sflag:$0x3] =	stream.linear.gather [hbm4b:s12+s4], $0x80, $0x38;
	[tilespmem:$0x10A80] =	vst v63  }
.LBB2_9:
0xb1: {  	p0 =	slt.u32 s8, $0xE;
	(v2sf) =	vpush v4, $0xF;
	v4, _, _ =	vpop (xrf0);
	s12 =	sadd.s32 $0xFFFFFF80, s6;
	s11 =	sadd.s32 s5, s11  }
0xb2: {  	(v2sf) =	vpush v4, $0xF;
	[tilespmem:s12], [sflag:$0x3] =	stream.linear.gather [hbm4b:s11+s4], $0x80, $0x38;
	[tilespmem:$0x10A80] =	vst v63  }
0xb3: {  	v6 =	vmov s10;
	s7 =	sadd.s32 $0x100, s7;
	s10 =	spop (v2sf)  }
0xb4: {  	v5 =	vnsel vm0, $0x0, v2;
	vm0 =	veq.s32 v6, v0;
	s11 =	sadd.s32 $0xFFFFFF80, s7;
	v4, _, _ =	vpop (xrf0);
	s10 =	sshll.u32 s10, $0x4;
	s12 =	spop (v2sf)  }
0xb5: {  	v6 =	vnsel vm0, $0x0, v3;
	(v2sf) =	vpush v4, $0xF;
	(xrf0) =	vadd.scan.msk.s32 $0xffff, v5;
	s10 =	sand.u32 $0x1FFFFFF0, s10;
	s12 =	sshll.u32 s12, $0x4;
	s13 =	spop (v2sf)  }
0xb6: {  	v4 =	vnsel vm0, $0x0, v2;
	(xrf0) =	vadd.scan.msk.s32 $0xffff, v6;
	s10 =	sadd.s32 s5, s10;
	s12 =	sand.u32 $0x1FFFFFF0, s12;
	s13 =	sshll.u32 s13, $0x4  }
0xb7: {  	[tilespmem:s11], [sflag:$0x3] =	stream.linear.gather [hbm4b:s10+s4], $0x80, $0x38;
	[tilespmem:$0x10A80] =	vst v63  }
0xb8: {  	v5 =	vmov s8;
	(xrf0) =	vadd.scan.msk.s32 $0xffff, v4;
	s11 =	sadd.s32 s5, s12  }
.Ltmp3:
0xb9: {  	vm0 =	veq.s32 v5, v0;
	s12 =	sand.u32 $0x1FFFFFF0, s13;
	s10 =	spop (v2sf);
	(pc) =	sbr.rel @p0 .LBB2_9-.Ltmp3, $4  }
0xba: {  	v5 =	vnsel vm0, $0x0, v3;
	[tilespmem:s6], [sflag:$0x3] =	stream.linear.gather [hbm4b:s11+s4], $0x80, $0x38;
	[tilespmem:$0x10A80] =	vst v63  }
0xbb: {  	s11 =	sshll.u32 s10, $0x4;
	s10 =	sadd.s32 s5, s12;
	s6 =	sadd.s32 $0x100, s6;
	(xrf0) =	vadd.scan.msk.s32 $0xffff, v5  }
0xbc: {  	v4, _, _ =	vpop (xrf0);
	[tilespmem:s7], [sflag:$0x3] =	stream.linear.gather [hbm4b:s10+s4], $0x80, $0x38;
	[tilespmem:$0x10A80] =	vst v63  }
0xbd: {  	s11 =	sand.u32 $0x1FFFFFF0, s11;
	s10 =	sadd.s32 $0x1, s8;
	s8 =	sadd.s32 $0x2, s8;
	(v2sf) =	vpush v4, $0xF;
	v4, _, _ =	vpop (xrf0)  }
0xbe: {  	(v2sf) =	vpush v4, $0xF;
	s8 =	sadd.s32 $0xFFFFFF80, s6  }
0xbf: {  	v61, _, _ =	vpop (xrf0);
	s11 =	sadd.s32 s5, s11;
	s12 =	spop (v2sf);
	s7 =	sadd.s32 $0x100, s7  }
0xc0: {  	v62 =	vmov s10;
	(v2sf) =	vpush v61, $0xF;
	[tilespmem:s8], [sflag:$0x3] =	stream.linear.gather [hbm4b:s11+s4], $0x80, $0x38;
	[tilespmem:$0x10A80] =	vst v63  }
0xc1: {  	v5 =	vnsel vm0, $0x0, v2;
	vm15 =	veq.s32 v62, v0;
	s10 =	sadd.s32 $0xFFFFFF80, s7;
	s8 =	sshll.u32 s12, $0x4;
	s13 =	spop (v2sf);
	v63, _, _ =	vpop (xrf0)  }
0xc2: {  	v3 =	vnsel vm15, $0x0, v3;
	s8 =	sand.u32 $0x1FFFFFF0, s8;
	(xrf0) =	vadd.scan.msk.s32 $0xffff, v5;
	s11 =	sshll.u32 s13, $0x4;
	s12 =	spop (v2sf);
	(v2sf) =	vpush v63, $0xF  }
0xc3: {  	s8 =	sadd.s32 s5, s8;
	(xrf0) =	vadd.scan.msk.s32 $0xffff, v3;
	s11 =	sand.u32 $0x1FFFFFF0, s11;
	s12 =	sshll.u32 s12, $0x4  }
0xc4: {  	v2 =	vnsel vm15, $0x0, v2;
	[tilespmem:s10], [sflag:$0x3] =	stream.linear.gather [hbm4b:s8+s4], $0x80, $0x38;
	[tilespmem:$0x10A80] =	vst v63  }
0xc5: {  	(xrf0) =	vadd.scan.msk.s32 $0xffff, v2;
	s11 =	sadd.s32 s5, s11;
	s13 =	sand.u32 $0x1FFFFFF0, s12;
	s8 =	spop (v2sf)  }
0xc6: {  	[tilespmem:s6], [sflag:$0x3] =	stream.linear.gather [hbm4b:s11+s4], $0x80, $0x38;
	[tilespmem:$0x10A80] =	vst v63  }
0xc7: {  	s12 =	sadd.s32 s5, s13;
	s8 =	sshll.u32 s8, $0x4  }
0xc8: {  	[tilespmem:s7], [sflag:$0x3] =	stream.linear.gather [hbm4b:s12+s4], $0x80, $0x38;
	v2, _, _ =	vpop (xrf0);
	[tilespmem:$0x10A80] =	vst v63  }
0xc9: {  	s6 =	sadd.s32 $0x100, s6;
	s8 =	sand.u32 $0x1FFFFFF0, s8;
	(v2sf) =	vpush v2, $0xF  }
0xca: {  	s13 =	sadd.s32 $0xFFFFFF80, s6;
	s8 =	sadd.s32 s5, s8;
	v2, _, _ =	vpop (xrf0)  }
0xcb: {  	[tilespmem:s13], [sflag:$0x3] =	stream.linear.gather [hbm4b:s8+s4], $0x80, $0x38;
	(v2sf) =	vpush v2, $0xF;
	v2, _, _ =	vpop (xrf0);
	[tilespmem:$0x10A80] =	vst v63  }
0xcc: {  	(v2sf) =	vpush v2, $0xF;
	s11 =	spop (v2sf)  }
0xcd: {  	s7 =	sadd.s32 $0x100, s7;
	s8 =	sshll.u32 s11, $0x4;
	s12 =	spop (v2sf)  }
0xce: {  	s10 =	sadd.s32 $0xFFFFFF80, s7;
	s8 =	sand.u32 $0x1FFFFFF0, s8;
	s11 =	sshll.u32 s12, $0x4  }
0xcf: {  	s13 =	spop (v2sf);
	s8 =	sadd.s32 s5, s8;
	s11 =	sand.u32 $0x1FFFFFF0, s11  }
0xd0: {  	[tilespmem:s10], [sflag:$0x3] =	stream.linear.gather [hbm4b:s8+s4], $0x80, $0x38;
	[tilespmem:$0x10A80] =	vst v63  }
0xd1: {  	s12 =	sshll.u32 s13, $0x4;
	s11 =	sadd.s32 s5, s11;
	s8 =	spop (v2sf)  }
0xd2: {  	[tilespmem:s6], [sflag:$0x3] =	stream.linear.gather [hbm4b:s11+s4], $0x80, $0x38;
	[tilespmem:$0x10A80] =	vst v63  }
0xd3: {  	s13 =	sand.u32 $0x1FFFFFF0, s12;
	s8 =	sshll.u32 s8, $0x4  }
0xd4: {  	s12 =	sadd.s32 s5, s13;
	s6 =	sadd.s32 $0x100, s6;
	s8 =	sand.u32 $0x1FFFFFF0, s8  }
0xd5: {  	[tilespmem:s7], [sflag:$0x3] =	stream.linear.gather [hbm4b:s12+s4], $0x80, $0x38;
	[tilespmem:$0x10A80] =	vst v63  }
0xd6: {  	s13 =	sadd.s32 $0xFFFFFF80, s6;
	s8 =	sadd.s32 s5, s8  }
0xd7: {  	[tilespmem:s13], [sflag:$0x3] =	stream.linear.gather [hbm4b:s8+s4], $0x80, $0x38;
	[tilespmem:$0x10A80] =	vst v63  }
0xd8: {  	s29 =	sadd.s32 $0x1, s29;
	s11 =	spop (v2sf)  }
0xd9: {  	p0 =	sne.s32 s29, $0x4;
	s7 =	sadd.s32 $0x100, s7;
	s8 =	sshll.u32 s11, $0x4  }
0xda: {  	s10 =	sadd.s32 $0xFFFFFF80, s7;
	s12 =	spop (v2sf);
	s8 =	sand.u32 $0x1FFFFFF0, s8  }
0xdb: {  	s11 =	sshll.u32 s12, $0x4;
	s13 =	spop (v2sf);
	s8 =	sadd.s32 s5, s8  }
0xdc: {  	[tilespmem:s10], [sflag:$0x3] =	stream.linear.gather [hbm4b:s8+s4], $0x80, $0x38;
	[tilespmem:$0x10A80] =	vst v63  }
.Ltmp4:
0xdd: {  	s11 =	sand.u32 $0x1FFFFFF0, s11;
	s12 =	sshll.u32 s13, $0x4;
	(pc) =	sbr.rel @p0 .LBB2_8-.Ltmp4, $4  }
0xde: {  	s11 =	sadd.s32 s5, s11;
	s12 =	sand.u32 $0x1FFFFFF0, s12  }
0xdf: {  	[tilespmem:s6], [sflag:$0x3] =	stream.linear.gather [hbm4b:s11+s4], $0x80, $0x38;
	[tilespmem:$0x10A80] =	vst v63  }
0xe0: {  	s18 =	sadd.s32 $0x800, s18;
	s21 =	sadd.s32 $0x800, s21;
	s13 =	sadd.s32 s5, s12  }
0xe1: {  	[tilespmem:s7], [sflag:$0x3] =	stream.linear.gather [hbm4b:s13+s4], $0x80, $0x38;
	[tilespmem:$0x10A80] =	vst v63  }
0xe2: {  	s6 =	simm.s32 $0x640  }
0xe3: {  	[tilespmem:s22], [sflag:$0x4] =	stream.indirect.gather [hbm4b:s1+s17], $0x80, s6, s17, $0xb8;
	[tilespmem:$0x10A80] =	vst v63  }
0xe4: {  	_ = 	snop  }
0xe5: {  	[tilespmem:s23], [sflag:$0x4] =	stream.indirect.gather [hbm4b:s2+s17], $0x80, s6, s17, $0xb8;
	[tilespmem:$0x10A80] =	vst v63  }
0xe6: {  	_ =	swait.ge [sflag:s24], $0x80  }
0xe7: {  	s6 =	simm.s32 $0x7F;
	[sflag:s24] =	ssyncset.done $0x0  }
.LBB2_12:
0xe8: {  	p0 =	sne.s32 s6, $0x1;
	s6 =	sadd.s32 $0xFFFFFFFF, s6;
	[sflag:s24] =	ssyncadd.s32 $0xFFFFFF80  }
.Ltmp5:
0xe9: {  	(pc) =	sbr.rel @p0 .LBB2_12-.Ltmp5, $3  }
0xea: {  	_ =	sdelay $0x1  }
0xeb: {  	_ =	swait.ge [sflag:s24], $0x80  }
0xec: {  	[sflag:s24] =	ssyncset.done $0x0  }
0xed: {  	[sflag:s24] =	ssyncadd.s32 $0xFFFFFF80  }
0xee: {  	_ =	swait.ge [sflag:s25], $0x2000  }
0xef: {  	[sflag:s25] =	ssyncset.done $0x0  }
0xf0: {  	[sflag:s25] =	ssyncadd.s32 $0xFFFFE000  }
0xf1: {  	_ =	swait.ge [sflag:s25], $0x2000  }
0xf2: {  	v5 =	vimm.f32 $0.0e+00;
	[sflag:s25] =	ssyncset.done $0x0  }
0xf3: {  	s16 =	simm.s32 $0x0;
	v3 =	vimm.f32 $0.0e+00;
	v4 =	vimm.f32 $0.0e+00;
	v2 =	vimm.f32 $0.0e+00;
	s18 =	simm.s32 $0x0;
	[sflag:s25] =	ssyncadd.s32 $0xFFFFE000  }
.LBB2_14:
0xf4: {  	s21 =	sshll.u32 s18, $0x4  }
0xf5: {  	v6 =	vld [tilespmem:s21+$0x400];
	_ =	sdelay $0x3  }
0xf6: {  	v7 =	vmov s21  }
0xf7: {  	v7 =	vshll.u32 v7, $0x7;
	v6 =	vshll.u32 v6, $0x6  }
0xf8: {  	v9 =	vadd.s32 s16, v0;
	v7 =	vor.u32 v1, v7;
	v6 =	vand.u32 $0x40, v6  }
0xf9: {  	v8 =	vor.u32 v7, v6;
	v6 =	vand.u32 $0x3F, v9  }
0xfa: {  	v9 =	vor.u32 v6, v8  }
0xfb: {  	s6 =	simm.s32 $0x1  }
0xfc: {  	v10 =	vadd.s32 s6, v0;
	v6 =	vor.u32 v7, v6  }
0xfd: {  	v10 =	vand.u32 $0x3F, v10  }
0xfe: {  	v11 =	vor.u32 v10, v8  }
0xff: {  	v10 =	vor.u32 v7, v10;
	v16 =	vld.idx.msk [tilespmem:v9+s19+$0x0], $0xffff  }
0x100: {  	v9 =	vld.idx.msk [tilespmem:v9+s20+$0x0], $0xffff  }
0x101: {  	v12 =	vld.idx.msk [tilespmem:v6+s26+$0x0], $0xffff  }
0x102: {  	v6 =	vld.idx.msk [tilespmem:v6+s28+$0x0], $0xffff  }
0x103: {  	s13 =	simm.s32 $0x2;
	v13 =	vld.idx.msk [tilespmem:v11+s20+$0x0], $0xffff  }
0x104: {  	v14 =	vadd.s32 s13, v0;
	v15 =	vld.idx.msk [tilespmem:v10+s26+$0x0], $0xffff  }
0x105: {  	s29 =	simm.s32 $0x3;
	v14 =	vand.u32 $0x3F, v14;
	v18 =	vld.idx.msk [tilespmem:v10+s28+$0x0], $0xffff  }
0x106: {  	v17 =	vadd.s32 s29, v0;
	v24 =	vor.u32 v7, v14;
	v10 =	vld.idx.msk [tilespmem:v11+s19+$0x0], $0xffff;
	v11 =	vmul.f32 v9, v9  }
0x107: {  	v23 =	vor.u32 v14, v8;
	v14 =	vmul.f32 v9, v12;
	v20 =	vmul.f32 v9, v6  }
0x108: {  	v19 =	vand.u32 $0x3F, v17;
	v9 =	vmul.f32 v9, v16;
	v22 =	vmul.f32 v16, v16  }
0x109: {  	v17 =	vor.u32 v19, v8;
	v25 =	vmul.f32 v12, v12;
	v29 =	vmul.f32 v6, v6  }
0x10a: {  	v19 =	vor.u32 v7, v19;
	v21 =	vmul.f32 v13, v13;
	v27 =	vmul.f32 v13, v15  }
0x10b: {  	v28 =	vsub.f32 v12, v6;
	v6 =	vmul.f32 v13, v18;
	v26 =	vsub.f32 v15, v18  }
0x10c: {  	v13 =	vmul.f32 v13, v10;
	v11 =	vadd.f32 v11, v5;
	v14 =	vadd.f32 v14, v5  }
0x10d: {  	v30 =	vmul.f32 v10, v10;
	v20 =	vadd.f32 v20, v5;
	v9 =	vadd.f32 v9, v5  }
0x10e: {  	v12 =	vmul.f32 v18, v18;
	v31 =	vadd.f32 v22, v5;
	v18 =	vadd.f32 v25, v5  }
0x10f: {  	v25 =	vimm.f32 $0.0e+00;
	v21 =	vadd.f32 v21, v11;
	v11 =	vmul.f32 v15, v15;
	v15 =	vld.idx.msk [tilespmem:v23+s19+$0x0], $0xffff  }
0x110: {  	v22 =	vadd.f32 v27, v14;
	v20 =	vadd.f32 v6, v20;
	v23 =	vld.idx.msk [tilespmem:v23+s20+$0x0], $0xffff;
	v27 =	vmul.f32 v28, v28  }
0x111: {  	v14 =	vadd.f32 v13, v9;
	v13 =	vadd.f32 v30, v31;
	v6 =	vld.idx.msk [tilespmem:v24+s26+$0x0], $0xffff;
	v28 =	vmul.f32 v16, v28  }
0x112: {  	s6 =	simm.s32 $0x4;
	v16 =	vadd.f32 v29, v5;
	v9 =	vld.idx.msk [tilespmem:v24+s28+$0x0], $0xffff;
	v29 =	vmul.f32 v26, v26;
	v24 =	vimm.f32 $0.0e+00  }
.LBB2_15:
0x113: {  	p0 =	slt.u32 s6, $0x3E;
	v25 =	vadd.f32 v27, v25;
	v24 =	vadd.f32 v28, v24;
	v26 =	vmul.f32 v10, v26;
	v10 =	vld.idx.msk [tilespmem:v17+s19+$0x0], $0xffff  }
0x114: {  	v27 =	vld.idx.msk [tilespmem:v17+s20+$0x0], $0xffff;
	v18 =	vadd.f32 v11, v18;
	v16 =	vadd.f32 v12, v16  }
0x115: {  	s7 =	sadd.s32 $0x1, s6;
	v11 =	vadd.s32 s6, v0;
	v28 =	vmovc v15;
	v12 =	vld.idx.msk [tilespmem:v19+s26+$0x0], $0xffff;
	v25 =	vadd.f32 v29, v25;
	v24 =	vadd.f32 v26, v24  }
0x116: {  	v17 =	vadd.s32 s7, v0;
	v11 =	vand.u32 $0x3F, v11;
	v29 =	vld.idx.msk [tilespmem:v19+s28+$0x0], $0xffff  }
0x117: {  	v26 =	vmul.f32 v23, v23;
	v30 =	vor.u32 v11, v8;
	v19 =	vand.u32 $0x3F, v17  }
0x118: {  	v31 =	vor.u32 v7, v11;
	v11 =	vmul.f32 v23, v6;
	v32 =	vmul.f32 v23, v9  }
0x119: {  	v33 =	vmul.f32 v15, v28;
	v17 =	vor.u32 v19, v8;
	v23 =	vmul.f32 v23, v28  }
0x11a: {  	v34 =	vmul.f32 v6, v6;
	v19 =	vor.u32 v7, v19;
	v35 =	vmul.f32 v9, v9  }
0x11b: {  	v15 =	vadd.f32 v26, v21;
	v21 =	vmul.f32 v27, v27;
	v36 =	vmul.f32 v27, v12  }
0x11c: {  	v9 =	vsub.f32 v6, v9;
	v37 =	vmul.f32 v27, v10;
	v6 =	vmul.f32 v27, v29  }
0x11d: {  	v38 =	vmul.f32 v10, v10;
	v26 =	vsub.f32 v12, v29;
	v21 =	vadd.f32 v21, v15  }
.Ltmp6:
0x11e: {  	v22 =	vadd.f32 v11, v22;
	v20 =	vadd.f32 v32, v20;
	v11 =	vmul.f32 v12, v12;
	(pc) =	sbr.rel @p0 .LBB2_15-.Ltmp6, $4  }
0x11f: {  	v13 =	vadd.f32 v33, v13;
	v14 =	vadd.f32 v23, v14;
	v12 =	vmul.f32 v29, v29;
	v15 =	vld.idx.msk [tilespmem:v30+s19+$0x0], $0xffff  }
0x120: {  	v27 =	vmul.f32 v9, v9;
	v22 =	vadd.f32 v36, v22;
	v20 =	vadd.f32 v6, v20;
	v23 =	vld.idx.msk [tilespmem:v30+s20+$0x0], $0xffff  }
0x121: {  	v28 =	vmul.f32 v28, v9;
	v13 =	vadd.f32 v38, v13;
	v14 =	vadd.f32 v37, v14;
	v6 =	vld.idx.msk [tilespmem:v31+s26+$0x0], $0xffff  }
0x122: {  	s6 =	sadd.s32 $0x2, s6;
	v18 =	vadd.f32 v34, v18;
	v16 =	vadd.f32 v35, v16;
	v29 =	vmul.f32 v26, v26;
	v9 =	vld.idx.msk [tilespmem:v31+s28+$0x0], $0xffff  }
0x123: {  	_ =	sdelay $0x3  }
0x124: {  	v7 =	vld.idx.msk [tilespmem:v17+s20+$0x0], $0xffff;
	_ =	sdelay $0x2  }
0x125: {  	v8 =	vmul.f32 v23, v23;
	_ =	sdelay $0x1  }
0x126: {  	v8 =	vadd.f32 v8, v21;
	v57 =	vmul.f32 v7, v7;
	_ =	sdelay $0x1  }
0x127: {  	v8 =	vadd.f32 v57, v8  }
0x128: {  	v21 =	vld.idx.msk [tilespmem:v19+s26+$0x0], $0xffff  }
0x129: {  	v19 =	vld.idx.msk [tilespmem:v19+s28+$0x0], $0xffff;
	v30 =	vmax.f32 v8, $1.000000020e-24  }
0x12a: {  	(erf) = vrcp.f32 v30  }
0x12b: {  	v31 =	vmul.f32 v23, v6  }
0x12c: {  	v32 =	vmul.f32 v23, v9  }
0x12d: {  	v22 =	vadd.f32 v31, v22  }
0x12e: {  	v20 =	vadd.f32 v32, v20;
	v59 =	vmul.f32 v7, v21;
	v60 =	vmul.f32 v7, v19  }
0x12f: {  	v25 =	vadd.f32 v27, v25;
	v24 =	vadd.f32 v28, v24;
	v10 =	vmul.f32 v10, v26  }
0x130: {  	v58 =	vld.idx.msk [tilespmem:v17+s19+$0x0], $0xffff;
	v63 =	vmul.f32 v15, v15;
	v22 =	vadd.f32 v59, v22;
	v20 =	vadd.f32 v60, v20  }
0x131: {  	v25 =	vadd.f32 v29, v25;
	v62 =	vmul.f32 v23, v15;
	v61 =	vsub.f32 v6, v9  }
0x132: {  	v10 =	vadd.f32 v10, v24;
	v27 =	vsub.f32 v22, v20  }
0x133: {  	v13 =	vadd.f32 v63, v13;
	v14 =	vadd.f32 v62, v14;
	v34 =	vmul.f32 v61, v61;
	v35 =	vpop (erf)  }
0x134: {  	v33 =	vsub.f32 v21, v19;
	v36 =	vmul.f32 v27, v27;
	v8 =	vmul.f32 v35, v8  }
0x135: {  	v39 =	vmul.f32 v58, v58;
	v37 =	vmul.f32 v15, v61;
	v25 =	vadd.f32 v34, v25  }
0x136: {  	v38 =	vmul.f32 v33, v33;
	v23 =	vmul.f32 v36, v35;
	v8 =	vadd.f32 $-2.000000000e+00, v8  }
0x137: {  	v10 =	vadd.f32 v37, v10;
	v7 =	vmul.f32 v7, v58;
	v40 =	vmul.f32 v58, v33  }
0x138: {  	v13 =	vadd.f32 v39, v13;
	v41 =	vadd.f32 v38, v25;
	v42 =	vmul.f32 v23, v8  }
0x139: {  	v7 =	vadd.f32 v7, v14;
	v10 =	vadd.f32 v40, v10  }
0x13a: {  	v43 =	vadd.f32 v27, v27;
	v14 =	vadd.f32 v41, v42;
	_ =	sdelay $0x1  }
0x13b: {  	v10 =	vadd.f32 v10, v10;
	v44 =	vmul.f32 v43, v7;
	v13 =	vadd.f32 v14, v13;
	_ =	sdelay $0x1  }
0x13c: {  	v45 =	vmul.f32 v44, v35;
	v10 =	vadd.f32 v10, v13;
	_ =	sdelay $0x1  }
0x13d: {  	v46 =	vshra.s32 v30, $0x1;
	v47 =	vmul.f32 $5.000000000e-01, v30;
	v10 =	vsub.f32 v10, v45  }
0x13e: {  	v14 =	vsub.s32 $0x5F3759DF, v46  }
0x13f: {  	v48 =	vmul.f32 v14, v47;
	v49 =	vmax.f32 v10, $1.000000000e-30  }
0x140: {  	v50 =	vshra.s32 v49, $0x1;
	v17 =	vmul.f32 $5.000000000e-01, v49  }
0x141: {  	v13 =	vmul.f32 v14, v48;
	v23 =	vsub.s32 $0x5F3759DF, v50  }
0x142: {  	v51 =	vmul.f32 v23, v17  }
0x143: {  	v13 =	vsub.f32 $1.500000000e+00, v13  }
0x144: {  	v52 =	vmul.f32 v23, v51  }
0x145: {  	v13 =	vmul.f32 v14, v13  }
0x146: {  	v14 =	vsub.f32 $1.500000000e+00, v52  }
0x147: {  	v53 =	vmul.f32 v13, v47  }
0x148: {  	v14 =	vmul.f32 v23, v14  }
0x149: {  	v24 =	vmul.f32 v53, v13  }
0x14a: {  	v55 =	vmul.f32 v14, v17  }
0x14b: {  	v54 =	vsub.f32 $1.500000000e+00, v24  }
0x14c: {  	v56 =	vmul.f32 v55, v14  }
0x14d: {  	v13 =	vmul.f32 v54, v13  }
0x14e: {  	v23 =	vsub.f32 $1.500000000e+00, v56  }
0x14f: {  	v15 =	vmul.f32 v13, v47  }
0x150: {  	v14 =	vmul.f32 v23, v14  }
0x151: {  	v11 =	vadd.f32 v11, v18;
	v15 =	vmul.f32 v15, v13  }
0x152: {  	v12 =	vadd.f32 v12, v16;
	v6 =	vmul.f32 v6, v6;
	v17 =	vmul.f32 v14, v17  }
0x153: {  	v57 =	vmul.f32 v9, v9;
	v59 =	vmul.f32 v21, v21;
	v15 =	vsub.f32 $1.500000000e+00, v15  }
0x154: {  	v6 =	vadd.f32 v6, v11;
	v60 =	vmul.f32 v19, v19;
	v58 =	vmul.f32 v17, v14  }
0x155: {  	v9 =	vadd.f32 v57, v12;
	v62 =	vmul.f32 v22, v22;
	v13 =	vmul.f32 v15, v13  }
0x156: {  	s18 =	sadd.s32 $0x1, s18;
	v6 =	vadd.f32 v59, v6;
	v63 =	vmul.f32 v20, v20;
	v61 =	vsub.f32 $1.500000000e+00, v58  }
0x157: {  	p0 =	sne.s32 s18, $0x4;
	v9 =	vadd.f32 v60, v9;
	v12 =	vmul.f32 v35, v62;
	v7 =	vmul.f32 v13, v7  }
.Ltmp7:
0x158: {  	v4 =	vadd.f32 v6, v4;
	v13 =	vmul.f32 v63, v35;
	v11 =	vmul.f32 v61, v14;
	(pc) =	sbr.rel @p0 .LBB2_14-.Ltmp7, $4  }
0x159: {  	v6 =	vmul.f32 v8, v12;
	v10 =	vmax.f32 v10, $0.0e+00;
	v7 =	vadd.f32 $-9.999999970e-07, v7  }
0x15a: {  	v3 =	vadd.f32 v9, v3;
	v8 =	vmul.f32 v8, v13;
	v10 =	vmul.f32 v11, v10  }
0x15b: {  	v4 =	vadd.f32 v4, v6;
	v7 =	vmax.f32 v7, $0.0e+00  }
0x15c: {  	v3 =	vadd.f32 v3, v8;
	v2 =	vadd.f32 v7, v2;
	[tilespmem:s21+$0x10800] =	vst v10  }
0x15d: {  	s16 =	simm.s32 $0x0  }
0x15e: {  	s18 =	simm.s32 $0x880;
	s21 =	simm.s32 $0x2880;
	s29 =	simm.s32 $0x0  }
.LBB2_18:
0x15f: {  	s6 =	sshll.u32 s29, $0x4  }
0x160: {  	s7 =	sor.u32 $0x80, s6  }
0x161: {  	v5 =	vmov s16;
	v6 =	vld [tilespmem:s7+$0x0]  }
0x162: {  	vm0 =	veq.s32 v5, v0;
	v5 =	vld [tilespmem:s6+$0x280];
	_ =	sdelay $0x3  }
0x163: {  	s7 =	simm.s32 $0x1;
	v7 =	vnsel vm0, $0x0, v6  }
0x164: {  	v8 =	vnsel vm0, $0x0, v5;
	(xrf0) =	vadd.scan.msk.s32 $0xffff, v7;
	v7 =	vmov s7  }
0x165: {  	vm0 =	veq.s32 v7, v0;
	(xrf0) =	vadd.scan.msk.s32 $0xffff, v8  }
0x166: {  	s8 =	simm.s32 $0x2;
	v7 =	vnsel vm0, $0x0, v6  }
0x167: {  	(xrf0) =	vadd.scan.msk.s32 $0xffff, v7;
	v7 =	vmov s8  }
0x168: {  	v9 =	vnsel vm0, $0x0, v5;
	vm0 =	veq.s32 v7, v0  }
0x169: {  	(xrf0) =	vadd.scan.msk.s32 $0xffff, v9;
	v7 =	vnsel vm0, $0x0, v6  }
0x16a: {  	v8, _, _ =	vpop (xrf0);
	(xrf0) =	vadd.scan.msk.s32 $0xffff, v7  }
0x16b: {  	(v2sf) =	vpush v8, $0xF;
	v8, _, _ =	vpop (xrf0)  }
0x16c: {  	(v2sf) =	vpush v8, $0xF  }
0x16d: {  	v7, _, _ =	vpop (xrf0)  }
0x16e: {  	(v2sf) =	vpush v7, $0xF  }
0x16f: {  	v7, _, _ =	vpop (xrf0)  }
0x170: {  	s10 =	simm.s32 $0x3;
	(v2sf) =	vpush v7, $0xF;
	v7, _, _ =	vpop (xrf0)  }
0x171: {  	(v2sf) =	vpush v7, $0xF;
	v7 =	vmov s10  }
0x172: {  	v8 =	vnsel vm0, $0x0, v5;
	vm0 =	veq.s32 v7, v0  }
0x173: {  	s12 =	simm.s32 $0x4;
	(xrf0) =	vadd.scan.msk.s32 $0xffff, v8;
	v7 =	vnsel vm0, $0x0, v6  }
0x174: {  	(xrf0) =	vadd.scan.msk.s32 $0xffff, v7;
	v7 =	vmov s12  }
0x175: {  	s13 =	simm.s32 $0x5;
	v8 =	vnsel vm0, $0x0, v5;
	vm0 =	veq.s32 v7, v0  }
0x176: {  	(xrf0) =	vadd.scan.msk.s32 $0xffff, v8;
	v8 =	vmov s13;
	v7 =	vnsel vm0, $0x0, v6  }
0x177: {  	(xrf0) =	vadd.scan.msk.s32 $0xffff, v7;
	v7 =	vnsel vm0, $0x0, v5;
	vm0 =	veq.s32 v8, v0  }
0x178: {  	v8 =	vnsel vm0, $0x0, v6;
	_ =	sdelay $0x1  }
0x179: {  	(xrf0) =	vadd.scan.msk.s32 $0xffff, v7;
	s11 =	spop (v2sf);
	v7, _, _ =	vpop (xrf0)  }
0x17a: {  	(xrf0) =	vadd.scan.msk.s32 $0xffff, v8;
	s6 =	sshll.u32 s11, $0x4;
	s10 =	spop (v2sf);
	v8, _, _ =	vpop (xrf0);
	(v2sf) =	vpush v7, $0xF  }
0x17b: {  	s7 =	smov.u32 s21;
	s6 =	sand.u32 $0x1FFFFFF0, s6;
	(v2sf) =	vpush v8, $0xF;
	v7, _, _ =	vpop (xrf0)  }
0x17c: {  	s8 =	sadd.s32 $0xFFFFFF80, s18;
	s6 =	sadd.s32 s5, s6;
	s12 =	spop (v2sf);
	(v2sf) =	vpush v7, $0xF  }
0x17d: {  	[tilespmem:s8], [sflag:$0x1] =	stream.linear.gather [hbm4b:s6+s4], $0x80, $0x38;
	[tilespmem:$0x10A80] =	vst v63  }
0x17e: {  	s13 =	simm.s32 $0x6;
	s11 =	sadd.s32 $0xFFFFFF80, s21;
	s6 =	sshll.u32 s10, $0x4  }
0x17f: {  	v63 =	vnsel vm0, $0x0, v5;
	v7, _, _ =	vpop (xrf0);
	s8 =	sshll.u32 s12, $0x4;
	s10 =	spop (v2sf);
	s6 =	sand.u32 $0x1FFFFFF0, s6  }
0x180: {  	(xrf0) =	vadd.scan.msk.s32 $0xffff, v63;
	v8 =	vmov s13;
	(v2sf) =	vpush v7, $0xF;
	s8 =	sand.u32 $0x1FFFFFF0, s8;
	s10 =	sshll.u32 s10, $0x4;
	s6 =	sadd.s32 s5, s6  }
0x181: {  	vm0 =	veq.s32 v8, v0;
	[tilespmem:s11], [sflag:$0x1] =	stream.linear.gather [hbm4b:s6+s4], $0x80, $0x38;
	[tilespmem:$0x10A80] =	vst v63  }
0x182: {  	v7 =	vnsel vm0, $0x0, v6;
	s8 =	sadd.s32 s5, s8;
	s10 =	sand.u32 $0x1FFFFFF0, s10;
	s11 =	spop (v2sf)  }
0x183: {  	v8, _, _ =	vpop (xrf0);
	(xrf0) =	vadd.scan.msk.s32 $0xffff, v7;
	s12 =	sadd.s32 s5, s10;
	s6 =	sadd.s32 $0x100, s18;
	s13 =	sshll.u32 s11, $0x4  }
0x184: {  	(v2sf) =	vpush v8, $0xF;
	[tilespmem:s18], [sflag:$0x1] =	stream.linear.gather [hbm4b:s8+s4], $0x80, $0x38;
	[tilespmem:$0x10A80] =	vst v63  }
0x185: {  	s10 =	simm.s32 $0x7;
	s8 =	simm.s32 $0x8;
	s11 =	sand.u32 $0x1FFFFFF0, s13  }
0x186: {  	v7, _, _ =	vpop (xrf0);
	[tilespmem:s21], [sflag:$0x1] =	stream.linear.gather [hbm4b:s12+s4], $0x80, $0x38;
	[tilespmem:$0x10A80] =	vst v63  }
.LBB2_19:
0x187: {  	p0 =	slt.u32 s8, $0xE;
	(v2sf) =	vpush v7, $0xF;
	v7, _, _ =	vpop (xrf0);
	s12 =	sadd.s32 $0xFFFFFF80, s6;
	s11 =	sadd.s32 s5, s11  }
0x188: {  	(v2sf) =	vpush v7, $0xF;
	[tilespmem:s12], [sflag:$0x1] =	stream.linear.gather [hbm4b:s11+s4], $0x80, $0x38;
	[tilespmem:$0x10A80] =	vst v63  }
0x189: {  	v9 =	vmov s10;
	s7 =	sadd.s32 $0x100, s7;
	s10 =	spop (v2sf)  }
0x18a: {  	v8 =	vnsel vm0, $0x0, v5;
	vm0 =	veq.s32 v9, v0;
	s11 =	sadd.s32 $0xFFFFFF80, s7;
	v7, _, _ =	vpop (xrf0);
	s10 =	sshll.u32 s10, $0x4;
	s12 =	spop (v2sf)  }
0x18b: {  	v9 =	vnsel vm0, $0x0, v6;
	(v2sf) =	vpush v7, $0xF;
	(xrf0) =	vadd.scan.msk.s32 $0xffff, v8;
	s10 =	sand.u32 $0x1FFFFFF0, s10;
	s12 =	sshll.u32 s12, $0x4;
	s13 =	spop (v2sf)  }
0x18c: {  	v7 =	vnsel vm0, $0x0, v5;
	(xrf0) =	vadd.scan.msk.s32 $0xffff, v9;
	s10 =	sadd.s32 s5, s10;
	s12 =	sand.u32 $0x1FFFFFF0, s12;
	s13 =	sshll.u32 s13, $0x4  }
0x18d: {  	[tilespmem:s11], [sflag:$0x1] =	stream.linear.gather [hbm4b:s10+s4], $0x80, $0x38;
	[tilespmem:$0x10A80] =	vst v63  }
0x18e: {  	v8 =	vmov s8;
	(xrf0) =	vadd.scan.msk.s32 $0xffff, v7;
	s11 =	sadd.s32 s5, s12  }
.Ltmp8:
0x18f: {  	vm0 =	veq.s32 v8, v0;
	s12 =	sand.u32 $0x1FFFFFF0, s13;
	s10 =	spop (v2sf);
	(pc) =	sbr.rel @p0 .LBB2_19-.Ltmp8, $4  }
0x190: {  	v8 =	vnsel vm0, $0x0, v6;
	[tilespmem:s6], [sflag:$0x1] =	stream.linear.gather [hbm4b:s11+s4], $0x80, $0x38;
	[tilespmem:$0x10A80] =	vst v63  }
0x191: {  	s11 =	sshll.u32 s10, $0x4;
	s10 =	sadd.s32 s5, s12;
	s6 =	sadd.s32 $0x100, s6;
	(xrf0) =	vadd.scan.msk.s32 $0xffff, v8  }
0x192: {  	v7, _, _ =	vpop (xrf0);
	[tilespmem:s7], [sflag:$0x1] =	stream.linear.gather [hbm4b:s10+s4], $0x80, $0x38;
	[tilespmem:$0x10A80] =	vst v63  }
0x193: {  	s11 =	sand.u32 $0x1FFFFFF0, s11;
	s10 =	sadd.s32 $0x1, s8;
	s8 =	sadd.s32 $0x2, s8;
	(v2sf) =	vpush v7, $0xF;
	v7, _, _ =	vpop (xrf0)  }
0x194: {  	(v2sf) =	vpush v7, $0xF;
	v7, _, _ =	vpop (xrf0)  }
0x195: {  	s8 =	sadd.s32 $0xFFFFFF80, s6;
	s11 =	sadd.s32 s5, s11;
	s12 =	spop (v2sf);
	(v2sf) =	vpush v7, $0xF;
	v7 =	vmov s10  }
0x196: {  	[tilespmem:s8], [sflag:$0x1] =	stream.linear.gather [hbm4b:s11+s4], $0x80, $0x38;
	[tilespmem:$0x10A80] =	vst v63  }
0x197: {  	s7 =	sadd.s32 $0x100, s7;
	s8 =	sshll.u32 s12, $0x4  }
0x198: {  	v8 =	vnsel vm0, $0x0, v5;
	s10 =	sadd.s32 $0xFFFFFF80, s7;
	vm15 =	veq.s32 v7, v0;
	s13 =	spop (v2sf);
	s8 =	sand.u32 $0x1FFFFFF0, s8;
	v7, _, _ =	vpop (xrf0)  }
0x199: {  	s11 =	sshll.u32 s13, $0x4;
	s12 =	spop (v2sf);
	s8 =	sadd.s32 s5, s8;
	(xrf0) =	vadd.scan.msk.s32 $0xffff, v8;
	(v2sf) =	vpush v7, $0xF  }
0x19a: {  	v6 =	vnsel vm15, $0x0, v6;
	[tilespmem:s10], [sflag:$0x1] =	stream.linear.gather [hbm4b:s8+s4], $0x80, $0x38;
	[tilespmem:$0x10A80] =	vst v63  }
0x19b: {  	v5 =	vnsel vm15, $0x0, v5;
	s11 =	sand.u32 $0x1FFFFFF0, s11;
	s12 =	sshll.u32 s12, $0x4;
	(xrf0) =	vadd.scan.msk.s32 $0xffff, v6  }
0x19c: {  	s11 =	sadd.s32 s5, s11;
	s13 =	sand.u32 $0x1FFFFFF0, s12;
	(xrf0) =	vadd.scan.msk.s32 $0xffff, v5;
	s8 =	spop (v2sf)  }
0x19d: {  	[tilespmem:s6], [sflag:$0x1] =	stream.linear.gather [hbm4b:s11+s4], $0x80, $0x38;
	[tilespmem:$0x10A80] =	vst v63  }
0x19e: {  	s12 =	sadd.s32 s5, s13;
	s8 =	sshll.u32 s8, $0x4  }
0x19f: {  	[tilespmem:s7], [sflag:$0x1] =	stream.linear.gather [hbm4b:s12+s4], $0x80, $0x38;
	v5, _, _ =	vpop (xrf0);
	[tilespmem:$0x10A80] =	vst v63  }
0x1a0: {  	s6 =	sadd.s32 $0x100, s6;
	s8 =	sand.u32 $0x1FFFFFF0, s8;
	(v2sf) =	vpush v5, $0xF  }
0x1a1: {  	s13 =	sadd.s32 $0xFFFFFF80, s6;
	s8 =	sadd.s32 s5, s8;
	v5, _, _ =	vpop (xrf0)  }
0x1a2: {  	[tilespmem:s13], [sflag:$0x1] =	stream.linear.gather [hbm4b:s8+s4], $0x80, $0x38;
	(v2sf) =	vpush v5, $0xF;
	v5, _, _ =	vpop (xrf0);
	[tilespmem:$0x10A80] =	vst v63  }
0x1a3: {  	s7 =	sadd.s32 $0x100, s7;
	(v2sf) =	vpush v5, $0xF;
	s11 =	spop (v2sf)  }
0x1a4: {  	s10 =	sadd.s32 $0xFFFFFF80, s7;
	s8 =	sshll.u32 s11, $0x4;
	s12 =	spop (v2sf)  }
0x1a5: {  	s8 =	sand.u32 $0x1FFFFFF0, s8;
	s11 =	sshll.u32 s12, $0x4;
	s13 =	spop (v2sf)  }
0x1a6: {  	s8 =	sadd.s32 s5, s8;
	s11 =	sand.u32 $0x1FFFFFF0, s11;
	s12 =	sshll.u32 s13, $0x4  }
0x1a7: {  	[tilespmem:s10], [sflag:$0x1] =	stream.linear.gather [hbm4b:s8+s4], $0x80, $0x38;
	[tilespmem:$0x10A80] =	vst v63  }
0x1a8: {  	s11 =	sadd.s32 s5, s11;
	s13 =	sand.u32 $0x1FFFFFF0, s12;
	s8 =	spop (v2sf)  }
0x1a9: {  	[tilespmem:s6], [sflag:$0x1] =	stream.linear.gather [hbm4b:s11+s4], $0x80, $0x38;
	[tilespmem:$0x10A80] =	vst v63  }
0x1aa: {  	s12 =	sadd.s32 s5, s13;
	s8 =	sshll.u32 s8, $0x4  }
0x1ab: {  	[tilespmem:s7], [sflag:$0x1] =	stream.linear.gather [hbm4b:s12+s4], $0x80, $0x38;
	[tilespmem:$0x10A80] =	vst v63  }
0x1ac: {  	s6 =	sadd.s32 $0x100, s6;
	s8 =	sand.u32 $0x1FFFFFF0, s8  }
0x1ad: {  	s13 =	sadd.s32 $0xFFFFFF80, s6;
	s8 =	sadd.s32 s5, s8  }
0x1ae: {  	[tilespmem:s13], [sflag:$0x1] =	stream.linear.gather [hbm4b:s8+s4], $0x80, $0x38;
	[tilespmem:$0x10A80] =	vst v63  }
0x1af: {  	s29 =	sadd.s32 $0x1, s29;
	s11 =	spop (v2sf)  }
0x1b0: {  	p0 =	sne.s32 s29, $0x4;
	s7 =	sadd.s32 $0x100, s7;
	s8 =	sshll.u32 s11, $0x4  }
0x1b1: {  	s10 =	sadd.s32 $0xFFFFFF80, s7;
	s12 =	spop (v2sf);
	s8 =	sand.u32 $0x1FFFFFF0, s8  }
0x1b2: {  	s11 =	sshll.u32 s12, $0x4;
	s13 =	spop (v2sf);
	s8 =	sadd.s32 s5, s8  }
0x1b3: {  	[tilespmem:s10], [sflag:$0x1] =	stream.linear.gather [hbm4b:s8+s4], $0x80, $0x38;
	[tilespmem:$0x10A80] =	vst v63  }
.Ltmp9:
0x1b4: {  	s11 =	sand.u32 $0x1FFFFFF0, s11;
	s12 =	sshll.u32 s13, $0x4;
	(pc) =	sbr.rel @p0 .LBB2_18-.Ltmp9, $4  }
0x1b5: {  	s11 =	sadd.s32 s5, s11;
	s12 =	sand.u32 $0x1FFFFFF0, s12  }
0x1b6: {  	[tilespmem:s6], [sflag:$0x1] =	stream.linear.gather [hbm4b:s11+s4], $0x80, $0x38;
	[tilespmem:$0x10A80] =	vst v63  }
0x1b7: {  	s18 =	sadd.s32 $0x800, s18;
	s21 =	sadd.s32 $0x800, s21;
	s13 =	sadd.s32 s5, s12  }
0x1b8: {  	[tilespmem:s7], [sflag:$0x1] =	stream.linear.gather [hbm4b:s13+s4], $0x80, $0x38;
	[tilespmem:$0x10A80] =	vst v63  }
0x1b9: {  	s6 =	simm.s32 $0x680  }
0x1ba: {  	[tilespmem:s19], [sflag:$0x2] =	stream.indirect.gather [hbm4b:s1+s17], $0x80, s6, s17, $0xb8;
	[tilespmem:$0x10A80] =	vst v63  }
0x1bb: {  	_ = 	snop  }
0x1bc: {  	[tilespmem:s20], [sflag:$0x2] =	stream.indirect.gather [hbm4b:s2+s17], $0x80, s6, s17, $0xb8;
	[tilespmem:$0x10A80] =	vst v63  }
0x1bd: {  	_ =	swait.ge [sflag:s30], $0x80  }
0x1be: {  	s6 =	simm.s32 $0x7F;
	[sflag:s30] =	ssyncset.done $0x0  }
.LBB2_22:
0x1bf: {  	p0 =	sne.s32 s6, $0x1;
	s6 =	sadd.s32 $0xFFFFFFFF, s6;
	[sflag:s30] =	ssyncadd.s32 $0xFFFFFF80  }
.Ltmp10:
0x1c0: {  	(pc) =	sbr.rel @p0 .LBB2_22-.Ltmp10, $3  }
0x1c1: {  	_ =	sdelay $0x1  }
0x1c2: {  	_ =	swait.ge [sflag:s30], $0x80  }
0x1c3: {  	[sflag:s30] =	ssyncset.done $0x0  }
0x1c4: {  	[sflag:s30] =	ssyncadd.s32 $0xFFFFFF80  }
0x1c5: {  	_ =	swait.ge [sflag:s31], $0x2000  }
0x1c6: {  	[sflag:s31] =	ssyncset.done $0x0  }
0x1c7: {  	[sflag:s31] =	ssyncadd.s32 $0xFFFFE000  }
0x1c8: {  	_ =	swait.ge [sflag:s31], $0x2000  }
0x1c9: {  	[sflag:s31] =	ssyncset.done $0x0  }
0x1ca: {  	s16 =	simm.s32 $0x0;
	s18 =	simm.s32 $0x0;
	[sflag:s31] =	ssyncadd.s32 $0xFFFFE000  }
.LBB2_24:
0x1cb: {  	s6 =	sshll.u32 s18, $0x4  }
0x1cc: {  	v5 =	vld [tilespmem:s6+$0x440];
	_ =	sdelay $0x3  }
0x1cd: {  	v6 =	vmov s6  }
0x1ce: {  	v6 =	vshll.u32 v6, $0x7;
	v5 =	vshll.u32 v5, $0x6  }
0x1cf: {  	v7 =	vor.u32 v1, v6;
	v6 =	vadd.s32 s16, v0;
	v5 =	vand.u32 $0x40, v5  }
0x1d0: {  	v8 =	vor.u32 v7, v5;
	v5 =	vand.u32 $0x3F, v6  }
0x1d1: {  	v6 =	vor.u32 v5, v8  }
0x1d2: {  	s7 =	simm.s32 $0x1  }
0x1d3: {  	v9 =	vadd.s32 s7, v0;
	v5 =	vor.u32 v7, v5  }
0x1d4: {  	v9 =	vand.u32 $0x3F, v9  }
0x1d5: {  	v10 =	vor.u32 v9, v8  }
0x1d6: {  	v15 =	vld.idx.msk [tilespmem:v6+s22+$0x0], $0xffff  }
0x1d7: {  	v9 =	vor.u32 v7, v9;
	v11 =	vld.idx.msk [tilespmem:v6+s23+$0x0], $0xffff  }
0x1d8: {  	v13 =	vld.idx.msk [tilespmem:v5+s0+$0x0], $0xffff  }
0x1d9: {  	v5 =	vld.idx.msk [tilespmem:v5+s3+$0x0], $0xffff  }
0x1da: {  	s21 =	simm.s32 $0x2;
	v6 =	vld.idx.msk [tilespmem:v10+s22+$0x0], $0xffff  }
0x1db: {  	v12 =	vadd.s32 s21, v0;
	v10 =	vld.idx.msk [tilespmem:v10+s23+$0x0], $0xffff  }
0x1dc: {  	s29 =	simm.s32 $0x3;
	v14 =	vand.u32 $0x3F, v12;
	v17 =	vld.idx.msk [tilespmem:v9+s0+$0x0], $0xffff  }
0x1dd: {  	v16 =	vadd.s32 s29, v0;
	v12 =	vimm.f32 $0.0e+00;
	v24 =	vor.u32 v7, v14;
	v9 =	vld.idx.msk [tilespmem:v9+s3+$0x0], $0xffff  }
0x1de: {  	v18 =	vor.u32 v14, v8;
	v20 =	vmul.f32 v11, v11;
	v14 =	vmul.f32 v11, v13  }
0x1df: {  	v19 =	vand.u32 $0x3F, v16;
	v21 =	vmul.f32 v11, v5;
	v11 =	vmul.f32 v11, v15  }
0x1e0: {  	v16 =	vor.u32 v19, v8;
	v22 =	vmul.f32 v15, v15;
	v28 =	vmul.f32 v13, v13  }
0x1e1: {  	v19 =	vor.u32 v7, v19;
	v29 =	vmul.f32 v5, v5;
	v23 =	vmul.f32 v10, v10  }
0x1e2: {  	v26 =	vmul.f32 v10, v17;
	v27 =	vsub.f32 v13, v5;
	v5 =	vmul.f32 v10, v9  }
0x1e3: {  	v30 =	vmul.f32 v10, v6;
	v25 =	vsub.f32 v17, v9;
	v20 =	vadd.f32 v20, v12  }
0x1e4: {  	v31 =	vmul.f32 v6, v6;
	v14 =	vadd.f32 v14, v12;
	v32 =	vadd.f32 v21, v12  }
0x1e5: {  	v10 =	vmul.f32 v17, v17;
	v17 =	vadd.f32 v11, v12;
	v33 =	vadd.f32 v22, v12  }
0x1e6: {  	v13 =	vld.idx.msk [tilespmem:v18+s22+$0x0], $0xffff;
	v11 =	vmul.f32 v9, v9;
	v20 =	vadd.f32 v23, v20;
	v21 =	vadd.f32 v26, v14  }
0x1e7: {  	v9 =	vld.idx.msk [tilespmem:v24+s3+$0x0], $0xffff;
	v26 =	vmul.f32 v27, v27;
	v22 =	vadd.f32 v5, v32;
	v14 =	vadd.f32 v30, v17  }
0x1e8: {  	v23 =	vld.idx.msk [tilespmem:v18+s23+$0x0], $0xffff;
	v27 =	vmul.f32 v15, v27;
	v15 =	vadd.f32 v31, v33;
	v17 =	vadd.f32 v28, v12  }
0x1e9: {  	s21 =	sor.u32 $0x40, s6;
	s6 =	simm.s32 $0x4;
	v5 =	vld.idx.msk [tilespmem:v24+s0+$0x0], $0xffff;
	v18 =	vadd.f32 v29, v12;
	v28 =	vmul.f32 v25, v25;
	v24 =	vimm.f32 $0.0e+00  }
.LBB2_25:
0x1ea: {  	p0 =	slt.u32 s6, $0x3E;
	v12 =	vadd.f32 v26, v12;
	v24 =	vadd.f32 v27, v24;
	v25 =	vmul.f32 v6, v25;
	v6 =	vld.idx.msk [tilespmem:v16+s22+$0x0], $0xffff  }
0x1eb: {  	v26 =	vld.idx.msk [tilespmem:v16+s23+$0x0], $0xffff;
	v17 =	vadd.f32 v10, v17;
	v18 =	vadd.f32 v11, v18  }
0x1ec: {  	s7 =	sadd.s32 $0x1, s6;
	v10 =	vadd.s32 s6, v0;
	v27 =	vmovc v13;
	v11 =	vld.idx.msk [tilespmem:v19+s0+$0x0], $0xffff;
	v12 =	vadd.f32 v28, v12;
	v24 =	vadd.f32 v25, v24  }
0x1ed: {  	v16 =	vadd.s32 s7, v0;
	v10 =	vand.u32 $0x3F, v10;
	v28 =	vld.idx.msk [tilespmem:v19+s3+$0x0], $0xffff  }
0x1ee: {  	v25 =	vmul.f32 v23, v23;
	v29 =	vor.u32 v10, v8;
	v19 =	vand.u32 $0x3F, v16  }
0x1ef: {  	v30 =	vor.u32 v7, v10;
	v10 =	vmul.f32 v23, v5;
	v31 =	vmul.f32 v23, v9  }
0x1f0: {  	v32 =	vmul.f32 v13, v27;
	v16 =	vor.u32 v19, v8;
	v23 =	vmul.f32 v23, v27  }
0x1f1: {  	v33 =	vmul.f32 v5, v5;
	v19 =	vor.u32 v7, v19;
	v34 =	vmul.f32 v9, v9  }
0x1f2: {  	v13 =	vadd.f32 v25, v20;
	v20 =	vmul.f32 v26, v26;
	v35 =	vmul.f32 v26, v11  }
0x1f3: {  	v9 =	vsub.f32 v5, v9;
	v36 =	vmul.f32 v26, v6;
	v5 =	vmul.f32 v26, v28  }
0x1f4: {  	v37 =	vmul.f32 v6, v6;
	v25 =	vsub.f32 v11, v28;
	v20 =	vadd.f32 v20, v13  }
.Ltmp11:
0x1f5: {  	v21 =	vadd.f32 v10, v21;
	v22 =	vadd.f32 v31, v22;
	v10 =	vmul.f32 v11, v11;
	(pc) =	sbr.rel @p0 .LBB2_25-.Ltmp11, $4  }
0x1f6: {  	v15 =	vadd.f32 v32, v15;
	v14 =	vadd.f32 v23, v14;
	v11 =	vmul.f32 v28, v28;
	v13 =	vld.idx.msk [tilespmem:v29+s22+$0x0], $0xffff  }
0x1f7: {  	v26 =	vmul.f32 v9, v9;
	v21 =	vadd.f32 v35, v21;
	v22 =	vadd.f32 v5, v22;
	v23 =	vld.idx.msk [tilespmem:v29+s23+$0x0], $0xffff  }
0x1f8: {  	v27 =	vmul.f32 v27, v9;
	v15 =	vadd.f32 v37, v15;
	v14 =	vadd.f32 v36, v14;
	v5 =	vld.idx.msk [tilespmem:v30+s0+$0x0], $0xffff  }
0x1f9: {  	s6 =	sadd.s32 $0x2, s6;
	v17 =	vadd.f32 v33, v17;
	v18 =	vadd.f32 v34, v18;
	v28 =	vmul.f32 v25, v25;
	v9 =	vld.idx.msk [tilespmem:v30+s3+$0x0], $0xffff  }
0x1fa: {  	_ =	sdelay $0x3  }
0x1fb: {  	v7 =	vld.idx.msk [tilespmem:v16+s23+$0x0], $0xffff;
	_ =	sdelay $0x2  }
0x1fc: {  	v8 =	vmul.f32 v23, v23;
	_ =	sdelay $0x1  }
0x1fd: {  	v8 =	vadd.f32 v8, v20;
	v58 =	vmul.f32 v7, v7;
	_ =	sdelay $0x1  }
0x1fe: {  	v8 =	vadd.f32 v58, v8  }
0x1ff: {  	v59 =	vld.idx.msk [tilespmem:v19+s0+$0x0], $0xffff  }
0x200: {  	v19 =	vld.idx.msk [tilespmem:v19+s3+$0x0], $0xffff;
	v29 =	vmax.f32 v8, $1.000000020e-24  }
0x201: {  	(erf) = vrcp.f32 v29  }
0x202: {  	v30 =	vmul.f32 v23, v5  }
0x203: {  	v31 =	vmul.f32 v23, v9  }
0x204: {  	v21 =	vadd.f32 v30, v21  }
0x205: {  	v60 =	vld.idx.msk [tilespmem:v16+s22+$0x0], $0xffff;
	v61 =	vmul.f32 v7, v59;
	v62 =	vmul.f32 v7, v19;
	v22 =	vadd.f32 v31, v22  }
0x206: {  	v12 =	vadd.f32 v26, v12;
	v24 =	vadd.f32 v27, v24  }
0x207: {  	v6 =	vmul.f32 v6, v25;
	v21 =	vadd.f32 v61, v21;
	v22 =	vadd.f32 v62, v22  }
0x208: {  	v34 =	vmul.f32 v13, v13;
	v12 =	vadd.f32 v28, v12;
	v63 =	vsub.f32 v5, v9  }
0x209: {  	v6 =	vadd.f32 v6, v24;
	v33 =	vmul.f32 v23, v13;
	v26 =	vsub.f32 v21, v22  }
0x20a: {  	v7 =	vmul.f32 v7, v60;
	v35 =	vsub.f32 v59, v19;
	v36 =	vmul.f32 v63, v63;
	v37 =	vpop (erf)  }
0x20b: {  	v15 =	vadd.f32 v34, v15;
	v38 =	vmul.f32 v26, v26;
	v8 =	vmul.f32 v37, v8  }
0x20c: {  	v14 =	vadd.f32 v33, v14;
	v39 =	vmul.f32 v13, v63;
	v40 =	vmul.f32 v35, v35  }
0x20d: {  	v12 =	vadd.f32 v36, v12;
	v23 =	vmul.f32 v38, v37;
	v8 =	vadd.f32 $-2.000000000e+00, v8  }
0x20e: {  	v41 =	vmul.f32 v60, v60;
	v42 =	vmul.f32 v60, v35;
	v6 =	vadd.f32 v39, v6  }
0x20f: {  	v7 =	vadd.f32 v7, v14;
	v12 =	vadd.f32 v40, v12;
	v43 =	vmul.f32 v23, v8  }
0x210: {  	v15 =	vadd.f32 v41, v15;
	v6 =	vadd.f32 v42, v6  }
0x211: {  	v44 =	vadd.f32 v26, v26;
	v12 =	vadd.f32 v12, v43;
	_ =	sdelay $0x1  }
0x212: {  	v6 =	vadd.f32 v6, v6;
	v13 =	vmul.f32 v44, v7;
	v12 =	vadd.f32 v12, v15;
	_ =	sdelay $0x1  }
0x213: {  	v45 =	vmul.f32 v13, v37;
	v6 =	vadd.f32 v6, v12;
	_ =	sdelay $0x1  }
0x214: {  	v46 =	vshra.s32 v29, $0x1;
	v47 =	vmul.f32 $5.000000000e-01, v29;
	v6 =	vsub.f32 v6, v45  }
0x215: {  	v13 =	vsub.s32 $0x5F3759DF, v46  }
0x216: {  	v48 =	vmul.f32 v13, v47;
	v49 =	vmax.f32 v6, $1.000000000e-30  }
0x217: {  	v50 =	vshra.s32 v49, $0x1;
	v15 =	vmul.f32 $5.000000000e-01, v49  }
0x218: {  	v12 =	vmul.f32 v13, v48;
	v16 =	vsub.s32 $0x5F3759DF, v50  }
0x219: {  	v51 =	vmul.f32 v16, v15  }
0x21a: {  	v12 =	vsub.f32 $1.500000000e+00, v12  }
0x21b: {  	v52 =	vmul.f32 v16, v51  }
0x21c: {  	v12 =	vmul.f32 v13, v12  }
0x21d: {  	v13 =	vsub.f32 $1.500000000e+00, v52  }
0x21e: {  	v53 =	vmul.f32 v12, v47  }
0x21f: {  	v13 =	vmul.f32 v16, v13  }
0x220: {  	v23 =	vmul.f32 v53, v12  }
0x221: {  	v55 =	vmul.f32 v13, v15  }
0x222: {  	v54 =	vsub.f32 $1.500000000e+00, v23  }
0x223: {  	v56 =	vmul.f32 v55, v13  }
0x224: {  	v12 =	vmul.f32 v54, v12  }
0x225: {  	v16 =	vsub.f32 $1.500000000e+00, v56  }
0x226: {  	v14 =	vmul.f32 v12, v47  }
0x227: {  	v13 =	vmul.f32 v16, v13  }
0x228: {  	v10 =	vadd.f32 v10, v17;
	v14 =	vmul.f32 v14, v12  }
0x229: {  	v11 =	vadd.f32 v11, v18;
	v5 =	vmul.f32 v5, v5;
	v15 =	vmul.f32 v13, v15  }
0x22a: {  	v57 =	vmul.f32 v9, v9;
	v59 =	vmul.f32 v59, v59;
	v14 =	vsub.f32 $1.500000000e+00, v14  }
0x22b: {  	v5 =	vadd.f32 v5, v10;
	v60 =	vmul.f32 v19, v19;
	v58 =	vmul.f32 v15, v13  }
0x22c: {  	v9 =	vadd.f32 v57, v11;
	v62 =	vmul.f32 v21, v21;
	v12 =	vmul.f32 v14, v12  }
0x22d: {  	s18 =	sadd.s32 $0x1, s18;
	v5 =	vadd.f32 v59, v5;
	v63 =	vmul.f32 v22, v22;
	v61 =	vsub.f32 $1.500000000e+00, v58  }
0x22e: {  	p0 =	sne.s32 s18, $0x4;
	v9 =	vadd.f32 v60, v9;
	v11 =	vmul.f32 v37, v62;
	v7 =	vmul.f32 v12, v7  }
.Ltmp12:
0x22f: {  	v4 =	vadd.f32 v5, v4;
	v12 =	vmul.f32 v63, v37;
	v10 =	vmul.f32 v61, v13;
	(pc) =	sbr.rel @p0 .LBB2_24-.Ltmp12, $4  }
0x230: {  	v5 =	vmul.f32 v8, v11;
	v6 =	vmax.f32 v6, $0.0e+00;
	v7 =	vadd.f32 $-9.999999970e-07, v7  }
0x231: {  	v3 =	vadd.f32 v9, v3;
	v8 =	vmul.f32 v8, v12;
	v6 =	vmul.f32 v10, v6  }
0x232: {  	v4 =	vadd.f32 v4, v5;
	v7 =	vmax.f32 v7, $0.0e+00  }
0x233: {  	v3 =	vadd.f32 v3, v8;
	v2 =	vadd.f32 v7, v2;
	[tilespmem:s21+$0x10800] =	vst v6  }
0x234: {  	s16 =	simm.s32 $0x0  }
0x235: {  	s18 =	simm.s32 $0x8880;
	s21 =	simm.s32 $0xA880;
	s29 =	simm.s32 $0x0  }
.LBB2_28:
0x236: {  	s6 =	sshll.u32 s29, $0x4  }
0x237: {  	s7 =	sor.u32 $0xC0, s6  }
0x238: {  	v5 =	vmov s16;
	v6 =	vld [tilespmem:s7+$0x0]  }
0x239: {  	vm0 =	veq.s32 v5, v0;
	v5 =	vld [tilespmem:s6+$0x2C0];
	_ =	sdelay $0x3  }
0x23a: {  	s7 =	simm.s32 $0x1;
	v7 =	vnsel vm0, $0x0, v6  }
0x23b: {  	v8 =	vnsel vm0, $0x0, v5;
	(xrf0) =	vadd.scan.msk.s32 $0xffff, v7;
	v7 =	vmov s7  }
0x23c: {  	vm0 =	veq.s32 v7, v0;
	(xrf0) =	vadd.scan.msk.s32 $0xffff, v8  }
0x23d: {  	s8 =	simm.s32 $0x2;
	v7 =	vnsel vm0, $0x0, v6  }
0x23e: {  	(xrf0) =	vadd.scan.msk.s32 $0xffff, v7;
	v7 =	vmov s8  }
0x23f: {  	v9 =	vnsel vm0, $0x0, v5;
	vm0 =	veq.s32 v7, v0  }
0x240: {  	(xrf0) =	vadd.scan.msk.s32 $0xffff, v9;
	v7 =	vnsel vm0, $0x0, v6  }
0x241: {  	v8, _, _ =	vpop (xrf0);
	(xrf0) =	vadd.scan.msk.s32 $0xffff, v7  }
0x242: {  	(v2sf) =	vpush v8, $0xF;
	v8, _, _ =	vpop (xrf0)  }
0x243: {  	(v2sf) =	vpush v8, $0xF  }
0x244: {  	v7, _, _ =	vpop (xrf0)  }
0x245: {  	(v2sf) =	vpush v7, $0xF  }
0x246: {  	v7, _, _ =	vpop (xrf0)  }
0x247: {  	s10 =	simm.s32 $0x3;
	(v2sf) =	vpush v7, $0xF;
	v7, _, _ =	vpop (xrf0)  }
0x248: {  	(v2sf) =	vpush v7, $0xF;
	v7 =	vmov s10  }
0x249: {  	v8 =	vnsel vm0, $0x0, v5;
	vm0 =	veq.s32 v7, v0  }
0x24a: {  	s12 =	simm.s32 $0x4;
	(xrf0) =	vadd.scan.msk.s32 $0xffff, v8;
	v7 =	vnsel vm0, $0x0, v6  }
0x24b: {  	(xrf0) =	vadd.scan.msk.s32 $0xffff, v7;
	v7 =	vmov s12  }
0x24c: {  	s13 =	simm.s32 $0x5;
	v8 =	vnsel vm0, $0x0, v5;
	vm0 =	veq.s32 v7, v0  }
0x24d: {  	(xrf0) =	vadd.scan.msk.s32 $0xffff, v8;
	v8 =	vmov s13;
	v7 =	vnsel vm0, $0x0, v6  }
0x24e: {  	(xrf0) =	vadd.scan.msk.s32 $0xffff, v7;
	v7 =	vnsel vm0, $0x0, v5;
	vm0 =	veq.s32 v8, v0  }
0x24f: {  	v8 =	vnsel vm0, $0x0, v6;
	_ =	sdelay $0x1  }
0x250: {  	(xrf0) =	vadd.scan.msk.s32 $0xffff, v7;
	s11 =	spop (v2sf);
	v7, _, _ =	vpop (xrf0)  }
0x251: {  	(xrf0) =	vadd.scan.msk.s32 $0xffff, v8;
	s6 =	sshll.u32 s11, $0x4;
	s10 =	spop (v2sf);
	v8, _, _ =	vpop (xrf0);
	(v2sf) =	vpush v7, $0xF  }
0x252: {  	s7 =	smov.u32 s21;
	s6 =	sand.u32 $0x1FFFFFF0, s6;
	(v2sf) =	vpush v8, $0xF;
	v7, _, _ =	vpop (xrf0)  }
0x253: {  	s8 =	sadd.s32 $0xFFFFFF80, s18;
	s6 =	sadd.s32 s5, s6;
	s12 =	spop (v2sf);
	(v2sf) =	vpush v7, $0xF  }
0x254: {  	[tilespmem:s8], [sflag:$0x3] =	stream.linear.gather [hbm4b:s6+s4], $0x80, $0x38;
	[tilespmem:$0x10A80] =	vst v63  }
0x255: {  	s13 =	simm.s32 $0x6;
	s11 =	sadd.s32 $0xFFFFFF80, s21;
	s6 =	sshll.u32 s10, $0x4  }
0x256: {  	v63 =	vnsel vm0, $0x0, v5;
	v7, _, _ =	vpop (xrf0);
	s8 =	sshll.u32 s12, $0x4;
	s10 =	spop (v2sf);
	s6 =	sand.u32 $0x1FFFFFF0, s6  }
0x257: {  	(xrf0) =	vadd.scan.msk.s32 $0xffff, v63;
	v8 =	vmov s13;
	(v2sf) =	vpush v7, $0xF;
	s8 =	sand.u32 $0x1FFFFFF0, s8;
	s10 =	sshll.u32 s10, $0x4;
	s6 =	sadd.s32 s5, s6  }
0x258: {  	vm0 =	veq.s32 v8, v0;
	[tilespmem:s11], [sflag:$0x3] =	stream.linear.gather [hbm4b:s6+s4], $0x80, $0x38;
	[tilespmem:$0x10A80] =	vst v63  }
0x259: {  	v7 =	vnsel vm0, $0x0, v6;
	s8 =	sadd.s32 s5, s8;
	s10 =	sand.u32 $0x1FFFFFF0, s10;
	s11 =	spop (v2sf)  }
0x25a: {  	v8, _, _ =	vpop (xrf0);
	(xrf0) =	vadd.scan.msk.s32 $0xffff, v7;
	s12 =	sadd.s32 s5, s10;
	s6 =	sadd.s32 $0x100, s18;
	s13 =	sshll.u32 s11, $0x4  }
0x25b: {  	(v2sf) =	vpush v8, $0xF;
	[tilespmem:s18], [sflag:$0x3] =	stream.linear.gather [hbm4b:s8+s4], $0x80, $0x38;
	[tilespmem:$0x10A80] =	vst v63  }
0x25c: {  	s10 =	simm.s32 $0x7;
	s8 =	simm.s32 $0x8;
	s11 =	sand.u32 $0x1FFFFFF0, s13  }
0x25d: {  	v7, _, _ =	vpop (xrf0);
	[tilespmem:s21], [sflag:$0x3] =	stream.linear.gather [hbm4b:s12+s4], $0x80, $0x38;
	[tilespmem:$0x10A80] =	vst v63  }
.LBB2_29:
0x25e: {  	p0 =	slt.u32 s8, $0xE;
	(v2sf) =	vpush v7, $0xF;
	v7, _, _ =	vpop (xrf0);
	s12 =	sadd.s32 $0xFFFFFF80, s6;
	s11 =	sadd.s32 s5, s11  }
0x25f: {  	(v2sf) =	vpush v7, $0xF;
	[tilespmem:s12], [sflag:$0x3] =	stream.linear.gather [hbm4b:s11+s4], $0x80, $0x38;
	[tilespmem:$0x10A80] =	vst v63  }
0x260: {  	v9 =	vmov s10;
	s7 =	sadd.s32 $0x100, s7;
	s10 =	spop (v2sf)  }
0x261: {  	v8 =	vnsel vm0, $0x0, v5;
	vm0 =	veq.s32 v9, v0;
	s11 =	sadd.s32 $0xFFFFFF80, s7;
	v7, _, _ =	vpop (xrf0);
	s10 =	sshll.u32 s10, $0x4;
	s12 =	spop (v2sf)  }
0x262: {  	v9 =	vnsel vm0, $0x0, v6;
	(v2sf) =	vpush v7, $0xF;
	(xrf0) =	vadd.scan.msk.s32 $0xffff, v8;
	s10 =	sand.u32 $0x1FFFFFF0, s10;
	s12 =	sshll.u32 s12, $0x4;
	s13 =	spop (v2sf)  }
0x263: {  	v7 =	vnsel vm0, $0x0, v5;
	(xrf0) =	vadd.scan.msk.s32 $0xffff, v9;
	s10 =	sadd.s32 s5, s10;
	s12 =	sand.u32 $0x1FFFFFF0, s12;
	s13 =	sshll.u32 s13, $0x4  }
0x264: {  	[tilespmem:s11], [sflag:$0x3] =	stream.linear.gather [hbm4b:s10+s4], $0x80, $0x38;
	[tilespmem:$0x10A80] =	vst v63  }
0x265: {  	v8 =	vmov s8;
	(xrf0) =	vadd.scan.msk.s32 $0xffff, v7;
	s11 =	sadd.s32 s5, s12  }
.Ltmp13:
0x266: {  	vm0 =	veq.s32 v8, v0;
	s12 =	sand.u32 $0x1FFFFFF0, s13;
	s10 =	spop (v2sf);
	(pc) =	sbr.rel @p0 .LBB2_29-.Ltmp13, $4  }
0x267: {  	v8 =	vnsel vm0, $0x0, v6;
	[tilespmem:s6], [sflag:$0x3] =	stream.linear.gather [hbm4b:s11+s4], $0x80, $0x38;
	[tilespmem:$0x10A80] =	vst v63  }
0x268: {  	s11 =	sshll.u32 s10, $0x4;
	s10 =	sadd.s32 s5, s12;
	s6 =	sadd.s32 $0x100, s6;
	(xrf0) =	vadd.scan.msk.s32 $0xffff, v8  }
0x269: {  	v7, _, _ =	vpop (xrf0);
	[tilespmem:s7], [sflag:$0x3] =	stream.linear.gather [hbm4b:s10+s4], $0x80, $0x38;
	[tilespmem:$0x10A80] =	vst v63  }
0x26a: {  	s11 =	sand.u32 $0x1FFFFFF0, s11;
	s10 =	sadd.s32 $0x1, s8;
	s8 =	sadd.s32 $0x2, s8;
	(v2sf) =	vpush v7, $0xF;
	v7, _, _ =	vpop (xrf0)  }
0x26b: {  	(v2sf) =	vpush v7, $0xF;
	v7, _, _ =	vpop (xrf0)  }
0x26c: {  	s8 =	sadd.s32 $0xFFFFFF80, s6;
	s11 =	sadd.s32 s5, s11;
	s12 =	spop (v2sf);
	(v2sf) =	vpush v7, $0xF;
	v7 =	vmov s10  }
0x26d: {  	[tilespmem:s8], [sflag:$0x3] =	stream.linear.gather [hbm4b:s11+s4], $0x80, $0x38;
	[tilespmem:$0x10A80] =	vst v63  }
0x26e: {  	s7 =	sadd.s32 $0x100, s7;
	s8 =	sshll.u32 s12, $0x4  }
0x26f: {  	v8 =	vnsel vm0, $0x0, v5;
	s10 =	sadd.s32 $0xFFFFFF80, s7;
	vm15 =	veq.s32 v7, v0;
	s13 =	spop (v2sf);
	s8 =	sand.u32 $0x1FFFFFF0, s8;
	v7, _, _ =	vpop (xrf0)  }
0x270: {  	s11 =	sshll.u32 s13, $0x4;
	s12 =	spop (v2sf);
	s8 =	sadd.s32 s5, s8;
	(xrf0) =	vadd.scan.msk.s32 $0xffff, v8;
	(v2sf) =	vpush v7, $0xF  }
0x271: {  	v6 =	vnsel vm15, $0x0, v6;
	[tilespmem:s10], [sflag:$0x3] =	stream.linear.gather [hbm4b:s8+s4], $0x80, $0x38;
	[tilespmem:$0x10A80] =	vst v63  }
0x272: {  	v5 =	vnsel vm15, $0x0, v5;
	s11 =	sand.u32 $0x1FFFFFF0, s11;
	s12 =	sshll.u32 s12, $0x4;
	(xrf0) =	vadd.scan.msk.s32 $0xffff, v6  }
0x273: {  	s11 =	sadd.s32 s5, s11;
	s13 =	sand.u32 $0x1FFFFFF0, s12;
	(xrf0) =	vadd.scan.msk.s32 $0xffff, v5;
	s8 =	spop (v2sf)  }
0x274: {  	[tilespmem:s6], [sflag:$0x3] =	stream.linear.gather [hbm4b:s11+s4], $0x80, $0x38;
	[tilespmem:$0x10A80] =	vst v63  }
0x275: {  	s12 =	sadd.s32 s5, s13;
	s8 =	sshll.u32 s8, $0x4  }
0x276: {  	[tilespmem:s7], [sflag:$0x3] =	stream.linear.gather [hbm4b:s12+s4], $0x80, $0x38;
	v5, _, _ =	vpop (xrf0);
	[tilespmem:$0x10A80] =	vst v63  }
0x277: {  	s6 =	sadd.s32 $0x100, s6;
	s8 =	sand.u32 $0x1FFFFFF0, s8;
	(v2sf) =	vpush v5, $0xF  }
0x278: {  	s13 =	sadd.s32 $0xFFFFFF80, s6;
	s8 =	sadd.s32 s5, s8;
	v5, _, _ =	vpop (xrf0)  }
0x279: {  	[tilespmem:s13], [sflag:$0x3] =	stream.linear.gather [hbm4b:s8+s4], $0x80, $0x38;
	(v2sf) =	vpush v5, $0xF;
	v5, _, _ =	vpop (xrf0);
	[tilespmem:$0x10A80] =	vst v63  }
0x27a: {  	s7 =	sadd.s32 $0x100, s7;
	(v2sf) =	vpush v5, $0xF;
	s11 =	spop (v2sf)  }
0x27b: {  	s10 =	sadd.s32 $0xFFFFFF80, s7;
	s8 =	sshll.u32 s11, $0x4;
	s12 =	spop (v2sf)  }
0x27c: {  	s8 =	sand.u32 $0x1FFFFFF0, s8;
	s11 =	sshll.u32 s12, $0x4;
	s13 =	spop (v2sf)  }
0x27d: {  	s8 =	sadd.s32 s5, s8;
	s11 =	sand.u32 $0x1FFFFFF0, s11;
	s12 =	sshll.u32 s13, $0x4  }
0x27e: {  	[tilespmem:s10], [sflag:$0x3] =	stream.linear.gather [hbm4b:s8+s4], $0x80, $0x38;
	[tilespmem:$0x10A80] =	vst v63  }
0x27f: {  	s11 =	sadd.s32 s5, s11;
	s13 =	sand.u32 $0x1FFFFFF0, s12;
	s8 =	spop (v2sf)  }
0x280: {  	[tilespmem:s6], [sflag:$0x3] =	stream.linear.gather [hbm4b:s11+s4], $0x80, $0x38;
	[tilespmem:$0x10A80] =	vst v63  }
0x281: {  	s12 =	sadd.s32 s5, s13;
	s8 =	sshll.u32 s8, $0x4  }
0x282: {  	[tilespmem:s7], [sflag:$0x3] =	stream.linear.gather [hbm4b:s12+s4], $0x80, $0x38;
	[tilespmem:$0x10A80] =	vst v63  }
0x283: {  	s6 =	sadd.s32 $0x100, s6;
	s8 =	sand.u32 $0x1FFFFFF0, s8  }
0x284: {  	s13 =	sadd.s32 $0xFFFFFF80, s6;
	s8 =	sadd.s32 s5, s8  }
0x285: {  	[tilespmem:s13], [sflag:$0x3] =	stream.linear.gather [hbm4b:s8+s4], $0x80, $0x38;
	[tilespmem:$0x10A80] =	vst v63  }
0x286: {  	s29 =	sadd.s32 $0x1, s29;
	s11 =	spop (v2sf)  }
0x287: {  	p0 =	sne.s32 s29, $0x4;
	s7 =	sadd.s32 $0x100, s7;
	s8 =	sshll.u32 s11, $0x4  }
0x288: {  	s10 =	sadd.s32 $0xFFFFFF80, s7;
	s12 =	spop (v2sf);
	s8 =	sand.u32 $0x1FFFFFF0, s8  }
0x289: {  	s11 =	sshll.u32 s12, $0x4;
	s13 =	spop (v2sf);
	s8 =	sadd.s32 s5, s8  }
0x28a: {  	[tilespmem:s10], [sflag:$0x3] =	stream.linear.gather [hbm4b:s8+s4], $0x80, $0x38;
	[tilespmem:$0x10A80] =	vst v63  }
.Ltmp14:
0x28b: {  	s11 =	sand.u32 $0x1FFFFFF0, s11;
	s12 =	sshll.u32 s13, $0x4;
	(pc) =	sbr.rel @p0 .LBB2_28-.Ltmp14, $4  }
0x28c: {  	s11 =	sadd.s32 s5, s11;
	s12 =	sand.u32 $0x1FFFFFF0, s12  }
0x28d: {  	[tilespmem:s6], [sflag:$0x3] =	stream.linear.gather [hbm4b:s11+s4], $0x80, $0x38;
	[tilespmem:$0x10A80] =	vst v63  }
0x28e: {  	s18 =	sadd.s32 $0x800, s18;
	s21 =	sadd.s32 $0x800, s21;
	s13 =	sadd.s32 s5, s12  }
0x28f: {  	[tilespmem:s7], [sflag:$0x3] =	stream.linear.gather [hbm4b:s13+s4], $0x80, $0x38;
	[tilespmem:$0x10A80] =	vst v63  }
0x290: {  	s6 =	simm.s32 $0x6C0  }
0x291: {  	[tilespmem:s22], [sflag:$0x4] =	stream.indirect.gather [hbm4b:s1+s17], $0x80, s6, s17, $0xb8;
	[tilespmem:$0x10A80] =	vst v63  }
0x292: {  	_ = 	snop  }
0x293: {  	[tilespmem:s23], [sflag:$0x4] =	stream.indirect.gather [hbm4b:s2+s17], $0x80, s6, s17, $0xb8;
	[tilespmem:$0x10A80] =	vst v63  }
0x294: {  	_ =	swait.ge [sflag:s24], $0x80  }
0x295: {  	s6 =	simm.s32 $0x7F;
	[sflag:s24] =	ssyncset.done $0x0  }
.LBB2_32:
0x296: {  	p0 =	sne.s32 s6, $0x1;
	s6 =	sadd.s32 $0xFFFFFFFF, s6;
	[sflag:s24] =	ssyncadd.s32 $0xFFFFFF80  }
.Ltmp15:
0x297: {  	(pc) =	sbr.rel @p0 .LBB2_32-.Ltmp15, $3  }
0x298: {  	_ =	sdelay $0x1  }
0x299: {  	_ =	swait.ge [sflag:s24], $0x80  }
0x29a: {  	[sflag:s24] =	ssyncset.done $0x0  }
0x29b: {  	[sflag:s24] =	ssyncadd.s32 $0xFFFFFF80  }
0x29c: {  	_ =	swait.ge [sflag:s25], $0x2000  }
0x29d: {  	[sflag:s25] =	ssyncset.done $0x0  }
0x29e: {  	[sflag:s25] =	ssyncadd.s32 $0xFFFFE000  }
0x29f: {  	_ =	swait.ge [sflag:s25], $0x2000  }
0x2a0: {  	[sflag:s25] =	ssyncset.done $0x0  }
0x2a1: {  	s16 =	simm.s32 $0x0;
	s18 =	simm.s32 $0x0;
	[sflag:s25] =	ssyncadd.s32 $0xFFFFE000  }
.LBB2_34:
0x2a2: {  	s6 =	sshll.u32 s18, $0x4  }
0x2a3: {  	v5 =	vld [tilespmem:s6+$0x480];
	_ =	sdelay $0x3  }
0x2a4: {  	v6 =	vmov s6  }
0x2a5: {  	v6 =	vshll.u32 v6, $0x7;
	v5 =	vshll.u32 v5, $0x6  }
0x2a6: {  	v7 =	vor.u32 v1, v6;
	v6 =	vadd.s32 s16, v0;
	v5 =	vand.u32 $0x40, v5  }
0x2a7: {  	v8 =	vor.u32 v7, v5;
	v5 =	vand.u32 $0x3F, v6  }
0x2a8: {  	v6 =	vor.u32 v5, v8  }
0x2a9: {  	s7 =	simm.s32 $0x1  }
0x2aa: {  	v9 =	vadd.s32 s7, v0;
	v5 =	vor.u32 v7, v5  }
0x2ab: {  	v9 =	vand.u32 $0x3F, v9  }
0x2ac: {  	v10 =	vor.u32 v9, v8  }
0x2ad: {  	v15 =	vld.idx.msk [tilespmem:v6+s19+$0x0], $0xffff  }
0x2ae: {  	v9 =	vor.u32 v7, v9;
	v11 =	vld.idx.msk [tilespmem:v6+s20+$0x0], $0xffff  }
0x2af: {  	v13 =	vld.idx.msk [tilespmem:v5+s26+$0x0], $0xffff  }
0x2b0: {  	v5 =	vld.idx.msk [tilespmem:v5+s28+$0x0], $0xffff  }
0x2b1: {  	s21 =	simm.s32 $0x2;
	v6 =	vld.idx.msk [tilespmem:v10+s19+$0x0], $0xffff  }
0x2b2: {  	v12 =	vadd.s32 s21, v0;
	v10 =	vld.idx.msk [tilespmem:v10+s20+$0x0], $0xffff  }
0x2b3: {  	s29 =	simm.s32 $0x3;
	v14 =	vand.u32 $0x3F, v12;
	v17 =	vld.idx.msk [tilespmem:v9+s26+$0x0], $0xffff  }
0x2b4: {  	v16 =	vadd.s32 s29, v0;
	v12 =	vimm.f32 $0.0e+00;
	v24 =	vor.u32 v7, v14;
	v9 =	vld.idx.msk [tilespmem:v9+s28+$0x0], $0xffff  }
0x2b5: {  	v18 =	vor.u32 v14, v8;
	v20 =	vmul.f32 v11, v11;
	v14 =	vmul.f32 v11, v13  }
0x2b6: {  	v19 =	vand.u32 $0x3F, v16;
	v21 =	vmul.f32 v11, v5;
	v11 =	vmul.f32 v11, v15  }
0x2b7: {  	v16 =	vor.u32 v19, v8;
	v22 =	vmul.f32 v15, v15;
	v28 =	vmul.f32 v13, v13  }
0x2b8: {  	v19 =	vor.u32 v7, v19;
	v29 =	vmul.f32 v5, v5;
	v23 =	vmul.f32 v10, v10  }
0x2b9: {  	v26 =	vmul.f32 v10, v17;
	v27 =	vsub.f32 v13, v5;
	v5 =	vmul.f32 v10, v9  }
0x2ba: {  	v30 =	vmul.f32 v10, v6;
	v25 =	vsub.f32 v17, v9;
	v20 =	vadd.f32 v20, v12  }
0x2bb: {  	v31 =	vmul.f32 v6, v6;
	v14 =	vadd.f32 v14, v12;
	v32 =	vadd.f32 v21, v12  }
0x2bc: {  	v10 =	vmul.f32 v17, v17;
	v17 =	vadd.f32 v11, v12;
	v33 =	vadd.f32 v22, v12  }
0x2bd: {  	v13 =	vld.idx.msk [tilespmem:v18+s19+$0x0], $0xffff;
	v11 =	vmul.f32 v9, v9;
	v20 =	vadd.f32 v23, v20;
	v21 =	vadd.f32 v26, v14  }
0x2be: {  	v9 =	vld.idx.msk [tilespmem:v24+s28+$0x0], $0xffff;
	v26 =	vmul.f32 v27, v27;
	v22 =	vadd.f32 v5, v32;
	v14 =	vadd.f32 v30, v17  }
0x2bf: {  	v23 =	vld.idx.msk [tilespmem:v18+s20+$0x0], $0xffff;
	v27 =	vmul.f32 v15, v27;
	v15 =	vadd.f32 v31, v33;
	v17 =	vadd.f32 v28, v12  }
0x2c0: {  	s21 =	sor.u32 $0x80, s6;
	s6 =	simm.s32 $0x4;
	v5 =	vld.idx.msk [tilespmem:v24+s26+$0x0], $0xffff;
	v18 =	vadd.f32 v29, v12;
	v28 =	vmul.f32 v25, v25;
	v24 =	vimm.f32 $0.0e+00  }
.LBB2_35:
0x2c1: {  	p0 =	slt.u32 s6, $0x3E;
	v12 =	vadd.f32 v26, v12;
	v24 =	vadd.f32 v27, v24;
	v25 =	vmul.f32 v6, v25;
	v6 =	vld.idx.msk [tilespmem:v16+s19+$0x0], $0xffff  }
0x2c2: {  	v26 =	vld.idx.msk [tilespmem:v16+s20+$0x0], $0xffff;
	v17 =	vadd.f32 v10, v17;
	v18 =	vadd.f32 v11, v18  }
0x2c3: {  	s7 =	sadd.s32 $0x1, s6;
	v10 =	vadd.s32 s6, v0;
	v27 =	vmovc v13;
	v11 =	vld.idx.msk [tilespmem:v19+s26+$0x0], $0xffff;
	v12 =	vadd.f32 v28, v12;
	v24 =	vadd.f32 v25, v24  }
0x2c4: {  	v16 =	vadd.s32 s7, v0;
	v10 =	vand.u32 $0x3F, v10;
	v28 =	vld.idx.msk [tilespmem:v19+s28+$0x0], $0xffff  }
0x2c5: {  	v25 =	vmul.f32 v23, v23;
	v29 =	vor.u32 v10, v8;
	v19 =	vand.u32 $0x3F, v16  }
0x2c6: {  	v30 =	vor.u32 v7, v10;
	v10 =	vmul.f32 v23, v5;
	v31 =	vmul.f32 v23, v9  }
0x2c7: {  	v32 =	vmul.f32 v13, v27;
	v16 =	vor.u32 v19, v8;
	v23 =	vmul.f32 v23, v27  }
0x2c8: {  	v33 =	vmul.f32 v5, v5;
	v19 =	vor.u32 v7, v19;
	v34 =	vmul.f32 v9, v9  }
0x2c9: {  	v13 =	vadd.f32 v25, v20;
	v20 =	vmul.f32 v26, v26;
	v35 =	vmul.f32 v26, v11  }
0x2ca: {  	v9 =	vsub.f32 v5, v9;
	v36 =	vmul.f32 v26, v6;
	v5 =	vmul.f32 v26, v28  }
0x2cb: {  	v37 =	vmul.f32 v6, v6;
	v25 =	vsub.f32 v11, v28;
	v20 =	vadd.f32 v20, v13  }
.Ltmp16:
0x2cc: {  	v21 =	vadd.f32 v10, v21;
	v22 =	vadd.f32 v31, v22;
	v10 =	vmul.f32 v11, v11;
	(pc) =	sbr.rel @p0 .LBB2_35-.Ltmp16, $4  }
0x2cd: {  	v15 =	vadd.f32 v32, v15;
	v14 =	vadd.f32 v23, v14;
	v11 =	vmul.f32 v28, v28;
	v13 =	vld.idx.msk [tilespmem:v29+s19+$0x0], $0xffff  }
0x2ce: {  	v26 =	vmul.f32 v9, v9;
	v21 =	vadd.f32 v35, v21;
	v22 =	vadd.f32 v5, v22;
	v23 =	vld.idx.msk [tilespmem:v29+s20+$0x0], $0xffff  }
0x2cf: {  	v27 =	vmul.f32 v27, v9;
	v15 =	vadd.f32 v37, v15;
	v14 =	vadd.f32 v36, v14;
	v5 =	vld.idx.msk [tilespmem:v30+s26+$0x0], $0xffff  }
0x2d0: {  	s6 =	sadd.s32 $0x2, s6;
	v17 =	vadd.f32 v33, v17;
	v18 =	vadd.f32 v34, v18;
	v28 =	vmul.f32 v25, v25;
	v9 =	vld.idx.msk [tilespmem:v30+s28+$0x0], $0xffff  }
0x2d1: {  	_ =	sdelay $0x3  }
0x2d2: {  	v7 =	vld.idx.msk [tilespmem:v16+s20+$0x0], $0xffff;
	_ =	sdelay $0x2  }
0x2d3: {  	v8 =	vmul.f32 v23, v23;
	_ =	sdelay $0x1  }
0x2d4: {  	v8 =	vadd.f32 v8, v20;
	v58 =	vmul.f32 v7, v7;
	_ =	sdelay $0x1  }
0x2d5: {  	v8 =	vadd.f32 v58, v8  }
0x2d6: {  	v59 =	vld.idx.msk [tilespmem:v19+s26+$0x0], $0xffff  }
0x2d7: {  	v19 =	vld.idx.msk [tilespmem:v19+s28+$0x0], $0xffff;
	v29 =	vmax.f32 v8, $1.000000020e-24  }
0x2d8: {  	(erf) = vrcp.f32 v29  }
0x2d9: {  	v30 =	vmul.f32 v23, v5  }
0x2da: {  	v31 =	vmul.f32 v23, v9  }
0x2db: {  	v21 =	vadd.f32 v30, v21  }
0x2dc: {  	v60 =	vld.idx.msk [tilespmem:v16+s19+$0x0], $0xffff;
	v61 =	vmul.f32 v7, v59;
	v62 =	vmul.f32 v7, v19;
	v22 =	vadd.f32 v31, v22  }
0x2dd: {  	v12 =	vadd.f32 v26, v12;
	v24 =	vadd.f32 v27, v24  }
0x2de: {  	v6 =	vmul.f32 v6, v25;
	v21 =	vadd.f32 v61, v21;
	v22 =	vadd.f32 v62, v22  }
0x2df: {  	v34 =	vmul.f32 v13, v13;
	v12 =	vadd.f32 v28, v12;
	v63 =	vsub.f32 v5, v9  }
0x2e0: {  	v6 =	vadd.f32 v6, v24;
	v33 =	vmul.f32 v23, v13;
	v26 =	vsub.f32 v21, v22  }
0x2e1: {  	v7 =	vmul.f32 v7, v60;
	v35 =	vsub.f32 v59, v19;
	v36 =	vmul.f32 v63, v63;
	v37 =	vpop (erf)  }
0x2e2: {  	v15 =	vadd.f32 v34, v15;
	v38 =	vmul.f32 v26, v26;
	v8 =	vmul.f32 v37, v8  }
0x2e3: {  	v14 =	vadd.f32 v33, v14;
	v39 =	vmul.f32 v13, v63;
	v40 =	vmul.f32 v35, v35  }
0x2e4: {  	v12 =	vadd.f32 v36, v12;
	v23 =	vmul.f32 v38, v37;
	v8 =	vadd.f32 $-2.000000000e+00, v8  }
0x2e5: {  	v41 =	vmul.f32 v60, v60;
	v42 =	vmul.f32 v60, v35;
	v6 =	vadd.f32 v39, v6  }
0x2e6: {  	v7 =	vadd.f32 v7, v14;
	v12 =	vadd.f32 v40, v12;
	v43 =	vmul.f32 v23, v8  }
0x2e7: {  	v15 =	vadd.f32 v41, v15;
	v6 =	vadd.f32 v42, v6  }
0x2e8: {  	v44 =	vadd.f32 v26, v26;
	v12 =	vadd.f32 v12, v43;
	_ =	sdelay $0x1  }
0x2e9: {  	v6 =	vadd.f32 v6, v6;
	v13 =	vmul.f32 v44, v7;
	v12 =	vadd.f32 v12, v15;
	_ =	sdelay $0x1  }
0x2ea: {  	v45 =	vmul.f32 v13, v37;
	v6 =	vadd.f32 v6, v12;
	_ =	sdelay $0x1  }
0x2eb: {  	v46 =	vshra.s32 v29, $0x1;
	v47 =	vmul.f32 $5.000000000e-01, v29;
	v6 =	vsub.f32 v6, v45  }
0x2ec: {  	v13 =	vsub.s32 $0x5F3759DF, v46  }
0x2ed: {  	v48 =	vmul.f32 v13, v47;
	v49 =	vmax.f32 v6, $1.000000000e-30  }
0x2ee: {  	v50 =	vshra.s32 v49, $0x1;
	v15 =	vmul.f32 $5.000000000e-01, v49  }
0x2ef: {  	v12 =	vmul.f32 v13, v48;
	v16 =	vsub.s32 $0x5F3759DF, v50  }
0x2f0: {  	v51 =	vmul.f32 v16, v15  }
0x2f1: {  	v12 =	vsub.f32 $1.500000000e+00, v12  }
0x2f2: {  	v52 =	vmul.f32 v16, v51  }
0x2f3: {  	v12 =	vmul.f32 v13, v12  }
0x2f4: {  	v13 =	vsub.f32 $1.500000000e+00, v52  }
0x2f5: {  	v53 =	vmul.f32 v12, v47  }
0x2f6: {  	v13 =	vmul.f32 v16, v13  }
0x2f7: {  	v23 =	vmul.f32 v53, v12  }
0x2f8: {  	v55 =	vmul.f32 v13, v15  }
0x2f9: {  	v54 =	vsub.f32 $1.500000000e+00, v23  }
0x2fa: {  	v56 =	vmul.f32 v55, v13  }
0x2fb: {  	v12 =	vmul.f32 v54, v12  }
0x2fc: {  	v16 =	vsub.f32 $1.500000000e+00, v56  }
0x2fd: {  	v14 =	vmul.f32 v12, v47  }
0x2fe: {  	v13 =	vmul.f32 v16, v13  }
0x2ff: {  	v10 =	vadd.f32 v10, v17;
	v14 =	vmul.f32 v14, v12  }
0x300: {  	v11 =	vadd.f32 v11, v18;
	v5 =	vmul.f32 v5, v5;
	v15 =	vmul.f32 v13, v15  }
0x301: {  	v57 =	vmul.f32 v9, v9;
	v59 =	vmul.f32 v59, v59;
	v14 =	vsub.f32 $1.500000000e+00, v14  }
0x302: {  	v5 =	vadd.f32 v5, v10;
	v60 =	vmul.f32 v19, v19;
	v58 =	vmul.f32 v15, v13  }
0x303: {  	v9 =	vadd.f32 v57, v11;
	v62 =	vmul.f32 v21, v21;
	v12 =	vmul.f32 v14, v12  }
0x304: {  	s18 =	sadd.s32 $0x1, s18;
	v5 =	vadd.f32 v59, v5;
	v63 =	vmul.f32 v22, v22;
	v61 =	vsub.f32 $1.500000000e+00, v58  }
0x305: {  	p0 =	sne.s32 s18, $0x4;
	v9 =	vadd.f32 v60, v9;
	v11 =	vmul.f32 v37, v62;
	v7 =	vmul.f32 v12, v7  }
.Ltmp17:
0x306: {  	v4 =	vadd.f32 v5, v4;
	v12 =	vmul.f32 v63, v37;
	v10 =	vmul.f32 v61, v13;
	(pc) =	sbr.rel @p0 .LBB2_34-.Ltmp17, $4  }
0x307: {  	v5 =	vmul.f32 v8, v11;
	v6 =	vmax.f32 v6, $0.0e+00;
	v7 =	vadd.f32 $-9.999999970e-07, v7  }
0x308: {  	v3 =	vadd.f32 v9, v3;
	v8 =	vmul.f32 v8, v12;
	v6 =	vmul.f32 v10, v6  }
0x309: {  	v4 =	vadd.f32 v4, v5;
	v7 =	vmax.f32 v7, $0.0e+00  }
0x30a: {  	v3 =	vadd.f32 v3, v8;
	v2 =	vadd.f32 v7, v2;
	[tilespmem:s21+$0x10800] =	vst v6  }
0x30b: {  	s16 =	simm.s32 $0x0  }
0x30c: {  	s18 =	simm.s32 $0x880;
	s21 =	simm.s32 $0x2880;
	s29 =	simm.s32 $0x0  }
.LBB2_38:
0x30d: {  	s6 =	sshll.u32 s29, $0x4  }
0x30e: {  	s7 =	sor.u32 $0x100, s6  }
0x30f: {  	v5 =	vmov s16;
	v6 =	vld [tilespmem:s7+$0x0]  }
0x310: {  	vm0 =	veq.s32 v5, v0;
	v5 =	vld [tilespmem:s6+$0x300];
	_ =	sdelay $0x3  }
0x311: {  	s7 =	simm.s32 $0x1;
	v7 =	vnsel vm0, $0x0, v6  }
0x312: {  	v8 =	vnsel vm0, $0x0, v5;
	(xrf0) =	vadd.scan.msk.s32 $0xffff, v7;
	v7 =	vmov s7  }
0x313: {  	vm0 =	veq.s32 v7, v0;
	(xrf0) =	vadd.scan.msk.s32 $0xffff, v8  }
0x314: {  	s8 =	simm.s32 $0x2;
	v7 =	vnsel vm0, $0x0, v6  }
0x315: {  	(xrf0) =	vadd.scan.msk.s32 $0xffff, v7;
	v7 =	vmov s8  }
0x316: {  	v9 =	vnsel vm0, $0x0, v5;
	vm0 =	veq.s32 v7, v0  }
0x317: {  	(xrf0) =	vadd.scan.msk.s32 $0xffff, v9;
	v7 =	vnsel vm0, $0x0, v6  }
0x318: {  	v8, _, _ =	vpop (xrf0);
	(xrf0) =	vadd.scan.msk.s32 $0xffff, v7  }
0x319: {  	(v2sf) =	vpush v8, $0xF;
	v8, _, _ =	vpop (xrf0)  }
0x31a: {  	(v2sf) =	vpush v8, $0xF  }
0x31b: {  	v7, _, _ =	vpop (xrf0)  }
0x31c: {  	(v2sf) =	vpush v7, $0xF  }
0x31d: {  	v7, _, _ =	vpop (xrf0)  }
0x31e: {  	s10 =	simm.s32 $0x3;
	(v2sf) =	vpush v7, $0xF;
	v7, _, _ =	vpop (xrf0)  }
0x31f: {  	(v2sf) =	vpush v7, $0xF;
	v7 =	vmov s10  }
0x320: {  	v8 =	vnsel vm0, $0x0, v5;
	vm0 =	veq.s32 v7, v0  }
0x321: {  	s12 =	simm.s32 $0x4;
	(xrf0) =	vadd.scan.msk.s32 $0xffff, v8;
	v7 =	vnsel vm0, $0x0, v6  }
0x322: {  	(xrf0) =	vadd.scan.msk.s32 $0xffff, v7;
	v7 =	vmov s12  }
0x323: {  	s13 =	simm.s32 $0x5;
	v8 =	vnsel vm0, $0x0, v5;
	vm0 =	veq.s32 v7, v0  }
0x324: {  	(xrf0) =	vadd.scan.msk.s32 $0xffff, v8;
	v8 =	vmov s13;
	v7 =	vnsel vm0, $0x0, v6  }
0x325: {  	(xrf0) =	vadd.scan.msk.s32 $0xffff, v7;
	v7 =	vnsel vm0, $0x0, v5;
	vm0 =	veq.s32 v8, v0  }
0x326: {  	v8 =	vnsel vm0, $0x0, v6;
	_ =	sdelay $0x1  }
0x327: {  	(xrf0) =	vadd.scan.msk.s32 $0xffff, v7;
	s11 =	spop (v2sf);
	v7, _, _ =	vpop (xrf0)  }
0x328: {  	(xrf0) =	vadd.scan.msk.s32 $0xffff, v8;
	s6 =	sshll.u32 s11, $0x4;
	s10 =	spop (v2sf);
	v8, _, _ =	vpop (xrf0);
	(v2sf) =	vpush v7, $0xF  }
0x329: {  	s7 =	smov.u32 s21;
	s6 =	sand.u32 $0x1FFFFFF0, s6;
	(v2sf) =	vpush v8, $0xF;
	v7, _, _ =	vpop (xrf0)  }
0x32a: {  	s8 =	sadd.s32 $0xFFFFFF80, s18;
	s6 =	sadd.s32 s5, s6;
	s12 =	spop (v2sf);
	(v2sf) =	vpush v7, $0xF  }
0x32b: {  	[tilespmem:s8], [sflag:$0x1] =	stream.linear.gather [hbm4b:s6+s4], $0x80, $0x38;
	[tilespmem:$0x10A80] =	vst v63  }
0x32c: {  	s13 =	simm.s32 $0x6;
	s11 =	sadd.s32 $0xFFFFFF80, s21;
	s6 =	sshll.u32 s10, $0x4  }
0x32d: {  	v63 =	vnsel vm0, $0x0, v5;
	v7, _, _ =	vpop (xrf0);
	s8 =	sshll.u32 s12, $0x4;
	s10 =	spop (v2sf);
	s6 =	sand.u32 $0x1FFFFFF0, s6  }
0x32e: {  	(xrf0) =	vadd.scan.msk.s32 $0xffff, v63;
	v8 =	vmov s13;
	(v2sf) =	vpush v7, $0xF;
	s8 =	sand.u32 $0x1FFFFFF0, s8;
	s10 =	sshll.u32 s10, $0x4;
	s6 =	sadd.s32 s5, s6  }
0x32f: {  	vm0 =	veq.s32 v8, v0;
	[tilespmem:s11], [sflag:$0x1] =	stream.linear.gather [hbm4b:s6+s4], $0x80, $0x38;
	[tilespmem:$0x10A80] =	vst v63  }
0x330: {  	v7 =	vnsel vm0, $0x0, v6;
	s8 =	sadd.s32 s5, s8;
	s10 =	sand.u32 $0x1FFFFFF0, s10;
	s11 =	spop (v2sf)  }
0x331: {  	v8, _, _ =	vpop (xrf0);
	(xrf0) =	vadd.scan.msk.s32 $0xffff, v7;
	s12 =	sadd.s32 s5, s10;
	s6 =	sadd.s32 $0x100, s18;
	s13 =	sshll.u32 s11, $0x4  }
0x332: {  	(v2sf) =	vpush v8, $0xF;
	[tilespmem:s18], [sflag:$0x1] =	stream.linear.gather [hbm4b:s8+s4], $0x80, $0x38;
	[tilespmem:$0x10A80] =	vst v63  }
0x333: {  	s10 =	simm.s32 $0x7;
	s8 =	simm.s32 $0x8;
	s11 =	sand.u32 $0x1FFFFFF0, s13  }
0x334: {  	v7, _, _ =	vpop (xrf0);
	[tilespmem:s21], [sflag:$0x1] =	stream.linear.gather [hbm4b:s12+s4], $0x80, $0x38;
	[tilespmem:$0x10A80] =	vst v63  }
.LBB2_39:
0x335: {  	p0 =	slt.u32 s8, $0xE;
	(v2sf) =	vpush v7, $0xF;
	v7, _, _ =	vpop (xrf0);
	s12 =	sadd.s32 $0xFFFFFF80, s6;
	s11 =	sadd.s32 s5, s11  }
0x336: {  	(v2sf) =	vpush v7, $0xF;
	[tilespmem:s12], [sflag:$0x1] =	stream.linear.gather [hbm4b:s11+s4], $0x80, $0x38;
	[tilespmem:$0x10A80] =	vst v63  }
0x337: {  	v9 =	vmov s10;
	s7 =	sadd.s32 $0x100, s7;
	s10 =	spop (v2sf)  }
0x338: {  	v8 =	vnsel vm0, $0x0, v5;
	vm0 =	veq.s32 v9, v0;
	s11 =	sadd.s32 $0xFFFFFF80, s7;
	v7, _, _ =	vpop (xrf0);
	s10 =	sshll.u32 s10, $0x4;
	s12 =	spop (v2sf)  }
0x339: {  	v9 =	vnsel vm0, $0x0, v6;
	(v2sf) =	vpush v7, $0xF;
	(xrf0) =	vadd.scan.msk.s32 $0xffff, v8;
	s10 =	sand.u32 $0x1FFFFFF0, s10;
	s12 =	sshll.u32 s12, $0x4;
	s13 =	spop (v2sf)  }
0x33a: {  	v7 =	vnsel vm0, $0x0, v5;
	(xrf0) =	vadd.scan.msk.s32 $0xffff, v9;
	s10 =	sadd.s32 s5, s10;
	s12 =	sand.u32 $0x1FFFFFF0, s12;
	s13 =	sshll.u32 s13, $0x4  }
0x33b: {  	[tilespmem:s11], [sflag:$0x1] =	stream.linear.gather [hbm4b:s10+s4], $0x80, $0x38;
	[tilespmem:$0x10A80] =	vst v63  }
0x33c: {  	v8 =	vmov s8;
	(xrf0) =	vadd.scan.msk.s32 $0xffff, v7;
	s11 =	sadd.s32 s5, s12  }
.Ltmp18:
0x33d: {  	vm0 =	veq.s32 v8, v0;
	s12 =	sand.u32 $0x1FFFFFF0, s13;
	s10 =	spop (v2sf);
	(pc) =	sbr.rel @p0 .LBB2_39-.Ltmp18, $4  }
0x33e: {  	v8 =	vnsel vm0, $0x0, v6;
	[tilespmem:s6], [sflag:$0x1] =	stream.linear.gather [hbm4b:s11+s4], $0x80, $0x38;
	[tilespmem:$0x10A80] =	vst v63  }
0x33f: {  	s11 =	sshll.u32 s10, $0x4;
	s10 =	sadd.s32 s5, s12;
	s6 =	sadd.s32 $0x100, s6;
	(xrf0) =	vadd.scan.msk.s32 $0xffff, v8  }
0x340: {  	v7, _, _ =	vpop (xrf0);
	[tilespmem:s7], [sflag:$0x1] =	stream.linear.gather [hbm4b:s10+s4], $0x80, $0x38;
	[tilespmem:$0x10A80] =	vst v63  }
0x341: {  	s11 =	sand.u32 $0x1FFFFFF0, s11;
	s10 =	sadd.s32 $0x1, s8;
	s8 =	sadd.s32 $0x2, s8;
	(v2sf) =	vpush v7, $0xF;
	v7, _, _ =	vpop (xrf0)  }
0x342: {  	(v2sf) =	vpush v7, $0xF;
	v7, _, _ =	vpop (xrf0)  }
0x343: {  	s8 =	sadd.s32 $0xFFFFFF80, s6;
	s11 =	sadd.s32 s5, s11;
	s12 =	spop (v2sf);
	(v2sf) =	vpush v7, $0xF;
	v7 =	vmov s10  }
0x344: {  	[tilespmem:s8], [sflag:$0x1] =	stream.linear.gather [hbm4b:s11+s4], $0x80, $0x38;
	[tilespmem:$0x10A80] =	vst v63  }
0x345: {  	s7 =	sadd.s32 $0x100, s7;
	s8 =	sshll.u32 s12, $0x4  }
0x346: {  	v8 =	vnsel vm0, $0x0, v5;
	s10 =	sadd.s32 $0xFFFFFF80, s7;
	vm15 =	veq.s32 v7, v0;
	s13 =	spop (v2sf);
	s8 =	sand.u32 $0x1FFFFFF0, s8;
	v7, _, _ =	vpop (xrf0)  }
0x347: {  	s11 =	sshll.u32 s13, $0x4;
	s12 =	spop (v2sf);
	s8 =	sadd.s32 s5, s8;
	(xrf0) =	vadd.scan.msk.s32 $0xffff, v8;
	(v2sf) =	vpush v7, $0xF  }
0x348: {  	v6 =	vnsel vm15, $0x0, v6;
	[tilespmem:s10], [sflag:$0x1] =	stream.linear.gather [hbm4b:s8+s4], $0x80, $0x38;
	[tilespmem:$0x10A80] =	vst v63  }
0x349: {  	v5 =	vnsel vm15, $0x0, v5;
	s11 =	sand.u32 $0x1FFFFFF0, s11;
	s12 =	sshll.u32 s12, $0x4;
	(xrf0) =	vadd.scan.msk.s32 $0xffff, v6  }
0x34a: {  	s11 =	sadd.s32 s5, s11;
	s13 =	sand.u32 $0x1FFFFFF0, s12;
	(xrf0) =	vadd.scan.msk.s32 $0xffff, v5;
	s8 =	spop (v2sf)  }
0x34b: {  	[tilespmem:s6], [sflag:$0x1] =	stream.linear.gather [hbm4b:s11+s4], $0x80, $0x38;
	[tilespmem:$0x10A80] =	vst v63  }
0x34c: {  	s12 =	sadd.s32 s5, s13;
	s8 =	sshll.u32 s8, $0x4  }
0x34d: {  	[tilespmem:s7], [sflag:$0x1] =	stream.linear.gather [hbm4b:s12+s4], $0x80, $0x38;
	v5, _, _ =	vpop (xrf0);
	[tilespmem:$0x10A80] =	vst v63  }
0x34e: {  	s6 =	sadd.s32 $0x100, s6;
	s8 =	sand.u32 $0x1FFFFFF0, s8;
	(v2sf) =	vpush v5, $0xF  }
0x34f: {  	s13 =	sadd.s32 $0xFFFFFF80, s6;
	s8 =	sadd.s32 s5, s8;
	v5, _, _ =	vpop (xrf0)  }
0x350: {  	[tilespmem:s13], [sflag:$0x1] =	stream.linear.gather [hbm4b:s8+s4], $0x80, $0x38;
	(v2sf) =	vpush v5, $0xF;
	v5, _, _ =	vpop (xrf0);
	[tilespmem:$0x10A80] =	vst v63  }
0x351: {  	s7 =	sadd.s32 $0x100, s7;
	(v2sf) =	vpush v5, $0xF;
	s11 =	spop (v2sf)  }
0x352: {  	s10 =	sadd.s32 $0xFFFFFF80, s7;
	s8 =	sshll.u32 s11, $0x4;
	s12 =	spop (v2sf)  }
0x353: {  	s8 =	sand.u32 $0x1FFFFFF0, s8;
	s11 =	sshll.u32 s12, $0x4;
	s13 =	spop (v2sf)  }
0x354: {  	s8 =	sadd.s32 s5, s8;
	s11 =	sand.u32 $0x1FFFFFF0, s11;
	s12 =	sshll.u32 s13, $0x4  }
0x355: {  	[tilespmem:s10], [sflag:$0x1] =	stream.linear.gather [hbm4b:s8+s4], $0x80, $0x38;
	[tilespmem:$0x10A80] =	vst v63  }
0x356: {  	s11 =	sadd.s32 s5, s11;
	s13 =	sand.u32 $0x1FFFFFF0, s12;
	s8 =	spop (v2sf)  }
0x357: {  	[tilespmem:s6], [sflag:$0x1] =	stream.linear.gather [hbm4b:s11+s4], $0x80, $0x38;
	[tilespmem:$0x10A80] =	vst v63  }
0x358: {  	s12 =	sadd.s32 s5, s13;
	s8 =	sshll.u32 s8, $0x4  }
0x359: {  	[tilespmem:s7], [sflag:$0x1] =	stream.linear.gather [hbm4b:s12+s4], $0x80, $0x38;
	[tilespmem:$0x10A80] =	vst v63  }
0x35a: {  	s6 =	sadd.s32 $0x100, s6;
	s8 =	sand.u32 $0x1FFFFFF0, s8  }
0x35b: {  	s13 =	sadd.s32 $0xFFFFFF80, s6;
	s8 =	sadd.s32 s5, s8  }
0x35c: {  	[tilespmem:s13], [sflag:$0x1] =	stream.linear.gather [hbm4b:s8+s4], $0x80, $0x38;
	[tilespmem:$0x10A80] =	vst v63  }
0x35d: {  	s29 =	sadd.s32 $0x1, s29;
	s11 =	spop (v2sf)  }
0x35e: {  	p0 =	sne.s32 s29, $0x4;
	s7 =	sadd.s32 $0x100, s7;
	s8 =	sshll.u32 s11, $0x4  }
0x35f: {  	s10 =	sadd.s32 $0xFFFFFF80, s7;
	s12 =	spop (v2sf);
	s8 =	sand.u32 $0x1FFFFFF0, s8  }
0x360: {  	s11 =	sshll.u32 s12, $0x4;
	s13 =	spop (v2sf);
	s8 =	sadd.s32 s5, s8  }
0x361: {  	[tilespmem:s10], [sflag:$0x1] =	stream.linear.gather [hbm4b:s8+s4], $0x80, $0x38;
	[tilespmem:$0x10A80] =	vst v63  }
.Ltmp19:
0x362: {  	s11 =	sand.u32 $0x1FFFFFF0, s11;
	s12 =	sshll.u32 s13, $0x4;
	(pc) =	sbr.rel @p0 .LBB2_38-.Ltmp19, $4  }
0x363: {  	s11 =	sadd.s32 s5, s11;
	s12 =	sand.u32 $0x1FFFFFF0, s12  }
0x364: {  	[tilespmem:s6], [sflag:$0x1] =	stream.linear.gather [hbm4b:s11+s4], $0x80, $0x38;
	[tilespmem:$0x10A80] =	vst v63  }
0x365: {  	s18 =	sadd.s32 $0x800, s18;
	s21 =	sadd.s32 $0x800, s21;
	s13 =	sadd.s32 s5, s12  }
0x366: {  	[tilespmem:s7], [sflag:$0x1] =	stream.linear.gather [hbm4b:s13+s4], $0x80, $0x38;
	[tilespmem:$0x10A80] =	vst v63  }
0x367: {  	s6 =	simm.s32 $0x700  }
0x368: {  	[tilespmem:s19], [sflag:$0x2] =	stream.indirect.gather [hbm4b:s1+s17], $0x80, s6, s17, $0xb8;
	[tilespmem:$0x10A80] =	vst v63  }
0x369: {  	_ = 	snop  }
0x36a: {  	[tilespmem:s20], [sflag:$0x2] =	stream.indirect.gather [hbm4b:s2+s17], $0x80, s6, s17, $0xb8;
	[tilespmem:$0x10A80] =	vst v63  }
0x36b: {  	_ =	swait.ge [sflag:s30], $0x80  }
0x36c: {  	s6 =	simm.s32 $0x7F;
	[sflag:s30] =	ssyncset.done $0x0  }
.LBB2_42:
0x36d: {  	p0 =	sne.s32 s6, $0x1;
	s6 =	sadd.s32 $0xFFFFFFFF, s6;
	[sflag:s30] =	ssyncadd.s32 $0xFFFFFF80  }
.Ltmp20:
0x36e: {  	(pc) =	sbr.rel @p0 .LBB2_42-.Ltmp20, $3  }
0x36f: {  	_ =	sdelay $0x1  }
0x370: {  	_ =	swait.ge [sflag:s30], $0x80  }
0x371: {  	[sflag:s30] =	ssyncset.done $0x0  }
0x372: {  	[sflag:s30] =	ssyncadd.s32 $0xFFFFFF80  }
0x373: {  	_ =	swait.ge [sflag:s31], $0x2000  }
0x374: {  	[sflag:s31] =	ssyncset.done $0x0  }
0x375: {  	[sflag:s31] =	ssyncadd.s32 $0xFFFFE000  }
0x376: {  	_ =	swait.ge [sflag:s31], $0x2000  }
0x377: {  	[sflag:s31] =	ssyncset.done $0x0  }
0x378: {  	s16 =	simm.s32 $0x0;
	s18 =	simm.s32 $0x0;
	[sflag:s31] =	ssyncadd.s32 $0xFFFFE000  }
.LBB2_44:
0x379: {  	s6 =	sshll.u32 s18, $0x4  }
0x37a: {  	v5 =	vld [tilespmem:s6+$0x4C0];
	_ =	sdelay $0x3  }
0x37b: {  	v6 =	vmov s6  }
0x37c: {  	v6 =	vshll.u32 v6, $0x7;
	v5 =	vshll.u32 v5, $0x6  }
0x37d: {  	v7 =	vor.u32 v1, v6;
	v6 =	vadd.s32 s16, v0;
	v5 =	vand.u32 $0x40, v5  }
0x37e: {  	v8 =	vor.u32 v7, v5;
	v5 =	vand.u32 $0x3F, v6  }
0x37f: {  	v6 =	vor.u32 v5, v8  }
0x380: {  	s7 =	simm.s32 $0x1  }
0x381: {  	v9 =	vadd.s32 s7, v0;
	v5 =	vor.u32 v7, v5  }
0x382: {  	v9 =	vand.u32 $0x3F, v9  }
0x383: {  	v10 =	vor.u32 v9, v8  }
0x384: {  	v15 =	vld.idx.msk [tilespmem:v6+s22+$0x0], $0xffff  }
0x385: {  	v9 =	vor.u32 v7, v9;
	v11 =	vld.idx.msk [tilespmem:v6+s23+$0x0], $0xffff  }
0x386: {  	v13 =	vld.idx.msk [tilespmem:v5+s0+$0x0], $0xffff  }
0x387: {  	v5 =	vld.idx.msk [tilespmem:v5+s3+$0x0], $0xffff  }
0x388: {  	s21 =	simm.s32 $0x2;
	v6 =	vld.idx.msk [tilespmem:v10+s22+$0x0], $0xffff  }
0x389: {  	v12 =	vadd.s32 s21, v0;
	v10 =	vld.idx.msk [tilespmem:v10+s23+$0x0], $0xffff  }
0x38a: {  	s29 =	simm.s32 $0x3;
	v14 =	vand.u32 $0x3F, v12;
	v17 =	vld.idx.msk [tilespmem:v9+s0+$0x0], $0xffff  }
0x38b: {  	v16 =	vadd.s32 s29, v0;
	v12 =	vimm.f32 $0.0e+00;
	v24 =	vor.u32 v7, v14;
	v9 =	vld.idx.msk [tilespmem:v9+s3+$0x0], $0xffff  }
0x38c: {  	v18 =	vor.u32 v14, v8;
	v20 =	vmul.f32 v11, v11;
	v14 =	vmul.f32 v11, v13  }
0x38d: {  	v19 =	vand.u32 $0x3F, v16;
	v21 =	vmul.f32 v11, v5;
	v11 =	vmul.f32 v11, v15  }
0x38e: {  	v16 =	vor.u32 v19, v8;
	v22 =	vmul.f32 v15, v15;
	v28 =	vmul.f32 v13, v13  }
0x38f: {  	v19 =	vor.u32 v7, v19;
	v29 =	vmul.f32 v5, v5;
	v23 =	vmul.f32 v10, v10  }
0x390: {  	v26 =	vmul.f32 v10, v17;
	v27 =	vsub.f32 v13, v5;
	v5 =	vmul.f32 v10, v9  }
0x391: {  	v30 =	vmul.f32 v10, v6;
	v25 =	vsub.f32 v17, v9;
	v20 =	vadd.f32 v20, v12  }
0x392: {  	v31 =	vmul.f32 v6, v6;
	v14 =	vadd.f32 v14, v12;
	v32 =	vadd.f32 v21, v12  }
0x393: {  	v10 =	vmul.f32 v17, v17;
	v17 =	vadd.f32 v11, v12;
	v33 =	vadd.f32 v22, v12  }
0x394: {  	v13 =	vld.idx.msk [tilespmem:v18+s22+$0x0], $0xffff;
	v11 =	vmul.f32 v9, v9;
	v20 =	vadd.f32 v23, v20;
	v21 =	vadd.f32 v26, v14  }
0x395: {  	v9 =	vld.idx.msk [tilespmem:v24+s3+$0x0], $0xffff;
	v26 =	vmul.f32 v27, v27;
	v22 =	vadd.f32 v5, v32;
	v14 =	vadd.f32 v30, v17  }
0x396: {  	v23 =	vld.idx.msk [tilespmem:v18+s23+$0x0], $0xffff;
	v27 =	vmul.f32 v15, v27;
	v15 =	vadd.f32 v31, v33;
	v17 =	vadd.f32 v28, v12  }
0x397: {  	s21 =	sor.u32 $0xC0, s6;
	s6 =	simm.s32 $0x4;
	v5 =	vld.idx.msk [tilespmem:v24+s0+$0x0], $0xffff;
	v18 =	vadd.f32 v29, v12;
	v28 =	vmul.f32 v25, v25;
	v24 =	vimm.f32 $0.0e+00  }
.LBB2_45:
0x398: {  	p0 =	slt.u32 s6, $0x3E;
	v12 =	vadd.f32 v26, v12;
	v24 =	vadd.f32 v27, v24;
	v25 =	vmul.f32 v6, v25;
	v6 =	vld.idx.msk [tilespmem:v16+s22+$0x0], $0xffff  }
0x399: {  	v26 =	vld.idx.msk [tilespmem:v16+s23+$0x0], $0xffff;
	v17 =	vadd.f32 v10, v17;
	v18 =	vadd.f32 v11, v18  }
0x39a: {  	s7 =	sadd.s32 $0x1, s6;
	v10 =	vadd.s32 s6, v0;
	v27 =	vmovc v13;
	v11 =	vld.idx.msk [tilespmem:v19+s0+$0x0], $0xffff;
	v12 =	vadd.f32 v28, v12;
	v24 =	vadd.f32 v25, v24  }
0x39b: {  	v16 =	vadd.s32 s7, v0;
	v10 =	vand.u32 $0x3F, v10;
	v28 =	vld.idx.msk [tilespmem:v19+s3+$0x0], $0xffff  }
0x39c: {  	v25 =	vmul.f32 v23, v23;
	v29 =	vor.u32 v10, v8;
	v19 =	vand.u32 $0x3F, v16  }
0x39d: {  	v30 =	vor.u32 v7, v10;
	v10 =	vmul.f32 v23, v5;
	v31 =	vmul.f32 v23, v9  }
0x39e: {  	v32 =	vmul.f32 v13, v27;
	v16 =	vor.u32 v19, v8;
	v23 =	vmul.f32 v23, v27  }
0x39f: {  	v33 =	vmul.f32 v5, v5;
	v19 =	vor.u32 v7, v19;
	v34 =	vmul.f32 v9, v9  }
0x3a0: {  	v13 =	vadd.f32 v25, v20;
	v20 =	vmul.f32 v26, v26;
	v35 =	vmul.f32 v26, v11  }
0x3a1: {  	v9 =	vsub.f32 v5, v9;
	v36 =	vmul.f32 v26, v6;
	v5 =	vmul.f32 v26, v28  }
0x3a2: {  	v37 =	vmul.f32 v6, v6;
	v25 =	vsub.f32 v11, v28;
	v20 =	vadd.f32 v20, v13  }
.Ltmp21:
0x3a3: {  	v21 =	vadd.f32 v10, v21;
	v22 =	vadd.f32 v31, v22;
	v10 =	vmul.f32 v11, v11;
	(pc) =	sbr.rel @p0 .LBB2_45-.Ltmp21, $4  }
0x3a4: {  	v15 =	vadd.f32 v32, v15;
	v14 =	vadd.f32 v23, v14;
	v11 =	vmul.f32 v28, v28;
	v13 =	vld.idx.msk [tilespmem:v29+s22+$0x0], $0xffff  }
0x3a5: {  	v26 =	vmul.f32 v9, v9;
	v21 =	vadd.f32 v35, v21;
	v22 =	vadd.f32 v5, v22;
	v23 =	vld.idx.msk [tilespmem:v29+s23+$0x0], $0xffff  }
0x3a6: {  	v27 =	vmul.f32 v27, v9;
	v15 =	vadd.f32 v37, v15;
	v14 =	vadd.f32 v36, v14;
	v5 =	vld.idx.msk [tilespmem:v30+s0+$0x0], $0xffff  }
0x3a7: {  	s6 =	sadd.s32 $0x2, s6;
	v17 =	vadd.f32 v33, v17;
	v18 =	vadd.f32 v34, v18;
	v28 =	vmul.f32 v25, v25;
	v9 =	vld.idx.msk [tilespmem:v30+s3+$0x0], $0xffff  }
0x3a8: {  	_ =	sdelay $0x3  }
0x3a9: {  	v7 =	vld.idx.msk [tilespmem:v16+s23+$0x0], $0xffff;
	_ =	sdelay $0x2  }
0x3aa: {  	v8 =	vmul.f32 v23, v23;
	_ =	sdelay $0x1  }
0x3ab: {  	v8 =	vadd.f32 v8, v20;
	v58 =	vmul.f32 v7, v7;
	_ =	sdelay $0x1  }
0x3ac: {  	v8 =	vadd.f32 v58, v8  }
0x3ad: {  	v59 =	vld.idx.msk [tilespmem:v19+s0+$0x0], $0xffff  }
0x3ae: {  	v19 =	vld.idx.msk [tilespmem:v19+s3+$0x0], $0xffff;
	v29 =	vmax.f32 v8, $1.000000020e-24  }
0x3af: {  	(erf) = vrcp.f32 v29  }
0x3b0: {  	v30 =	vmul.f32 v23, v5  }
0x3b1: {  	v31 =	vmul.f32 v23, v9  }
0x3b2: {  	v21 =	vadd.f32 v30, v21  }
0x3b3: {  	v60 =	vld.idx.msk [tilespmem:v16+s22+$0x0], $0xffff;
	v61 =	vmul.f32 v7, v59;
	v62 =	vmul.f32 v7, v19;
	v22 =	vadd.f32 v31, v22  }
0x3b4: {  	v12 =	vadd.f32 v26, v12;
	v24 =	vadd.f32 v27, v24  }
0x3b5: {  	v6 =	vmul.f32 v6, v25;
	v21 =	vadd.f32 v61, v21;
	v22 =	vadd.f32 v62, v22  }
0x3b6: {  	v34 =	vmul.f32 v13, v13;
	v12 =	vadd.f32 v28, v12;
	v63 =	vsub.f32 v5, v9  }
0x3b7: {  	v6 =	vadd.f32 v6, v24;
	v33 =	vmul.f32 v23, v13;
	v26 =	vsub.f32 v21, v22  }
0x3b8: {  	v7 =	vmul.f32 v7, v60;
	v35 =	vsub.f32 v59, v19;
	v36 =	vmul.f32 v63, v63;
	v37 =	vpop (erf)  }
0x3b9: {  	v15 =	vadd.f32 v34, v15;
	v38 =	vmul.f32 v26, v26;
	v8 =	vmul.f32 v37, v8  }
0x3ba: {  	v14 =	vadd.f32 v33, v14;
	v39 =	vmul.f32 v13, v63;
	v40 =	vmul.f32 v35, v35  }
0x3bb: {  	v12 =	vadd.f32 v36, v12;
	v23 =	vmul.f32 v38, v37;
	v8 =	vadd.f32 $-2.000000000e+00, v8  }
0x3bc: {  	v41 =	vmul.f32 v60, v60;
	v42 =	vmul.f32 v60, v35;
	v6 =	vadd.f32 v39, v6  }
0x3bd: {  	v7 =	vadd.f32 v7, v14;
	v12 =	vadd.f32 v40, v12;
	v43 =	vmul.f32 v23, v8  }
0x3be: {  	v15 =	vadd.f32 v41, v15;
	v6 =	vadd.f32 v42, v6  }
0x3bf: {  	v44 =	vadd.f32 v26, v26;
	v12 =	vadd.f32 v12, v43;
	_ =	sdelay $0x1  }
0x3c0: {  	v6 =	vadd.f32 v6, v6;
	v13 =	vmul.f32 v44, v7;
	v12 =	vadd.f32 v12, v15;
	_ =	sdelay $0x1  }
0x3c1: {  	v45 =	vmul.f32 v13, v37;
	v6 =	vadd.f32 v6, v12;
	_ =	sdelay $0x1  }
0x3c2: {  	v46 =	vshra.s32 v29, $0x1;
	v47 =	vmul.f32 $5.000000000e-01, v29;
	v6 =	vsub.f32 v6, v45  }
0x3c3: {  	v13 =	vsub.s32 $0x5F3759DF, v46  }
0x3c4: {  	v48 =	vmul.f32 v13, v47;
	v49 =	vmax.f32 v6, $1.000000000e-30  }
0x3c5: {  	v50 =	vshra.s32 v49, $0x1;
	v15 =	vmul.f32 $5.000000000e-01, v49  }
0x3c6: {  	v12 =	vmul.f32 v13, v48;
	v16 =	vsub.s32 $0x5F3759DF, v50  }
0x3c7: {  	v51 =	vmul.f32 v16, v15  }
0x3c8: {  	v12 =	vsub.f32 $1.500000000e+00, v12  }
0x3c9: {  	v52 =	vmul.f32 v16, v51  }
0x3ca: {  	v12 =	vmul.f32 v13, v12  }
0x3cb: {  	v13 =	vsub.f32 $1.500000000e+00, v52  }
0x3cc: {  	v53 =	vmul.f32 v12, v47  }
0x3cd: {  	v13 =	vmul.f32 v16, v13  }
0x3ce: {  	v23 =	vmul.f32 v53, v12  }
0x3cf: {  	v55 =	vmul.f32 v13, v15  }
0x3d0: {  	v54 =	vsub.f32 $1.500000000e+00, v23  }
0x3d1: {  	v56 =	vmul.f32 v55, v13  }
0x3d2: {  	v12 =	vmul.f32 v54, v12  }
0x3d3: {  	v16 =	vsub.f32 $1.500000000e+00, v56  }
0x3d4: {  	v14 =	vmul.f32 v12, v47  }
0x3d5: {  	v13 =	vmul.f32 v16, v13  }
0x3d6: {  	v10 =	vadd.f32 v10, v17;
	v14 =	vmul.f32 v14, v12  }
0x3d7: {  	v11 =	vadd.f32 v11, v18;
	v5 =	vmul.f32 v5, v5;
	v15 =	vmul.f32 v13, v15  }
0x3d8: {  	v57 =	vmul.f32 v9, v9;
	v59 =	vmul.f32 v59, v59;
	v14 =	vsub.f32 $1.500000000e+00, v14  }
0x3d9: {  	v5 =	vadd.f32 v5, v10;
	v60 =	vmul.f32 v19, v19;
	v58 =	vmul.f32 v15, v13  }
0x3da: {  	v9 =	vadd.f32 v57, v11;
	v62 =	vmul.f32 v21, v21;
	v12 =	vmul.f32 v14, v12  }
0x3db: {  	s18 =	sadd.s32 $0x1, s18;
	v5 =	vadd.f32 v59, v5;
	v63 =	vmul.f32 v22, v22;
	v61 =	vsub.f32 $1.500000000e+00, v58  }
0x3dc: {  	p0 =	sne.s32 s18, $0x4;
	v9 =	vadd.f32 v60, v9;
	v11 =	vmul.f32 v37, v62;
	v7 =	vmul.f32 v12, v7  }
.Ltmp22:
0x3dd: {  	v4 =	vadd.f32 v5, v4;
	v12 =	vmul.f32 v63, v37;
	v10 =	vmul.f32 v61, v13;
	(pc) =	sbr.rel @p0 .LBB2_44-.Ltmp22, $4  }
0x3de: {  	v5 =	vmul.f32 v8, v11;
	v6 =	vmax.f32 v6, $0.0e+00;
	v7 =	vadd.f32 $-9.999999970e-07, v7  }
0x3df: {  	v3 =	vadd.f32 v9, v3;
	v8 =	vmul.f32 v8, v12;
	v6 =	vmul.f32 v10, v6  }
0x3e0: {  	v4 =	vadd.f32 v4, v5;
	v7 =	vmax.f32 v7, $0.0e+00  }
0x3e1: {  	v3 =	vadd.f32 v3, v8;
	v2 =	vadd.f32 v7, v2;
	[tilespmem:s21+$0x10800] =	vst v6  }
0x3e2: {  	s16 =	simm.s32 $0x0  }
0x3e3: {  	s18 =	simm.s32 $0x8880;
	s21 =	simm.s32 $0xA880;
	s29 =	simm.s32 $0x0  }
.LBB2_48:
0x3e4: {  	s6 =	sshll.u32 s29, $0x4  }
0x3e5: {  	s7 =	sor.u32 $0x140, s6  }
0x3e6: {  	v5 =	vmov s16;
	v6 =	vld [tilespmem:s7+$0x0]  }
0x3e7: {  	vm0 =	veq.s32 v5, v0;
	v5 =	vld [tilespmem:s6+$0x340];
	_ =	sdelay $0x3  }
0x3e8: {  	s7 =	simm.s32 $0x1;
	v7 =	vnsel vm0, $0x0, v6  }
0x3e9: {  	v8 =	vnsel vm0, $0x0, v5;
	(xrf0) =	vadd.scan.msk.s32 $0xffff, v7;
	v7 =	vmov s7  }
0x3ea: {  	vm0 =	veq.s32 v7, v0;
	(xrf0) =	vadd.scan.msk.s32 $0xffff, v8  }
0x3eb: {  	s8 =	simm.s32 $0x2;
	v7 =	vnsel vm0, $0x0, v6  }
0x3ec: {  	(xrf0) =	vadd.scan.msk.s32 $0xffff, v7;
	v7 =	vmov s8  }
0x3ed: {  	v9 =	vnsel vm0, $0x0, v5;
	vm0 =	veq.s32 v7, v0  }
0x3ee: {  	(xrf0) =	vadd.scan.msk.s32 $0xffff, v9;
	v7 =	vnsel vm0, $0x0, v6  }
0x3ef: {  	v8, _, _ =	vpop (xrf0);
	(xrf0) =	vadd.scan.msk.s32 $0xffff, v7  }
0x3f0: {  	(v2sf) =	vpush v8, $0xF;
	v8, _, _ =	vpop (xrf0)  }
0x3f1: {  	(v2sf) =	vpush v8, $0xF  }
0x3f2: {  	v7, _, _ =	vpop (xrf0)  }
0x3f3: {  	(v2sf) =	vpush v7, $0xF  }
0x3f4: {  	v7, _, _ =	vpop (xrf0)  }
0x3f5: {  	s10 =	simm.s32 $0x3;
	(v2sf) =	vpush v7, $0xF;
	v7, _, _ =	vpop (xrf0)  }
0x3f6: {  	(v2sf) =	vpush v7, $0xF;
	v7 =	vmov s10  }
0x3f7: {  	v8 =	vnsel vm0, $0x0, v5;
	vm0 =	veq.s32 v7, v0  }
0x3f8: {  	s12 =	simm.s32 $0x4;
	(xrf0) =	vadd.scan.msk.s32 $0xffff, v8;
	v7 =	vnsel vm0, $0x0, v6  }
0x3f9: {  	(xrf0) =	vadd.scan.msk.s32 $0xffff, v7;
	v7 =	vmov s12  }
0x3fa: {  	s13 =	simm.s32 $0x5;
	v8 =	vnsel vm0, $0x0, v5;
	vm0 =	veq.s32 v7, v0  }
0x3fb: {  	(xrf0) =	vadd.scan.msk.s32 $0xffff, v8;
	v8 =	vmov s13;
	v7 =	vnsel vm0, $0x0, v6  }
0x3fc: {  	(xrf0) =	vadd.scan.msk.s32 $0xffff, v7;
	v7 =	vnsel vm0, $0x0, v5;
	vm0 =	veq.s32 v8, v0  }
0x3fd: {  	v8 =	vnsel vm0, $0x0, v6;
	_ =	sdelay $0x1  }
0x3fe: {  	(xrf0) =	vadd.scan.msk.s32 $0xffff, v7;
	s11 =	spop (v2sf);
	v7, _, _ =	vpop (xrf0)  }
0x3ff: {  	(xrf0) =	vadd.scan.msk.s32 $0xffff, v8;
	s6 =	sshll.u32 s11, $0x4;
	s10 =	spop (v2sf);
	v8, _, _ =	vpop (xrf0);
	(v2sf) =	vpush v7, $0xF  }
0x400: {  	s7 =	smov.u32 s21;
	s6 =	sand.u32 $0x1FFFFFF0, s6;
	(v2sf) =	vpush v8, $0xF;
	v7, _, _ =	vpop (xrf0)  }
0x401: {  	s8 =	sadd.s32 $0xFFFFFF80, s18;
	s6 =	sadd.s32 s5, s6;
	s12 =	spop (v2sf);
	(v2sf) =	vpush v7, $0xF  }
0x402: {  	[tilespmem:s8], [sflag:$0x3] =	stream.linear.gather [hbm4b:s6+s4], $0x80, $0x38;
	[tilespmem:$0x10A80] =	vst v63  }
0x403: {  	s13 =	simm.s32 $0x6;
	s11 =	sadd.s32 $0xFFFFFF80, s21;
	s6 =	sshll.u32 s10, $0x4  }
0x404: {  	v63 =	vnsel vm0, $0x0, v5;
	v7, _, _ =	vpop (xrf0);
	s8 =	sshll.u32 s12, $0x4;
	s10 =	spop (v2sf);
	s6 =	sand.u32 $0x1FFFFFF0, s6  }
0x405: {  	(xrf0) =	vadd.scan.msk.s32 $0xffff, v63;
	v8 =	vmov s13;
	(v2sf) =	vpush v7, $0xF;
	s8 =	sand.u32 $0x1FFFFFF0, s8;
	s10 =	sshll.u32 s10, $0x4;
	s6 =	sadd.s32 s5, s6  }
0x406: {  	vm0 =	veq.s32 v8, v0;
	[tilespmem:s11], [sflag:$0x3] =	stream.linear.gather [hbm4b:s6+s4], $0x80, $0x38;
	[tilespmem:$0x10A80] =	vst v63  }
0x407: {  	v7 =	vnsel vm0, $0x0, v6;
	s8 =	sadd.s32 s5, s8;
	s10 =	sand.u32 $0x1FFFFFF0, s10;
	s11 =	spop (v2sf)  }
0x408: {  	v8, _, _ =	vpop (xrf0);
	(xrf0) =	vadd.scan.msk.s32 $0xffff, v7;
	s12 =	sadd.s32 s5, s10;
	s6 =	sadd.s32 $0x100, s18;
	s13 =	sshll.u32 s11, $0x4  }
0x409: {  	(v2sf) =	vpush v8, $0xF;
	[tilespmem:s18], [sflag:$0x3] =	stream.linear.gather [hbm4b:s8+s4], $0x80, $0x38;
	[tilespmem:$0x10A80] =	vst v63  }
0x40a: {  	s10 =	simm.s32 $0x7;
	s8 =	simm.s32 $0x8;
	s11 =	sand.u32 $0x1FFFFFF0, s13  }
0x40b: {  	v7, _, _ =	vpop (xrf0);
	[tilespmem:s21], [sflag:$0x3] =	stream.linear.gather [hbm4b:s12+s4], $0x80, $0x38;
	[tilespmem:$0x10A80] =	vst v63  }
.LBB2_49:
0x40c: {  	p0 =	slt.u32 s8, $0xE;
	(v2sf) =	vpush v7, $0xF;
	v7, _, _ =	vpop (xrf0);
	s12 =	sadd.s32 $0xFFFFFF80, s6;
	s11 =	sadd.s32 s5, s11  }
0x40d: {  	(v2sf) =	vpush v7, $0xF;
	[tilespmem:s12], [sflag:$0x3] =	stream.linear.gather [hbm4b:s11+s4], $0x80, $0x38;
	[tilespmem:$0x10A80] =	vst v63  }
0x40e: {  	v9 =	vmov s10;
	s7 =	sadd.s32 $0x100, s7;
	s10 =	spop (v2sf)  }
0x40f: {  	v8 =	vnsel vm0, $0x0, v5;
	vm0 =	veq.s32 v9, v0;
	s11 =	sadd.s32 $0xFFFFFF80, s7;
	v7, _, _ =	vpop (xrf0);
	s10 =	sshll.u32 s10, $0x4;
	s12 =	spop (v2sf)  }
0x410: {  	v9 =	vnsel vm0, $0x0, v6;
	(v2sf) =	vpush v7, $0xF;
	(xrf0) =	vadd.scan.msk.s32 $0xffff, v8;
	s10 =	sand.u32 $0x1FFFFFF0, s10;
	s12 =	sshll.u32 s12, $0x4;
	s13 =	spop (v2sf)  }
0x411: {  	v7 =	vnsel vm0, $0x0, v5;
	(xrf0) =	vadd.scan.msk.s32 $0xffff, v9;
	s10 =	sadd.s32 s5, s10;
	s12 =	sand.u32 $0x1FFFFFF0, s12;
	s13 =	sshll.u32 s13, $0x4  }
0x412: {  	[tilespmem:s11], [sflag:$0x3] =	stream.linear.gather [hbm4b:s10+s4], $0x80, $0x38;
	[tilespmem:$0x10A80] =	vst v63  }
0x413: {  	v8 =	vmov s8;
	(xrf0) =	vadd.scan.msk.s32 $0xffff, v7;
	s11 =	sadd.s32 s5, s12  }
.Ltmp23:
0x414: {  	vm0 =	veq.s32 v8, v0;
	s12 =	sand.u32 $0x1FFFFFF0, s13;
	s10 =	spop (v2sf);
	(pc) =	sbr.rel @p0 .LBB2_49-.Ltmp23, $4  }
0x415: {  	v8 =	vnsel vm0, $0x0, v6;
	[tilespmem:s6], [sflag:$0x3] =	stream.linear.gather [hbm4b:s11+s4], $0x80, $0x38;
	[tilespmem:$0x10A80] =	vst v63  }
0x416: {  	s11 =	sshll.u32 s10, $0x4;
	s10 =	sadd.s32 s5, s12;
	s6 =	sadd.s32 $0x100, s6;
	(xrf0) =	vadd.scan.msk.s32 $0xffff, v8  }
0x417: {  	v7, _, _ =	vpop (xrf0);
	[tilespmem:s7], [sflag:$0x3] =	stream.linear.gather [hbm4b:s10+s4], $0x80, $0x38;
	[tilespmem:$0x10A80] =	vst v63  }
0x418: {  	s11 =	sand.u32 $0x1FFFFFF0, s11;
	s10 =	sadd.s32 $0x1, s8;
	s8 =	sadd.s32 $0x2, s8;
	(v2sf) =	vpush v7, $0xF;
	v7, _, _ =	vpop (xrf0)  }
0x419: {  	(v2sf) =	vpush v7, $0xF;
	v7, _, _ =	vpop (xrf0)  }
0x41a: {  	s8 =	sadd.s32 $0xFFFFFF80, s6;
	s11 =	sadd.s32 s5, s11;
	s12 =	spop (v2sf);
	(v2sf) =	vpush v7, $0xF;
	v7 =	vmov s10  }
0x41b: {  	[tilespmem:s8], [sflag:$0x3] =	stream.linear.gather [hbm4b:s11+s4], $0x80, $0x38;
	[tilespmem:$0x10A80] =	vst v63  }
0x41c: {  	s7 =	sadd.s32 $0x100, s7;
	s8 =	sshll.u32 s12, $0x4  }
0x41d: {  	v8 =	vnsel vm0, $0x0, v5;
	s10 =	sadd.s32 $0xFFFFFF80, s7;
	vm15 =	veq.s32 v7, v0;
	s13 =	spop (v2sf);
	s8 =	sand.u32 $0x1FFFFFF0, s8;
	v7, _, _ =	vpop (xrf0)  }
0x41e: {  	s11 =	sshll.u32 s13, $0x4;
	s12 =	spop (v2sf);
	s8 =	sadd.s32 s5, s8;
	(xrf0) =	vadd.scan.msk.s32 $0xffff, v8;
	(v2sf) =	vpush v7, $0xF  }
0x41f: {  	v6 =	vnsel vm15, $0x0, v6;
	[tilespmem:s10], [sflag:$0x3] =	stream.linear.gather [hbm4b:s8+s4], $0x80, $0x38;
	[tilespmem:$0x10A80] =	vst v63  }
0x420: {  	v5 =	vnsel vm15, $0x0, v5;
	s11 =	sand.u32 $0x1FFFFFF0, s11;
	s12 =	sshll.u32 s12, $0x4;
	(xrf0) =	vadd.scan.msk.s32 $0xffff, v6  }
0x421: {  	s11 =	sadd.s32 s5, s11;
	s13 =	sand.u32 $0x1FFFFFF0, s12;
	(xrf0) =	vadd.scan.msk.s32 $0xffff, v5;
	s8 =	spop (v2sf)  }
0x422: {  	[tilespmem:s6], [sflag:$0x3] =	stream.linear.gather [hbm4b:s11+s4], $0x80, $0x38;
	[tilespmem:$0x10A80] =	vst v63  }
0x423: {  	s12 =	sadd.s32 s5, s13;
	s8 =	sshll.u32 s8, $0x4  }
0x424: {  	[tilespmem:s7], [sflag:$0x3] =	stream.linear.gather [hbm4b:s12+s4], $0x80, $0x38;
	v5, _, _ =	vpop (xrf0);
	[tilespmem:$0x10A80] =	vst v63  }
0x425: {  	s6 =	sadd.s32 $0x100, s6;
	s8 =	sand.u32 $0x1FFFFFF0, s8;
	(v2sf) =	vpush v5, $0xF  }
0x426: {  	s13 =	sadd.s32 $0xFFFFFF80, s6;
	s8 =	sadd.s32 s5, s8;
	v5, _, _ =	vpop (xrf0)  }
0x427: {  	[tilespmem:s13], [sflag:$0x3] =	stream.linear.gather [hbm4b:s8+s4], $0x80, $0x38;
	(v2sf) =	vpush v5, $0xF;
	v5, _, _ =	vpop (xrf0);
	[tilespmem:$0x10A80] =	vst v63  }
0x428: {  	s7 =	sadd.s32 $0x100, s7;
	(v2sf) =	vpush v5, $0xF;
	s11 =	spop (v2sf)  }
0x429: {  	s10 =	sadd.s32 $0xFFFFFF80, s7;
	s8 =	sshll.u32 s11, $0x4;
	s12 =	spop (v2sf)  }
0x42a: {  	s8 =	sand.u32 $0x1FFFFFF0, s8;
	s11 =	sshll.u32 s12, $0x4;
	s13 =	spop (v2sf)  }
0x42b: {  	s8 =	sadd.s32 s5, s8;
	s11 =	sand.u32 $0x1FFFFFF0, s11;
	s12 =	sshll.u32 s13, $0x4  }
0x42c: {  	[tilespmem:s10], [sflag:$0x3] =	stream.linear.gather [hbm4b:s8+s4], $0x80, $0x38;
	[tilespmem:$0x10A80] =	vst v63  }
0x42d: {  	s11 =	sadd.s32 s5, s11;
	s13 =	sand.u32 $0x1FFFFFF0, s12;
	s8 =	spop (v2sf)  }
0x42e: {  	[tilespmem:s6], [sflag:$0x3] =	stream.linear.gather [hbm4b:s11+s4], $0x80, $0x38;
	[tilespmem:$0x10A80] =	vst v63  }
0x42f: {  	s12 =	sadd.s32 s5, s13;
	s8 =	sshll.u32 s8, $0x4  }
0x430: {  	[tilespmem:s7], [sflag:$0x3] =	stream.linear.gather [hbm4b:s12+s4], $0x80, $0x38;
	[tilespmem:$0x10A80] =	vst v63  }
0x431: {  	s6 =	sadd.s32 $0x100, s6;
	s8 =	sand.u32 $0x1FFFFFF0, s8  }
0x432: {  	s13 =	sadd.s32 $0xFFFFFF80, s6;
	s8 =	sadd.s32 s5, s8  }
0x433: {  	[tilespmem:s13], [sflag:$0x3] =	stream.linear.gather [hbm4b:s8+s4], $0x80, $0x38;
	[tilespmem:$0x10A80] =	vst v63  }
0x434: {  	s29 =	sadd.s32 $0x1, s29;
	s11 =	spop (v2sf)  }
0x435: {  	p0 =	sne.s32 s29, $0x4;
	s7 =	sadd.s32 $0x100, s7;
	s8 =	sshll.u32 s11, $0x4  }
0x436: {  	s10 =	sadd.s32 $0xFFFFFF80, s7;
	s12 =	spop (v2sf);
	s8 =	sand.u32 $0x1FFFFFF0, s8  }
0x437: {  	s11 =	sshll.u32 s12, $0x4;
	s13 =	spop (v2sf);
	s8 =	sadd.s32 s5, s8  }
0x438: {  	[tilespmem:s10], [sflag:$0x3] =	stream.linear.gather [hbm4b:s8+s4], $0x80, $0x38;
	[tilespmem:$0x10A80] =	vst v63  }
.Ltmp24:
0x439: {  	s11 =	sand.u32 $0x1FFFFFF0, s11;
	s12 =	sshll.u32 s13, $0x4;
	(pc) =	sbr.rel @p0 .LBB2_48-.Ltmp24, $4  }
0x43a: {  	s11 =	sadd.s32 s5, s11;
	s12 =	sand.u32 $0x1FFFFFF0, s12  }
0x43b: {  	[tilespmem:s6], [sflag:$0x3] =	stream.linear.gather [hbm4b:s11+s4], $0x80, $0x38;
	[tilespmem:$0x10A80] =	vst v63  }
0x43c: {  	s18 =	sadd.s32 $0x800, s18;
	s21 =	sadd.s32 $0x800, s21;
	s13 =	sadd.s32 s5, s12  }
0x43d: {  	[tilespmem:s7], [sflag:$0x3] =	stream.linear.gather [hbm4b:s13+s4], $0x80, $0x38;
	[tilespmem:$0x10A80] =	vst v63  }
0x43e: {  	s6 =	simm.s32 $0x740  }
0x43f: {  	[tilespmem:s22], [sflag:$0x4] =	stream.indirect.gather [hbm4b:s1+s17], $0x80, s6, s17, $0xb8;
	[tilespmem:$0x10A80] =	vst v63  }
0x440: {  	_ = 	snop  }
0x441: {  	[tilespmem:s23], [sflag:$0x4] =	stream.indirect.gather [hbm4b:s2+s17], $0x80, s6, s17, $0xb8;
	[tilespmem:$0x10A80] =	vst v63  }
0x442: {  	_ =	swait.ge [sflag:s24], $0x80  }
0x443: {  	s6 =	simm.s32 $0x7F;
	[sflag:s24] =	ssyncset.done $0x0  }
.LBB2_52:
0x444: {  	p0 =	sne.s32 s6, $0x1;
	s6 =	sadd.s32 $0xFFFFFFFF, s6;
	[sflag:s24] =	ssyncadd.s32 $0xFFFFFF80  }
.Ltmp25:
0x445: {  	(pc) =	sbr.rel @p0 .LBB2_52-.Ltmp25, $3  }
0x446: {  	_ =	sdelay $0x1  }
0x447: {  	_ =	swait.ge [sflag:s24], $0x80  }
0x448: {  	[sflag:s24] =	ssyncset.done $0x0  }
0x449: {  	[sflag:s24] =	ssyncadd.s32 $0xFFFFFF80  }
0x44a: {  	_ =	swait.ge [sflag:s25], $0x2000  }
0x44b: {  	[sflag:s25] =	ssyncset.done $0x0  }
0x44c: {  	[sflag:s25] =	ssyncadd.s32 $0xFFFFE000  }
0x44d: {  	_ =	swait.ge [sflag:s25], $0x2000  }
0x44e: {  	[sflag:s25] =	ssyncset.done $0x0  }
0x44f: {  	s16 =	simm.s32 $0x0;
	s18 =	simm.s32 $0x0;
	[sflag:s25] =	ssyncadd.s32 $0xFFFFE000  }
.LBB2_54:
0x450: {  	s6 =	sshll.u32 s18, $0x4  }
0x451: {  	v5 =	vld [tilespmem:s6+$0x500];
	_ =	sdelay $0x3  }
0x452: {  	v6 =	vmov s6  }
0x453: {  	v6 =	vshll.u32 v6, $0x7;
	v5 =	vshll.u32 v5, $0x6  }
0x454: {  	v7 =	vor.u32 v1, v6;
	v6 =	vadd.s32 s16, v0;
	v5 =	vand.u32 $0x40, v5  }
0x455: {  	v8 =	vor.u32 v7, v5;
	v5 =	vand.u32 $0x3F, v6  }
0x456: {  	v6 =	vor.u32 v5, v8  }
0x457: {  	s7 =	simm.s32 $0x1  }
0x458: {  	v9 =	vadd.s32 s7, v0;
	v5 =	vor.u32 v7, v5  }
0x459: {  	v9 =	vand.u32 $0x3F, v9  }
0x45a: {  	v10 =	vor.u32 v9, v8  }
0x45b: {  	v15 =	vld.idx.msk [tilespmem:v6+s19+$0x0], $0xffff  }
0x45c: {  	v9 =	vor.u32 v7, v9;
	v11 =	vld.idx.msk [tilespmem:v6+s20+$0x0], $0xffff  }
0x45d: {  	v13 =	vld.idx.msk [tilespmem:v5+s26+$0x0], $0xffff  }
0x45e: {  	v5 =	vld.idx.msk [tilespmem:v5+s28+$0x0], $0xffff  }
0x45f: {  	s21 =	simm.s32 $0x2;
	v6 =	vld.idx.msk [tilespmem:v10+s19+$0x0], $0xffff  }
0x460: {  	v12 =	vadd.s32 s21, v0;
	v10 =	vld.idx.msk [tilespmem:v10+s20+$0x0], $0xffff  }
0x461: {  	s29 =	simm.s32 $0x3;
	v14 =	vand.u32 $0x3F, v12;
	v17 =	vld.idx.msk [tilespmem:v9+s26+$0x0], $0xffff  }
0x462: {  	v16 =	vadd.s32 s29, v0;
	v12 =	vimm.f32 $0.0e+00;
	v24 =	vor.u32 v7, v14;
	v9 =	vld.idx.msk [tilespmem:v9+s28+$0x0], $0xffff  }
0x463: {  	v18 =	vor.u32 v14, v8;
	v20 =	vmul.f32 v11, v11;
	v14 =	vmul.f32 v11, v13  }
0x464: {  	v19 =	vand.u32 $0x3F, v16;
	v21 =	vmul.f32 v11, v5;
	v11 =	vmul.f32 v11, v15  }
0x465: {  	v16 =	vor.u32 v19, v8;
	v22 =	vmul.f32 v15, v15;
	v28 =	vmul.f32 v13, v13  }
0x466: {  	v19 =	vor.u32 v7, v19;
	v29 =	vmul.f32 v5, v5;
	v23 =	vmul.f32 v10, v10  }
0x467: {  	v26 =	vmul.f32 v10, v17;
	v27 =	vsub.f32 v13, v5;
	v5 =	vmul.f32 v10, v9  }
0x468: {  	v30 =	vmul.f32 v10, v6;
	v25 =	vsub.f32 v17, v9;
	v20 =	vadd.f32 v20, v12  }
0x469: {  	v31 =	vmul.f32 v6, v6;
	v14 =	vadd.f32 v14, v12;
	v32 =	vadd.f32 v21, v12  }
0x46a: {  	v10 =	vmul.f32 v17, v17;
	v17 =	vadd.f32 v11, v12;
	v33 =	vadd.f32 v22, v12  }
0x46b: {  	v13 =	vld.idx.msk [tilespmem:v18+s19+$0x0], $0xffff;
	v11 =	vmul.f32 v9, v9;
	v20 =	vadd.f32 v23, v20;
	v21 =	vadd.f32 v26, v14  }
0x46c: {  	v9 =	vld.idx.msk [tilespmem:v24+s28+$0x0], $0xffff;
	v26 =	vmul.f32 v27, v27;
	v22 =	vadd.f32 v5, v32;
	v14 =	vadd.f32 v30, v17  }
0x46d: {  	v23 =	vld.idx.msk [tilespmem:v18+s20+$0x0], $0xffff;
	v27 =	vmul.f32 v15, v27;
	v15 =	vadd.f32 v31, v33;
	v17 =	vadd.f32 v28, v12  }
0x46e: {  	s21 =	sor.u32 $0x100, s6;
	s6 =	simm.s32 $0x4;
	v5 =	vld.idx.msk [tilespmem:v24+s26+$0x0], $0xffff;
	v18 =	vadd.f32 v29, v12;
	v28 =	vmul.f32 v25, v25;
	v24 =	vimm.f32 $0.0e+00  }
.LBB2_55:
0x46f: {  	p0 =	slt.u32 s6, $0x3E;
	v12 =	vadd.f32 v26, v12;
	v24 =	vadd.f32 v27, v24;
	v25 =	vmul.f32 v6, v25;
	v6 =	vld.idx.msk [tilespmem:v16+s19+$0x0], $0xffff  }
0x470: {  	v26 =	vld.idx.msk [tilespmem:v16+s20+$0x0], $0xffff;
	v17 =	vadd.f32 v10, v17;
	v18 =	vadd.f32 v11, v18  }
0x471: {  	s7 =	sadd.s32 $0x1, s6;
	v10 =	vadd.s32 s6, v0;
	v27 =	vmovc v13;
	v11 =	vld.idx.msk [tilespmem:v19+s26+$0x0], $0xffff;
	v12 =	vadd.f32 v28, v12;
	v24 =	vadd.f32 v25, v24  }
0x472: {  	v16 =	vadd.s32 s7, v0;
	v10 =	vand.u32 $0x3F, v10;
	v28 =	vld.idx.msk [tilespmem:v19+s28+$0x0], $0xffff  }
0x473: {  	v25 =	vmul.f32 v23, v23;
	v29 =	vor.u32 v10, v8;
	v19 =	vand.u32 $0x3F, v16  }
0x474: {  	v30 =	vor.u32 v7, v10;
	v10 =	vmul.f32 v23, v5;
	v31 =	vmul.f32 v23, v9  }
0x475: {  	v32 =	vmul.f32 v13, v27;
	v16 =	vor.u32 v19, v8;
	v23 =	vmul.f32 v23, v27  }
0x476: {  	v33 =	vmul.f32 v5, v5;
	v19 =	vor.u32 v7, v19;
	v34 =	vmul.f32 v9, v9  }
0x477: {  	v13 =	vadd.f32 v25, v20;
	v20 =	vmul.f32 v26, v26;
	v35 =	vmul.f32 v26, v11  }
0x478: {  	v9 =	vsub.f32 v5, v9;
	v36 =	vmul.f32 v26, v6;
	v5 =	vmul.f32 v26, v28  }
0x479: {  	v37 =	vmul.f32 v6, v6;
	v25 =	vsub.f32 v11, v28;
	v20 =	vadd.f32 v20, v13  }
.Ltmp26:
0x47a: {  	v21 =	vadd.f32 v10, v21;
	v22 =	vadd.f32 v31, v22;
	v10 =	vmul.f32 v11, v11;
	(pc) =	sbr.rel @p0 .LBB2_55-.Ltmp26, $4  }
0x47b: {  	v15 =	vadd.f32 v32, v15;
	v14 =	vadd.f32 v23, v14;
	v11 =	vmul.f32 v28, v28;
	v13 =	vld.idx.msk [tilespmem:v29+s19+$0x0], $0xffff  }
0x47c: {  	v26 =	vmul.f32 v9, v9;
	v21 =	vadd.f32 v35, v21;
	v22 =	vadd.f32 v5, v22;
	v23 =	vld.idx.msk [tilespmem:v29+s20+$0x0], $0xffff  }
0x47d: {  	v27 =	vmul.f32 v27, v9;
	v15 =	vadd.f32 v37, v15;
	v14 =	vadd.f32 v36, v14;
	v5 =	vld.idx.msk [tilespmem:v30+s26+$0x0], $0xffff  }
0x47e: {  	s6 =	sadd.s32 $0x2, s6;
	v17 =	vadd.f32 v33, v17;
	v18 =	vadd.f32 v34, v18;
	v28 =	vmul.f32 v25, v25;
	v9 =	vld.idx.msk [tilespmem:v30+s28+$0x0], $0xffff  }
0x47f: {  	_ =	sdelay $0x3  }
0x480: {  	v7 =	vld.idx.msk [tilespmem:v16+s20+$0x0], $0xffff;
	_ =	sdelay $0x2  }
0x481: {  	v8 =	vmul.f32 v23, v23;
	_ =	sdelay $0x1  }
0x482: {  	v8 =	vadd.f32 v8, v20;
	v58 =	vmul.f32 v7, v7;
	_ =	sdelay $0x1  }
0x483: {  	v8 =	vadd.f32 v58, v8  }
0x484: {  	v59 =	vld.idx.msk [tilespmem:v19+s26+$0x0], $0xffff  }
0x485: {  	v19 =	vld.idx.msk [tilespmem:v19+s28+$0x0], $0xffff;
	v29 =	vmax.f32 v8, $1.000000020e-24  }
0x486: {  	(erf) = vrcp.f32 v29  }
0x487: {  	v30 =	vmul.f32 v23, v5  }
0x488: {  	v31 =	vmul.f32 v23, v9  }
0x489: {  	v21 =	vadd.f32 v30, v21  }
0x48a: {  	v60 =	vld.idx.msk [tilespmem:v16+s19+$0x0], $0xffff;
	v61 =	vmul.f32 v7, v59;
	v62 =	vmul.f32 v7, v19;
	v22 =	vadd.f32 v31, v22  }
0x48b: {  	v12 =	vadd.f32 v26, v12;
	v24 =	vadd.f32 v27, v24  }
0x48c: {  	v6 =	vmul.f32 v6, v25;
	v21 =	vadd.f32 v61, v21;
	v22 =	vadd.f32 v62, v22  }
0x48d: {  	v34 =	vmul.f32 v13, v13;
	v12 =	vadd.f32 v28, v12;
	v63 =	vsub.f32 v5, v9  }
0x48e: {  	v6 =	vadd.f32 v6, v24;
	v33 =	vmul.f32 v23, v13;
	v26 =	vsub.f32 v21, v22  }
0x48f: {  	v7 =	vmul.f32 v7, v60;
	v35 =	vsub.f32 v59, v19;
	v36 =	vmul.f32 v63, v63;
	v37 =	vpop (erf)  }
0x490: {  	v15 =	vadd.f32 v34, v15;
	v38 =	vmul.f32 v26, v26;
	v8 =	vmul.f32 v37, v8  }
0x491: {  	v14 =	vadd.f32 v33, v14;
	v39 =	vmul.f32 v13, v63;
	v40 =	vmul.f32 v35, v35  }
0x492: {  	v12 =	vadd.f32 v36, v12;
	v23 =	vmul.f32 v38, v37;
	v8 =	vadd.f32 $-2.000000000e+00, v8  }
0x493: {  	v41 =	vmul.f32 v60, v60;
	v42 =	vmul.f32 v60, v35;
	v6 =	vadd.f32 v39, v6  }
0x494: {  	v7 =	vadd.f32 v7, v14;
	v12 =	vadd.f32 v40, v12;
	v43 =	vmul.f32 v23, v8  }
0x495: {  	v15 =	vadd.f32 v41, v15;
	v6 =	vadd.f32 v42, v6  }
0x496: {  	v44 =	vadd.f32 v26, v26;
	v12 =	vadd.f32 v12, v43;
	_ =	sdelay $0x1  }
0x497: {  	v6 =	vadd.f32 v6, v6;
	v13 =	vmul.f32 v44, v7;
	v12 =	vadd.f32 v12, v15;
	_ =	sdelay $0x1  }
0x498: {  	v45 =	vmul.f32 v13, v37;
	v6 =	vadd.f32 v6, v12;
	_ =	sdelay $0x1  }
0x499: {  	v46 =	vshra.s32 v29, $0x1;
	v47 =	vmul.f32 $5.000000000e-01, v29;
	v6 =	vsub.f32 v6, v45  }
0x49a: {  	v13 =	vsub.s32 $0x5F3759DF, v46  }
0x49b: {  	v48 =	vmul.f32 v13, v47;
	v49 =	vmax.f32 v6, $1.000000000e-30  }
0x49c: {  	v50 =	vshra.s32 v49, $0x1;
	v15 =	vmul.f32 $5.000000000e-01, v49  }
0x49d: {  	v12 =	vmul.f32 v13, v48;
	v16 =	vsub.s32 $0x5F3759DF, v50  }
0x49e: {  	v51 =	vmul.f32 v16, v15  }
0x49f: {  	v12 =	vsub.f32 $1.500000000e+00, v12  }
0x4a0: {  	v52 =	vmul.f32 v16, v51  }
0x4a1: {  	v12 =	vmul.f32 v13, v12  }
0x4a2: {  	v13 =	vsub.f32 $1.500000000e+00, v52  }
0x4a3: {  	v53 =	vmul.f32 v12, v47  }
0x4a4: {  	v13 =	vmul.f32 v16, v13  }
0x4a5: {  	v23 =	vmul.f32 v53, v12  }
0x4a6: {  	v55 =	vmul.f32 v13, v15  }
0x4a7: {  	v54 =	vsub.f32 $1.500000000e+00, v23  }
0x4a8: {  	v56 =	vmul.f32 v55, v13  }
0x4a9: {  	v12 =	vmul.f32 v54, v12  }
0x4aa: {  	v16 =	vsub.f32 $1.500000000e+00, v56  }
0x4ab: {  	v14 =	vmul.f32 v12, v47  }
0x4ac: {  	v13 =	vmul.f32 v16, v13  }
0x4ad: {  	v10 =	vadd.f32 v10, v17;
	v14 =	vmul.f32 v14, v12  }
0x4ae: {  	v11 =	vadd.f32 v11, v18;
	v5 =	vmul.f32 v5, v5;
	v15 =	vmul.f32 v13, v15  }
0x4af: {  	v57 =	vmul.f32 v9, v9;
	v59 =	vmul.f32 v59, v59;
	v14 =	vsub.f32 $1.500000000e+00, v14  }
0x4b0: {  	v5 =	vadd.f32 v5, v10;
	v60 =	vmul.f32 v19, v19;
	v58 =	vmul.f32 v15, v13  }
0x4b1: {  	v9 =	vadd.f32 v57, v11;
	v62 =	vmul.f32 v21, v21;
	v12 =	vmul.f32 v14, v12  }
0x4b2: {  	s18 =	sadd.s32 $0x1, s18;
	v5 =	vadd.f32 v59, v5;
	v63 =	vmul.f32 v22, v22;
	v61 =	vsub.f32 $1.500000000e+00, v58  }
0x4b3: {  	p0 =	sne.s32 s18, $0x4;
	v9 =	vadd.f32 v60, v9;
	v11 =	vmul.f32 v37, v62;
	v7 =	vmul.f32 v12, v7  }
.Ltmp27:
0x4b4: {  	v4 =	vadd.f32 v5, v4;
	v12 =	vmul.f32 v63, v37;
	v10 =	vmul.f32 v61, v13;
	(pc) =	sbr.rel @p0 .LBB2_54-.Ltmp27, $4  }
0x4b5: {  	v5 =	vmul.f32 v8, v11;
	v6 =	vmax.f32 v6, $0.0e+00;
	v7 =	vadd.f32 $-9.999999970e-07, v7  }
0x4b6: {  	v3 =	vadd.f32 v9, v3;
	v8 =	vmul.f32 v8, v12;
	v6 =	vmul.f32 v10, v6  }
0x4b7: {  	v4 =	vadd.f32 v4, v5;
	v7 =	vmax.f32 v7, $0.0e+00  }
0x4b8: {  	v3 =	vadd.f32 v3, v8;
	v2 =	vadd.f32 v7, v2;
	[tilespmem:s21+$0x10800] =	vst v6  }
0x4b9: {  	s16 =	simm.s32 $0x0  }
0x4ba: {  	s18 =	simm.s32 $0x880;
	s21 =	simm.s32 $0x2880;
	s29 =	simm.s32 $0x0  }
.LBB2_58:
0x4bb: {  	s6 =	sshll.u32 s29, $0x4  }
0x4bc: {  	s7 =	sor.u32 $0x180, s6  }
0x4bd: {  	v5 =	vmov s16;
	v6 =	vld [tilespmem:s7+$0x0]  }
0x4be: {  	vm0 =	veq.s32 v5, v0;
	v5 =	vld [tilespmem:s6+$0x380];
	_ =	sdelay $0x3  }
0x4bf: {  	s7 =	simm.s32 $0x1;
	v7 =	vnsel vm0, $0x0, v6  }
0x4c0: {  	v8 =	vnsel vm0, $0x0, v5;
	(xrf0) =	vadd.scan.msk.s32 $0xffff, v7;
	v7 =	vmov s7  }
0x4c1: {  	vm0 =	veq.s32 v7, v0;
	(xrf0) =	vadd.scan.msk.s32 $0xffff, v8  }
0x4c2: {  	s8 =	simm.s32 $0x2;
	v7 =	vnsel vm0, $0x0, v6  }
0x4c3: {  	(xrf0) =	vadd.scan.msk.s32 $0xffff, v7;
	v7 =	vmov s8  }
0x4c4: {  	v9 =	vnsel vm0, $0x0, v5;
	vm0 =	veq.s32 v7, v0  }
0x4c5: {  	(xrf0) =	vadd.scan.msk.s32 $0xffff, v9;
	v7 =	vnsel vm0, $0x0, v6  }
0x4c6: {  	v8, _, _ =	vpop (xrf0);
	(xrf0) =	vadd.scan.msk.s32 $0xffff, v7  }
0x4c7: {  	(v2sf) =	vpush v8, $0xF;
	v8, _, _ =	vpop (xrf0)  }
0x4c8: {  	(v2sf) =	vpush v8, $0xF  }
0x4c9: {  	v7, _, _ =	vpop (xrf0)  }
0x4ca: {  	(v2sf) =	vpush v7, $0xF  }
0x4cb: {  	v7, _, _ =	vpop (xrf0)  }
0x4cc: {  	s10 =	simm.s32 $0x3;
	(v2sf) =	vpush v7, $0xF;
	v7, _, _ =	vpop (xrf0)  }
0x4cd: {  	(v2sf) =	vpush v7, $0xF;
	v7 =	vmov s10  }
0x4ce: {  	v8 =	vnsel vm0, $0x0, v5;
	vm0 =	veq.s32 v7, v0  }
0x4cf: {  	s12 =	simm.s32 $0x4;
	(xrf0) =	vadd.scan.msk.s32 $0xffff, v8;
	v7 =	vnsel vm0, $0x0, v6  }
0x4d0: {  	(xrf0) =	vadd.scan.msk.s32 $0xffff, v7;
	v7 =	vmov s12  }
0x4d1: {  	s13 =	simm.s32 $0x5;
	v8 =	vnsel vm0, $0x0, v5;
	vm0 =	veq.s32 v7, v0  }
0x4d2: {  	(xrf0) =	vadd.scan.msk.s32 $0xffff, v8;
	v8 =	vmov s13;
	v7 =	vnsel vm0, $0x0, v6  }
0x4d3: {  	(xrf0) =	vadd.scan.msk.s32 $0xffff, v7;
	v7 =	vnsel vm0, $0x0, v5;
	vm0 =	veq.s32 v8, v0  }
0x4d4: {  	v8 =	vnsel vm0, $0x0, v6;
	_ =	sdelay $0x1  }
0x4d5: {  	(xrf0) =	vadd.scan.msk.s32 $0xffff, v7;
	s11 =	spop (v2sf);
	v7, _, _ =	vpop (xrf0)  }
0x4d6: {  	(xrf0) =	vadd.scan.msk.s32 $0xffff, v8;
	s6 =	sshll.u32 s11, $0x4;
	s10 =	spop (v2sf);
	v8, _, _ =	vpop (xrf0);
	(v2sf) =	vpush v7, $0xF  }
0x4d7: {  	s7 =	smov.u32 s21;
	s6 =	sand.u32 $0x1FFFFFF0, s6;
	(v2sf) =	vpush v8, $0xF;
	v7, _, _ =	vpop (xrf0)  }
0x4d8: {  	s8 =	sadd.s32 $0xFFFFFF80, s18;
	s6 =	sadd.s32 s5, s6;
	s12 =	spop (v2sf);
	(v2sf) =	vpush v7, $0xF  }
0x4d9: {  	[tilespmem:s8], [sflag:$0x1] =	stream.linear.gather [hbm4b:s6+s4], $0x80, $0x38;
	[tilespmem:$0x10A80] =	vst v63  }
0x4da: {  	s13 =	simm.s32 $0x6;
	s11 =	sadd.s32 $0xFFFFFF80, s21;
	s6 =	sshll.u32 s10, $0x4  }
0x4db: {  	v63 =	vnsel vm0, $0x0, v5;
	v7, _, _ =	vpop (xrf0);
	s8 =	sshll.u32 s12, $0x4;
	s10 =	spop (v2sf);
	s6 =	sand.u32 $0x1FFFFFF0, s6  }
0x4dc: {  	(xrf0) =	vadd.scan.msk.s32 $0xffff, v63;
	v8 =	vmov s13;
	(v2sf) =	vpush v7, $0xF;
	s8 =	sand.u32 $0x1FFFFFF0, s8;
	s10 =	sshll.u32 s10, $0x4;
	s6 =	sadd.s32 s5, s6  }
0x4dd: {  	vm0 =	veq.s32 v8, v0;
	[tilespmem:s11], [sflag:$0x1] =	stream.linear.gather [hbm4b:s6+s4], $0x80, $0x38;
	[tilespmem:$0x10A80] =	vst v63  }
0x4de: {  	v7 =	vnsel vm0, $0x0, v6;
	s8 =	sadd.s32 s5, s8;
	s10 =	sand.u32 $0x1FFFFFF0, s10;
	s11 =	spop (v2sf)  }
0x4df: {  	v8, _, _ =	vpop (xrf0);
	(xrf0) =	vadd.scan.msk.s32 $0xffff, v7;
	s12 =	sadd.s32 s5, s10;
	s6 =	sadd.s32 $0x100, s18;
	s13 =	sshll.u32 s11, $0x4  }
0x4e0: {  	(v2sf) =	vpush v8, $0xF;
	[tilespmem:s18], [sflag:$0x1] =	stream.linear.gather [hbm4b:s8+s4], $0x80, $0x38;
	[tilespmem:$0x10A80] =	vst v63  }
0x4e1: {  	s10 =	simm.s32 $0x7;
	s8 =	simm.s32 $0x8;
	s11 =	sand.u32 $0x1FFFFFF0, s13  }
0x4e2: {  	v7, _, _ =	vpop (xrf0);
	[tilespmem:s21], [sflag:$0x1] =	stream.linear.gather [hbm4b:s12+s4], $0x80, $0x38;
	[tilespmem:$0x10A80] =	vst v63  }
.LBB2_59:
0x4e3: {  	p0 =	slt.u32 s8, $0xE;
	(v2sf) =	vpush v7, $0xF;
	v7, _, _ =	vpop (xrf0);
	s12 =	sadd.s32 $0xFFFFFF80, s6;
	s11 =	sadd.s32 s5, s11  }
0x4e4: {  	(v2sf) =	vpush v7, $0xF;
	[tilespmem:s12], [sflag:$0x1] =	stream.linear.gather [hbm4b:s11+s4], $0x80, $0x38;
	[tilespmem:$0x10A80] =	vst v63  }
0x4e5: {  	v9 =	vmov s10;
	s7 =	sadd.s32 $0x100, s7;
	s10 =	spop (v2sf)  }
0x4e6: {  	v8 =	vnsel vm0, $0x0, v5;
	vm0 =	veq.s32 v9, v0;
	s11 =	sadd.s32 $0xFFFFFF80, s7;
	v7, _, _ =	vpop (xrf0);
	s10 =	sshll.u32 s10, $0x4;
	s12 =	spop (v2sf)  }
0x4e7: {  	v9 =	vnsel vm0, $0x0, v6;
	(v2sf) =	vpush v7, $0xF;
	(xrf0) =	vadd.scan.msk.s32 $0xffff, v8;
	s10 =	sand.u32 $0x1FFFFFF0, s10;
	s12 =	sshll.u32 s12, $0x4;
	s13 =	spop (v2sf)  }
0x4e8: {  	v7 =	vnsel vm0, $0x0, v5;
	(xrf0) =	vadd.scan.msk.s32 $0xffff, v9;
	s10 =	sadd.s32 s5, s10;
	s12 =	sand.u32 $0x1FFFFFF0, s12;
	s13 =	sshll.u32 s13, $0x4  }
0x4e9: {  	[tilespmem:s11], [sflag:$0x1] =	stream.linear.gather [hbm4b:s10+s4], $0x80, $0x38;
	[tilespmem:$0x10A80] =	vst v63  }
0x4ea: {  	v8 =	vmov s8;
	(xrf0) =	vadd.scan.msk.s32 $0xffff, v7;
	s11 =	sadd.s32 s5, s12  }
.Ltmp28:
0x4eb: {  	vm0 =	veq.s32 v8, v0;
	s12 =	sand.u32 $0x1FFFFFF0, s13;
	s10 =	spop (v2sf);
	(pc) =	sbr.rel @p0 .LBB2_59-.Ltmp28, $4  }
0x4ec: {  	v8 =	vnsel vm0, $0x0, v6;
	[tilespmem:s6], [sflag:$0x1] =	stream.linear.gather [hbm4b:s11+s4], $0x80, $0x38;
	[tilespmem:$0x10A80] =	vst v63  }
0x4ed: {  	s11 =	sshll.u32 s10, $0x4;
	s10 =	sadd.s32 s5, s12;
	s6 =	sadd.s32 $0x100, s6;
	(xrf0) =	vadd.scan.msk.s32 $0xffff, v8  }
0x4ee: {  	v7, _, _ =	vpop (xrf0);
	[tilespmem:s7], [sflag:$0x1] =	stream.linear.gather [hbm4b:s10+s4], $0x80, $0x38;
	[tilespmem:$0x10A80] =	vst v63  }
0x4ef: {  	s11 =	sand.u32 $0x1FFFFFF0, s11;
	s10 =	sadd.s32 $0x1, s8;
	s8 =	sadd.s32 $0x2, s8;
	(v2sf) =	vpush v7, $0xF;
	v7, _, _ =	vpop (xrf0)  }
0x4f0: {  	(v2sf) =	vpush v7, $0xF;
	v7, _, _ =	vpop (xrf0)  }
0x4f1: {  	s8 =	sadd.s32 $0xFFFFFF80, s6;
	s11 =	sadd.s32 s5, s11;
	s12 =	spop (v2sf);
	(v2sf) =	vpush v7, $0xF;
	v7 =	vmov s10  }
0x4f2: {  	[tilespmem:s8], [sflag:$0x1] =	stream.linear.gather [hbm4b:s11+s4], $0x80, $0x38;
	[tilespmem:$0x10A80] =	vst v63  }
0x4f3: {  	s7 =	sadd.s32 $0x100, s7;
	s8 =	sshll.u32 s12, $0x4  }
0x4f4: {  	v8 =	vnsel vm0, $0x0, v5;
	s10 =	sadd.s32 $0xFFFFFF80, s7;
	vm15 =	veq.s32 v7, v0;
	s13 =	spop (v2sf);
	s8 =	sand.u32 $0x1FFFFFF0, s8;
	v7, _, _ =	vpop (xrf0)  }
0x4f5: {  	s11 =	sshll.u32 s13, $0x4;
	s12 =	spop (v2sf);
	s8 =	sadd.s32 s5, s8;
	(xrf0) =	vadd.scan.msk.s32 $0xffff, v8;
	(v2sf) =	vpush v7, $0xF  }
0x4f6: {  	v6 =	vnsel vm15, $0x0, v6;
	[tilespmem:s10], [sflag:$0x1] =	stream.linear.gather [hbm4b:s8+s4], $0x80, $0x38;
	[tilespmem:$0x10A80] =	vst v63  }
0x4f7: {  	v5 =	vnsel vm15, $0x0, v5;
	s11 =	sand.u32 $0x1FFFFFF0, s11;
	s12 =	sshll.u32 s12, $0x4;
	(xrf0) =	vadd.scan.msk.s32 $0xffff, v6  }
0x4f8: {  	s11 =	sadd.s32 s5, s11;
	s13 =	sand.u32 $0x1FFFFFF0, s12;
	(xrf0) =	vadd.scan.msk.s32 $0xffff, v5;
	s8 =	spop (v2sf)  }
0x4f9: {  	[tilespmem:s6], [sflag:$0x1] =	stream.linear.gather [hbm4b:s11+s4], $0x80, $0x38;
	[tilespmem:$0x10A80] =	vst v63  }
0x4fa: {  	s12 =	sadd.s32 s5, s13;
	s8 =	sshll.u32 s8, $0x4  }
0x4fb: {  	[tilespmem:s7], [sflag:$0x1] =	stream.linear.gather [hbm4b:s12+s4], $0x80, $0x38;
	v5, _, _ =	vpop (xrf0);
	[tilespmem:$0x10A80] =	vst v63  }
0x4fc: {  	s6 =	sadd.s32 $0x100, s6;
	s8 =	sand.u32 $0x1FFFFFF0, s8;
	(v2sf) =	vpush v5, $0xF  }
0x4fd: {  	s13 =	sadd.s32 $0xFFFFFF80, s6;
	s8 =	sadd.s32 s5, s8;
	v5, _, _ =	vpop (xrf0)  }
0x4fe: {  	[tilespmem:s13], [sflag:$0x1] =	stream.linear.gather [hbm4b:s8+s4], $0x80, $0x38;
	(v2sf) =	vpush v5, $0xF;
	v5, _, _ =	vpop (xrf0);
	[tilespmem:$0x10A80] =	vst v63  }
0x4ff: {  	s7 =	sadd.s32 $0x100, s7;
	(v2sf) =	vpush v5, $0xF;
	s11 =	spop (v2sf)  }
0x500: {  	s10 =	sadd.s32 $0xFFFFFF80, s7;
	s8 =	sshll.u32 s11, $0x4;
	s12 =	spop (v2sf)  }
0x501: {  	s8 =	sand.u32 $0x1FFFFFF0, s8;
	s11 =	sshll.u32 s12, $0x4;
	s13 =	spop (v2sf)  }
0x502: {  	s8 =	sadd.s32 s5, s8;
	s11 =	sand.u32 $0x1FFFFFF0, s11;
	s12 =	sshll.u32 s13, $0x4  }
0x503: {  	[tilespmem:s10], [sflag:$0x1] =	stream.linear.gather [hbm4b:s8+s4], $0x80, $0x38;
	[tilespmem:$0x10A80] =	vst v63  }
0x504: {  	s11 =	sadd.s32 s5, s11;
	s13 =	sand.u32 $0x1FFFFFF0, s12;
	s8 =	spop (v2sf)  }
0x505: {  	[tilespmem:s6], [sflag:$0x1] =	stream.linear.gather [hbm4b:s11+s4], $0x80, $0x38;
	[tilespmem:$0x10A80] =	vst v63  }
0x506: {  	s12 =	sadd.s32 s5, s13;
	s8 =	sshll.u32 s8, $0x4  }
0x507: {  	[tilespmem:s7], [sflag:$0x1] =	stream.linear.gather [hbm4b:s12+s4], $0x80, $0x38;
	[tilespmem:$0x10A80] =	vst v63  }
0x508: {  	s6 =	sadd.s32 $0x100, s6;
	s8 =	sand.u32 $0x1FFFFFF0, s8  }
0x509: {  	s13 =	sadd.s32 $0xFFFFFF80, s6;
	s8 =	sadd.s32 s5, s8  }
0x50a: {  	[tilespmem:s13], [sflag:$0x1] =	stream.linear.gather [hbm4b:s8+s4], $0x80, $0x38;
	[tilespmem:$0x10A80] =	vst v63  }
0x50b: {  	s29 =	sadd.s32 $0x1, s29;
	s11 =	spop (v2sf)  }
0x50c: {  	p0 =	sne.s32 s29, $0x4;
	s7 =	sadd.s32 $0x100, s7;
	s8 =	sshll.u32 s11, $0x4  }
0x50d: {  	s10 =	sadd.s32 $0xFFFFFF80, s7;
	s12 =	spop (v2sf);
	s8 =	sand.u32 $0x1FFFFFF0, s8  }
0x50e: {  	s11 =	sshll.u32 s12, $0x4;
	s13 =	spop (v2sf);
	s8 =	sadd.s32 s5, s8  }
0x50f: {  	[tilespmem:s10], [sflag:$0x1] =	stream.linear.gather [hbm4b:s8+s4], $0x80, $0x38;
	[tilespmem:$0x10A80] =	vst v63  }
.Ltmp29:
0x510: {  	s11 =	sand.u32 $0x1FFFFFF0, s11;
	s12 =	sshll.u32 s13, $0x4;
	(pc) =	sbr.rel @p0 .LBB2_58-.Ltmp29, $4  }
0x511: {  	s11 =	sadd.s32 s5, s11;
	s12 =	sand.u32 $0x1FFFFFF0, s12  }
0x512: {  	[tilespmem:s6], [sflag:$0x1] =	stream.linear.gather [hbm4b:s11+s4], $0x80, $0x38;
	[tilespmem:$0x10A80] =	vst v63  }
0x513: {  	s18 =	sadd.s32 $0x800, s18;
	s21 =	sadd.s32 $0x800, s21;
	s13 =	sadd.s32 s5, s12  }
0x514: {  	[tilespmem:s7], [sflag:$0x1] =	stream.linear.gather [hbm4b:s13+s4], $0x80, $0x38;
	[tilespmem:$0x10A80] =	vst v63  }
0x515: {  	s6 =	simm.s32 $0x780  }
0x516: {  	[tilespmem:s19], [sflag:$0x2] =	stream.indirect.gather [hbm4b:s1+s17], $0x80, s6, s17, $0xb8;
	[tilespmem:$0x10A80] =	vst v63  }
0x517: {  	_ = 	snop  }
0x518: {  	[tilespmem:s20], [sflag:$0x2] =	stream.indirect.gather [hbm4b:s2+s17], $0x80, s6, s17, $0xb8;
	[tilespmem:$0x10A80] =	vst v63  }
0x519: {  	_ =	swait.ge [sflag:s30], $0x80  }
0x51a: {  	s6 =	simm.s32 $0x7F;
	[sflag:s30] =	ssyncset.done $0x0  }
.LBB2_62:
0x51b: {  	p0 =	sne.s32 s6, $0x1;
	s6 =	sadd.s32 $0xFFFFFFFF, s6;
	[sflag:s30] =	ssyncadd.s32 $0xFFFFFF80  }
.Ltmp30:
0x51c: {  	(pc) =	sbr.rel @p0 .LBB2_62-.Ltmp30, $3  }
0x51d: {  	_ =	sdelay $0x1  }
0x51e: {  	_ =	swait.ge [sflag:s30], $0x80  }
0x51f: {  	[sflag:s30] =	ssyncset.done $0x0  }
0x520: {  	[sflag:s30] =	ssyncadd.s32 $0xFFFFFF80  }
0x521: {  	_ =	swait.ge [sflag:s31], $0x2000  }
0x522: {  	[sflag:s31] =	ssyncset.done $0x0  }
0x523: {  	[sflag:s31] =	ssyncadd.s32 $0xFFFFE000  }
0x524: {  	_ =	swait.ge [sflag:s31], $0x2000  }
0x525: {  	[sflag:s31] =	ssyncset.done $0x0  }
0x526: {  	s16 =	simm.s32 $0x0;
	s18 =	simm.s32 $0x0;
	[sflag:s31] =	ssyncadd.s32 $0xFFFFE000  }
.LBB2_64:
0x527: {  	s6 =	sshll.u32 s18, $0x4  }
0x528: {  	v5 =	vld [tilespmem:s6+$0x540];
	_ =	sdelay $0x3  }
0x529: {  	v6 =	vmov s6  }
0x52a: {  	v6 =	vshll.u32 v6, $0x7;
	v5 =	vshll.u32 v5, $0x6  }
0x52b: {  	v7 =	vor.u32 v1, v6;
	v6 =	vadd.s32 s16, v0;
	v5 =	vand.u32 $0x40, v5  }
0x52c: {  	v8 =	vor.u32 v7, v5;
	v5 =	vand.u32 $0x3F, v6  }
0x52d: {  	v6 =	vor.u32 v5, v8  }
0x52e: {  	s7 =	simm.s32 $0x1  }
0x52f: {  	v9 =	vadd.s32 s7, v0;
	v5 =	vor.u32 v7, v5  }
0x530: {  	v9 =	vand.u32 $0x3F, v9  }
0x531: {  	v10 =	vor.u32 v9, v8  }
0x532: {  	v15 =	vld.idx.msk [tilespmem:v6+s22+$0x0], $0xffff  }
0x533: {  	v9 =	vor.u32 v7, v9;
	v11 =	vld.idx.msk [tilespmem:v6+s23+$0x0], $0xffff  }
0x534: {  	v13 =	vld.idx.msk [tilespmem:v5+s0+$0x0], $0xffff  }
0x535: {  	v5 =	vld.idx.msk [tilespmem:v5+s3+$0x0], $0xffff  }
0x536: {  	s21 =	simm.s32 $0x2;
	v6 =	vld.idx.msk [tilespmem:v10+s22+$0x0], $0xffff  }
0x537: {  	v12 =	vadd.s32 s21, v0;
	v10 =	vld.idx.msk [tilespmem:v10+s23+$0x0], $0xffff  }
0x538: {  	s29 =	simm.s32 $0x3;
	v14 =	vand.u32 $0x3F, v12;
	v17 =	vld.idx.msk [tilespmem:v9+s0+$0x0], $0xffff  }
0x539: {  	v16 =	vadd.s32 s29, v0;
	v12 =	vimm.f32 $0.0e+00;
	v24 =	vor.u32 v7, v14;
	v9 =	vld.idx.msk [tilespmem:v9+s3+$0x0], $0xffff  }
0x53a: {  	v18 =	vor.u32 v14, v8;
	v20 =	vmul.f32 v11, v11;
	v14 =	vmul.f32 v11, v13  }
0x53b: {  	v19 =	vand.u32 $0x3F, v16;
	v21 =	vmul.f32 v11, v5;
	v11 =	vmul.f32 v11, v15  }
0x53c: {  	v16 =	vor.u32 v19, v8;
	v22 =	vmul.f32 v15, v15;
	v28 =	vmul.f32 v13, v13  }
0x53d: {  	v19 =	vor.u32 v7, v19;
	v29 =	vmul.f32 v5, v5;
	v23 =	vmul.f32 v10, v10  }
0x53e: {  	v26 =	vmul.f32 v10, v17;
	v27 =	vsub.f32 v13, v5;
	v5 =	vmul.f32 v10, v9  }
0x53f: {  	v30 =	vmul.f32 v10, v6;
	v25 =	vsub.f32 v17, v9;
	v20 =	vadd.f32 v20, v12  }
0x540: {  	v31 =	vmul.f32 v6, v6;
	v14 =	vadd.f32 v14, v12;
	v32 =	vadd.f32 v21, v12  }
0x541: {  	v10 =	vmul.f32 v17, v17;
	v17 =	vadd.f32 v11, v12;
	v33 =	vadd.f32 v22, v12  }
0x542: {  	v13 =	vld.idx.msk [tilespmem:v18+s22+$0x0], $0xffff;
	v11 =	vmul.f32 v9, v9;
	v20 =	vadd.f32 v23, v20;
	v21 =	vadd.f32 v26, v14  }
0x543: {  	v9 =	vld.idx.msk [tilespmem:v24+s3+$0x0], $0xffff;
	v26 =	vmul.f32 v27, v27;
	v22 =	vadd.f32 v5, v32;
	v14 =	vadd.f32 v30, v17  }
0x544: {  	v23 =	vld.idx.msk [tilespmem:v18+s23+$0x0], $0xffff;
	v27 =	vmul.f32 v15, v27;
	v15 =	vadd.f32 v31, v33;
	v17 =	vadd.f32 v28, v12  }
0x545: {  	s21 =	sor.u32 $0x140, s6;
	s6 =	simm.s32 $0x4;
	v5 =	vld.idx.msk [tilespmem:v24+s0+$0x0], $0xffff;
	v18 =	vadd.f32 v29, v12;
	v28 =	vmul.f32 v25, v25;
	v24 =	vimm.f32 $0.0e+00  }
.LBB2_65:
0x546: {  	p0 =	slt.u32 s6, $0x3E;
	v12 =	vadd.f32 v26, v12;
	v24 =	vadd.f32 v27, v24;
	v25 =	vmul.f32 v6, v25;
	v6 =	vld.idx.msk [tilespmem:v16+s22+$0x0], $0xffff  }
0x547: {  	v26 =	vld.idx.msk [tilespmem:v16+s23+$0x0], $0xffff;
	v17 =	vadd.f32 v10, v17;
	v18 =	vadd.f32 v11, v18  }
0x548: {  	s7 =	sadd.s32 $0x1, s6;
	v10 =	vadd.s32 s6, v0;
	v27 =	vmovc v13;
	v11 =	vld.idx.msk [tilespmem:v19+s0+$0x0], $0xffff;
	v12 =	vadd.f32 v28, v12;
	v24 =	vadd.f32 v25, v24  }
0x549: {  	v16 =	vadd.s32 s7, v0;
	v10 =	vand.u32 $0x3F, v10;
	v28 =	vld.idx.msk [tilespmem:v19+s3+$0x0], $0xffff  }
0x54a: {  	v25 =	vmul.f32 v23, v23;
	v29 =	vor.u32 v10, v8;
	v19 =	vand.u32 $0x3F, v16  }
0x54b: {  	v30 =	vor.u32 v7, v10;
	v10 =	vmul.f32 v23, v5;
	v31 =	vmul.f32 v23, v9  }
0x54c: {  	v32 =	vmul.f32 v13, v27;
	v16 =	vor.u32 v19, v8;
	v23 =	vmul.f32 v23, v27  }
0x54d: {  	v33 =	vmul.f32 v5, v5;
	v19 =	vor.u32 v7, v19;
	v34 =	vmul.f32 v9, v9  }
0x54e: {  	v13 =	vadd.f32 v25, v20;
	v20 =	vmul.f32 v26, v26;
	v35 =	vmul.f32 v26, v11  }
0x54f: {  	v9 =	vsub.f32 v5, v9;
	v36 =	vmul.f32 v26, v6;
	v5 =	vmul.f32 v26, v28  }
0x550: {  	v37 =	vmul.f32 v6, v6;
	v25 =	vsub.f32 v11, v28;
	v20 =	vadd.f32 v20, v13  }
.Ltmp31:
0x551: {  	v21 =	vadd.f32 v10, v21;
	v22 =	vadd.f32 v31, v22;
	v10 =	vmul.f32 v11, v11;
	(pc) =	sbr.rel @p0 .LBB2_65-.Ltmp31, $4  }
0x552: {  	v15 =	vadd.f32 v32, v15;
	v14 =	vadd.f32 v23, v14;
	v11 =	vmul.f32 v28, v28;
	v13 =	vld.idx.msk [tilespmem:v29+s22+$0x0], $0xffff  }
0x553: {  	v26 =	vmul.f32 v9, v9;
	v21 =	vadd.f32 v35, v21;
	v22 =	vadd.f32 v5, v22;
	v23 =	vld.idx.msk [tilespmem:v29+s23+$0x0], $0xffff  }
0x554: {  	v27 =	vmul.f32 v27, v9;
	v15 =	vadd.f32 v37, v15;
	v14 =	vadd.f32 v36, v14;
	v5 =	vld.idx.msk [tilespmem:v30+s0+$0x0], $0xffff  }
0x555: {  	s6 =	sadd.s32 $0x2, s6;
	v17 =	vadd.f32 v33, v17;
	v18 =	vadd.f32 v34, v18;
	v28 =	vmul.f32 v25, v25;
	v9 =	vld.idx.msk [tilespmem:v30+s3+$0x0], $0xffff  }
0x556: {  	_ =	sdelay $0x3  }
0x557: {  	v7 =	vld.idx.msk [tilespmem:v16+s23+$0x0], $0xffff;
	_ =	sdelay $0x2  }
0x558: {  	v8 =	vmul.f32 v23, v23;
	_ =	sdelay $0x1  }
0x559: {  	v8 =	vadd.f32 v8, v20;
	v58 =	vmul.f32 v7, v7;
	_ =	sdelay $0x1  }
0x55a: {  	v8 =	vadd.f32 v58, v8  }
0x55b: {  	v59 =	vld.idx.msk [tilespmem:v19+s0+$0x0], $0xffff  }
0x55c: {  	v19 =	vld.idx.msk [tilespmem:v19+s3+$0x0], $0xffff;
	v29 =	vmax.f32 v8, $1.000000020e-24  }
0x55d: {  	(erf) = vrcp.f32 v29  }
0x55e: {  	v30 =	vmul.f32 v23, v5  }
0x55f: {  	v31 =	vmul.f32 v23, v9  }
0x560: {  	v21 =	vadd.f32 v30, v21  }
0x561: {  	v60 =	vld.idx.msk [tilespmem:v16+s22+$0x0], $0xffff;
	v61 =	vmul.f32 v7, v59;
	v62 =	vmul.f32 v7, v19;
	v22 =	vadd.f32 v31, v22  }
0x562: {  	v12 =	vadd.f32 v26, v12;
	v24 =	vadd.f32 v27, v24  }
0x563: {  	v6 =	vmul.f32 v6, v25;
	v21 =	vadd.f32 v61, v21;
	v22 =	vadd.f32 v62, v22  }
0x564: {  	v34 =	vmul.f32 v13, v13;
	v12 =	vadd.f32 v28, v12;
	v63 =	vsub.f32 v5, v9  }
0x565: {  	v6 =	vadd.f32 v6, v24;
	v33 =	vmul.f32 v23, v13;
	v26 =	vsub.f32 v21, v22  }
0x566: {  	v7 =	vmul.f32 v7, v60;
	v35 =	vsub.f32 v59, v19;
	v36 =	vmul.f32 v63, v63;
	v37 =	vpop (erf)  }
0x567: {  	v15 =	vadd.f32 v34, v15;
	v38 =	vmul.f32 v26, v26;
	v8 =	vmul.f32 v37, v8  }
0x568: {  	v14 =	vadd.f32 v33, v14;
	v39 =	vmul.f32 v13, v63;
	v40 =	vmul.f32 v35, v35  }
0x569: {  	v12 =	vadd.f32 v36, v12;
	v23 =	vmul.f32 v38, v37;
	v8 =	vadd.f32 $-2.000000000e+00, v8  }
0x56a: {  	v41 =	vmul.f32 v60, v60;
	v42 =	vmul.f32 v60, v35;
	v6 =	vadd.f32 v39, v6  }
0x56b: {  	v7 =	vadd.f32 v7, v14;
	v12 =	vadd.f32 v40, v12;
	v43 =	vmul.f32 v23, v8  }
0x56c: {  	v15 =	vadd.f32 v41, v15;
	v6 =	vadd.f32 v42, v6  }
0x56d: {  	v44 =	vadd.f32 v26, v26;
	v12 =	vadd.f32 v12, v43;
	_ =	sdelay $0x1  }
0x56e: {  	v6 =	vadd.f32 v6, v6;
	v13 =	vmul.f32 v44, v7;
	v12 =	vadd.f32 v12, v15;
	_ =	sdelay $0x1  }
0x56f: {  	v45 =	vmul.f32 v13, v37;
	v6 =	vadd.f32 v6, v12;
	_ =	sdelay $0x1  }
0x570: {  	v46 =	vshra.s32 v29, $0x1;
	v47 =	vmul.f32 $5.000000000e-01, v29;
	v6 =	vsub.f32 v6, v45  }
0x571: {  	v13 =	vsub.s32 $0x5F3759DF, v46  }
0x572: {  	v48 =	vmul.f32 v13, v47;
	v49 =	vmax.f32 v6, $1.000000000e-30  }
0x573: {  	v50 =	vshra.s32 v49, $0x1;
	v15 =	vmul.f32 $5.000000000e-01, v49  }
0x574: {  	v12 =	vmul.f32 v13, v48;
	v16 =	vsub.s32 $0x5F3759DF, v50  }
0x575: {  	v51 =	vmul.f32 v16, v15  }
0x576: {  	v12 =	vsub.f32 $1.500000000e+00, v12  }
0x577: {  	v52 =	vmul.f32 v16, v51  }
0x578: {  	v12 =	vmul.f32 v13, v12  }
0x579: {  	v13 =	vsub.f32 $1.500000000e+00, v52  }
0x57a: {  	v53 =	vmul.f32 v12, v47  }
0x57b: {  	v13 =	vmul.f32 v16, v13  }
0x57c: {  	v23 =	vmul.f32 v53, v12  }
0x57d: {  	v55 =	vmul.f32 v13, v15  }
0x57e: {  	v54 =	vsub.f32 $1.500000000e+00, v23  }
0x57f: {  	v56 =	vmul.f32 v55, v13  }
0x580: {  	v12 =	vmul.f32 v54, v12  }
0x581: {  	v16 =	vsub.f32 $1.500000000e+00, v56  }
0x582: {  	v14 =	vmul.f32 v12, v47  }
0x583: {  	v13 =	vmul.f32 v16, v13  }
0x584: {  	v10 =	vadd.f32 v10, v17;
	v14 =	vmul.f32 v14, v12  }
0x585: {  	v11 =	vadd.f32 v11, v18;
	v5 =	vmul.f32 v5, v5;
	v15 =	vmul.f32 v13, v15  }
0x586: {  	v57 =	vmul.f32 v9, v9;
	v59 =	vmul.f32 v59, v59;
	v14 =	vsub.f32 $1.500000000e+00, v14  }
0x587: {  	v5 =	vadd.f32 v5, v10;
	v60 =	vmul.f32 v19, v19;
	v58 =	vmul.f32 v15, v13  }
0x588: {  	v9 =	vadd.f32 v57, v11;
	v62 =	vmul.f32 v21, v21;
	v12 =	vmul.f32 v14, v12  }
0x589: {  	s18 =	sadd.s32 $0x1, s18;
	v5 =	vadd.f32 v59, v5;
	v63 =	vmul.f32 v22, v22;
	v61 =	vsub.f32 $1.500000000e+00, v58  }
0x58a: {  	p0 =	sne.s32 s18, $0x4;
	v9 =	vadd.f32 v60, v9;
	v11 =	vmul.f32 v37, v62;
	v7 =	vmul.f32 v12, v7  }
.Ltmp32:
0x58b: {  	v4 =	vadd.f32 v5, v4;
	v12 =	vmul.f32 v63, v37;
	v10 =	vmul.f32 v61, v13;
	(pc) =	sbr.rel @p0 .LBB2_64-.Ltmp32, $4  }
0x58c: {  	v5 =	vmul.f32 v8, v11;
	v6 =	vmax.f32 v6, $0.0e+00;
	v7 =	vadd.f32 $-9.999999970e-07, v7  }
0x58d: {  	v3 =	vadd.f32 v9, v3;
	v8 =	vmul.f32 v8, v12;
	v6 =	vmul.f32 v10, v6  }
0x58e: {  	v4 =	vadd.f32 v4, v5;
	v7 =	vmax.f32 v7, $0.0e+00  }
0x58f: {  	v3 =	vadd.f32 v3, v8;
	v2 =	vadd.f32 v7, v2;
	[tilespmem:s21+$0x10800] =	vst v6  }
0x590: {  	s16 =	simm.s32 $0x0  }
0x591: {  	s18 =	simm.s32 $0x8880;
	s21 =	simm.s32 $0xA880;
	s29 =	simm.s32 $0x0  }
.LBB2_68:
0x592: {  	s6 =	sshll.u32 s29, $0x4  }
0x593: {  	s7 =	sor.u32 $0x1C0, s6  }
0x594: {  	v5 =	vmov s16;
	v6 =	vld [tilespmem:s7+$0x0]  }
0x595: {  	vm0 =	veq.s32 v5, v0;
	v5 =	vld [tilespmem:s6+$0x3C0];
	_ =	sdelay $0x3  }
0x596: {  	s7 =	simm.s32 $0x1;
	v7 =	vnsel vm0, $0x0, v6  }
0x597: {  	v8 =	vnsel vm0, $0x0, v5;
	(xrf0) =	vadd.scan.msk.s32 $0xffff, v7;
	v7 =	vmov s7  }
0x598: {  	vm0 =	veq.s32 v7, v0;
	(xrf0) =	vadd.scan.msk.s32 $0xffff, v8  }
0x599: {  	s8 =	simm.s32 $0x2;
	v7 =	vnsel vm0, $0x0, v6  }
0x59a: {  	(xrf0) =	vadd.scan.msk.s32 $0xffff, v7;
	v7 =	vmov s8  }
0x59b: {  	v9 =	vnsel vm0, $0x0, v5;
	vm0 =	veq.s32 v7, v0  }
0x59c: {  	(xrf0) =	vadd.scan.msk.s32 $0xffff, v9;
	v7 =	vnsel vm0, $0x0, v6  }
0x59d: {  	v8, _, _ =	vpop (xrf0);
	(xrf0) =	vadd.scan.msk.s32 $0xffff, v7  }
0x59e: {  	(v2sf) =	vpush v8, $0xF;
	v8, _, _ =	vpop (xrf0)  }
0x59f: {  	(v2sf) =	vpush v8, $0xF  }
0x5a0: {  	v7, _, _ =	vpop (xrf0)  }
0x5a1: {  	(v2sf) =	vpush v7, $0xF  }
0x5a2: {  	v7, _, _ =	vpop (xrf0)  }
0x5a3: {  	s10 =	simm.s32 $0x3;
	(v2sf) =	vpush v7, $0xF;
	v7, _, _ =	vpop (xrf0)  }
0x5a4: {  	(v2sf) =	vpush v7, $0xF;
	v7 =	vmov s10  }
0x5a5: {  	v8 =	vnsel vm0, $0x0, v5;
	vm0 =	veq.s32 v7, v0  }
0x5a6: {  	s12 =	simm.s32 $0x4;
	(xrf0) =	vadd.scan.msk.s32 $0xffff, v8;
	v7 =	vnsel vm0, $0x0, v6  }
0x5a7: {  	(xrf0) =	vadd.scan.msk.s32 $0xffff, v7;
	v7 =	vmov s12  }
0x5a8: {  	s13 =	simm.s32 $0x5;
	v8 =	vnsel vm0, $0x0, v5;
	vm0 =	veq.s32 v7, v0  }
0x5a9: {  	(xrf0) =	vadd.scan.msk.s32 $0xffff, v8;
	v8 =	vmov s13;
	v7 =	vnsel vm0, $0x0, v6  }
0x5aa: {  	(xrf0) =	vadd.scan.msk.s32 $0xffff, v7;
	v7 =	vnsel vm0, $0x0, v5;
	vm0 =	veq.s32 v8, v0  }
0x5ab: {  	v8 =	vnsel vm0, $0x0, v6;
	_ =	sdelay $0x1  }
0x5ac: {  	(xrf0) =	vadd.scan.msk.s32 $0xffff, v7;
	s11 =	spop (v2sf);
	v7, _, _ =	vpop (xrf0)  }
0x5ad: {  	(xrf0) =	vadd.scan.msk.s32 $0xffff, v8;
	s6 =	sshll.u32 s11, $0x4;
	s10 =	spop (v2sf);
	v8, _, _ =	vpop (xrf0);
	(v2sf) =	vpush v7, $0xF  }
0x5ae: {  	s7 =	smov.u32 s21;
	s6 =	sand.u32 $0x1FFFFFF0, s6;
	(v2sf) =	vpush v8, $0xF;
	v7, _, _ =	vpop (xrf0)  }
0x5af: {  	s8 =	sadd.s32 $0xFFFFFF80, s18;
	s6 =	sadd.s32 s5, s6;
	s12 =	spop (v2sf);
	(v2sf) =	vpush v7, $0xF  }
0x5b0: {  	[tilespmem:s8], [sflag:$0x3] =	stream.linear.gather [hbm4b:s6+s4], $0x80, $0x38;
	[tilespmem:$0x10A80] =	vst v63  }
0x5b1: {  	s13 =	simm.s32 $0x6;
	s11 =	sadd.s32 $0xFFFFFF80, s21;
	s6 =	sshll.u32 s10, $0x4  }
0x5b2: {  	v63 =	vnsel vm0, $0x0, v5;
	v7, _, _ =	vpop (xrf0);
	s8 =	sshll.u32 s12, $0x4;
	s10 =	spop (v2sf);
	s6 =	sand.u32 $0x1FFFFFF0, s6  }
0x5b3: {  	(xrf0) =	vadd.scan.msk.s32 $0xffff, v63;
	v8 =	vmov s13;
	(v2sf) =	vpush v7, $0xF;
	s8 =	sand.u32 $0x1FFFFFF0, s8;
	s10 =	sshll.u32 s10, $0x4;
	s6 =	sadd.s32 s5, s6  }
0x5b4: {  	vm0 =	veq.s32 v8, v0;
	[tilespmem:s11], [sflag:$0x3] =	stream.linear.gather [hbm4b:s6+s4], $0x80, $0x38;
	[tilespmem:$0x10A80] =	vst v63  }
0x5b5: {  	v7 =	vnsel vm0, $0x0, v6;
	s8 =	sadd.s32 s5, s8;
	s10 =	sand.u32 $0x1FFFFFF0, s10;
	s11 =	spop (v2sf)  }
0x5b6: {  	v8, _, _ =	vpop (xrf0);
	(xrf0) =	vadd.scan.msk.s32 $0xffff, v7;
	s12 =	sadd.s32 s5, s10;
	s6 =	sadd.s32 $0x100, s18;
	s13 =	sshll.u32 s11, $0x4  }
0x5b7: {  	(v2sf) =	vpush v8, $0xF;
	[tilespmem:s18], [sflag:$0x3] =	stream.linear.gather [hbm4b:s8+s4], $0x80, $0x38;
	[tilespmem:$0x10A80] =	vst v63  }
0x5b8: {  	s10 =	simm.s32 $0x7;
	s8 =	simm.s32 $0x8;
	s11 =	sand.u32 $0x1FFFFFF0, s13  }
0x5b9: {  	v7, _, _ =	vpop (xrf0);
	[tilespmem:s21], [sflag:$0x3] =	stream.linear.gather [hbm4b:s12+s4], $0x80, $0x38;
	[tilespmem:$0x10A80] =	vst v63  }
.LBB2_69:
0x5ba: {  	p0 =	slt.u32 s8, $0xE;
	(v2sf) =	vpush v7, $0xF;
	v7, _, _ =	vpop (xrf0);
	s12 =	sadd.s32 $0xFFFFFF80, s6;
	s11 =	sadd.s32 s5, s11  }
0x5bb: {  	(v2sf) =	vpush v7, $0xF;
	[tilespmem:s12], [sflag:$0x3] =	stream.linear.gather [hbm4b:s11+s4], $0x80, $0x38;
	[tilespmem:$0x10A80] =	vst v63  }
0x5bc: {  	v9 =	vmov s10;
	s7 =	sadd.s32 $0x100, s7;
	s10 =	spop (v2sf)  }
0x5bd: {  	v8 =	vnsel vm0, $0x0, v5;
	vm0 =	veq.s32 v9, v0;
	s11 =	sadd.s32 $0xFFFFFF80, s7;
	v7, _, _ =	vpop (xrf0);
	s10 =	sshll.u32 s10, $0x4;
	s12 =	spop (v2sf)  }
0x5be: {  	v9 =	vnsel vm0, $0x0, v6;
	(v2sf) =	vpush v7, $0xF;
	(xrf0) =	vadd.scan.msk.s32 $0xffff, v8;
	s10 =	sand.u32 $0x1FFFFFF0, s10;
	s12 =	sshll.u32 s12, $0x4;
	s13 =	spop (v2sf)  }
0x5bf: {  	v7 =	vnsel vm0, $0x0, v5;
	(xrf0) =	vadd.scan.msk.s32 $0xffff, v9;
	s10 =	sadd.s32 s5, s10;
	s12 =	sand.u32 $0x1FFFFFF0, s12;
	s13 =	sshll.u32 s13, $0x4  }
0x5c0: {  	[tilespmem:s11], [sflag:$0x3] =	stream.linear.gather [hbm4b:s10+s4], $0x80, $0x38;
	[tilespmem:$0x10A80] =	vst v63  }
0x5c1: {  	v8 =	vmov s8;
	(xrf0) =	vadd.scan.msk.s32 $0xffff, v7;
	s11 =	sadd.s32 s5, s12  }
.Ltmp33:
0x5c2: {  	vm0 =	veq.s32 v8, v0;
	s12 =	sand.u32 $0x1FFFFFF0, s13;
	s10 =	spop (v2sf);
	(pc) =	sbr.rel @p0 .LBB2_69-.Ltmp33, $4  }
0x5c3: {  	v8 =	vnsel vm0, $0x0, v6;
	[tilespmem:s6], [sflag:$0x3] =	stream.linear.gather [hbm4b:s11+s4], $0x80, $0x38;
	[tilespmem:$0x10A80] =	vst v63  }
0x5c4: {  	s11 =	sshll.u32 s10, $0x4;
	s10 =	sadd.s32 s5, s12;
	s6 =	sadd.s32 $0x100, s6;
	(xrf0) =	vadd.scan.msk.s32 $0xffff, v8  }
0x5c5: {  	v7, _, _ =	vpop (xrf0);
	[tilespmem:s7], [sflag:$0x3] =	stream.linear.gather [hbm4b:s10+s4], $0x80, $0x38;
	[tilespmem:$0x10A80] =	vst v63  }
0x5c6: {  	s11 =	sand.u32 $0x1FFFFFF0, s11;
	s10 =	sadd.s32 $0x1, s8;
	s8 =	sadd.s32 $0x2, s8;
	(v2sf) =	vpush v7, $0xF;
	v7, _, _ =	vpop (xrf0)  }
0x5c7: {  	(v2sf) =	vpush v7, $0xF;
	v7, _, _ =	vpop (xrf0)  }
0x5c8: {  	s8 =	sadd.s32 $0xFFFFFF80, s6;
	s11 =	sadd.s32 s5, s11;
	s12 =	spop (v2sf);
	(v2sf) =	vpush v7, $0xF;
	v7 =	vmov s10  }
0x5c9: {  	[tilespmem:s8], [sflag:$0x3] =	stream.linear.gather [hbm4b:s11+s4], $0x80, $0x38;
	[tilespmem:$0x10A80] =	vst v63  }
0x5ca: {  	s7 =	sadd.s32 $0x100, s7;
	s8 =	sshll.u32 s12, $0x4  }
0x5cb: {  	v8 =	vnsel vm0, $0x0, v5;
	s10 =	sadd.s32 $0xFFFFFF80, s7;
	vm15 =	veq.s32 v7, v0;
	s13 =	spop (v2sf);
	s8 =	sand.u32 $0x1FFFFFF0, s8;
	v7, _, _ =	vpop (xrf0)  }
0x5cc: {  	s11 =	sshll.u32 s13, $0x4;
	s12 =	spop (v2sf);
	s8 =	sadd.s32 s5, s8;
	(xrf0) =	vadd.scan.msk.s32 $0xffff, v8;
	(v2sf) =	vpush v7, $0xF  }
0x5cd: {  	v6 =	vnsel vm15, $0x0, v6;
	[tilespmem:s10], [sflag:$0x3] =	stream.linear.gather [hbm4b:s8+s4], $0x80, $0x38;
	[tilespmem:$0x10A80] =	vst v63  }
0x5ce: {  	v5 =	vnsel vm15, $0x0, v5;
	s11 =	sand.u32 $0x1FFFFFF0, s11;
	s12 =	sshll.u32 s12, $0x4;
	(xrf0) =	vadd.scan.msk.s32 $0xffff, v6  }
0x5cf: {  	s11 =	sadd.s32 s5, s11;
	s13 =	sand.u32 $0x1FFFFFF0, s12;
	(xrf0) =	vadd.scan.msk.s32 $0xffff, v5;
	s8 =	spop (v2sf)  }
0x5d0: {  	[tilespmem:s6], [sflag:$0x3] =	stream.linear.gather [hbm4b:s11+s4], $0x80, $0x38;
	[tilespmem:$0x10A80] =	vst v63  }
0x5d1: {  	s12 =	sadd.s32 s5, s13;
	s8 =	sshll.u32 s8, $0x4  }
0x5d2: {  	[tilespmem:s7], [sflag:$0x3] =	stream.linear.gather [hbm4b:s12+s4], $0x80, $0x38;
	v5, _, _ =	vpop (xrf0);
	[tilespmem:$0x10A80] =	vst v63  }
0x5d3: {  	s6 =	sadd.s32 $0x100, s6;
	s8 =	sand.u32 $0x1FFFFFF0, s8;
	(v2sf) =	vpush v5, $0xF  }
0x5d4: {  	s13 =	sadd.s32 $0xFFFFFF80, s6;
	s8 =	sadd.s32 s5, s8;
	v5, _, _ =	vpop (xrf0)  }
0x5d5: {  	[tilespmem:s13], [sflag:$0x3] =	stream.linear.gather [hbm4b:s8+s4], $0x80, $0x38;
	(v2sf) =	vpush v5, $0xF;
	v5, _, _ =	vpop (xrf0);
	[tilespmem:$0x10A80] =	vst v63  }
0x5d6: {  	s7 =	sadd.s32 $0x100, s7;
	(v2sf) =	vpush v5, $0xF;
	s11 =	spop (v2sf)  }
0x5d7: {  	s10 =	sadd.s32 $0xFFFFFF80, s7;
	s8 =	sshll.u32 s11, $0x4;
	s12 =	spop (v2sf)  }
0x5d8: {  	s8 =	sand.u32 $0x1FFFFFF0, s8;
	s11 =	sshll.u32 s12, $0x4;
	s13 =	spop (v2sf)  }
0x5d9: {  	s8 =	sadd.s32 s5, s8;
	s11 =	sand.u32 $0x1FFFFFF0, s11;
	s12 =	sshll.u32 s13, $0x4  }
0x5da: {  	[tilespmem:s10], [sflag:$0x3] =	stream.linear.gather [hbm4b:s8+s4], $0x80, $0x38;
	[tilespmem:$0x10A80] =	vst v63  }
0x5db: {  	s11 =	sadd.s32 s5, s11;
	s13 =	sand.u32 $0x1FFFFFF0, s12;
	s8 =	spop (v2sf)  }
0x5dc: {  	[tilespmem:s6], [sflag:$0x3] =	stream.linear.gather [hbm4b:s11+s4], $0x80, $0x38;
	[tilespmem:$0x10A80] =	vst v63  }
0x5dd: {  	s12 =	sadd.s32 s5, s13;
	s8 =	sshll.u32 s8, $0x4  }
0x5de: {  	[tilespmem:s7], [sflag:$0x3] =	stream.linear.gather [hbm4b:s12+s4], $0x80, $0x38;
	[tilespmem:$0x10A80] =	vst v63  }
0x5df: {  	s6 =	sadd.s32 $0x100, s6;
	s8 =	sand.u32 $0x1FFFFFF0, s8  }
0x5e0: {  	s13 =	sadd.s32 $0xFFFFFF80, s6;
	s8 =	sadd.s32 s5, s8  }
0x5e1: {  	[tilespmem:s13], [sflag:$0x3] =	stream.linear.gather [hbm4b:s8+s4], $0x80, $0x38;
	[tilespmem:$0x10A80] =	vst v63  }
0x5e2: {  	s29 =	sadd.s32 $0x1, s29;
	s11 =	spop (v2sf)  }
0x5e3: {  	p0 =	sne.s32 s29, $0x4;
	s7 =	sadd.s32 $0x100, s7;
	s8 =	sshll.u32 s11, $0x4  }
0x5e4: {  	s10 =	sadd.s32 $0xFFFFFF80, s7;
	s12 =	spop (v2sf);
	s8 =	sand.u32 $0x1FFFFFF0, s8  }
0x5e5: {  	s11 =	sshll.u32 s12, $0x4;
	s13 =	spop (v2sf);
	s8 =	sadd.s32 s5, s8  }
0x5e6: {  	[tilespmem:s10], [sflag:$0x3] =	stream.linear.gather [hbm4b:s8+s4], $0x80, $0x38;
	[tilespmem:$0x10A80] =	vst v63  }
.Ltmp34:
0x5e7: {  	s11 =	sand.u32 $0x1FFFFFF0, s11;
	s12 =	sshll.u32 s13, $0x4;
	(pc) =	sbr.rel @p0 .LBB2_68-.Ltmp34, $4  }
0x5e8: {  	s11 =	sadd.s32 s5, s11;
	s12 =	sand.u32 $0x1FFFFFF0, s12  }
0x5e9: {  	[tilespmem:s6], [sflag:$0x3] =	stream.linear.gather [hbm4b:s11+s4], $0x80, $0x38;
	[tilespmem:$0x10A80] =	vst v63  }
0x5ea: {  	s18 =	sadd.s32 $0x800, s18;
	s21 =	sadd.s32 $0x800, s21;
	s13 =	sadd.s32 s5, s12  }
0x5eb: {  	[tilespmem:s7], [sflag:$0x3] =	stream.linear.gather [hbm4b:s13+s4], $0x80, $0x38;
	[tilespmem:$0x10A80] =	vst v63  }
0x5ec: {  	s6 =	simm.s32 $0x7C0  }
0x5ed: {  	[tilespmem:s22], [sflag:$0x4] =	stream.indirect.gather [hbm4b:s1+s17], $0x80, s6, s17, $0xb8;
	[tilespmem:$0x10A80] =	vst v63  }
0x5ee: {  	_ = 	snop  }
0x5ef: {  	[tilespmem:s23], [sflag:$0x4] =	stream.indirect.gather [hbm4b:s2+s17], $0x80, s6, s17, $0xb8;
	[tilespmem:$0x10A80] =	vst v63  }
0x5f0: {  	_ =	swait.ge [sflag:s24], $0x80  }
0x5f1: {  	s6 =	simm.s32 $0x7F;
	[sflag:s24] =	ssyncset.done $0x0  }
.LBB2_72:
0x5f2: {  	p0 =	sne.s32 s6, $0x1;
	s6 =	sadd.s32 $0xFFFFFFFF, s6;
	[sflag:s24] =	ssyncadd.s32 $0xFFFFFF80  }
.Ltmp35:
0x5f3: {  	(pc) =	sbr.rel @p0 .LBB2_72-.Ltmp35, $3  }
0x5f4: {  	_ =	sdelay $0x1  }
0x5f5: {  	_ =	swait.ge [sflag:s24], $0x80  }
0x5f6: {  	[sflag:s24] =	ssyncset.done $0x0  }
0x5f7: {  	[sflag:s24] =	ssyncadd.s32 $0xFFFFFF80  }
0x5f8: {  	_ =	swait.ge [sflag:s25], $0x2000  }
0x5f9: {  	[sflag:s25] =	ssyncset.done $0x0  }
0x5fa: {  	[sflag:s25] =	ssyncadd.s32 $0xFFFFE000  }
0x5fb: {  	_ =	swait.ge [sflag:s25], $0x2000  }
0x5fc: {  	[sflag:s25] =	ssyncset.done $0x0  }
0x5fd: {  	s16 =	simm.s32 $0x0;
	s18 =	simm.s32 $0x0;
	[sflag:s25] =	ssyncadd.s32 $0xFFFFE000  }
.LBB2_74:
0x5fe: {  	s6 =	sshll.u32 s18, $0x4  }
0x5ff: {  	v5 =	vld [tilespmem:s6+$0x580];
	_ =	sdelay $0x3  }
0x600: {  	v6 =	vmov s6  }
0x601: {  	v6 =	vshll.u32 v6, $0x7;
	v5 =	vshll.u32 v5, $0x6  }
0x602: {  	v7 =	vor.u32 v1, v6;
	v6 =	vadd.s32 s16, v0;
	v5 =	vand.u32 $0x40, v5  }
0x603: {  	v8 =	vor.u32 v7, v5;
	v5 =	vand.u32 $0x3F, v6  }
0x604: {  	v6 =	vor.u32 v5, v8  }
0x605: {  	s7 =	simm.s32 $0x1  }
0x606: {  	v9 =	vadd.s32 s7, v0;
	v5 =	vor.u32 v7, v5  }
0x607: {  	v9 =	vand.u32 $0x3F, v9  }
0x608: {  	v10 =	vor.u32 v9, v8  }
0x609: {  	v15 =	vld.idx.msk [tilespmem:v6+s19+$0x0], $0xffff  }
0x60a: {  	v9 =	vor.u32 v7, v9;
	v11 =	vld.idx.msk [tilespmem:v6+s20+$0x0], $0xffff  }
0x60b: {  	v13 =	vld.idx.msk [tilespmem:v5+s26+$0x0], $0xffff  }
0x60c: {  	v5 =	vld.idx.msk [tilespmem:v5+s28+$0x0], $0xffff  }
0x60d: {  	s21 =	simm.s32 $0x2;
	v6 =	vld.idx.msk [tilespmem:v10+s19+$0x0], $0xffff  }
0x60e: {  	v12 =	vadd.s32 s21, v0;
	v10 =	vld.idx.msk [tilespmem:v10+s20+$0x0], $0xffff  }
0x60f: {  	s29 =	simm.s32 $0x3;
	v14 =	vand.u32 $0x3F, v12;
	v17 =	vld.idx.msk [tilespmem:v9+s26+$0x0], $0xffff  }
0x610: {  	v16 =	vadd.s32 s29, v0;
	v12 =	vimm.f32 $0.0e+00;
	v24 =	vor.u32 v7, v14;
	v9 =	vld.idx.msk [tilespmem:v9+s28+$0x0], $0xffff  }
0x611: {  	v18 =	vor.u32 v14, v8;
	v20 =	vmul.f32 v11, v11;
	v14 =	vmul.f32 v11, v13  }
0x612: {  	v19 =	vand.u32 $0x3F, v16;
	v21 =	vmul.f32 v11, v5;
	v11 =	vmul.f32 v11, v15  }
0x613: {  	v16 =	vor.u32 v19, v8;
	v22 =	vmul.f32 v15, v15;
	v28 =	vmul.f32 v13, v13  }
0x614: {  	v19 =	vor.u32 v7, v19;
	v29 =	vmul.f32 v5, v5;
	v23 =	vmul.f32 v10, v10  }
0x615: {  	v26 =	vmul.f32 v10, v17;
	v27 =	vsub.f32 v13, v5;
	v5 =	vmul.f32 v10, v9  }
0x616: {  	v30 =	vmul.f32 v10, v6;
	v25 =	vsub.f32 v17, v9;
	v20 =	vadd.f32 v20, v12  }
0x617: {  	v31 =	vmul.f32 v6, v6;
	v14 =	vadd.f32 v14, v12;
	v32 =	vadd.f32 v21, v12  }
0x618: {  	v10 =	vmul.f32 v17, v17;
	v17 =	vadd.f32 v11, v12;
	v33 =	vadd.f32 v22, v12  }
0x619: {  	v13 =	vld.idx.msk [tilespmem:v18+s19+$0x0], $0xffff;
	v11 =	vmul.f32 v9, v9;
	v20 =	vadd.f32 v23, v20;
	v21 =	vadd.f32 v26, v14  }
0x61a: {  	v9 =	vld.idx.msk [tilespmem:v24+s28+$0x0], $0xffff;
	v26 =	vmul.f32 v27, v27;
	v22 =	vadd.f32 v5, v32;
	v14 =	vadd.f32 v30, v17  }
0x61b: {  	v23 =	vld.idx.msk [tilespmem:v18+s20+$0x0], $0xffff;
	v27 =	vmul.f32 v15, v27;
	v15 =	vadd.f32 v31, v33;
	v17 =	vadd.f32 v28, v12  }
0x61c: {  	s21 =	sor.u32 $0x180, s6;
	s6 =	simm.s32 $0x4;
	v5 =	vld.idx.msk [tilespmem:v24+s26+$0x0], $0xffff;
	v18 =	vadd.f32 v29, v12;
	v28 =	vmul.f32 v25, v25;
	v24 =	vimm.f32 $0.0e+00  }
.LBB2_75:
0x61d: {  	p0 =	slt.u32 s6, $0x3E;
	v12 =	vadd.f32 v26, v12;
	v24 =	vadd.f32 v27, v24;
	v25 =	vmul.f32 v6, v25;
	v6 =	vld.idx.msk [tilespmem:v16+s19+$0x0], $0xffff  }
0x61e: {  	v26 =	vld.idx.msk [tilespmem:v16+s20+$0x0], $0xffff;
	v17 =	vadd.f32 v10, v17;
	v18 =	vadd.f32 v11, v18  }
0x61f: {  	s7 =	sadd.s32 $0x1, s6;
	v10 =	vadd.s32 s6, v0;
	v27 =	vmovc v13;
	v11 =	vld.idx.msk [tilespmem:v19+s26+$0x0], $0xffff;
	v12 =	vadd.f32 v28, v12;
	v24 =	vadd.f32 v25, v24  }
0x620: {  	v16 =	vadd.s32 s7, v0;
	v10 =	vand.u32 $0x3F, v10;
	v28 =	vld.idx.msk [tilespmem:v19+s28+$0x0], $0xffff  }
0x621: {  	v25 =	vmul.f32 v23, v23;
	v29 =	vor.u32 v10, v8;
	v19 =	vand.u32 $0x3F, v16  }
0x622: {  	v30 =	vor.u32 v7, v10;
	v10 =	vmul.f32 v23, v5;
	v31 =	vmul.f32 v23, v9  }
0x623: {  	v32 =	vmul.f32 v13, v27;
	v16 =	vor.u32 v19, v8;
	v23 =	vmul.f32 v23, v27  }
0x624: {  	v33 =	vmul.f32 v5, v5;
	v19 =	vor.u32 v7, v19;
	v34 =	vmul.f32 v9, v9  }
0x625: {  	v13 =	vadd.f32 v25, v20;
	v20 =	vmul.f32 v26, v26;
	v35 =	vmul.f32 v26, v11  }
0x626: {  	v9 =	vsub.f32 v5, v9;
	v36 =	vmul.f32 v26, v6;
	v5 =	vmul.f32 v26, v28  }
0x627: {  	v37 =	vmul.f32 v6, v6;
	v25 =	vsub.f32 v11, v28;
	v20 =	vadd.f32 v20, v13  }
.Ltmp36:
0x628: {  	v21 =	vadd.f32 v10, v21;
	v22 =	vadd.f32 v31, v22;
	v10 =	vmul.f32 v11, v11;
	(pc) =	sbr.rel @p0 .LBB2_75-.Ltmp36, $4  }
0x629: {  	v15 =	vadd.f32 v32, v15;
	v14 =	vadd.f32 v23, v14;
	v11 =	vmul.f32 v28, v28;
	v13 =	vld.idx.msk [tilespmem:v29+s19+$0x0], $0xffff  }
0x62a: {  	v26 =	vmul.f32 v9, v9;
	v21 =	vadd.f32 v35, v21;
	v22 =	vadd.f32 v5, v22;
	v23 =	vld.idx.msk [tilespmem:v29+s20+$0x0], $0xffff  }
0x62b: {  	v27 =	vmul.f32 v27, v9;
	v15 =	vadd.f32 v37, v15;
	v14 =	vadd.f32 v36, v14;
	v5 =	vld.idx.msk [tilespmem:v30+s26+$0x0], $0xffff  }
0x62c: {  	s6 =	sadd.s32 $0x2, s6;
	v17 =	vadd.f32 v33, v17;
	v18 =	vadd.f32 v34, v18;
	v28 =	vmul.f32 v25, v25;
	v9 =	vld.idx.msk [tilespmem:v30+s28+$0x0], $0xffff  }
0x62d: {  	_ =	sdelay $0x3  }
0x62e: {  	v7 =	vld.idx.msk [tilespmem:v16+s20+$0x0], $0xffff;
	_ =	sdelay $0x2  }
0x62f: {  	v8 =	vmul.f32 v23, v23;
	_ =	sdelay $0x1  }
0x630: {  	v8 =	vadd.f32 v8, v20;
	v58 =	vmul.f32 v7, v7;
	_ =	sdelay $0x1  }
0x631: {  	v8 =	vadd.f32 v58, v8  }
0x632: {  	v59 =	vld.idx.msk [tilespmem:v19+s26+$0x0], $0xffff  }
0x633: {  	v19 =	vld.idx.msk [tilespmem:v19+s28+$0x0], $0xffff;
	v29 =	vmax.f32 v8, $1.000000020e-24  }
0x634: {  	(erf) = vrcp.f32 v29  }
0x635: {  	v30 =	vmul.f32 v23, v5  }
0x636: {  	v31 =	vmul.f32 v23, v9  }
0x637: {  	v21 =	vadd.f32 v30, v21  }
0x638: {  	v60 =	vld.idx.msk [tilespmem:v16+s19+$0x0], $0xffff;
	v61 =	vmul.f32 v7, v59;
	v62 =	vmul.f32 v7, v19;
	v22 =	vadd.f32 v31, v22  }
0x639: {  	v12 =	vadd.f32 v26, v12;
	v24 =	vadd.f32 v27, v24  }
0x63a: {  	v6 =	vmul.f32 v6, v25;
	v21 =	vadd.f32 v61, v21;
	v22 =	vadd.f32 v62, v22  }
0x63b: {  	v34 =	vmul.f32 v13, v13;
	v12 =	vadd.f32 v28, v12;
	v63 =	vsub.f32 v5, v9  }
0x63c: {  	v6 =	vadd.f32 v6, v24;
	v33 =	vmul.f32 v23, v13;
	v26 =	vsub.f32 v21, v22  }
0x63d: {  	v7 =	vmul.f32 v7, v60;
	v35 =	vsub.f32 v59, v19;
	v36 =	vmul.f32 v63, v63;
	v37 =	vpop (erf)  }
0x63e: {  	v15 =	vadd.f32 v34, v15;
	v38 =	vmul.f32 v26, v26;
	v8 =	vmul.f32 v37, v8  }
0x63f: {  	v14 =	vadd.f32 v33, v14;
	v39 =	vmul.f32 v13, v63;
	v40 =	vmul.f32 v35, v35  }
0x640: {  	v12 =	vadd.f32 v36, v12;
	v23 =	vmul.f32 v38, v37;
	v8 =	vadd.f32 $-2.000000000e+00, v8  }
0x641: {  	v41 =	vmul.f32 v60, v60;
	v42 =	vmul.f32 v60, v35;
	v6 =	vadd.f32 v39, v6  }
0x642: {  	v7 =	vadd.f32 v7, v14;
	v12 =	vadd.f32 v40, v12;
	v43 =	vmul.f32 v23, v8  }
0x643: {  	v15 =	vadd.f32 v41, v15;
	v6 =	vadd.f32 v42, v6  }
0x644: {  	v44 =	vadd.f32 v26, v26;
	v12 =	vadd.f32 v12, v43;
	_ =	sdelay $0x1  }
0x645: {  	v6 =	vadd.f32 v6, v6;
	v13 =	vmul.f32 v44, v7;
	v12 =	vadd.f32 v12, v15;
	_ =	sdelay $0x1  }
0x646: {  	v45 =	vmul.f32 v13, v37;
	v6 =	vadd.f32 v6, v12;
	_ =	sdelay $0x1  }
0x647: {  	v46 =	vshra.s32 v29, $0x1;
	v47 =	vmul.f32 $5.000000000e-01, v29;
	v6 =	vsub.f32 v6, v45  }
0x648: {  	v13 =	vsub.s32 $0x5F3759DF, v46  }
0x649: {  	v48 =	vmul.f32 v13, v47;
	v49 =	vmax.f32 v6, $1.000000000e-30  }
0x64a: {  	v50 =	vshra.s32 v49, $0x1;
	v15 =	vmul.f32 $5.000000000e-01, v49  }
0x64b: {  	v12 =	vmul.f32 v13, v48;
	v16 =	vsub.s32 $0x5F3759DF, v50  }
0x64c: {  	v51 =	vmul.f32 v16, v15  }
0x64d: {  	v12 =	vsub.f32 $1.500000000e+00, v12  }
0x64e: {  	v52 =	vmul.f32 v16, v51  }
0x64f: {  	v12 =	vmul.f32 v13, v12  }
0x650: {  	v13 =	vsub.f32 $1.500000000e+00, v52  }
0x651: {  	v53 =	vmul.f32 v12, v47  }
0x652: {  	v13 =	vmul.f32 v16, v13  }
0x653: {  	v23 =	vmul.f32 v53, v12  }
0x654: {  	v55 =	vmul.f32 v13, v15  }
0x655: {  	v54 =	vsub.f32 $1.500000000e+00, v23  }
0x656: {  	v56 =	vmul.f32 v55, v13  }
0x657: {  	v12 =	vmul.f32 v54, v12  }
0x658: {  	v16 =	vsub.f32 $1.500000000e+00, v56  }
0x659: {  	v14 =	vmul.f32 v12, v47  }
0x65a: {  	v13 =	vmul.f32 v16, v13  }
0x65b: {  	v10 =	vadd.f32 v10, v17;
	v14 =	vmul.f32 v14, v12  }
0x65c: {  	v11 =	vadd.f32 v11, v18;
	v5 =	vmul.f32 v5, v5;
	v15 =	vmul.f32 v13, v15  }
0x65d: {  	v57 =	vmul.f32 v9, v9;
	v59 =	vmul.f32 v59, v59;
	v14 =	vsub.f32 $1.500000000e+00, v14  }
0x65e: {  	v5 =	vadd.f32 v5, v10;
	v60 =	vmul.f32 v19, v19;
	v58 =	vmul.f32 v15, v13  }
0x65f: {  	v9 =	vadd.f32 v57, v11;
	v62 =	vmul.f32 v21, v21;
	v12 =	vmul.f32 v14, v12  }
0x660: {  	s18 =	sadd.s32 $0x1, s18;
	v5 =	vadd.f32 v59, v5;
	v63 =	vmul.f32 v22, v22;
	v61 =	vsub.f32 $1.500000000e+00, v58  }
0x661: {  	p0 =	sne.s32 s18, $0x4;
	v9 =	vadd.f32 v60, v9;
	v11 =	vmul.f32 v37, v62;
	v7 =	vmul.f32 v12, v7  }
.Ltmp37:
0x662: {  	v4 =	vadd.f32 v5, v4;
	v12 =	vmul.f32 v63, v37;
	v10 =	vmul.f32 v61, v13;
	(pc) =	sbr.rel @p0 .LBB2_74-.Ltmp37, $4  }
0x663: {  	v5 =	vmul.f32 v8, v11;
	v6 =	vmax.f32 v6, $0.0e+00;
	v7 =	vadd.f32 $-9.999999970e-07, v7  }
0x664: {  	v3 =	vadd.f32 v9, v3;
	v8 =	vmul.f32 v8, v12;
	v6 =	vmul.f32 v10, v6  }
0x665: {  	v4 =	vadd.f32 v4, v5;
	v7 =	vmax.f32 v7, $0.0e+00  }
0x666: {  	v3 =	vadd.f32 v3, v8;
	v2 =	vadd.f32 v7, v2;
	[tilespmem:s21+$0x10800] =	vst v6  }
0x667: {  	_ =	swait.ge [sflag:s30], $0x80  }
0x668: {  	s6 =	simm.s32 $0x7F;
	[sflag:s30] =	ssyncset.done $0x0  }
.LBB2_78:
0x669: {  	p0 =	sne.s32 s6, $0x1;
	s6 =	sadd.s32 $0xFFFFFFFF, s6;
	[sflag:s30] =	ssyncadd.s32 $0xFFFFFF80  }
.Ltmp38:
0x66a: {  	(pc) =	sbr.rel @p0 .LBB2_78-.Ltmp38, $3  }
0x66b: {  	_ =	sdelay $0x1  }
0x66c: {  	_ =	swait.ge [sflag:s30], $0x80  }
0x66d: {  	[sflag:s30] =	ssyncset.done $0x0  }
0x66e: {  	[sflag:s30] =	ssyncadd.s32 $0xFFFFFF80  }
0x66f: {  	_ =	swait.ge [sflag:s31], $0x2000  }
0x670: {  	[sflag:s31] =	ssyncset.done $0x0  }
0x671: {  	[sflag:s31] =	ssyncadd.s32 $0xFFFFE000  }
0x672: {  	_ =	swait.ge [sflag:s31], $0x2000  }
0x673: {  	[sflag:s31] =	ssyncset.done $0x0  }
0x674: {  	s16 =	simm.s32 $0x0;
	s18 =	simm.s32 $0x0;
	[sflag:s31] =	ssyncadd.s32 $0xFFFFE000  }
.LBB2_80:
0x675: {  	s6 =	sshll.u32 s18, $0x4  }
0x676: {  	v5 =	vld [tilespmem:s6+$0x5C0];
	_ =	sdelay $0x3  }
0x677: {  	v6 =	vmov s6  }
0x678: {  	v6 =	vshll.u32 v6, $0x7;
	v5 =	vshll.u32 v5, $0x6  }
0x679: {  	v7 =	vor.u32 v1, v6;
	v6 =	vadd.s32 s16, v0;
	v5 =	vand.u32 $0x40, v5  }
0x67a: {  	v8 =	vor.u32 v7, v5;
	v5 =	vand.u32 $0x3F, v6  }
0x67b: {  	v6 =	vor.u32 v5, v8  }
0x67c: {  	s7 =	simm.s32 $0x1  }
0x67d: {  	v9 =	vadd.s32 s7, v0;
	v5 =	vor.u32 v7, v5  }
0x67e: {  	v9 =	vand.u32 $0x3F, v9  }
0x67f: {  	v10 =	vor.u32 v9, v8  }
0x680: {  	v15 =	vld.idx.msk [tilespmem:v6+s22+$0x0], $0xffff  }
0x681: {  	v9 =	vor.u32 v7, v9;
	v11 =	vld.idx.msk [tilespmem:v6+s23+$0x0], $0xffff  }
0x682: {  	v13 =	vld.idx.msk [tilespmem:v5+s0+$0x0], $0xffff  }
0x683: {  	v5 =	vld.idx.msk [tilespmem:v5+s3+$0x0], $0xffff  }
0x684: {  	s21 =	simm.s32 $0x2;
	v6 =	vld.idx.msk [tilespmem:v10+s22+$0x0], $0xffff  }
0x685: {  	v12 =	vadd.s32 s21, v0;
	v10 =	vld.idx.msk [tilespmem:v10+s23+$0x0], $0xffff  }
0x686: {  	s29 =	simm.s32 $0x3;
	v14 =	vand.u32 $0x3F, v12;
	v17 =	vld.idx.msk [tilespmem:v9+s0+$0x0], $0xffff  }
0x687: {  	v16 =	vadd.s32 s29, v0;
	v12 =	vimm.f32 $0.0e+00;
	v24 =	vor.u32 v7, v14;
	v9 =	vld.idx.msk [tilespmem:v9+s3+$0x0], $0xffff  }
0x688: {  	v18 =	vor.u32 v14, v8;
	v20 =	vmul.f32 v11, v11;
	v14 =	vmul.f32 v11, v13  }
0x689: {  	v19 =	vand.u32 $0x3F, v16;
	v21 =	vmul.f32 v11, v5;
	v11 =	vmul.f32 v11, v15  }
0x68a: {  	v16 =	vor.u32 v19, v8;
	v22 =	vmul.f32 v15, v15;
	v28 =	vmul.f32 v13, v13  }
0x68b: {  	v19 =	vor.u32 v7, v19;
	v29 =	vmul.f32 v5, v5;
	v23 =	vmul.f32 v10, v10  }
0x68c: {  	v26 =	vmul.f32 v10, v17;
	v27 =	vsub.f32 v13, v5;
	v5 =	vmul.f32 v10, v9  }
0x68d: {  	v30 =	vmul.f32 v10, v6;
	v25 =	vsub.f32 v17, v9;
	v20 =	vadd.f32 v20, v12  }
0x68e: {  	v31 =	vmul.f32 v6, v6;
	v14 =	vadd.f32 v14, v12;
	v32 =	vadd.f32 v21, v12  }
0x68f: {  	v10 =	vmul.f32 v17, v17;
	v17 =	vadd.f32 v11, v12;
	v33 =	vadd.f32 v22, v12  }
0x690: {  	v13 =	vld.idx.msk [tilespmem:v18+s22+$0x0], $0xffff;
	v11 =	vmul.f32 v9, v9;
	v20 =	vadd.f32 v23, v20;
	v21 =	vadd.f32 v26, v14  }
0x691: {  	v9 =	vld.idx.msk [tilespmem:v24+s3+$0x0], $0xffff;
	v26 =	vmul.f32 v27, v27;
	v22 =	vadd.f32 v5, v32;
	v14 =	vadd.f32 v30, v17  }
0x692: {  	v23 =	vld.idx.msk [tilespmem:v18+s23+$0x0], $0xffff;
	v27 =	vmul.f32 v15, v27;
	v15 =	vadd.f32 v31, v33;
	v17 =	vadd.f32 v28, v12  }
0x693: {  	s21 =	sor.u32 $0x1C0, s6;
	s6 =	simm.s32 $0x4;
	v5 =	vld.idx.msk [tilespmem:v24+s0+$0x0], $0xffff;
	v18 =	vadd.f32 v29, v12;
	v28 =	vmul.f32 v25, v25;
	v24 =	vimm.f32 $0.0e+00  }
.LBB2_81:
0x694: {  	p0 =	slt.u32 s6, $0x3E;
	v12 =	vadd.f32 v26, v12;
	v24 =	vadd.f32 v27, v24;
	v25 =	vmul.f32 v6, v25;
	v6 =	vld.idx.msk [tilespmem:v16+s22+$0x0], $0xffff  }
0x695: {  	v26 =	vld.idx.msk [tilespmem:v16+s23+$0x0], $0xffff;
	v17 =	vadd.f32 v10, v17;
	v18 =	vadd.f32 v11, v18  }
0x696: {  	s7 =	sadd.s32 $0x1, s6;
	v10 =	vadd.s32 s6, v0;
	v27 =	vmovc v13;
	v11 =	vld.idx.msk [tilespmem:v19+s0+$0x0], $0xffff;
	v12 =	vadd.f32 v28, v12;
	v24 =	vadd.f32 v25, v24  }
0x697: {  	v16 =	vadd.s32 s7, v0;
	v10 =	vand.u32 $0x3F, v10;
	v28 =	vld.idx.msk [tilespmem:v19+s3+$0x0], $0xffff  }
0x698: {  	v25 =	vmul.f32 v23, v23;
	v29 =	vor.u32 v10, v8;
	v19 =	vand.u32 $0x3F, v16  }
0x699: {  	v30 =	vor.u32 v7, v10;
	v10 =	vmul.f32 v23, v5;
	v31 =	vmul.f32 v23, v9  }
0x69a: {  	v32 =	vmul.f32 v13, v27;
	v16 =	vor.u32 v19, v8;
	v23 =	vmul.f32 v23, v27  }
0x69b: {  	v33 =	vmul.f32 v5, v5;
	v19 =	vor.u32 v7, v19;
	v34 =	vmul.f32 v9, v9  }
0x69c: {  	v13 =	vadd.f32 v25, v20;
	v20 =	vmul.f32 v26, v26;
	v35 =	vmul.f32 v26, v11  }
0x69d: {  	v9 =	vsub.f32 v5, v9;
	v36 =	vmul.f32 v26, v6;
	v5 =	vmul.f32 v26, v28  }
0x69e: {  	v37 =	vmul.f32 v6, v6;
	v25 =	vsub.f32 v11, v28;
	v20 =	vadd.f32 v20, v13  }
.Ltmp39:
0x69f: {  	v21 =	vadd.f32 v10, v21;
	v22 =	vadd.f32 v31, v22;
	v10 =	vmul.f32 v11, v11;
	(pc) =	sbr.rel @p0 .LBB2_81-.Ltmp39, $4  }
0x6a0: {  	v15 =	vadd.f32 v32, v15;
	v14 =	vadd.f32 v23, v14;
	v11 =	vmul.f32 v28, v28;
	v13 =	vld.idx.msk [tilespmem:v29+s22+$0x0], $0xffff  }
0x6a1: {  	v26 =	vmul.f32 v9, v9;
	v21 =	vadd.f32 v35, v21;
	v22 =	vadd.f32 v5, v22;
	v23 =	vld.idx.msk [tilespmem:v29+s23+$0x0], $0xffff  }
0x6a2: {  	v27 =	vmul.f32 v27, v9;
	v15 =	vadd.f32 v37, v15;
	v14 =	vadd.f32 v36, v14;
	v5 =	vld.idx.msk [tilespmem:v30+s0+$0x0], $0xffff  }
0x6a3: {  	s6 =	sadd.s32 $0x2, s6;
	v17 =	vadd.f32 v33, v17;
	v18 =	vadd.f32 v34, v18;
	v28 =	vmul.f32 v25, v25;
	v9 =	vld.idx.msk [tilespmem:v30+s3+$0x0], $0xffff  }
0x6a4: {  	_ =	sdelay $0x3  }
0x6a5: {  	v7 =	vld.idx.msk [tilespmem:v16+s23+$0x0], $0xffff;
	_ =	sdelay $0x2  }
0x6a6: {  	v8 =	vmul.f32 v23, v23;
	_ =	sdelay $0x1  }
0x6a7: {  	v8 =	vadd.f32 v8, v20;
	v58 =	vmul.f32 v7, v7;
	_ =	sdelay $0x1  }
0x6a8: {  	v8 =	vadd.f32 v58, v8  }
0x6a9: {  	v59 =	vld.idx.msk [tilespmem:v19+s0+$0x0], $0xffff  }
0x6aa: {  	v19 =	vld.idx.msk [tilespmem:v19+s3+$0x0], $0xffff;
	v29 =	vmax.f32 v8, $1.000000020e-24  }
0x6ab: {  	(erf) = vrcp.f32 v29  }
0x6ac: {  	v30 =	vmul.f32 v23, v5  }
0x6ad: {  	v31 =	vmul.f32 v23, v9  }
0x6ae: {  	v21 =	vadd.f32 v30, v21  }
0x6af: {  	v60 =	vld.idx.msk [tilespmem:v16+s22+$0x0], $0xffff;
	v61 =	vmul.f32 v7, v59;
	v62 =	vmul.f32 v7, v19;
	v22 =	vadd.f32 v31, v22  }
0x6b0: {  	v12 =	vadd.f32 v26, v12;
	v24 =	vadd.f32 v27, v24  }
0x6b1: {  	v6 =	vmul.f32 v6, v25;
	v21 =	vadd.f32 v61, v21;
	v22 =	vadd.f32 v62, v22  }
0x6b2: {  	v34 =	vmul.f32 v13, v13;
	v12 =	vadd.f32 v28, v12;
	v63 =	vsub.f32 v5, v9  }
0x6b3: {  	v6 =	vadd.f32 v6, v24;
	v33 =	vmul.f32 v23, v13;
	v26 =	vsub.f32 v21, v22  }
0x6b4: {  	v7 =	vmul.f32 v7, v60;
	v35 =	vsub.f32 v59, v19;
	v36 =	vmul.f32 v63, v63;
	v37 =	vpop (erf)  }
0x6b5: {  	v15 =	vadd.f32 v34, v15;
	v38 =	vmul.f32 v26, v26;
	v8 =	vmul.f32 v37, v8  }
0x6b6: {  	v14 =	vadd.f32 v33, v14;
	v39 =	vmul.f32 v13, v63;
	v40 =	vmul.f32 v35, v35  }
0x6b7: {  	v12 =	vadd.f32 v36, v12;
	v23 =	vmul.f32 v38, v37;
	v8 =	vadd.f32 $-2.000000000e+00, v8  }
0x6b8: {  	v41 =	vmul.f32 v60, v60;
	v42 =	vmul.f32 v60, v35;
	v6 =	vadd.f32 v39, v6  }
0x6b9: {  	v7 =	vadd.f32 v7, v14;
	v12 =	vadd.f32 v40, v12;
	v43 =	vmul.f32 v23, v8  }
0x6ba: {  	v15 =	vadd.f32 v41, v15;
	v6 =	vadd.f32 v42, v6  }
0x6bb: {  	v44 =	vadd.f32 v26, v26;
	v12 =	vadd.f32 v12, v43;
	_ =	sdelay $0x1  }
0x6bc: {  	v6 =	vadd.f32 v6, v6;
	v13 =	vmul.f32 v44, v7;
	v12 =	vadd.f32 v12, v15;
	_ =	sdelay $0x1  }
0x6bd: {  	v45 =	vmul.f32 v13, v37;
	v6 =	vadd.f32 v6, v12;
	_ =	sdelay $0x1  }
0x6be: {  	v46 =	vshra.s32 v29, $0x1;
	v47 =	vmul.f32 $5.000000000e-01, v29;
	v6 =	vsub.f32 v6, v45  }
0x6bf: {  	v13 =	vsub.s32 $0x5F3759DF, v46  }
0x6c0: {  	v48 =	vmul.f32 v13, v47;
	v49 =	vmax.f32 v6, $1.000000000e-30  }
0x6c1: {  	v50 =	vshra.s32 v49, $0x1;
	v15 =	vmul.f32 $5.000000000e-01, v49  }
0x6c2: {  	v12 =	vmul.f32 v13, v48;
	v16 =	vsub.s32 $0x5F3759DF, v50  }
0x6c3: {  	v51 =	vmul.f32 v16, v15  }
0x6c4: {  	v12 =	vsub.f32 $1.500000000e+00, v12  }
0x6c5: {  	v52 =	vmul.f32 v16, v51  }
0x6c6: {  	v12 =	vmul.f32 v13, v12  }
0x6c7: {  	v13 =	vsub.f32 $1.500000000e+00, v52  }
0x6c8: {  	v53 =	vmul.f32 v12, v47  }
0x6c9: {  	v13 =	vmul.f32 v16, v13  }
0x6ca: {  	v23 =	vmul.f32 v53, v12  }
0x6cb: {  	v55 =	vmul.f32 v13, v15  }
0x6cc: {  	v54 =	vsub.f32 $1.500000000e+00, v23  }
0x6cd: {  	v56 =	vmul.f32 v55, v13  }
0x6ce: {  	v12 =	vmul.f32 v54, v12  }
0x6cf: {  	v16 =	vsub.f32 $1.500000000e+00, v56  }
0x6d0: {  	v14 =	vmul.f32 v12, v47  }
0x6d1: {  	v13 =	vmul.f32 v16, v13  }
0x6d2: {  	v10 =	vadd.f32 v10, v17;
	v14 =	vmul.f32 v14, v12  }
0x6d3: {  	v11 =	vadd.f32 v11, v18;
	v5 =	vmul.f32 v5, v5;
	v15 =	vmul.f32 v13, v15  }
0x6d4: {  	v57 =	vmul.f32 v9, v9;
	v59 =	vmul.f32 v59, v59;
	v14 =	vsub.f32 $1.500000000e+00, v14  }
0x6d5: {  	v5 =	vadd.f32 v5, v10;
	v60 =	vmul.f32 v19, v19;
	v58 =	vmul.f32 v15, v13  }
0x6d6: {  	v9 =	vadd.f32 v57, v11;
	v62 =	vmul.f32 v21, v21;
	v12 =	vmul.f32 v14, v12  }
0x6d7: {  	s18 =	sadd.s32 $0x1, s18;
	v5 =	vadd.f32 v59, v5;
	v63 =	vmul.f32 v22, v22;
	v61 =	vsub.f32 $1.500000000e+00, v58  }
0x6d8: {  	p0 =	sne.s32 s18, $0x4;
	v9 =	vadd.f32 v60, v9;
	v11 =	vmul.f32 v37, v62;
	v7 =	vmul.f32 v12, v7  }
.Ltmp40:
0x6d9: {  	v4 =	vadd.f32 v5, v4;
	v12 =	vmul.f32 v63, v37;
	v10 =	vmul.f32 v61, v13;
	(pc) =	sbr.rel @p0 .LBB2_80-.Ltmp40, $4  }
0x6da: {  	v5 =	vmul.f32 v8, v11;
	v6 =	vmax.f32 v6, $0.0e+00;
	v7 =	vadd.f32 $-9.999999970e-07, v7  }
0x6db: {  	v3 =	vadd.f32 v9, v3;
	v8 =	vmul.f32 v8, v12;
	v6 =	vmul.f32 v10, v6  }
0x6dc: {  	v4 =	vadd.f32 v4, v5;
	v7 =	vmax.f32 v7, $0.0e+00  }
0x6dd: {  	v3 =	vadd.f32 v3, v8;
	v2 =	vadd.f32 v7, v2;
	[tilespmem:s21+$0x10800] =	vst v6  }
0x6de: {  	s6 =	rddreg [dreg:$0xc];
	s7 =	simm.s32 $0x10800  }
0x6df: {  	[hbm4b:s6+s4] =	stream.linear.scatter [tilespmem:s7], [sflag:$0x5], $0x200, $0x38;
	[tilespmem:$0x10A80] =	vst v63  }
0x6e0: {  	_ =	swait.ge [sflag:s14], $0x200  }
0x6e1: {  	[sflag:s14] =	ssyncset.done $0x0  }
0x6e2: {  	[sflag:s14] =	ssyncadd.s32 $0xFFFFFE00  }
0x6e3: {  	[tilespmem:$0x10A00] =	vst v2  }
0x6e4: {  	[tilespmem:$0x10A10] =	vst v4  }
0x6e5: {  	s12 =	simm.s32 $0x10A00;
	[tilespmem:$0x10A20] =	vst v3  }
0x6e6: {  	[hbm4b:s9+s4] =	stream.linear.scatter [tilespmem:s12], [sflag:$0x5], $0x10, $0x38;
	[tilespmem:$0x10A80] =	vst v63  }
0x6e7: {  	_ =	swait.ge [sflag:s14], $0x10  }
0x6e8: {  	[sflag:s14] =	ssyncset.done $0x0  }
0x6e9: {  	s16 =	simm.s32 $0x10A10;
	s13 =	rddreg [dreg:$0xd];
	[sflag:s14] =	ssyncadd.s32 $0xFFFFFFF0  }
0x6ea: {  	[hbm4b:s13+s4] =	stream.linear.scatter [tilespmem:s16], [sflag:$0x5], $0x10, $0x38;
	[tilespmem:$0x10A80] =	vst v63  }
0x6eb: {  	_ =	swait.ge [sflag:s14], $0x10  }
0x6ec: {  	[sflag:s14] =	ssyncset.done $0x0  }
0x6ed: {  	s21 =	simm.s32 $0x10A20;
	s18 =	rddreg [dreg:$0xe];
	[sflag:s14] =	ssyncadd.s32 $0xFFFFFFF0  }
0x6ee: {  	[hbm4b:s18+s4] =	stream.linear.scatter [tilespmem:s21], [sflag:$0x5], $0x10, $0x38;
	[tilespmem:$0x10A80] =	vst v63  }
0x6ef: {  	_ =	swait.ge [sflag:s14], $0x10  }
0x6f0: {  	s15 =	sadd.s32 $0x1, s15;
	s29 =	rddreg [dreg:$0xf]  }
0x6f1: {  	p0 =	sne.s32 s15, s29  }
.Ltmp41:
0x6f2: {  	_ = 	snop;
	(pc) =	sbr.rel @p0 .LBB2_1-.Ltmp41, $3  }
0x6f3: {  	_ =	sdelay $0x1  }
0x6f4: {  	[sflag:s14] =	ssyncset.done $0x0  }
0x6f5: {  	[sflag:s14] =	ssyncadd.s32 $0xFFFFFFF0  }
0x6f6: {  	_ =	sfence.sel $0x180000  }
0x6f7: {  	[bflag:$0x0] =	sbarrier.arrive $0xFFFF  }
0x6f8: {  	_ =	strace $0x90000047  }
0x6f9: {  	s0 =	stileid.u32;
	[bflag:$0x2] =	sbarrier.arrive $0xFFFF  }
0x6fa: {  	p0 =	sne.s32 s0, $0x0;
	s0 =	rddreg [dreg:$0x8]  }
0x6fb: {  	s0 =	sadd.s32 @!p0 $0x100000, s0  }
0x6fc: {  	[sflag:s0] =	ssyncadd.tile.s32 @!p0 $0x1;
	_ =	shalt  }
.Lfunc_end2:
_tile_overlayer_lowered:
.L_overlay_start_2:
0x6fd: {  	(tag) =	ssettag $0x2  }
0x6fe: {  	s0 =	rddreg [dreg:$0x0];
	s2 =	stileid.u32  }
0x6ff: {  	s1 =	rddreg [dreg:$0x1];
	p0 =	sne.s32 s2, $0x0  }
0x700: {  	s3 =	rddreg [dreg:$0x2];
	[bflag:$0x3] =	sbarrier.arrive $0xFFFF;
	s2 =	simm.s32 @!p0 $0x1C05  }
0x701: {  	[timem:s3], [sflag:s2] =	dma.local @!p0 [hbm:s0], s1  }
0x702: {  	s0 =	simm.s32 @!p0 $0x5  }
0x703: {  	_ =	swait.ge @!p0 [sflag:s0], s1  }
0x704: {  	s1 =	ssub.s32 @!p0 $0x0, s1;
	[sflag:s0] =	ssyncset.done @!p0 $0x0  }
0x705: {  	[sflag:s0] =	ssyncadd.s32 @!p0 s1  }
0x706: {  	[bflag:$0x3] =	sbarrier.arrive $0xFFFF  }
0x707: {  	_ =	shalt  }

</sc_bundles>
